<compile_context>
chip_gen: v7x
topology: tpu7x:2x2x1
jax: 0.10.2.dev20260603
libtpu: 0.0.44.dev20260713+nightly
codegen_flags: <defaults>
</compile_context>

<pallas_src>
import jax
import jax.numpy as jnp
from jax import lax
from jax.experimental import pallas as pl
from jax.experimental.pallas import tpu as pltpu
from jax.experimental.pallas import tpu_sc as plsc

VOCAB = 1000002
DIM = 32
BATCH = 16384
NEG = 20
CLAMP = 4.0

NC = 2
NS = 16
NW = NC * NS
PER_W = BATCH // NW
G = 128
NSETS = NEG + 1

REG_R = 30 * 8192
NPAD = 33 * 8192
NBLK = NPAD // 8192
VOCAB_P = 4 * NPAD

LN2 = 0.6931471805599453
_LOGC = (-2.0996478, 4.205235, -3.6471205, 2.2269435,
         -0.8520796, 0.18370084, -0.017029611)


def _log_poly(m):
    p = jnp.float32(_LOGC[6])
    for c in _LOGC[5::-1]:
        p = p * m + jnp.float32(c)
    return p


def _softplus(u):
    y = jnp.float32(1.0) + jnp.exp(u)
    b = lax.bitcast_convert_type(y, jnp.int32)
    e = (lax.shift_right_arithmetic(b, 23) - 127).astype(jnp.float32)
    m = lax.bitcast_convert_type(
        lax.bitwise_or(lax.bitwise_and(b, 0x007FFFFF), 0x3F800000),
        jnp.float32)
    return e * jnp.float32(LN2) + _log_poly(m)


def _pack_body(x0, x1, x2, x3, o_ref):
    def t(x):
        return x.astype(jnp.bfloat16).T.astype(jnp.float32)
    o_ref[:, 0:32] = t(x0[...])
    o_ref[:, 32:64] = t(x1[...])
    o_ref[:, 64:96] = t(x2[...])
    o_ref[:, 96:128] = t(x3[...])


def _pack_table(embT):
    run = pl.pallas_call(
        _pack_body,
        grid=(NBLK,),
        in_specs=[
            pl.BlockSpec((32, 8192),
                         lambda i, a=a: (0, a * (REG_R // 8192) + i))
            for a in range(4)
        ],
        out_specs=pl.BlockSpec((8192, 128), lambda i: (i, 0)),
        out_shape=jax.ShapeDtypeStruct((NPAD, 128), jnp.float32),
        compiler_params=pltpu.CompilerParams(
            dimension_semantics=("parallel",)),
    )
    return run(embT, embT, embT, embT)


def _flat_idx(v):
    a = jnp.minimum(v // REG_R, 3)
    return (v - a * REG_R) * 4 + a


def _sc_kernel(emb_in_hbm, emb_out_hbm, in_idx_hbm, out_idx_hbm, out_hbm,
               in_idx_v, out_idx_v, in_rows_v, out_rows_v, inT_v, res_v,
               sem_in, *sems):
    wid = lax.axis_index("s") * NC + lax.axis_index("c")
    base0 = wid * PER_W

    @pl.loop(0, PER_W // G)
    def _group(g):
        base = base0 + g * G
        gidx = wid * (PER_W // G) + g
        pltpu.sync_copy(in_idx_hbm.at[pl.ds(base, G)], in_idx_v)
        pltpu.sync_copy(
            out_idx_hbm.at[pl.ds(gidx * (NSETS * G), NSETS * G)], out_idx_v)
        cin = pltpu.async_copy(emb_in_hbm.at[in_idx_v], in_rows_v, sem_in)
        couts = [
            pltpu.async_copy(emb_out_hbm.at[out_idx_v.at[pl.ds(j * G, G)]],
                             out_rows_v.at[j], sems[j])
            for j in range(NSETS)
        ]
        cin.wait()

        @pl.loop(0, G // 16)
        def _stage(s):
            lane = lax.iota(jnp.int32, 16)
            row_idx = lane + s * 16
            for d in range(DIM):
                comp_d = lax.bitwise_and(lane + d, 31)
                inT_v[pl.ds(d * G + s * 16, 16)] = plsc.load_gather(
                    in_rows_v, [row_idx, comp_d])
            res_v[pl.ds(s * 16, 16)] = jnp.zeros((16,), jnp.float32)

        def _accum(j, negate):
            jv = jnp.full((16,), j, jnp.int32)

            @pl.loop(0, G // 16)
            def _sub(s):
                lane = lax.iota(jnp.int32, 16)
                row_idx = lane + s * 16
                comp0 = lax.bitwise_and(lane, 31)
                acc = inT_v[pl.ds(s * 16, 16)] * plsc.load_gather(
                    out_rows_v, [jv, row_idx, comp0])
                for d in range(1, DIM):
                    comp_d = lax.bitwise_and(lane + d, 31)
                    acc = acc + inT_v[pl.ds(d * G + s * 16, 16)] * (
                        plsc.load_gather(out_rows_v, [jv, row_idx, comp_d]))
                sc = jnp.clip(acc, -CLAMP, CLAMP)
                u = -sc if negate else sc
                res_v[pl.ds(s * 16, 16)] = (
                    res_v[pl.ds(s * 16, 16)] + _softplus(u))

        couts[0].wait()
        _accum(0, True)
        for j in range(1, 11):
            couts[j].wait()
        pl.loop(1, 11)(lambda j: _accum(j, False))
        for j in range(11, NSETS):
            couts[j].wait()
        pl.loop(11, NSETS)(lambda j: _accum(j, False))

        pltpu.sync_copy(res_v, out_hbm.at[pl.ds(base, G)])


def kernel(inputs, positive_outputs, negative_outputs, emb_in, emb_out):
    packed_in = _pack_table(emb_in.T).reshape(VOCAB_P, DIM)
    packed_out = _pack_table(emb_out.T).reshape(VOCAB_P, DIM)

    in_idx = _flat_idx(inputs.astype(jnp.int32))
    out_idx = _flat_idx(jnp.concatenate(
        [positive_outputs.astype(jnp.int32)[:, None],
         negative_outputs.astype(jnp.int32)], axis=1).T)
    out_idx = out_idx.reshape(NSETS, BATCH // G, G).transpose(1, 0, 2).reshape(-1)

    mesh = plsc.VectorSubcoreMesh(core_axis_name="c", subcore_axis_name="s")
    cp = pltpu.CompilerParams(
        needs_layout_passes=False, use_tc_tiling_on_sc=False)
    run = pl.kernel(
        _sc_kernel,
        out_type=jax.ShapeDtypeStruct((BATCH,), jnp.float32),
        mesh=mesh,
        compiler_params=cp,
        scratch_types=[
            pltpu.VMEM((G,), jnp.int32),
            pltpu.VMEM((NSETS * G,), jnp.int32),
            pltpu.VMEM((G, DIM), jnp.float32),
            pltpu.VMEM((NSETS, G, DIM), jnp.float32),
            pltpu.VMEM((DIM * G,), jnp.float32),
            pltpu.VMEM((G,), jnp.float32),
        ] + [pltpu.SemaphoreType.DMA] * (1 + NSETS),
    )
    return run(packed_in, packed_out, in_idx, out_idx)

# --- scband reference (transcript-rebuilt; emitter-appended) ---
"""Pipeline reference for scband-skip-gram-with-negative-sampling-3401614098555 (READ-ONLY COPY).

The authoritative reference and input builder live on the scoring server;
editing this copy changes nothing except your own understanding.
"""

import jax, jax.numpy as jnp
import numpy as np
from math import sqrt

VOCAB = 1000002
DIM = 32
BATCH = 16384
NEG = 20
CLAMP = 4.0

def setup_inputs(seed: int = 0) -> dict:
    key = jax.random.key(seed)
    k1, k2, k3, k4, k5 = jax.random.split(key, 5)
    inputs = jax.random.randint(k1, (BATCH,), 0, VOCAB, dtype=jnp.int64) if jax.config.jax_enable_x64 else jax.random.randint(k1, (BATCH,), 0, VOCAB, dtype=jnp.int32)
    positive_outputs = jax.random.randint(k2, (BATCH,), 0, VOCAB, dtype=inputs.dtype)
    negative_outputs = jax.random.randint(k3, (BATCH, NEG), 0, VOCAB, dtype=inputs.dtype)
    mw = 1.0 / sqrt(DIM)
    emb_in = jax.random.uniform(k4, (VOCAB, DIM), minval=-mw, maxval=mw, dtype=jnp.float32)
    emb_out = jax.random.uniform(k5, (VOCAB, DIM), minval=-mw, maxval=mw, dtype=jnp.float32)
    return {"inputs": inputs, "positive_outputs": positive_outputs, "negative_outputs": negative_outputs, "emb_in": emb_in, "emb_out": emb_out}

def reference(inputs, positive_outputs, negative_outputs, emb_in, emb_out):
    input_embeddings = jnp.take(emb_in, inputs, axis=0)
    positive_output_embeddings = jnp.take(emb_out, positive_outputs, axis=0)
    positive_score = jnp.clip(jnp.sum(input_embeddings * positive_output_embeddings, axis=1), -CLAMP, CLAMP)
    positive_score_log_sigmoid = -jax.nn.log_sigmoid(positive_score)
    negative_output_embeddings = jnp.take(emb_out, negative_outputs, axis=0)
    negative_scores = jnp.clip(jnp.sum(input_embeddings[:, None, :] * negative_output_embeddings, axis=2), -CLAMP, CLAMP)
    negative_scores_log_sigmoid = jnp.sum(-jax.nn.log_sigmoid(-negative_scores), axis=1)
    return positive_score_log_sigmoid + negative_scores_log_sigmoid

if __name__ == "__main__":
    import jax
    _d = setup_inputs()
    print(jax.jit(kernel)(*tuple(_d.values())))

</pallas_src>

<mosaic_0001>
#map = affine_map<(d0, d1) -> (0, 0)>
#map1 = affine_map<(d0, d1) -> (0)>
module attributes {stable_mosaic.version = 14 : i64} {
  func.func @_sc_kernel(%arg0: i32, %arg1: i32, %arg2: memref<1081344x32xf32, #tpu.memory_space<hbm>>, %arg3: memref<1081344x32xf32, #tpu.memory_space<hbm>>, %arg4: memref<16384xi32, #tpu.memory_space<hbm>>, %arg5: memref<344064xi32, #tpu.memory_space<hbm>>, %arg6: memref<16384xf32, #tpu.memory_space<hbm>>, %arg7: memref<128xi32, #tpu.memory_space<vmem>>, %arg8: memref<2688xi32, #tpu.memory_space<vmem>>, %arg9: memref<128x32xf32, #tpu.memory_space<vmem>>, %arg10: memref<21x128x32xf32, #tpu.memory_space<vmem>>, %arg11: memref<4096xf32, #tpu.memory_space<vmem>>, %arg12: memref<128xf32, #tpu.memory_space<vmem>>, %arg13: memref<!tpu.dma_semaphore, #tpu.memory_space<semaphore_mem>>, %arg14: memref<!tpu.dma_semaphore, #tpu.memory_space<semaphore_mem>>, %arg15: memref<!tpu.dma_semaphore, #tpu.memory_space<semaphore_mem>>, %arg16: memref<!tpu.dma_semaphore, #tpu.memory_space<semaphore_mem>>, %arg17: memref<!tpu.dma_semaphore, #tpu.memory_space<semaphore_mem>>, %arg18: memref<!tpu.dma_semaphore, #tpu.memory_space<semaphore_mem>>, %arg19: memref<!tpu.dma_semaphore, #tpu.memory_space<semaphore_mem>>, %arg20: memref<!tpu.dma_semaphore, #tpu.memory_space<semaphore_mem>>, %arg21: memref<!tpu.dma_semaphore, #tpu.memory_space<semaphore_mem>>, %arg22: memref<!tpu.dma_semaphore, #tpu.memory_space<semaphore_mem>>, %arg23: memref<!tpu.dma_semaphore, #tpu.memory_space<semaphore_mem>>, %arg24: memref<!tpu.dma_semaphore, #tpu.memory_space<semaphore_mem>>, %arg25: memref<!tpu.dma_semaphore, #tpu.memory_space<semaphore_mem>>, %arg26: memref<!tpu.dma_semaphore, #tpu.memory_space<semaphore_mem>>, %arg27: memref<!tpu.dma_semaphore, #tpu.memory_space<semaphore_mem>>, %arg28: memref<!tpu.dma_semaphore, #tpu.memory_space<semaphore_mem>>, %arg29: memref<!tpu.dma_semaphore, #tpu.memory_space<semaphore_mem>>, %arg30: memref<!tpu.dma_semaphore, #tpu.memory_space<semaphore_mem>>, %arg31: memref<!tpu.dma_semaphore, #tpu.memory_space<semaphore_mem>>, %arg32: memref<!tpu.dma_semaphore, #tpu.memory_space<semaphore_mem>>, %arg33: memref<!tpu.dma_semaphore, #tpu.memory_space<semaphore_mem>>, %arg34: memref<!tpu.dma_semaphore, #tpu.memory_space<semaphore_mem>>) attributes {dimension_semantics = [#tpu.dimension_semantics<core_parallel>, #tpu.dimension_semantics<subcore_parallel>], iteration_bounds = array<i64: 2, 16>, scalar_prefetch = 0 : i64, scratch_operands = 28 : i64, tpu.core_type = #tpu.core_type<sc_vector_subcore>, window_params = [{transform_indices = #map}, {transform_indices = #map}, {transform_indices = #map1}, {transform_indices = #map1}, {transform_indices = #map1}]} {
    %mul3A = arith.constant 2 : i32
    %mul3A_0 = arith.muli %arg1, %mul3A : i32
    %add3A = arith.addi %mul3A_0, %arg0 : i32
    %mul3A_1 = arith.constant 512 : i32
    %mul3A_2 = arith.muli %add3A, %mul3A_1 : i32
    %scan3A = arith.constant 0 : i32
    %scan3A_3 = arith.constant 4 : i32
    %scan3A_4 = arith.addi %scan3A, %scan3A_3 : i32
    %scan3A_5 = arith.constant 1 : i32
    scf.for %scan3A_7 = %scan3A to %scan3A_4 step %scan3A_5  : i32 {
      %mul3A_8 = arith.constant 1 : i32
      %mul3A_9 = arith.muli %scan3A_7, %mul3A_8 : i32
      %add3A_10 = arith.constant 0 : i32
      %add3A_11 = arith.addi %add3A_10, %mul3A_9 : i32
      %mul3A_12 = arith.constant 128 : i32
      %mul3A_13 = arith.muli %add3A_11, %mul3A_12 : i32
      %add3A_14 = arith.addi %mul3A_2, %mul3A_13 : i32
      %mul3A_15 = arith.constant 4 : i32
      %mul3A_16 = arith.muli %add3A, %mul3A_15 : i32
      %add3A_17 = arith.addi %mul3A_16, %add3A_11 : i32
      "tpu.region"() ({
        %run_scoped3A = tpu.sem_alloc : memref<!tpu.dma_semaphore, #tpu.memory_space<semaphore_mem>>
        %dma_start3A_465 = tpu.memref_slice %arg4[%add3A_14] : memref<16384xi32, #tpu.memory_space<hbm>> -> memref<128xi32, #tpu.memory_space<hbm>>
        %dma_start3A_466 = tpu.memref_slice %arg4[%add3A_14] : memref<16384xi32, #tpu.memory_space<hbm>> -> memref<128xi32, #tpu.memory_space<hbm>>
        tpu.enqueue_dma source(%dma_start3A_466 : memref<128xi32, #tpu.memory_space<hbm>>) target(%arg7 : memref<128xi32, #tpu.memory_space<vmem>>) target_semaphore(%run_scoped3A : memref<!tpu.dma_semaphore, #tpu.memory_space<semaphore_mem>>)
        %dma_wait3A_467 = tpu.memref_slice %arg4[%add3A_14] : memref<16384xi32, #tpu.memory_space<hbm>> -> memref<128xi32, #tpu.memory_space<hbm>>
        %dma_wait3A_468 = tpu.memref_slice %arg4[%add3A_14] : memref<16384xi32, #tpu.memory_space<hbm>> -> memref<128xi32, #tpu.memory_space<hbm>>
        tpu.wait_dma2 semaphore(%run_scoped3A : memref<!tpu.dma_semaphore, #tpu.memory_space<semaphore_mem>>) src(%dma_wait3A_468 : memref<128xi32, #tpu.memory_space<hbm>>) dst(%arg7 : memref<128xi32, #tpu.memory_space<vmem>>)
        tpu.yield
      }) : () -> ()
      %mul3A_18 = arith.constant 2688 : i32
      %mul3A_19 = arith.muli %add3A_17, %mul3A_18 : i32
      "tpu.region"() ({
        %run_scoped3A = tpu.sem_alloc : memref<!tpu.dma_semaphore, #tpu.memory_space<semaphore_mem>>
        %dma_start3A_465 = tpu.memref_slice %arg5[%mul3A_19] : memref<344064xi32, #tpu.memory_space<hbm>> -> memref<2688xi32, #tpu.memory_space<hbm>>
        %dma_start3A_466 = tpu.memref_slice %arg5[%mul3A_19] : memref<344064xi32, #tpu.memory_space<hbm>> -> memref<2688xi32, #tpu.memory_space<hbm>>
        tpu.enqueue_dma source(%dma_start3A_466 : memref<2688xi32, #tpu.memory_space<hbm>>) target(%arg8 : memref<2688xi32, #tpu.memory_space<vmem>>) target_semaphore(%run_scoped3A : memref<!tpu.dma_semaphore, #tpu.memory_space<semaphore_mem>>)
        %dma_wait3A_467 = tpu.memref_slice %arg5[%mul3A_19] : memref<344064xi32, #tpu.memory_space<hbm>> -> memref<2688xi32, #tpu.memory_space<hbm>>
        %dma_wait3A_468 = tpu.memref_slice %arg5[%mul3A_19] : memref<344064xi32, #tpu.memory_space<hbm>> -> memref<2688xi32, #tpu.memory_space<hbm>>
        tpu.wait_dma2 semaphore(%run_scoped3A : memref<!tpu.dma_semaphore, #tpu.memory_space<semaphore_mem>>) src(%dma_wait3A_468 : memref<2688xi32, #tpu.memory_space<hbm>>) dst(%arg8 : memref<2688xi32, #tpu.memory_space<vmem>>)
        tpu.yield
      }) : () -> ()
      %dma_start3A = arith.constant 0 : i32
      %dma_start3A_20 = arith.constant 0 : i32
      %dma_start3A_21 = tpu.memref_slice %arg2[%dma_start3A, %dma_start3A_20] : memref<1081344x32xf32, #tpu.memory_space<hbm>> -> memref<1081344x32xf32, #tpu.memory_space<hbm>>
      tpu.enqueue_indirect_dma source(%dma_start3A_21 : memref<1081344x32xf32, #tpu.memory_space<hbm>>) target(%arg9 : memref<128x32xf32, #tpu.memory_space<vmem>>) offsets(%arg7 : memref<128xi32, #tpu.memory_space<vmem>>) semaphore(%arg13 : memref<!tpu.dma_semaphore, #tpu.memory_space<semaphore_mem>>)
      %dma_start3A_22 = arith.constant 0 : i32
      %dma_start3A_23 = arith.constant 0 : i32
      %dma_start3A_24 = arith.constant 0 : i32
      %dma_start3A_25 = tpu.memref_slice %arg10[%dma_start3A_22, %dma_start3A_23, %dma_start3A_24] : memref<21x128x32xf32, #tpu.memory_space<vmem>> -> memref<1x128x32xf32, #tpu.memory_space<vmem>>
      %dma_start3A_26 = tpu.memref_squeeze %dma_start3A_25 : memref<1x128x32xf32, #tpu.memory_space<vmem>> -> memref<128x32xf32, #tpu.memory_space<vmem>>
      %dma_start3A_27 = arith.constant 0 : i32
      %dma_start3A_28 = tpu.memref_slice %arg8[%dma_start3A_27] : memref<2688xi32, #tpu.memory_space<vmem>> -> memref<128xi32, #tpu.memory_space<vmem>>
      %dma_start3A_29 = arith.constant 0 : i32
      %dma_start3A_30 = arith.constant 0 : i32
      %dma_start3A_31 = tpu.memref_slice %arg3[%dma_start3A_29, %dma_start3A_30] : memref<1081344x32xf32, #tpu.memory_space<hbm>> -> memref<1081344x32xf32, #tpu.memory_space<hbm>>
      tpu.enqueue_indirect_dma source(%dma_start3A_31 : memref<1081344x32xf32, #tpu.memory_space<hbm>>) target(%dma_start3A_26 : memref<128x32xf32, #tpu.memory_space<vmem>>) offsets(%dma_start3A_28 : memref<128xi32, #tpu.memory_space<vmem>>) semaphore(%arg14 : memref<!tpu.dma_semaphore, #tpu.memory_space<semaphore_mem>>)
      %dma_start3A_32 = arith.constant 1 : i32
      %dma_start3A_33 = arith.constant 0 : i32
      %dma_start3A_34 = arith.constant 0 : i32
      %dma_start3A_35 = tpu.memref_slice %arg10[%dma_start3A_32, %dma_start3A_33, %dma_start3A_34] : memref<21x128x32xf32, #tpu.memory_space<vmem>> -> memref<1x128x32xf32, #tpu.memory_space<vmem>>
      %dma_start3A_36 = tpu.memref_squeeze %dma_start3A_35 : memref<1x128x32xf32, #tpu.memory_space<vmem>> -> memref<128x32xf32, #tpu.memory_space<vmem>>
      %dma_start3A_37 = arith.constant 128 : i32
      %dma_start3A_38 = tpu.memref_slice %arg8[%dma_start3A_37] : memref<2688xi32, #tpu.memory_space<vmem>> -> memref<128xi32, #tpu.memory_space<vmem>>
      %dma_start3A_39 = arith.constant 0 : i32
      %dma_start3A_40 = arith.constant 0 : i32
      %dma_start3A_41 = tpu.memref_slice %arg3[%dma_start3A_39, %dma_start3A_40] : memref<1081344x32xf32, #tpu.memory_space<hbm>> -> memref<1081344x32xf32, #tpu.memory_space<hbm>>
      tpu.enqueue_indirect_dma source(%dma_start3A_41 : memref<1081344x32xf32, #tpu.memory_space<hbm>>) target(%dma_start3A_36 : memref<128x32xf32, #tpu.memory_space<vmem>>) offsets(%dma_start3A_38 : memref<128xi32, #tpu.memory_space<vmem>>) semaphore(%arg15 : memref<!tpu.dma_semaphore, #tpu.memory_space<semaphore_mem>>)
      %dma_start3A_42 = arith.constant 2 : i32
      %dma_start3A_43 = arith.constant 0 : i32
      %dma_start3A_44 = arith.constant 0 : i32
      %dma_start3A_45 = tpu.memref_slice %arg10[%dma_start3A_42, %dma_start3A_43, %dma_start3A_44] : memref<21x128x32xf32, #tpu.memory_space<vmem>> -> memref<1x128x32xf32, #tpu.memory_space<vmem>>
      %dma_start3A_46 = tpu.memref_squeeze %dma_start3A_45 : memref<1x128x32xf32, #tpu.memory_space<vmem>> -> memref<128x32xf32, #tpu.memory_space<vmem>>
      %dma_start3A_47 = arith.constant 256 : i32
      %dma_start3A_48 = tpu.memref_slice %arg8[%dma_start3A_47] : memref<2688xi32, #tpu.memory_space<vmem>> -> memref<128xi32, #tpu.memory_space<vmem>>
      %dma_start3A_49 = arith.constant 0 : i32
      %dma_start3A_50 = arith.constant 0 : i32
      %dma_start3A_51 = tpu.memref_slice %arg3[%dma_start3A_49, %dma_start3A_50] : memref<1081344x32xf32, #tpu.memory_space<hbm>> -> memref<1081344x32xf32, #tpu.memory_space<hbm>>
      tpu.enqueue_indirect_dma source(%dma_start3A_51 : memref<1081344x32xf32, #tpu.memory_space<hbm>>) target(%dma_start3A_46 : memref<128x32xf32, #tpu.memory_space<vmem>>) offsets(%dma_start3A_48 : memref<128xi32, #tpu.memory_space<vmem>>) semaphore(%arg16 : memref<!tpu.dma_semaphore, #tpu.memory_space<semaphore_mem>>)
      %dma_start3A_52 = arith.constant 3 : i32
      %dma_start3A_53 = arith.constant 0 : i32
      %dma_start3A_54 = arith.constant 0 : i32
      %dma_start3A_55 = tpu.memref_slice %arg10[%dma_start3A_52, %dma_start3A_53, %dma_start3A_54] : memref<21x128x32xf32, #tpu.memory_space<vmem>> -> memref<1x128x32xf32, #tpu.memory_space<vmem>>
      %dma_start3A_56 = tpu.memref_squeeze %dma_start3A_55 : memref<1x128x32xf32, #tpu.memory_space<vmem>> -> memref<128x32xf32, #tpu.memory_space<vmem>>
      %dma_start3A_57 = arith.constant 384 : i32
      %dma_start3A_58 = tpu.memref_slice %arg8[%dma_start3A_57] : memref<2688xi32, #tpu.memory_space<vmem>> -> memref<128xi32, #tpu.memory_space<vmem>>
      %dma_start3A_59 = arith.constant 0 : i32
      %dma_start3A_60 = arith.constant 0 : i32
      %dma_start3A_61 = tpu.memref_slice %arg3[%dma_start3A_59, %dma_start3A_60] : memref<1081344x32xf32, #tpu.memory_space<hbm>> -> memref<1081344x32xf32, #tpu.memory_space<hbm>>
      tpu.enqueue_indirect_dma source(%dma_start3A_61 : memref<1081344x32xf32, #tpu.memory_space<hbm>>) target(%dma_start3A_56 : memref<128x32xf32, #tpu.memory_space<vmem>>) offsets(%dma_start3A_58 : memref<128xi32, #tpu.memory_space<vmem>>) semaphore(%arg17 : memref<!tpu.dma_semaphore, #tpu.memory_space<semaphore_mem>>)
      %dma_start3A_62 = arith.constant 4 : i32
      %dma_start3A_63 = arith.constant 0 : i32
      %dma_start3A_64 = arith.constant 0 : i32
      %dma_start3A_65 = tpu.memref_slice %arg10[%dma_start3A_62, %dma_start3A_63, %dma_start3A_64] : memref<21x128x32xf32, #tpu.memory_space<vmem>> -> memref<1x128x32xf32, #tpu.memory_space<vmem>>
      %dma_start3A_66 = tpu.memref_squeeze %dma_start3A_65 : memref<1x128x32xf32, #tpu.memory_space<vmem>> -> memref<128x32xf32, #tpu.memory_space<vmem>>
      %dma_start3A_67 = arith.constant 512 : i32
      %dma_start3A_68 = tpu.memref_slice %arg8[%dma_start3A_67] : memref<2688xi32, #tpu.memory_space<vmem>> -> memref<128xi32, #tpu.memory_space<vmem>>
      %dma_start3A_69 = arith.constant 0 : i32
      %dma_start3A_70 = arith.constant 0 : i32
      %dma_start3A_71 = tpu.memref_slice %arg3[%dma_start3A_69, %dma_start3A_70] : memref<1081344x32xf32, #tpu.memory_space<hbm>> -> memref<1081344x32xf32, #tpu.memory_space<hbm>>
      tpu.enqueue_indirect_dma source(%dma_start3A_71 : memref<1081344x32xf32, #tpu.memory_space<hbm>>) target(%dma_start3A_66 : memref<128x32xf32, #tpu.memory_space<vmem>>) offsets(%dma_start3A_68 : memref<128xi32, #tpu.memory_space<vmem>>) semaphore(%arg18 : memref<!tpu.dma_semaphore, #tpu.memory_space<semaphore_mem>>)
      %dma_start3A_72 = arith.constant 5 : i32
      %dma_start3A_73 = arith.constant 0 : i32
      %dma_start3A_74 = arith.constant 0 : i32
      %dma_start3A_75 = tpu.memref_slice %arg10[%dma_start3A_72, %dma_start3A_73, %dma_start3A_74] : memref<21x128x32xf32, #tpu.memory_space<vmem>> -> memref<1x128x32xf32, #tpu.memory_space<vmem>>
      %dma_start3A_76 = tpu.memref_squeeze %dma_start3A_75 : memref<1x128x32xf32, #tpu.memory_space<vmem>> -> memref<128x32xf32, #tpu.memory_space<vmem>>
      %dma_start3A_77 = arith.constant 640 : i32
      %dma_start3A_78 = tpu.memref_slice %arg8[%dma_start3A_77] : memref<2688xi32, #tpu.memory_space<vmem>> -> memref<128xi32, #tpu.memory_space<vmem>>
      %dma_start3A_79 = arith.constant 0 : i32
      %dma_start3A_80 = arith.constant 0 : i32
      %dma_start3A_81 = tpu.memref_slice %arg3[%dma_start3A_79, %dma_start3A_80] : memref<1081344x32xf32, #tpu.memory_space<hbm>> -> memref<1081344x32xf32, #tpu.memory_space<hbm>>
      tpu.enqueue_indirect_dma source(%dma_start3A_81 : memref<1081344x32xf32, #tpu.memory_space<hbm>>) target(%dma_start3A_76 : memref<128x32xf32, #tpu.memory_space<vmem>>) offsets(%dma_start3A_78 : memref<128xi32, #tpu.memory_space<vmem>>) semaphore(%arg19 : memref<!tpu.dma_semaphore, #tpu.memory_space<semaphore_mem>>)
      %dma_start3A_82 = arith.constant 6 : i32
      %dma_start3A_83 = arith.constant 0 : i32
      %dma_start3A_84 = arith.constant 0 : i32
      %dma_start3A_85 = tpu.memref_slice %arg10[%dma_start3A_82, %dma_start3A_83, %dma_start3A_84] : memref<21x128x32xf32, #tpu.memory_space<vmem>> -> memref<1x128x32xf32, #tpu.memory_space<vmem>>
      %dma_start3A_86 = tpu.memref_squeeze %dma_start3A_85 : memref<1x128x32xf32, #tpu.memory_space<vmem>> -> memref<128x32xf32, #tpu.memory_space<vmem>>
      %dma_start3A_87 = arith.constant 768 : i32
      %dma_start3A_88 = tpu.memref_slice %arg8[%dma_start3A_87] : memref<2688xi32, #tpu.memory_space<vmem>> -> memref<128xi32, #tpu.memory_space<vmem>>
      %dma_start3A_89 = arith.constant 0 : i32
      %dma_start3A_90 = arith.constant 0 : i32
      %dma_start3A_91 = tpu.memref_slice %arg3[%dma_start3A_89, %dma_start3A_90] : memref<1081344x32xf32, #tpu.memory_space<hbm>> -> memref<1081344x32xf32, #tpu.memory_space<hbm>>
      tpu.enqueue_indirect_dma source(%dma_start3A_91 : memref<1081344x32xf32, #tpu.memory_space<hbm>>) target(%dma_start3A_86 : memref<128x32xf32, #tpu.memory_space<vmem>>) offsets(%dma_start3A_88 : memref<128xi32, #tpu.memory_space<vmem>>) semaphore(%arg20 : memref<!tpu.dma_semaphore, #tpu.memory_space<semaphore_mem>>)
      %dma_start3A_92 = arith.constant 7 : i32
      %dma_start3A_93 = arith.constant 0 : i32
      %dma_start3A_94 = arith.constant 0 : i32
      %dma_start3A_95 = tpu.memref_slice %arg10[%dma_start3A_92, %dma_start3A_93, %dma_start3A_94] : memref<21x128x32xf32, #tpu.memory_space<vmem>> -> memref<1x128x32xf32, #tpu.memory_space<vmem>>
      %dma_start3A_96 = tpu.memref_squeeze %dma_start3A_95 : memref<1x128x32xf32, #tpu.memory_space<vmem>> -> memref<128x32xf32, #tpu.memory_space<vmem>>
      %dma_start3A_97 = arith.constant 896 : i32
      %dma_start3A_98 = tpu.memref_slice %arg8[%dma_start3A_97] : memref<2688xi32, #tpu.memory_space<vmem>> -> memref<128xi32, #tpu.memory_space<vmem>>
      %dma_start3A_99 = arith.constant 0 : i32
      %dma_start3A_100 = arith.constant 0 : i32
      %dma_start3A_101 = tpu.memref_slice %arg3[%dma_start3A_99, %dma_start3A_100] : memref<1081344x32xf32, #tpu.memory_space<hbm>> -> memref<1081344x32xf32, #tpu.memory_space<hbm>>
      tpu.enqueue_indirect_dma source(%dma_start3A_101 : memref<1081344x32xf32, #tpu.memory_space<hbm>>) target(%dma_start3A_96 : memref<128x32xf32, #tpu.memory_space<vmem>>) offsets(%dma_start3A_98 : memref<128xi32, #tpu.memory_space<vmem>>) semaphore(%arg21 : memref<!tpu.dma_semaphore, #tpu.memory_space<semaphore_mem>>)
      %dma_start3A_102 = arith.constant 8 : i32
      %dma_start3A_103 = arith.constant 0 : i32
      %dma_start3A_104 = arith.constant 0 : i32
      %dma_start3A_105 = tpu.memref_slice %arg10[%dma_start3A_102, %dma_start3A_103, %dma_start3A_104] : memref<21x128x32xf32, #tpu.memory_space<vmem>> -> memref<1x128x32xf32, #tpu.memory_space<vmem>>
      %dma_start3A_106 = tpu.memref_squeeze %dma_start3A_105 : memref<1x128x32xf32, #tpu.memory_space<vmem>> -> memref<128x32xf32, #tpu.memory_space<vmem>>
      %dma_start3A_107 = arith.constant 1024 : i32
      %dma_start3A_108 = tpu.memref_slice %arg8[%dma_start3A_107] : memref<2688xi32, #tpu.memory_space<vmem>> -> memref<128xi32, #tpu.memory_space<vmem>>
      %dma_start3A_109 = arith.constant 0 : i32
      %dma_start3A_110 = arith.constant 0 : i32
      %dma_start3A_111 = tpu.memref_slice %arg3[%dma_start3A_109, %dma_start3A_110] : memref<1081344x32xf32, #tpu.memory_space<hbm>> -> memref<1081344x32xf32, #tpu.memory_space<hbm>>
      tpu.enqueue_indirect_dma source(%dma_start3A_111 : memref<1081344x32xf32, #tpu.memory_space<hbm>>) target(%dma_start3A_106 : memref<128x32xf32, #tpu.memory_space<vmem>>) offsets(%dma_start3A_108 : memref<128xi32, #tpu.memory_space<vmem>>) semaphore(%arg22 : memref<!tpu.dma_semaphore, #tpu.memory_space<semaphore_mem>>)
      %dma_start3A_112 = arith.constant 9 : i32
      %dma_start3A_113 = arith.constant 0 : i32
      %dma_start3A_114 = arith.constant 0 : i32
      %dma_start3A_115 = tpu.memref_slice %arg10[%dma_start3A_112, %dma_start3A_113, %dma_start3A_114] : memref<21x128x32xf32, #tpu.memory_space<vmem>> -> memref<1x128x32xf32, #tpu.memory_space<vmem>>
      %dma_start3A_116 = tpu.memref_squeeze %dma_start3A_115 : memref<1x128x32xf32, #tpu.memory_space<vmem>> -> memref<128x32xf32, #tpu.memory_space<vmem>>
      %dma_start3A_117 = arith.constant 1152 : i32
      %dma_start3A_118 = tpu.memref_slice %arg8[%dma_start3A_117] : memref<2688xi32, #tpu.memory_space<vmem>> -> memref<128xi32, #tpu.memory_space<vmem>>
      %dma_start3A_119 = arith.constant 0 : i32
      %dma_start3A_120 = arith.constant 0 : i32
      %dma_start3A_121 = tpu.memref_slice %arg3[%dma_start3A_119, %dma_start3A_120] : memref<1081344x32xf32, #tpu.memory_space<hbm>> -> memref<1081344x32xf32, #tpu.memory_space<hbm>>
      tpu.enqueue_indirect_dma source(%dma_start3A_121 : memref<1081344x32xf32, #tpu.memory_space<hbm>>) target(%dma_start3A_116 : memref<128x32xf32, #tpu.memory_space<vmem>>) offsets(%dma_start3A_118 : memref<128xi32, #tpu.memory_space<vmem>>) semaphore(%arg23 : memref<!tpu.dma_semaphore, #tpu.memory_space<semaphore_mem>>)
      %dma_start3A_122 = arith.constant 10 : i32
      %dma_start3A_123 = arith.constant 0 : i32
      %dma_start3A_124 = arith.constant 0 : i32
      %dma_start3A_125 = tpu.memref_slice %arg10[%dma_start3A_122, %dma_start3A_123, %dma_start3A_124] : memref<21x128x32xf32, #tpu.memory_space<vmem>> -> memref<1x128x32xf32, #tpu.memory_space<vmem>>
      %dma_start3A_126 = tpu.memref_squeeze %dma_start3A_125 : memref<1x128x32xf32, #tpu.memory_space<vmem>> -> memref<128x32xf32, #tpu.memory_space<vmem>>
      %dma_start3A_127 = arith.constant 1280 : i32
      %dma_start3A_128 = tpu.memref_slice %arg8[%dma_start3A_127] : memref<2688xi32, #tpu.memory_space<vmem>> -> memref<128xi32, #tpu.memory_space<vmem>>
      %dma_start3A_129 = arith.constant 0 : i32
      %dma_start3A_130 = arith.constant 0 : i32
      %dma_start3A_131 = tpu.memref_slice %arg3[%dma_start3A_129, %dma_start3A_130] : memref<1081344x32xf32, #tpu.memory_space<hbm>> -> memref<1081344x32xf32, #tpu.memory_space<hbm>>
      tpu.enqueue_indirect_dma source(%dma_start3A_131 : memref<1081344x32xf32, #tpu.memory_space<hbm>>) target(%dma_start3A_126 : memref<128x32xf32, #tpu.memory_space<vmem>>) offsets(%dma_start3A_128 : memref<128xi32, #tpu.memory_space<vmem>>) semaphore(%arg24 : memref<!tpu.dma_semaphore, #tpu.memory_space<semaphore_mem>>)
      %dma_start3A_132 = arith.constant 11 : i32
      %dma_start3A_133 = arith.constant 0 : i32
      %dma_start3A_134 = arith.constant 0 : i32
      %dma_start3A_135 = tpu.memref_slice %arg10[%dma_start3A_132, %dma_start3A_133, %dma_start3A_134] : memref<21x128x32xf32, #tpu.memory_space<vmem>> -> memref<1x128x32xf32, #tpu.memory_space<vmem>>
      %dma_start3A_136 = tpu.memref_squeeze %dma_start3A_135 : memref<1x128x32xf32, #tpu.memory_space<vmem>> -> memref<128x32xf32, #tpu.memory_space<vmem>>
      %dma_start3A_137 = arith.constant 1408 : i32
      %dma_start3A_138 = tpu.memref_slice %arg8[%dma_start3A_137] : memref<2688xi32, #tpu.memory_space<vmem>> -> memref<128xi32, #tpu.memory_space<vmem>>
      %dma_start3A_139 = arith.constant 0 : i32
      %dma_start3A_140 = arith.constant 0 : i32
      %dma_start3A_141 = tpu.memref_slice %arg3[%dma_start3A_139, %dma_start3A_140] : memref<1081344x32xf32, #tpu.memory_space<hbm>> -> memref<1081344x32xf32, #tpu.memory_space<hbm>>
      tpu.enqueue_indirect_dma source(%dma_start3A_141 : memref<1081344x32xf32, #tpu.memory_space<hbm>>) target(%dma_start3A_136 : memref<128x32xf32, #tpu.memory_space<vmem>>) offsets(%dma_start3A_138 : memref<128xi32, #tpu.memory_space<vmem>>) semaphore(%arg25 : memref<!tpu.dma_semaphore, #tpu.memory_space<semaphore_mem>>)
      %dma_start3A_142 = arith.constant 12 : i32
      %dma_start3A_143 = arith.constant 0 : i32
      %dma_start3A_144 = arith.constant 0 : i32
      %dma_start3A_145 = tpu.memref_slice %arg10[%dma_start3A_142, %dma_start3A_143, %dma_start3A_144] : memref<21x128x32xf32, #tpu.memory_space<vmem>> -> memref<1x128x32xf32, #tpu.memory_space<vmem>>
      %dma_start3A_146 = tpu.memref_squeeze %dma_start3A_145 : memref<1x128x32xf32, #tpu.memory_space<vmem>> -> memref<128x32xf32, #tpu.memory_space<vmem>>
      %dma_start3A_147 = arith.constant 1536 : i32
      %dma_start3A_148 = tpu.memref_slice %arg8[%dma_start3A_147] : memref<2688xi32, #tpu.memory_space<vmem>> -> memref<128xi32, #tpu.memory_space<vmem>>
      %dma_start3A_149 = arith.constant 0 : i32
      %dma_start3A_150 = arith.constant 0 : i32
      %dma_start3A_151 = tpu.memref_slice %arg3[%dma_start3A_149, %dma_start3A_150] : memref<1081344x32xf32, #tpu.memory_space<hbm>> -> memref<1081344x32xf32, #tpu.memory_space<hbm>>
      tpu.enqueue_indirect_dma source(%dma_start3A_151 : memref<1081344x32xf32, #tpu.memory_space<hbm>>) target(%dma_start3A_146 : memref<128x32xf32, #tpu.memory_space<vmem>>) offsets(%dma_start3A_148 : memref<128xi32, #tpu.memory_space<vmem>>) semaphore(%arg26 : memref<!tpu.dma_semaphore, #tpu.memory_space<semaphore_mem>>)
      %dma_start3A_152 = arith.constant 13 : i32
      %dma_start3A_153 = arith.constant 0 : i32
      %dma_start3A_154 = arith.constant 0 : i32
      %dma_start3A_155 = tpu.memref_slice %arg10[%dma_start3A_152, %dma_start3A_153, %dma_start3A_154] : memref<21x128x32xf32, #tpu.memory_space<vmem>> -> memref<1x128x32xf32, #tpu.memory_space<vmem>>
      %dma_start3A_156 = tpu.memref_squeeze %dma_start3A_155 : memref<1x128x32xf32, #tpu.memory_space<vmem>> -> memref<128x32xf32, #tpu.memory_space<vmem>>
      %dma_start3A_157 = arith.constant 1664 : i32
      %dma_start3A_158 = tpu.memref_slice %arg8[%dma_start3A_157] : memref<2688xi32, #tpu.memory_space<vmem>> -> memref<128xi32, #tpu.memory_space<vmem>>
      %dma_start3A_159 = arith.constant 0 : i32
      %dma_start3A_160 = arith.constant 0 : i32
      %dma_start3A_161 = tpu.memref_slice %arg3[%dma_start3A_159, %dma_start3A_160] : memref<1081344x32xf32, #tpu.memory_space<hbm>> -> memref<1081344x32xf32, #tpu.memory_space<hbm>>
      tpu.enqueue_indirect_dma source(%dma_start3A_161 : memref<1081344x32xf32, #tpu.memory_space<hbm>>) target(%dma_start3A_156 : memref<128x32xf32, #tpu.memory_space<vmem>>) offsets(%dma_start3A_158 : memref<128xi32, #tpu.memory_space<vmem>>) semaphore(%arg27 : memref<!tpu.dma_semaphore, #tpu.memory_space<semaphore_mem>>)
      %dma_start3A_162 = arith.constant 14 : i32
      %dma_start3A_163 = arith.constant 0 : i32
      %dma_start3A_164 = arith.constant 0 : i32
      %dma_start3A_165 = tpu.memref_slice %arg10[%dma_start3A_162, %dma_start3A_163, %dma_start3A_164] : memref<21x128x32xf32, #tpu.memory_space<vmem>> -> memref<1x128x32xf32, #tpu.memory_space<vmem>>
      %dma_start3A_166 = tpu.memref_squeeze %dma_start3A_165 : memref<1x128x32xf32, #tpu.memory_space<vmem>> -> memref<128x32xf32, #tpu.memory_space<vmem>>
      %dma_start3A_167 = arith.constant 1792 : i32
      %dma_start3A_168 = tpu.memref_slice %arg8[%dma_start3A_167] : memref<2688xi32, #tpu.memory_space<vmem>> -> memref<128xi32, #tpu.memory_space<vmem>>
      %dma_start3A_169 = arith.constant 0 : i32
      %dma_start3A_170 = arith.constant 0 : i32
      %dma_start3A_171 = tpu.memref_slice %arg3[%dma_start3A_169, %dma_start3A_170] : memref<1081344x32xf32, #tpu.memory_space<hbm>> -> memref<1081344x32xf32, #tpu.memory_space<hbm>>
      tpu.enqueue_indirect_dma source(%dma_start3A_171 : memref<1081344x32xf32, #tpu.memory_space<hbm>>) target(%dma_start3A_166 : memref<128x32xf32, #tpu.memory_space<vmem>>) offsets(%dma_start3A_168 : memref<128xi32, #tpu.memory_space<vmem>>) semaphore(%arg28 : memref<!tpu.dma_semaphore, #tpu.memory_space<semaphore_mem>>)
      %dma_start3A_172 = arith.constant 15 : i32
      %dma_start3A_173 = arith.constant 0 : i32
      %dma_start3A_174 = arith.constant 0 : i32
      %dma_start3A_175 = tpu.memref_slice %arg10[%dma_start3A_172, %dma_start3A_173, %dma_start3A_174] : memref<21x128x32xf32, #tpu.memory_space<vmem>> -> memref<1x128x32xf32, #tpu.memory_space<vmem>>
      %dma_start3A_176 = tpu.memref_squeeze %dma_start3A_175 : memref<1x128x32xf32, #tpu.memory_space<vmem>> -> memref<128x32xf32, #tpu.memory_space<vmem>>
      %dma_start3A_177 = arith.constant 1920 : i32
      %dma_start3A_178 = tpu.memref_slice %arg8[%dma_start3A_177] : memref<2688xi32, #tpu.memory_space<vmem>> -> memref<128xi32, #tpu.memory_space<vmem>>
      %dma_start3A_179 = arith.constant 0 : i32
      %dma_start3A_180 = arith.constant 0 : i32
      %dma_start3A_181 = tpu.memref_slice %arg3[%dma_start3A_179, %dma_start3A_180] : memref<1081344x32xf32, #tpu.memory_space<hbm>> -> memref<1081344x32xf32, #tpu.memory_space<hbm>>
      tpu.enqueue_indirect_dma source(%dma_start3A_181 : memref<1081344x32xf32, #tpu.memory_space<hbm>>) target(%dma_start3A_176 : memref<128x32xf32, #tpu.memory_space<vmem>>) offsets(%dma_start3A_178 : memref<128xi32, #tpu.memory_space<vmem>>) semaphore(%arg29 : memref<!tpu.dma_semaphore, #tpu.memory_space<semaphore_mem>>)
      %dma_start3A_182 = arith.constant 16 : i32
      %dma_start3A_183 = arith.constant 0 : i32
      %dma_start3A_184 = arith.constant 0 : i32
      %dma_start3A_185 = tpu.memref_slice %arg10[%dma_start3A_182, %dma_start3A_183, %dma_start3A_184] : memref<21x128x32xf32, #tpu.memory_space<vmem>> -> memref<1x128x32xf32, #tpu.memory_space<vmem>>
      %dma_start3A_186 = tpu.memref_squeeze %dma_start3A_185 : memref<1x128x32xf32, #tpu.memory_space<vmem>> -> memref<128x32xf32, #tpu.memory_space<vmem>>
      %dma_start3A_187 = arith.constant 2048 : i32
      %dma_start3A_188 = tpu.memref_slice %arg8[%dma_start3A_187] : memref<2688xi32, #tpu.memory_space<vmem>> -> memref<128xi32, #tpu.memory_space<vmem>>
      %dma_start3A_189 = arith.constant 0 : i32
      %dma_start3A_190 = arith.constant 0 : i32
      %dma_start3A_191 = tpu.memref_slice %arg3[%dma_start3A_189, %dma_start3A_190] : memref<1081344x32xf32, #tpu.memory_space<hbm>> -> memref<1081344x32xf32, #tpu.memory_space<hbm>>
      tpu.enqueue_indirect_dma source(%dma_start3A_191 : memref<1081344x32xf32, #tpu.memory_space<hbm>>) target(%dma_start3A_186 : memref<128x32xf32, #tpu.memory_space<vmem>>) offsets(%dma_start3A_188 : memref<128xi32, #tpu.memory_space<vmem>>) semaphore(%arg30 : memref<!tpu.dma_semaphore, #tpu.memory_space<semaphore_mem>>)
      %dma_start3A_192 = arith.constant 17 : i32
      %dma_start3A_193 = arith.constant 0 : i32
      %dma_start3A_194 = arith.constant 0 : i32
      %dma_start3A_195 = tpu.memref_slice %arg10[%dma_start3A_192, %dma_start3A_193, %dma_start3A_194] : memref<21x128x32xf32, #tpu.memory_space<vmem>> -> memref<1x128x32xf32, #tpu.memory_space<vmem>>
      %dma_start3A_196 = tpu.memref_squeeze %dma_start3A_195 : memref<1x128x32xf32, #tpu.memory_space<vmem>> -> memref<128x32xf32, #tpu.memory_space<vmem>>
      %dma_start3A_197 = arith.constant 2176 : i32
      %dma_start3A_198 = tpu.memref_slice %arg8[%dma_start3A_197] : memref<2688xi32, #tpu.memory_space<vmem>> -> memref<128xi32, #tpu.memory_space<vmem>>
      %dma_start3A_199 = arith.constant 0 : i32
      %dma_start3A_200 = arith.constant 0 : i32
      %dma_start3A_201 = tpu.memref_slice %arg3[%dma_start3A_199, %dma_start3A_200] : memref<1081344x32xf32, #tpu.memory_space<hbm>> -> memref<1081344x32xf32, #tpu.memory_space<hbm>>
      tpu.enqueue_indirect_dma source(%dma_start3A_201 : memref<1081344x32xf32, #tpu.memory_space<hbm>>) target(%dma_start3A_196 : memref<128x32xf32, #tpu.memory_space<vmem>>) offsets(%dma_start3A_198 : memref<128xi32, #tpu.memory_space<vmem>>) semaphore(%arg31 : memref<!tpu.dma_semaphore, #tpu.memory_space<semaphore_mem>>)
      %dma_start3A_202 = arith.constant 18 : i32
      %dma_start3A_203 = arith.constant 0 : i32
      %dma_start3A_204 = arith.constant 0 : i32
      %dma_start3A_205 = tpu.memref_slice %arg10[%dma_start3A_202, %dma_start3A_203, %dma_start3A_204] : memref<21x128x32xf32, #tpu.memory_space<vmem>> -> memref<1x128x32xf32, #tpu.memory_space<vmem>>
      %dma_start3A_206 = tpu.memref_squeeze %dma_start3A_205 : memref<1x128x32xf32, #tpu.memory_space<vmem>> -> memref<128x32xf32, #tpu.memory_space<vmem>>
      %dma_start3A_207 = arith.constant 2304 : i32
      %dma_start3A_208 = tpu.memref_slice %arg8[%dma_start3A_207] : memref<2688xi32, #tpu.memory_space<vmem>> -> memref<128xi32, #tpu.memory_space<vmem>>
      %dma_start3A_209 = arith.constant 0 : i32
      %dma_start3A_210 = arith.constant 0 : i32
      %dma_start3A_211 = tpu.memref_slice %arg3[%dma_start3A_209, %dma_start3A_210] : memref<1081344x32xf32, #tpu.memory_space<hbm>> -> memref<1081344x32xf32, #tpu.memory_space<hbm>>
      tpu.enqueue_indirect_dma source(%dma_start3A_211 : memref<1081344x32xf32, #tpu.memory_space<hbm>>) target(%dma_start3A_206 : memref<128x32xf32, #tpu.memory_space<vmem>>) offsets(%dma_start3A_208 : memref<128xi32, #tpu.memory_space<vmem>>) semaphore(%arg32 : memref<!tpu.dma_semaphore, #tpu.memory_space<semaphore_mem>>)
      %dma_start3A_212 = arith.constant 19 : i32
      %dma_start3A_213 = arith.constant 0 : i32
      %dma_start3A_214 = arith.constant 0 : i32
      %dma_start3A_215 = tpu.memref_slice %arg10[%dma_start3A_212, %dma_start3A_213, %dma_start3A_214] : memref<21x128x32xf32, #tpu.memory_space<vmem>> -> memref<1x128x32xf32, #tpu.memory_space<vmem>>
      %dma_start3A_216 = tpu.memref_squeeze %dma_start3A_215 : memref<1x128x32xf32, #tpu.memory_space<vmem>> -> memref<128x32xf32, #tpu.memory_space<vmem>>
      %dma_start3A_217 = arith.constant 2432 : i32
      %dma_start3A_218 = tpu.memref_slice %arg8[%dma_start3A_217] : memref<2688xi32, #tpu.memory_space<vmem>> -> memref<128xi32, #tpu.memory_space<vmem>>
      %dma_start3A_219 = arith.constant 0 : i32
      %dma_start3A_220 = arith.constant 0 : i32
      %dma_start3A_221 = tpu.memref_slice %arg3[%dma_start3A_219, %dma_start3A_220] : memref<1081344x32xf32, #tpu.memory_space<hbm>> -> memref<1081344x32xf32, #tpu.memory_space<hbm>>
      tpu.enqueue_indirect_dma source(%dma_start3A_221 : memref<1081344x32xf32, #tpu.memory_space<hbm>>) target(%dma_start3A_216 : memref<128x32xf32, #tpu.memory_space<vmem>>) offsets(%dma_start3A_218 : memref<128xi32, #tpu.memory_space<vmem>>) semaphore(%arg33 : memref<!tpu.dma_semaphore, #tpu.memory_space<semaphore_mem>>)
      %dma_start3A_222 = arith.constant 20 : i32
      %dma_start3A_223 = arith.constant 0 : i32
      %dma_start3A_224 = arith.constant 0 : i32
      %dma_start3A_225 = tpu.memref_slice %arg10[%dma_start3A_222, %dma_start3A_223, %dma_start3A_224] : memref<21x128x32xf32, #tpu.memory_space<vmem>> -> memref<1x128x32xf32, #tpu.memory_space<vmem>>
      %dma_start3A_226 = tpu.memref_squeeze %dma_start3A_225 : memref<1x128x32xf32, #tpu.memory_space<vmem>> -> memref<128x32xf32, #tpu.memory_space<vmem>>
      %dma_start3A_227 = arith.constant 2560 : i32
      %dma_start3A_228 = tpu.memref_slice %arg8[%dma_start3A_227] : memref<2688xi32, #tpu.memory_space<vmem>> -> memref<128xi32, #tpu.memory_space<vmem>>
      %dma_start3A_229 = arith.constant 0 : i32
      %dma_start3A_230 = arith.constant 0 : i32
      %dma_start3A_231 = tpu.memref_slice %arg3[%dma_start3A_229, %dma_start3A_230] : memref<1081344x32xf32, #tpu.memory_space<hbm>> -> memref<1081344x32xf32, #tpu.memory_space<hbm>>
      tpu.enqueue_indirect_dma source(%dma_start3A_231 : memref<1081344x32xf32, #tpu.memory_space<hbm>>) target(%dma_start3A_226 : memref<128x32xf32, #tpu.memory_space<vmem>>) offsets(%dma_start3A_228 : memref<128xi32, #tpu.memory_space<vmem>>) semaphore(%arg34 : memref<!tpu.dma_semaphore, #tpu.memory_space<semaphore_mem>>)
      %dma_wait3A = arith.constant 0 : i32
      %dma_wait3A_232 = arith.constant 0 : i32
      %dma_wait3A_233 = tpu.memref_slice %arg2[%dma_wait3A, %dma_wait3A_232] : memref<1081344x32xf32, #tpu.memory_space<hbm>> -> memref<1081344x32xf32, #tpu.memory_space<hbm>>
      tpu.wait_indirect_dma semaphore(%arg13 : memref<!tpu.dma_semaphore, #tpu.memory_space<semaphore_mem>>) src(%dma_wait3A_233 : memref<1081344x32xf32, #tpu.memory_space<hbm>>) dst(%arg9 : memref<128x32xf32, #tpu.memory_space<vmem>>)
      %scan3A_234 = arith.constant 0 : i32
      %scan3A_235 = arith.constant 8 : i32
      %scan3A_236 = arith.addi %scan3A_234, %scan3A_235 : i32
      %scan3A_237 = arith.constant 1 : i32
      scf.for %scan3A_465 = %scan3A_234 to %scan3A_236 step %scan3A_237  : i32 {
        %mul3A_466 = arith.constant 1 : i32
        %mul3A_467 = arith.muli %scan3A_465, %mul3A_466 : i32
        %add3A_468 = arith.constant 0 : i32
        %add3A_469 = arith.addi %add3A_468, %mul3A_467 : i32
        %iota3A = tpu.iota {dimensions = array<i32: 0>} : vector<16xi32>
        %mul3A_470 = arith.constant 16 : i32
        %mul3A_471 = arith.muli %add3A_469, %mul3A_470 : i32
        %add3A_472 = vector.broadcast %mul3A_471 : i32 to vector<16xi32>
        %add3A_473 = arith.addi %iota3A, %add3A_472 : vector<16xi32>
        %add3A_474 = arith.constant 0 : i32
        %add3A_475 = vector.broadcast %add3A_474 : i32 to vector<16xi32>
        %add3A_476 = arith.addi %iota3A, %add3A_475 : vector<16xi32>
        %and3A = arith.constant 31 : i32
        %and3A_477 = vector.broadcast %and3A : i32 to vector<16xi32>
        %and3A_478 = arith.andi %add3A_476, %and3A_477 : vector<16xi32>
        %gather3A = tpu.vector_load_idx %arg9[%add3A_473, %and3A_478] : memref<128x32xf32, #tpu.memory_space<vmem>>[vector<16xi32>, vector<16xi32>], vector<16xf32>,
        %mul3A_479 = arith.constant 16 : i32
        %mul3A_480 = arith.muli %add3A_469, %mul3A_479 : i32
        %add3A_481 = arith.constant 0 : i32
        %add3A_482 = arith.addi %add3A_481, %mul3A_480 : i32
        %swap3A = arith.index_cast %add3A_482 : i32 to index
        %swap3A_483 = tpu.vector_load %arg11[%swap3A] {strides = array<i32>} : memref<4096xf32, #tpu.memory_space<vmem>>, vector<16xf32>,
        tpu.vector_store %arg11[%swap3A], %gather3A {strides = array<i32>} : memref<4096xf32, #tpu.memory_space<vmem>>, vector<16xf32>,
        %add3A_484 = arith.constant 1 : i32
        %add3A_485 = vector.broadcast %add3A_484 : i32 to vector<16xi32>
        %add3A_486 = arith.addi %iota3A, %add3A_485 : vector<16xi32>
        %and3A_487 = arith.constant 31 : i32
        %and3A_488 = vector.broadcast %and3A_487 : i32 to vector<16xi32>
        %and3A_489 = arith.andi %add3A_486, %and3A_488 : vector<16xi32>
        %gather3A_490 = tpu.vector_load_idx %arg9[%add3A_473, %and3A_489] : memref<128x32xf32, #tpu.memory_space<vmem>>[vector<16xi32>, vector<16xi32>], vector<16xf32>,
        %mul3A_491 = arith.constant 16 : i32
        %mul3A_492 = arith.muli %add3A_469, %mul3A_491 : i32
        %add3A_493 = arith.constant 128 : i32
        %add3A_494 = arith.addi %add3A_493, %mul3A_492 : i32
        %swap3A_495 = arith.index_cast %add3A_494 : i32 to index
        %swap3A_496 = tpu.vector_load %arg11[%swap3A_495] {strides = array<i32>} : memref<4096xf32, #tpu.memory_space<vmem>>, vector<16xf32>,
        tpu.vector_store %arg11[%swap3A_495], %gather3A_490 {strides = array<i32>} : memref<4096xf32, #tpu.memory_space<vmem>>, vector<16xf32>,
        %add3A_497 = arith.constant 2 : i32
        %add3A_498 = vector.broadcast %add3A_497 : i32 to vector<16xi32>
        %add3A_499 = arith.addi %iota3A, %add3A_498 : vector<16xi32>
        %and3A_500 = arith.constant 31 : i32
        %and3A_501 = vector.broadcast %and3A_500 : i32 to vector<16xi32>
        %and3A_502 = arith.andi %add3A_499, %and3A_501 : vector<16xi32>
        %gather3A_503 = tpu.vector_load_idx %arg9[%add3A_473, %and3A_502] : memref<128x32xf32, #tpu.memory_space<vmem>>[vector<16xi32>, vector<16xi32>], vector<16xf32>,
        %mul3A_504 = arith.constant 16 : i32
        %mul3A_505 = arith.muli %add3A_469, %mul3A_504 : i32
        %add3A_506 = arith.constant 256 : i32
        %add3A_507 = arith.addi %add3A_506, %mul3A_505 : i32
        %swap3A_508 = arith.index_cast %add3A_507 : i32 to index
        %swap3A_509 = tpu.vector_load %arg11[%swap3A_508] {strides = array<i32>} : memref<4096xf32, #tpu.memory_space<vmem>>, vector<16xf32>,
        tpu.vector_store %arg11[%swap3A_508], %gather3A_503 {strides = array<i32>} : memref<4096xf32, #tpu.memory_space<vmem>>, vector<16xf32>,
        %add3A_510 = arith.constant 3 : i32
        %add3A_511 = vector.broadcast %add3A_510 : i32 to vector<16xi32>
        %add3A_512 = arith.addi %iota3A, %add3A_511 : vector<16xi32>
        %and3A_513 = arith.constant 31 : i32
        %and3A_514 = vector.broadcast %and3A_513 : i32 to vector<16xi32>
        %and3A_515 = arith.andi %add3A_512, %and3A_514 : vector<16xi32>
        %gather3A_516 = tpu.vector_load_idx %arg9[%add3A_473, %and3A_515] : memref<128x32xf32, #tpu.memory_space<vmem>>[vector<16xi32>, vector<16xi32>], vector<16xf32>,
        %mul3A_517 = arith.constant 16 : i32
        %mul3A_518 = arith.muli %add3A_469, %mul3A_517 : i32
        %add3A_519 = arith.constant 384 : i32
        %add3A_520 = arith.addi %add3A_519, %mul3A_518 : i32
        %swap3A_521 = arith.index_cast %add3A_520 : i32 to index
        %swap3A_522 = tpu.vector_load %arg11[%swap3A_521] {strides = array<i32>} : memref<4096xf32, #tpu.memory_space<vmem>>, vector<16xf32>,
        tpu.vector_store %arg11[%swap3A_521], %gather3A_516 {strides = array<i32>} : memref<4096xf32, #tpu.memory_space<vmem>>, vector<16xf32>,
        %add3A_523 = arith.constant 4 : i32
        %add3A_524 = vector.broadcast %add3A_523 : i32 to vector<16xi32>
        %add3A_525 = arith.addi %iota3A, %add3A_524 : vector<16xi32>
        %and3A_526 = arith.constant 31 : i32
        %and3A_527 = vector.broadcast %and3A_526 : i32 to vector<16xi32>
        %and3A_528 = arith.andi %add3A_525, %and3A_527 : vector<16xi32>
        %gather3A_529 = tpu.vector_load_idx %arg9[%add3A_473, %and3A_528] : memref<128x32xf32, #tpu.memory_space<vmem>>[vector<16xi32>, vector<16xi32>], vector<16xf32>,
        %mul3A_530 = arith.constant 16 : i32
        %mul3A_531 = arith.muli %add3A_469, %mul3A_530 : i32
        %add3A_532 = arith.constant 512 : i32
        %add3A_533 = arith.addi %add3A_532, %mul3A_531 : i32
        %swap3A_534 = arith.index_cast %add3A_533 : i32 to index
        %swap3A_535 = tpu.vector_load %arg11[%swap3A_534] {strides = array<i32>} : memref<4096xf32, #tpu.memory_space<vmem>>, vector<16xf32>,
        tpu.vector_store %arg11[%swap3A_534], %gather3A_529 {strides = array<i32>} : memref<4096xf32, #tpu.memory_space<vmem>>, vector<16xf32>,
        %add3A_536 = arith.constant 5 : i32
        %add3A_537 = vector.broadcast %add3A_536 : i32 to vector<16xi32>
        %add3A_538 = arith.addi %iota3A, %add3A_537 : vector<16xi32>
        %and3A_539 = arith.constant 31 : i32
        %and3A_540 = vector.broadcast %and3A_539 : i32 to vector<16xi32>
        %and3A_541 = arith.andi %add3A_538, %and3A_540 : vector<16xi32>
        %gather3A_542 = tpu.vector_load_idx %arg9[%add3A_473, %and3A_541] : memref<128x32xf32, #tpu.memory_space<vmem>>[vector<16xi32>, vector<16xi32>], vector<16xf32>,
        %mul3A_543 = arith.constant 16 : i32
        %mul3A_544 = arith.muli %add3A_469, %mul3A_543 : i32
        %add3A_545 = arith.constant 640 : i32
        %add3A_546 = arith.addi %add3A_545, %mul3A_544 : i32
        %swap3A_547 = arith.index_cast %add3A_546 : i32 to index
        %swap3A_548 = tpu.vector_load %arg11[%swap3A_547] {strides = array<i32>} : memref<4096xf32, #tpu.memory_space<vmem>>, vector<16xf32>,
        tpu.vector_store %arg11[%swap3A_547], %gather3A_542 {strides = array<i32>} : memref<4096xf32, #tpu.memory_space<vmem>>, vector<16xf32>,
        %add3A_549 = arith.constant 6 : i32
        %add3A_550 = vector.broadcast %add3A_549 : i32 to vector<16xi32>
        %add3A_551 = arith.addi %iota3A, %add3A_550 : vector<16xi32>
        %and3A_552 = arith.constant 31 : i32
        %and3A_553 = vector.broadcast %and3A_552 : i32 to vector<16xi32>
        %and3A_554 = arith.andi %add3A_551, %and3A_553 : vector<16xi32>
        %gather3A_555 = tpu.vector_load_idx %arg9[%add3A_473, %and3A_554] : memref<128x32xf32, #tpu.memory_space<vmem>>[vector<16xi32>, vector<16xi32>], vector<16xf32>,
        %mul3A_556 = arith.constant 16 : i32
        %mul3A_557 = arith.muli %add3A_469, %mul3A_556 : i32
        %add3A_558 = arith.constant 768 : i32
        %add3A_559 = arith.addi %add3A_558, %mul3A_557 : i32
        %swap3A_560 = arith.index_cast %add3A_559 : i32 to index
        %swap3A_561 = tpu.vector_load %arg11[%swap3A_560] {strides = array<i32>} : memref<4096xf32, #tpu.memory_space<vmem>>, vector<16xf32>,
        tpu.vector_store %arg11[%swap3A_560], %gather3A_555 {strides = array<i32>} : memref<4096xf32, #tpu.memory_space<vmem>>, vector<16xf32>,
        %add3A_562 = arith.constant 7 : i32
        %add3A_563 = vector.broadcast %add3A_562 : i32 to vector<16xi32>
        %add3A_564 = arith.addi %iota3A, %add3A_563 : vector<16xi32>
        %and3A_565 = arith.constant 31 : i32
        %and3A_566 = vector.broadcast %and3A_565 : i32 to vector<16xi32>
        %and3A_567 = arith.andi %add3A_564, %and3A_566 : vector<16xi32>
        %gather3A_568 = tpu.vector_load_idx %arg9[%add3A_473, %and3A_567] : memref<128x32xf32, #tpu.memory_space<vmem>>[vector<16xi32>, vector<16xi32>], vector<16xf32>,
        %mul3A_569 = arith.constant 16 : i32
        %mul3A_570 = arith.muli %add3A_469, %mul3A_569 : i32
        %add3A_571 = arith.constant 896 : i32
        %add3A_572 = arith.addi %add3A_571, %mul3A_570 : i32
        %swap3A_573 = arith.index_cast %add3A_572 : i32 to index
        %swap3A_574 = tpu.vector_load %arg11[%swap3A_573] {strides = array<i32>} : memref<4096xf32, #tpu.memory_space<vmem>>, vector<16xf32>,
        tpu.vector_store %arg11[%swap3A_573], %gather3A_568 {strides = array<i32>} : memref<4096xf32, #tpu.memory_space<vmem>>, vector<16xf32>,
        %add3A_575 = arith.constant 8 : i32
        %add3A_576 = vector.broadcast %add3A_575 : i32 to vector<16xi32>
        %add3A_577 = arith.addi %iota3A, %add3A_576 : vector<16xi32>
        %and3A_578 = arith.constant 31 : i32
        %and3A_579 = vector.broadcast %and3A_578 : i32 to vector<16xi32>
        %and3A_580 = arith.andi %add3A_577, %and3A_579 : vector<16xi32>
        %gather3A_581 = tpu.vector_load_idx %arg9[%add3A_473, %and3A_580] : memref<128x32xf32, #tpu.memory_space<vmem>>[vector<16xi32>, vector<16xi32>], vector<16xf32>,
        %mul3A_582 = arith.constant 16 : i32
        %mul3A_583 = arith.muli %add3A_469, %mul3A_582 : i32
        %add3A_584 = arith.constant 1024 : i32
        %add3A_585 = arith.addi %add3A_584, %mul3A_583 : i32
        %swap3A_586 = arith.index_cast %add3A_585 : i32 to index
        %swap3A_587 = tpu.vector_load %arg11[%swap3A_586] {strides = array<i32>} : memref<4096xf32, #tpu.memory_space<vmem>>, vector<16xf32>,
        tpu.vector_store %arg11[%swap3A_586], %gather3A_581 {strides = array<i32>} : memref<4096xf32, #tpu.memory_space<vmem>>, vector<16xf32>,
        %add3A_588 = arith.constant 9 : i32
        %add3A_589 = vector.broadcast %add3A_588 : i32 to vector<16xi32>
        %add3A_590 = arith.addi %iota3A, %add3A_589 : vector<16xi32>
        %and3A_591 = arith.constant 31 : i32
        %and3A_592 = vector.broadcast %and3A_591 : i32 to vector<16xi32>
        %and3A_593 = arith.andi %add3A_590, %and3A_592 : vector<16xi32>
        %gather3A_594 = tpu.vector_load_idx %arg9[%add3A_473, %and3A_593] : memref<128x32xf32, #tpu.memory_space<vmem>>[vector<16xi32>, vector<16xi32>], vector<16xf32>,
        %mul3A_595 = arith.constant 16 : i32
        %mul3A_596 = arith.muli %add3A_469, %mul3A_595 : i32
        %add3A_597 = arith.constant 1152 : i32
        %add3A_598 = arith.addi %add3A_597, %mul3A_596 : i32
        %swap3A_599 = arith.index_cast %add3A_598 : i32 to index
        %swap3A_600 = tpu.vector_load %arg11[%swap3A_599] {strides = array<i32>} : memref<4096xf32, #tpu.memory_space<vmem>>, vector<16xf32>,
        tpu.vector_store %arg11[%swap3A_599], %gather3A_594 {strides = array<i32>} : memref<4096xf32, #tpu.memory_space<vmem>>, vector<16xf32>,
        %add3A_601 = arith.constant 10 : i32
        %add3A_602 = vector.broadcast %add3A_601 : i32 to vector<16xi32>
        %add3A_603 = arith.addi %iota3A, %add3A_602 : vector<16xi32>
        %and3A_604 = arith.constant 31 : i32
        %and3A_605 = vector.broadcast %and3A_604 : i32 to vector<16xi32>
        %and3A_606 = arith.andi %add3A_603, %and3A_605 : vector<16xi32>
        %gather3A_607 = tpu.vector_load_idx %arg9[%add3A_473, %and3A_606] : memref<128x32xf32, #tpu.memory_space<vmem>>[vector<16xi32>, vector<16xi32>], vector<16xf32>,
        %mul3A_608 = arith.constant 16 : i32
        %mul3A_609 = arith.muli %add3A_469, %mul3A_608 : i32
        %add3A_610 = arith.constant 1280 : i32
        %add3A_611 = arith.addi %add3A_610, %mul3A_609 : i32
        %swap3A_612 = arith.index_cast %add3A_611 : i32 to index
        %swap3A_613 = tpu.vector_load %arg11[%swap3A_612] {strides = array<i32>} : memref<4096xf32, #tpu.memory_space<vmem>>, vector<16xf32>,
        tpu.vector_store %arg11[%swap3A_612], %gather3A_607 {strides = array<i32>} : memref<4096xf32, #tpu.memory_space<vmem>>, vector<16xf32>,
        %add3A_614 = arith.constant 11 : i32
        %add3A_615 = vector.broadcast %add3A_614 : i32 to vector<16xi32>
        %add3A_616 = arith.addi %iota3A, %add3A_615 : vector<16xi32>
        %and3A_617 = arith.constant 31 : i32
        %and3A_618 = vector.broadcast %and3A_617 : i32 to vector<16xi32>
        %and3A_619 = arith.andi %add3A_616, %and3A_618 : vector<16xi32>
        %gather3A_620 = tpu.vector_load_idx %arg9[%add3A_473, %and3A_619] : memref<128x32xf32, #tpu.memory_space<vmem>>[vector<16xi32>, vector<16xi32>], vector<16xf32>,
        %mul3A_621 = arith.constant 16 : i32
        %mul3A_622 = arith.muli %add3A_469, %mul3A_621 : i32
        %add3A_623 = arith.constant 1408 : i32
        %add3A_624 = arith.addi %add3A_623, %mul3A_622 : i32
        %swap3A_625 = arith.index_cast %add3A_624 : i32 to index
        %swap3A_626 = tpu.vector_load %arg11[%swap3A_625] {strides = array<i32>} : memref<4096xf32, #tpu.memory_space<vmem>>, vector<16xf32>,
        tpu.vector_store %arg11[%swap3A_625], %gather3A_620 {strides = array<i32>} : memref<4096xf32, #tpu.memory_space<vmem>>, vector<16xf32>,
        %add3A_627 = arith.constant 12 : i32
        %add3A_628 = vector.broadcast %add3A_627 : i32 to vector<16xi32>
        %add3A_629 = arith.addi %iota3A, %add3A_628 : vector<16xi32>
        %and3A_630 = arith.constant 31 : i32
        %and3A_631 = vector.broadcast %and3A_630 : i32 to vector<16xi32>
        %and3A_632 = arith.andi %add3A_629, %and3A_631 : vector<16xi32>
        %gather3A_633 = tpu.vector_load_idx %arg9[%add3A_473, %and3A_632] : memref<128x32xf32, #tpu.memory_space<vmem>>[vector<16xi32>, vector<16xi32>], vector<16xf32>,
        %mul3A_634 = arith.constant 16 : i32
        %mul3A_635 = arith.muli %add3A_469, %mul3A_634 : i32
        %add3A_636 = arith.constant 1536 : i32
        %add3A_637 = arith.addi %add3A_636, %mul3A_635 : i32
        %swap3A_638 = arith.index_cast %add3A_637 : i32 to index
        %swap3A_639 = tpu.vector_load %arg11[%swap3A_638] {strides = array<i32>} : memref<4096xf32, #tpu.memory_space<vmem>>, vector<16xf32>,
        tpu.vector_store %arg11[%swap3A_638], %gather3A_633 {strides = array<i32>} : memref<4096xf32, #tpu.memory_space<vmem>>, vector<16xf32>,
        %add3A_640 = arith.constant 13 : i32
        %add3A_641 = vector.broadcast %add3A_640 : i32 to vector<16xi32>
        %add3A_642 = arith.addi %iota3A, %add3A_641 : vector<16xi32>
        %and3A_643 = arith.constant 31 : i32
        %and3A_644 = vector.broadcast %and3A_643 : i32 to vector<16xi32>
        %and3A_645 = arith.andi %add3A_642, %and3A_644 : vector<16xi32>
        %gather3A_646 = tpu.vector_load_idx %arg9[%add3A_473, %and3A_645] : memref<128x32xf32, #tpu.memory_space<vmem>>[vector<16xi32>, vector<16xi32>], vector<16xf32>,
        %mul3A_647 = arith.constant 16 : i32
        %mul3A_648 = arith.muli %add3A_469, %mul3A_647 : i32
        %add3A_649 = arith.constant 1664 : i32
        %add3A_650 = arith.addi %add3A_649, %mul3A_648 : i32
        %swap3A_651 = arith.index_cast %add3A_650 : i32 to index
        %swap3A_652 = tpu.vector_load %arg11[%swap3A_651] {strides = array<i32>} : memref<4096xf32, #tpu.memory_space<vmem>>, vector<16xf32>,
        tpu.vector_store %arg11[%swap3A_651], %gather3A_646 {strides = array<i32>} : memref<4096xf32, #tpu.memory_space<vmem>>, vector<16xf32>,
        %add3A_653 = arith.constant 14 : i32
        %add3A_654 = vector.broadcast %add3A_653 : i32 to vector<16xi32>
        %add3A_655 = arith.addi %iota3A, %add3A_654 : vector<16xi32>
        %and3A_656 = arith.constant 31 : i32
        %and3A_657 = vector.broadcast %and3A_656 : i32 to vector<16xi32>
        %and3A_658 = arith.andi %add3A_655, %and3A_657 : vector<16xi32>
        %gather3A_659 = tpu.vector_load_idx %arg9[%add3A_473, %and3A_658] : memref<128x32xf32, #tpu.memory_space<vmem>>[vector<16xi32>, vector<16xi32>], vector<16xf32>,
        %mul3A_660 = arith.constant 16 : i32
        %mul3A_661 = arith.muli %add3A_469, %mul3A_660 : i32
        %add3A_662 = arith.constant 1792 : i32
        %add3A_663 = arith.addi %add3A_662, %mul3A_661 : i32
        %swap3A_664 = arith.index_cast %add3A_663 : i32 to index
        %swap3A_665 = tpu.vector_load %arg11[%swap3A_664] {strides = array<i32>} : memref<4096xf32, #tpu.memory_space<vmem>>, vector<16xf32>,
        tpu.vector_store %arg11[%swap3A_664], %gather3A_659 {strides = array<i32>} : memref<4096xf32, #tpu.memory_space<vmem>>, vector<16xf32>,
        %add3A_666 = arith.constant 15 : i32
        %add3A_667 = vector.broadcast %add3A_666 : i32 to vector<16xi32>
        %add3A_668 = arith.addi %iota3A, %add3A_667 : vector<16xi32>
        %and3A_669 = arith.constant 31 : i32
        %and3A_670 = vector.broadcast %and3A_669 : i32 to vector<16xi32>
        %and3A_671 = arith.andi %add3A_668, %and3A_670 : vector<16xi32>
        %gather3A_672 = tpu.vector_load_idx %arg9[%add3A_473, %and3A_671] : memref<128x32xf32, #tpu.memory_space<vmem>>[vector<16xi32>, vector<16xi32>], vector<16xf32>,
        %mul3A_673 = arith.constant 16 : i32
        %mul3A_674 = arith.muli %add3A_469, %mul3A_673 : i32
        %add3A_675 = arith.constant 1920 : i32
        %add3A_676 = arith.addi %add3A_675, %mul3A_674 : i32
        %swap3A_677 = arith.index_cast %add3A_676 : i32 to index
        %swap3A_678 = tpu.vector_load %arg11[%swap3A_677] {strides = array<i32>} : memref<4096xf32, #tpu.memory_space<vmem>>, vector<16xf32>,
        tpu.vector_store %arg11[%swap3A_677], %gather3A_672 {strides = array<i32>} : memref<4096xf32, #tpu.memory_space<vmem>>, vector<16xf32>,
        %add3A_679 = arith.constant 16 : i32
        %add3A_680 = vector.broadcast %add3A_679 : i32 to vector<16xi32>
        %add3A_681 = arith.addi %iota3A, %add3A_680 : vector<16xi32>
        %and3A_682 = arith.constant 31 : i32
        %and3A_683 = vector.broadcast %and3A_682 : i32 to vector<16xi32>
        %and3A_684 = arith.andi %add3A_681, %and3A_683 : vector<16xi32>
        %gather3A_685 = tpu.vector_load_idx %arg9[%add3A_473, %and3A_684] : memref<128x32xf32, #tpu.memory_space<vmem>>[vector<16xi32>, vector<16xi32>], vector<16xf32>,
        %mul3A_686 = arith.constant 16 : i32
        %mul3A_687 = arith.muli %add3A_469, %mul3A_686 : i32
        %add3A_688 = arith.constant 2048 : i32
        %add3A_689 = arith.addi %add3A_688, %mul3A_687 : i32
        %swap3A_690 = arith.index_cast %add3A_689 : i32 to index
        %swap3A_691 = tpu.vector_load %arg11[%swap3A_690] {strides = array<i32>} : memref<4096xf32, #tpu.memory_space<vmem>>, vector<16xf32>,
        tpu.vector_store %arg11[%swap3A_690], %gather3A_685 {strides = array<i32>} : memref<4096xf32, #tpu.memory_space<vmem>>, vector<16xf32>,
        %add3A_692 = arith.constant 17 : i32
        %add3A_693 = vector.broadcast %add3A_692 : i32 to vector<16xi32>
        %add3A_694 = arith.addi %iota3A, %add3A_693 : vector<16xi32>
        %and3A_695 = arith.constant 31 : i32
        %and3A_696 = vector.broadcast %and3A_695 : i32 to vector<16xi32>
        %and3A_697 = arith.andi %add3A_694, %and3A_696 : vector<16xi32>
        %gather3A_698 = tpu.vector_load_idx %arg9[%add3A_473, %and3A_697] : memref<128x32xf32, #tpu.memory_space<vmem>>[vector<16xi32>, vector<16xi32>], vector<16xf32>,
        %mul3A_699 = arith.constant 16 : i32
        %mul3A_700 = arith.muli %add3A_469, %mul3A_699 : i32
        %add3A_701 = arith.constant 2176 : i32
        %add3A_702 = arith.addi %add3A_701, %mul3A_700 : i32
        %swap3A_703 = arith.index_cast %add3A_702 : i32 to index
        %swap3A_704 = tpu.vector_load %arg11[%swap3A_703] {strides = array<i32>} : memref<4096xf32, #tpu.memory_space<vmem>>, vector<16xf32>,
        tpu.vector_store %arg11[%swap3A_703], %gather3A_698 {strides = array<i32>} : memref<4096xf32, #tpu.memory_space<vmem>>, vector<16xf32>,
        %add3A_705 = arith.constant 18 : i32
        %add3A_706 = vector.broadcast %add3A_705 : i32 to vector<16xi32>
        %add3A_707 = arith.addi %iota3A, %add3A_706 : vector<16xi32>
        %and3A_708 = arith.constant 31 : i32
        %and3A_709 = vector.broadcast %and3A_708 : i32 to vector<16xi32>
        %and3A_710 = arith.andi %add3A_707, %and3A_709 : vector<16xi32>
        %gather3A_711 = tpu.vector_load_idx %arg9[%add3A_473, %and3A_710] : memref<128x32xf32, #tpu.memory_space<vmem>>[vector<16xi32>, vector<16xi32>], vector<16xf32>,
        %mul3A_712 = arith.constant 16 : i32
        %mul3A_713 = arith.muli %add3A_469, %mul3A_712 : i32
        %add3A_714 = arith.constant 2304 : i32
        %add3A_715 = arith.addi %add3A_714, %mul3A_713 : i32
        %swap3A_716 = arith.index_cast %add3A_715 : i32 to index
        %swap3A_717 = tpu.vector_load %arg11[%swap3A_716] {strides = array<i32>} : memref<4096xf32, #tpu.memory_space<vmem>>, vector<16xf32>,
        tpu.vector_store %arg11[%swap3A_716], %gather3A_711 {strides = array<i32>} : memref<4096xf32, #tpu.memory_space<vmem>>, vector<16xf32>,
        %add3A_718 = arith.constant 19 : i32
        %add3A_719 = vector.broadcast %add3A_718 : i32 to vector<16xi32>
        %add3A_720 = arith.addi %iota3A, %add3A_719 : vector<16xi32>
        %and3A_721 = arith.constant 31 : i32
        %and3A_722 = vector.broadcast %and3A_721 : i32 to vector<16xi32>
        %and3A_723 = arith.andi %add3A_720, %and3A_722 : vector<16xi32>
        %gather3A_724 = tpu.vector_load_idx %arg9[%add3A_473, %and3A_723] : memref<128x32xf32, #tpu.memory_space<vmem>>[vector<16xi32>, vector<16xi32>], vector<16xf32>,
        %mul3A_725 = arith.constant 16 : i32
        %mul3A_726 = arith.muli %add3A_469, %mul3A_725 : i32
        %add3A_727 = arith.constant 2432 : i32
        %add3A_728 = arith.addi %add3A_727, %mul3A_726 : i32
        %swap3A_729 = arith.index_cast %add3A_728 : i32 to index
        %swap3A_730 = tpu.vector_load %arg11[%swap3A_729] {strides = array<i32>} : memref<4096xf32, #tpu.memory_space<vmem>>, vector<16xf32>,
        tpu.vector_store %arg11[%swap3A_729], %gather3A_724 {strides = array<i32>} : memref<4096xf32, #tpu.memory_space<vmem>>, vector<16xf32>,
        %add3A_731 = arith.constant 20 : i32
        %add3A_732 = vector.broadcast %add3A_731 : i32 to vector<16xi32>
        %add3A_733 = arith.addi %iota3A, %add3A_732 : vector<16xi32>
        %and3A_734 = arith.constant 31 : i32
        %and3A_735 = vector.broadcast %and3A_734 : i32 to vector<16xi32>
        %and3A_736 = arith.andi %add3A_733, %and3A_735 : vector<16xi32>
        %gather3A_737 = tpu.vector_load_idx %arg9[%add3A_473, %and3A_736] : memref<128x32xf32, #tpu.memory_space<vmem>>[vector<16xi32>, vector<16xi32>], vector<16xf32>,
        %mul3A_738 = arith.constant 16 : i32
        %mul3A_739 = arith.muli %add3A_469, %mul3A_738 : i32
        %add3A_740 = arith.constant 2560 : i32
        %add3A_741 = arith.addi %add3A_740, %mul3A_739 : i32
        %swap3A_742 = arith.index_cast %add3A_741 : i32 to index
        %swap3A_743 = tpu.vector_load %arg11[%swap3A_742] {strides = array<i32>} : memref<4096xf32, #tpu.memory_space<vmem>>, vector<16xf32>,
        tpu.vector_store %arg11[%swap3A_742], %gather3A_737 {strides = array<i32>} : memref<4096xf32, #tpu.memory_space<vmem>>, vector<16xf32>,
        %add3A_744 = arith.constant 21 : i32
        %add3A_745 = vector.broadcast %add3A_744 : i32 to vector<16xi32>
        %add3A_746 = arith.addi %iota3A, %add3A_745 : vector<16xi32>
        %and3A_747 = arith.constant 31 : i32
        %and3A_748 = vector.broadcast %and3A_747 : i32 to vector<16xi32>
        %and3A_749 = arith.andi %add3A_746, %and3A_748 : vector<16xi32>
        %gather3A_750 = tpu.vector_load_idx %arg9[%add3A_473, %and3A_749] : memref<128x32xf32, #tpu.memory_space<vmem>>[vector<16xi32>, vector<16xi32>], vector<16xf32>,
        %mul3A_751 = arith.constant 16 : i32
        %mul3A_752 = arith.muli %add3A_469, %mul3A_751 : i32
        %add3A_753 = arith.constant 2688 : i32
        %add3A_754 = arith.addi %add3A_753, %mul3A_752 : i32
        %swap3A_755 = arith.index_cast %add3A_754 : i32 to index
        %swap3A_756 = tpu.vector_load %arg11[%swap3A_755] {strides = array<i32>} : memref<4096xf32, #tpu.memory_space<vmem>>, vector<16xf32>,
        tpu.vector_store %arg11[%swap3A_755], %gather3A_750 {strides = array<i32>} : memref<4096xf32, #tpu.memory_space<vmem>>, vector<16xf32>,
        %add3A_757 = arith.constant 22 : i32
        %add3A_758 = vector.broadcast %add3A_757 : i32 to vector<16xi32>
        %add3A_759 = arith.addi %iota3A, %add3A_758 : vector<16xi32>
        %and3A_760 = arith.constant 31 : i32
        %and3A_761 = vector.broadcast %and3A_760 : i32 to vector<16xi32>
        %and3A_762 = arith.andi %add3A_759, %and3A_761 : vector<16xi32>
        %gather3A_763 = tpu.vector_load_idx %arg9[%add3A_473, %and3A_762] : memref<128x32xf32, #tpu.memory_space<vmem>>[vector<16xi32>, vector<16xi32>], vector<16xf32>,
        %mul3A_764 = arith.constant 16 : i32
        %mul3A_765 = arith.muli %add3A_469, %mul3A_764 : i32
        %add3A_766 = arith.constant 2816 : i32
        %add3A_767 = arith.addi %add3A_766, %mul3A_765 : i32
        %swap3A_768 = arith.index_cast %add3A_767 : i32 to index
        %swap3A_769 = tpu.vector_load %arg11[%swap3A_768] {strides = array<i32>} : memref<4096xf32, #tpu.memory_space<vmem>>, vector<16xf32>,
        tpu.vector_store %arg11[%swap3A_768], %gather3A_763 {strides = array<i32>} : memref<4096xf32, #tpu.memory_space<vmem>>, vector<16xf32>,
        %add3A_770 = arith.constant 23 : i32
        %add3A_771 = vector.broadcast %add3A_770 : i32 to vector<16xi32>
        %add3A_772 = arith.addi %iota3A, %add3A_771 : vector<16xi32>
        %and3A_773 = arith.constant 31 : i32
        %and3A_774 = vector.broadcast %and3A_773 : i32 to vector<16xi32>
        %and3A_775 = arith.andi %add3A_772, %and3A_774 : vector<16xi32>
        %gather3A_776 = tpu.vector_load_idx %arg9[%add3A_473, %and3A_775] : memref<128x32xf32, #tpu.memory_space<vmem>>[vector<16xi32>, vector<16xi32>], vector<16xf32>,
        %mul3A_777 = arith.constant 16 : i32
        %mul3A_778 = arith.muli %add3A_469, %mul3A_777 : i32
        %add3A_779 = arith.constant 2944 : i32
        %add3A_780 = arith.addi %add3A_779, %mul3A_778 : i32
        %swap3A_781 = arith.index_cast %add3A_780 : i32 to index
        %swap3A_782 = tpu.vector_load %arg11[%swap3A_781] {strides = array<i32>} : memref<4096xf32, #tpu.memory_space<vmem>>, vector<16xf32>,
        tpu.vector_store %arg11[%swap3A_781], %gather3A_776 {strides = array<i32>} : memref<4096xf32, #tpu.memory_space<vmem>>, vector<16xf32>,
        %add3A_783 = arith.constant 24 : i32
        %add3A_784 = vector.broadcast %add3A_783 : i32 to vector<16xi32>
        %add3A_785 = arith.addi %iota3A, %add3A_784 : vector<16xi32>
        %and3A_786 = arith.constant 31 : i32
        %and3A_787 = vector.broadcast %and3A_786 : i32 to vector<16xi32>
        %and3A_788 = arith.andi %add3A_785, %and3A_787 : vector<16xi32>
        %gather3A_789 = tpu.vector_load_idx %arg9[%add3A_473, %and3A_788] : memref<128x32xf32, #tpu.memory_space<vmem>>[vector<16xi32>, vector<16xi32>], vector<16xf32>,
        %mul3A_790 = arith.constant 16 : i32
        %mul3A_791 = arith.muli %add3A_469, %mul3A_790 : i32
        %add3A_792 = arith.constant 3072 : i32
        %add3A_793 = arith.addi %add3A_792, %mul3A_791 : i32
        %swap3A_794 = arith.index_cast %add3A_793 : i32 to index
        %swap3A_795 = tpu.vector_load %arg11[%swap3A_794] {strides = array<i32>} : memref<4096xf32, #tpu.memory_space<vmem>>, vector<16xf32>,
        tpu.vector_store %arg11[%swap3A_794], %gather3A_789 {strides = array<i32>} : memref<4096xf32, #tpu.memory_space<vmem>>, vector<16xf32>,
        %add3A_796 = arith.constant 25 : i32
        %add3A_797 = vector.broadcast %add3A_796 : i32 to vector<16xi32>
        %add3A_798 = arith.addi %iota3A, %add3A_797 : vector<16xi32>
        %and3A_799 = arith.constant 31 : i32
        %and3A_800 = vector.broadcast %and3A_799 : i32 to vector<16xi32>
        %and3A_801 = arith.andi %add3A_798, %and3A_800 : vector<16xi32>
        %gather3A_802 = tpu.vector_load_idx %arg9[%add3A_473, %and3A_801] : memref<128x32xf32, #tpu.memory_space<vmem>>[vector<16xi32>, vector<16xi32>], vector<16xf32>,
        %mul3A_803 = arith.constant 16 : i32
        %mul3A_804 = arith.muli %add3A_469, %mul3A_803 : i32
        %add3A_805 = arith.constant 3200 : i32
        %add3A_806 = arith.addi %add3A_805, %mul3A_804 : i32
        %swap3A_807 = arith.index_cast %add3A_806 : i32 to index
        %swap3A_808 = tpu.vector_load %arg11[%swap3A_807] {strides = array<i32>} : memref<4096xf32, #tpu.memory_space<vmem>>, vector<16xf32>,
        tpu.vector_store %arg11[%swap3A_807], %gather3A_802 {strides = array<i32>} : memref<4096xf32, #tpu.memory_space<vmem>>, vector<16xf32>,
        %add3A_809 = arith.constant 26 : i32
        %add3A_810 = vector.broadcast %add3A_809 : i32 to vector<16xi32>
        %add3A_811 = arith.addi %iota3A, %add3A_810 : vector<16xi32>
        %and3A_812 = arith.constant 31 : i32
        %and3A_813 = vector.broadcast %and3A_812 : i32 to vector<16xi32>
        %and3A_814 = arith.andi %add3A_811, %and3A_813 : vector<16xi32>
        %gather3A_815 = tpu.vector_load_idx %arg9[%add3A_473, %and3A_814] : memref<128x32xf32, #tpu.memory_space<vmem>>[vector<16xi32>, vector<16xi32>], vector<16xf32>,
        %mul3A_816 = arith.constant 16 : i32
        %mul3A_817 = arith.muli %add3A_469, %mul3A_816 : i32
        %add3A_818 = arith.constant 3328 : i32
        %add3A_819 = arith.addi %add3A_818, %mul3A_817 : i32
        %swap3A_820 = arith.index_cast %add3A_819 : i32 to index
        %swap3A_821 = tpu.vector_load %arg11[%swap3A_820] {strides = array<i32>} : memref<4096xf32, #tpu.memory_space<vmem>>, vector<16xf32>,
        tpu.vector_store %arg11[%swap3A_820], %gather3A_815 {strides = array<i32>} : memref<4096xf32, #tpu.memory_space<vmem>>, vector<16xf32>,
        %add3A_822 = arith.constant 27 : i32
        %add3A_823 = vector.broadcast %add3A_822 : i32 to vector<16xi32>
        %add3A_824 = arith.addi %iota3A, %add3A_823 : vector<16xi32>
        %and3A_825 = arith.constant 31 : i32
        %and3A_826 = vector.broadcast %and3A_825 : i32 to vector<16xi32>
        %and3A_827 = arith.andi %add3A_824, %and3A_826 : vector<16xi32>
        %gather3A_828 = tpu.vector_load_idx %arg9[%add3A_473, %and3A_827] : memref<128x32xf32, #tpu.memory_space<vmem>>[vector<16xi32>, vector<16xi32>], vector<16xf32>,
        %mul3A_829 = arith.constant 16 : i32
        %mul3A_830 = arith.muli %add3A_469, %mul3A_829 : i32
        %add3A_831 = arith.constant 3456 : i32
        %add3A_832 = arith.addi %add3A_831, %mul3A_830 : i32
        %swap3A_833 = arith.index_cast %add3A_832 : i32 to index
        %swap3A_834 = tpu.vector_load %arg11[%swap3A_833] {strides = array<i32>} : memref<4096xf32, #tpu.memory_space<vmem>>, vector<16xf32>,
        tpu.vector_store %arg11[%swap3A_833], %gather3A_828 {strides = array<i32>} : memref<4096xf32, #tpu.memory_space<vmem>>, vector<16xf32>,
        %add3A_835 = arith.constant 28 : i32
        %add3A_836 = vector.broadcast %add3A_835 : i32 to vector<16xi32>
        %add3A_837 = arith.addi %iota3A, %add3A_836 : vector<16xi32>
        %and3A_838 = arith.constant 31 : i32
        %and3A_839 = vector.broadcast %and3A_838 : i32 to vector<16xi32>
        %and3A_840 = arith.andi %add3A_837, %and3A_839 : vector<16xi32>
        %gather3A_841 = tpu.vector_load_idx %arg9[%add3A_473, %and3A_840] : memref<128x32xf32, #tpu.memory_space<vmem>>[vector<16xi32>, vector<16xi32>], vector<16xf32>,
        %mul3A_842 = arith.constant 16 : i32
        %mul3A_843 = arith.muli %add3A_469, %mul3A_842 : i32
        %add3A_844 = arith.constant 3584 : i32
        %add3A_845 = arith.addi %add3A_844, %mul3A_843 : i32
        %swap3A_846 = arith.index_cast %add3A_845 : i32 to index
        %swap3A_847 = tpu.vector_load %arg11[%swap3A_846] {strides = array<i32>} : memref<4096xf32, #tpu.memory_space<vmem>>, vector<16xf32>,
        tpu.vector_store %arg11[%swap3A_846], %gather3A_841 {strides = array<i32>} : memref<4096xf32, #tpu.memory_space<vmem>>, vector<16xf32>,
        %add3A_848 = arith.constant 29 : i32
        %add3A_849 = vector.broadcast %add3A_848 : i32 to vector<16xi32>
        %add3A_850 = arith.addi %iota3A, %add3A_849 : vector<16xi32>
        %and3A_851 = arith.constant 31 : i32
        %and3A_852 = vector.broadcast %and3A_851 : i32 to vector<16xi32>
        %and3A_853 = arith.andi %add3A_850, %and3A_852 : vector<16xi32>
        %gather3A_854 = tpu.vector_load_idx %arg9[%add3A_473, %and3A_853] : memref<128x32xf32, #tpu.memory_space<vmem>>[vector<16xi32>, vector<16xi32>], vector<16xf32>,
        %mul3A_855 = arith.constant 16 : i32
        %mul3A_856 = arith.muli %add3A_469, %mul3A_855 : i32
        %add3A_857 = arith.constant 3712 : i32
        %add3A_858 = arith.addi %add3A_857, %mul3A_856 : i32
        %swap3A_859 = arith.index_cast %add3A_858 : i32 to index
        %swap3A_860 = tpu.vector_load %arg11[%swap3A_859] {strides = array<i32>} : memref<4096xf32, #tpu.memory_space<vmem>>, vector<16xf32>,
        tpu.vector_store %arg11[%swap3A_859], %gather3A_854 {strides = array<i32>} : memref<4096xf32, #tpu.memory_space<vmem>>, vector<16xf32>,
        %add3A_861 = arith.constant 30 : i32
        %add3A_862 = vector.broadcast %add3A_861 : i32 to vector<16xi32>
        %add3A_863 = arith.addi %iota3A, %add3A_862 : vector<16xi32>
        %and3A_864 = arith.constant 31 : i32
        %and3A_865 = vector.broadcast %and3A_864 : i32 to vector<16xi32>
        %and3A_866 = arith.andi %add3A_863, %and3A_865 : vector<16xi32>
        %gather3A_867 = tpu.vector_load_idx %arg9[%add3A_473, %and3A_866] : memref<128x32xf32, #tpu.memory_space<vmem>>[vector<16xi32>, vector<16xi32>], vector<16xf32>,
        %mul3A_868 = arith.constant 16 : i32
        %mul3A_869 = arith.muli %add3A_469, %mul3A_868 : i32
        %add3A_870 = arith.constant 3840 : i32
        %add3A_871 = arith.addi %add3A_870, %mul3A_869 : i32
        %swap3A_872 = arith.index_cast %add3A_871 : i32 to index
        %swap3A_873 = tpu.vector_load %arg11[%swap3A_872] {strides = array<i32>} : memref<4096xf32, #tpu.memory_space<vmem>>, vector<16xf32>,
        tpu.vector_store %arg11[%swap3A_872], %gather3A_867 {strides = array<i32>} : memref<4096xf32, #tpu.memory_space<vmem>>, vector<16xf32>,
        %add3A_874 = arith.constant 31 : i32
        %add3A_875 = vector.broadcast %add3A_874 : i32 to vector<16xi32>
        %add3A_876 = arith.addi %iota3A, %add3A_875 : vector<16xi32>
        %and3A_877 = arith.constant 31 : i32
        %and3A_878 = vector.broadcast %and3A_877 : i32 to vector<16xi32>
        %and3A_879 = arith.andi %add3A_876, %and3A_878 : vector<16xi32>
        %gather3A_880 = tpu.vector_load_idx %arg9[%add3A_473, %and3A_879] : memref<128x32xf32, #tpu.memory_space<vmem>>[vector<16xi32>, vector<16xi32>], vector<16xf32>,
        %mul3A_881 = arith.constant 16 : i32
        %mul3A_882 = arith.muli %add3A_469, %mul3A_881 : i32
        %add3A_883 = arith.constant 3968 : i32
        %add3A_884 = arith.addi %add3A_883, %mul3A_882 : i32
        %swap3A_885 = arith.index_cast %add3A_884 : i32 to index
        %swap3A_886 = tpu.vector_load %arg11[%swap3A_885] {strides = array<i32>} : memref<4096xf32, #tpu.memory_space<vmem>>, vector<16xf32>,
        tpu.vector_store %arg11[%swap3A_885], %gather3A_880 {strides = array<i32>} : memref<4096xf32, #tpu.memory_space<vmem>>, vector<16xf32>,
        %broadcast_in_dim3A_887 = arith.constant 0.000000e+00 : f32
        %broadcast_in_dim3A_888 = vector.broadcast %broadcast_in_dim3A_887 : f32 to vector<16xf32>
        %mul3A_889 = arith.constant 16 : i32
        %mul3A_890 = arith.muli %add3A_469, %mul3A_889 : i32
        %swap3A_891 = arith.index_cast %mul3A_890 : i32 to index
        %swap3A_892 = tpu.vector_load %arg12[%swap3A_891] {strides = array<i32>} : memref<128xf32, #tpu.memory_space<vmem>>, vector<16xf32>,
        tpu.vector_store %arg12[%swap3A_891], %broadcast_in_dim3A_888 {strides = array<i32>} : memref<128xf32, #tpu.memory_space<vmem>>, vector<16xf32>,
      }
      %scan3A_238 = arith.constant 8 : i32
      %dma_wait3A_239 = arith.constant 0 : i32
      %dma_wait3A_240 = arith.constant 0 : i32
      %dma_wait3A_241 = arith.constant 0 : i32
      %dma_wait3A_242 = tpu.memref_slice %arg10[%dma_wait3A_239, %dma_wait3A_240, %dma_wait3A_241] : memref<21x128x32xf32, #tpu.memory_space<vmem>> -> memref<1x128x32xf32, #tpu.memory_space<vmem>>
      %dma_wait3A_243 = tpu.memref_squeeze %dma_wait3A_242 : memref<1x128x32xf32, #tpu.memory_space<vmem>> -> memref<128x32xf32, #tpu.memory_space<vmem>>
      %dma_wait3A_244 = arith.constant 0 : i32
      %dma_wait3A_245 = tpu.memref_slice %arg8[%dma_wait3A_244] : memref<2688xi32, #tpu.memory_space<vmem>> -> memref<128xi32, #tpu.memory_space<vmem>>
      %dma_wait3A_246 = arith.constant 0 : i32
      %dma_wait3A_247 = arith.constant 0 : i32
      %dma_wait3A_248 = tpu.memref_slice %arg3[%dma_wait3A_246, %dma_wait3A_247] : memref<1081344x32xf32, #tpu.memory_space<hbm>> -> memref<1081344x32xf32, #tpu.memory_space<hbm>>
      tpu.wait_indirect_dma semaphore(%arg14 : memref<!tpu.dma_semaphore, #tpu.memory_space<semaphore_mem>>) src(%dma_wait3A_248 : memref<1081344x32xf32, #tpu.memory_space<hbm>>) dst(%dma_wait3A_243 : memref<128x32xf32, #tpu.memory_space<vmem>>)
      %broadcast_in_dim3A = arith.constant 0 : i32
      %broadcast_in_dim3A_249 = vector.broadcast %broadcast_in_dim3A : i32 to vector<16xi32>
      %scan3A_250 = arith.constant 0 : i32
      %scan3A_251 = arith.constant 8 : i32
      %scan3A_252 = arith.addi %scan3A_250, %scan3A_251 : i32
      %scan3A_253 = arith.constant 1 : i32
      scf.for %scan3A_465 = %scan3A_250 to %scan3A_252 step %scan3A_253  : i32 {
        %mul3A_466 = arith.constant 1 : i32
        %mul3A_467 = arith.muli %scan3A_465, %mul3A_466 : i32
        %add3A_468 = arith.constant 0 : i32
        %add3A_469 = arith.addi %add3A_468, %mul3A_467 : i32
        %iota3A = tpu.iota {dimensions = array<i32: 0>} : vector<16xi32>
        %mul3A_470 = arith.constant 16 : i32
        %mul3A_471 = arith.muli %add3A_469, %mul3A_470 : i32
        %add3A_472 = vector.broadcast %mul3A_471 : i32 to vector<16xi32>
        %add3A_473 = arith.addi %iota3A, %add3A_472 : vector<16xi32>
        %and3A = arith.constant 31 : i32
        %and3A_474 = vector.broadcast %and3A : i32 to vector<16xi32>
        %and3A_475 = arith.andi %iota3A, %and3A_474 : vector<16xi32>
        %mul3A_476 = arith.constant 16 : i32
        %mul3A_477 = arith.muli %add3A_469, %mul3A_476 : i32
        %get3A = arith.index_cast %mul3A_477 : i32 to index
        %get3A_478 = tpu.vector_load %arg11[%get3A] {strides = array<i32>} : memref<4096xf32, #tpu.memory_space<vmem>>, vector<16xf32>,
        %gather3A = tpu.vector_load_idx %arg10[%broadcast_in_dim3A_249, %add3A_473, %and3A_475] : memref<21x128x32xf32, #tpu.memory_space<vmem>>[vector<16xi32>, vector<16xi32>, vector<16xi32>], vector<16xf32>,
        %mul3A_479 = arith.mulf %get3A_478, %gather3A : vector<16xf32>
        %add3A_480 = arith.constant 1 : i32
        %add3A_481 = vector.broadcast %add3A_480 : i32 to vector<16xi32>
        %add3A_482 = arith.addi %iota3A, %add3A_481 : vector<16xi32>
        %and3A_483 = arith.constant 31 : i32
        %and3A_484 = vector.broadcast %and3A_483 : i32 to vector<16xi32>
        %and3A_485 = arith.andi %add3A_482, %and3A_484 : vector<16xi32>
        %mul3A_486 = arith.constant 16 : i32
        %mul3A_487 = arith.muli %add3A_469, %mul3A_486 : i32
        %add3A_488 = arith.constant 128 : i32
        %add3A_489 = arith.addi %add3A_488, %mul3A_487 : i32
        %get3A_490 = arith.index_cast %add3A_489 : i32 to index
        %get3A_491 = tpu.vector_load %arg11[%get3A_490] {strides = array<i32>} : memref<4096xf32, #tpu.memory_space<vmem>>, vector<16xf32>,
        %gather3A_492 = tpu.vector_load_idx %arg10[%broadcast_in_dim3A_249, %add3A_473, %and3A_485] : memref<21x128x32xf32, #tpu.memory_space<vmem>>[vector<16xi32>, vector<16xi32>, vector<16xi32>], vector<16xf32>,
        %mul3A_493 = arith.mulf %get3A_491, %gather3A_492 : vector<16xf32>
        %add3A_494 = arith.addf %mul3A_479, %mul3A_493 : vector<16xf32>
        %add3A_495 = arith.constant 2 : i32
        %add3A_496 = vector.broadcast %add3A_495 : i32 to vector<16xi32>
        %add3A_497 = arith.addi %iota3A, %add3A_496 : vector<16xi32>
        %and3A_498 = arith.constant 31 : i32
        %and3A_499 = vector.broadcast %and3A_498 : i32 to vector<16xi32>
        %and3A_500 = arith.andi %add3A_497, %and3A_499 : vector<16xi32>
        %mul3A_501 = arith.constant 16 : i32
        %mul3A_502 = arith.muli %add3A_469, %mul3A_501 : i32
        %add3A_503 = arith.constant 256 : i32
        %add3A_504 = arith.addi %add3A_503, %mul3A_502 : i32
        %get3A_505 = arith.index_cast %add3A_504 : i32 to index
        %get3A_506 = tpu.vector_load %arg11[%get3A_505] {strides = array<i32>} : memref<4096xf32, #tpu.memory_space<vmem>>, vector<16xf32>,
        %gather3A_507 = tpu.vector_load_idx %arg10[%broadcast_in_dim3A_249, %add3A_473, %and3A_500] : memref<21x128x32xf32, #tpu.memory_space<vmem>>[vector<16xi32>, vector<16xi32>, vector<16xi32>], vector<16xf32>,
        %mul3A_508 = arith.mulf %get3A_506, %gather3A_507 : vector<16xf32>
        %add3A_509 = arith.addf %add3A_494, %mul3A_508 : vector<16xf32>
        %add3A_510 = arith.constant 3 : i32
        %add3A_511 = vector.broadcast %add3A_510 : i32 to vector<16xi32>
        %add3A_512 = arith.addi %iota3A, %add3A_511 : vector<16xi32>
        %and3A_513 = arith.constant 31 : i32
        %and3A_514 = vector.broadcast %and3A_513 : i32 to vector<16xi32>
        %and3A_515 = arith.andi %add3A_512, %and3A_514 : vector<16xi32>
        %mul3A_516 = arith.constant 16 : i32
        %mul3A_517 = arith.muli %add3A_469, %mul3A_516 : i32
        %add3A_518 = arith.constant 384 : i32
        %add3A_519 = arith.addi %add3A_518, %mul3A_517 : i32
        %get3A_520 = arith.index_cast %add3A_519 : i32 to index
        %get3A_521 = tpu.vector_load %arg11[%get3A_520] {strides = array<i32>} : memref<4096xf32, #tpu.memory_space<vmem>>, vector<16xf32>,
        %gather3A_522 = tpu.vector_load_idx %arg10[%broadcast_in_dim3A_249, %add3A_473, %and3A_515] : memref<21x128x32xf32, #tpu.memory_space<vmem>>[vector<16xi32>, vector<16xi32>, vector<16xi32>], vector<16xf32>,
        %mul3A_523 = arith.mulf %get3A_521, %gather3A_522 : vector<16xf32>
        %add3A_524 = arith.addf %add3A_509, %mul3A_523 : vector<16xf32>
        %add3A_525 = arith.constant 4 : i32
        %add3A_526 = vector.broadcast %add3A_525 : i32 to vector<16xi32>
        %add3A_527 = arith.addi %iota3A, %add3A_526 : vector<16xi32>
        %and3A_528 = arith.constant 31 : i32
        %and3A_529 = vector.broadcast %and3A_528 : i32 to vector<16xi32>
        %and3A_530 = arith.andi %add3A_527, %and3A_529 : vector<16xi32>
        %mul3A_531 = arith.constant 16 : i32
        %mul3A_532 = arith.muli %add3A_469, %mul3A_531 : i32
        %add3A_533 = arith.constant 512 : i32
        %add3A_534 = arith.addi %add3A_533, %mul3A_532 : i32
        %get3A_535 = arith.index_cast %add3A_534 : i32 to index
        %get3A_536 = tpu.vector_load %arg11[%get3A_535] {strides = array<i32>} : memref<4096xf32, #tpu.memory_space<vmem>>, vector<16xf32>,
        %gather3A_537 = tpu.vector_load_idx %arg10[%broadcast_in_dim3A_249, %add3A_473, %and3A_530] : memref<21x128x32xf32, #tpu.memory_space<vmem>>[vector<16xi32>, vector<16xi32>, vector<16xi32>], vector<16xf32>,
        %mul3A_538 = arith.mulf %get3A_536, %gather3A_537 : vector<16xf32>
        %add3A_539 = arith.addf %add3A_524, %mul3A_538 : vector<16xf32>
        %add3A_540 = arith.constant 5 : i32
        %add3A_541 = vector.broadcast %add3A_540 : i32 to vector<16xi32>
        %add3A_542 = arith.addi %iota3A, %add3A_541 : vector<16xi32>
        %and3A_543 = arith.constant 31 : i32
        %and3A_544 = vector.broadcast %and3A_543 : i32 to vector<16xi32>
        %and3A_545 = arith.andi %add3A_542, %and3A_544 : vector<16xi32>
        %mul3A_546 = arith.constant 16 : i32
        %mul3A_547 = arith.muli %add3A_469, %mul3A_546 : i32
        %add3A_548 = arith.constant 640 : i32
        %add3A_549 = arith.addi %add3A_548, %mul3A_547 : i32
        %get3A_550 = arith.index_cast %add3A_549 : i32 to index
        %get3A_551 = tpu.vector_load %arg11[%get3A_550] {strides = array<i32>} : memref<4096xf32, #tpu.memory_space<vmem>>, vector<16xf32>,
        %gather3A_552 = tpu.vector_load_idx %arg10[%broadcast_in_dim3A_249, %add3A_473, %and3A_545] : memref<21x128x32xf32, #tpu.memory_space<vmem>>[vector<16xi32>, vector<16xi32>, vector<16xi32>], vector<16xf32>,
        %mul3A_553 = arith.mulf %get3A_551, %gather3A_552 : vector<16xf32>
        %add3A_554 = arith.addf %add3A_539, %mul3A_553 : vector<16xf32>
        %add3A_555 = arith.constant 6 : i32
        %add3A_556 = vector.broadcast %add3A_555 : i32 to vector<16xi32>
        %add3A_557 = arith.addi %iota3A, %add3A_556 : vector<16xi32>
        %and3A_558 = arith.constant 31 : i32
        %and3A_559 = vector.broadcast %and3A_558 : i32 to vector<16xi32>
        %and3A_560 = arith.andi %add3A_557, %and3A_559 : vector<16xi32>
        %mul3A_561 = arith.constant 16 : i32
        %mul3A_562 = arith.muli %add3A_469, %mul3A_561 : i32
        %add3A_563 = arith.constant 768 : i32
        %add3A_564 = arith.addi %add3A_563, %mul3A_562 : i32
        %get3A_565 = arith.index_cast %add3A_564 : i32 to index
        %get3A_566 = tpu.vector_load %arg11[%get3A_565] {strides = array<i32>} : memref<4096xf32, #tpu.memory_space<vmem>>, vector<16xf32>,
        %gather3A_567 = tpu.vector_load_idx %arg10[%broadcast_in_dim3A_249, %add3A_473, %and3A_560] : memref<21x128x32xf32, #tpu.memory_space<vmem>>[vector<16xi32>, vector<16xi32>, vector<16xi32>], vector<16xf32>,
        %mul3A_568 = arith.mulf %get3A_566, %gather3A_567 : vector<16xf32>
        %add3A_569 = arith.addf %add3A_554, %mul3A_568 : vector<16xf32>
        %add3A_570 = arith.constant 7 : i32
        %add3A_571 = vector.broadcast %add3A_570 : i32 to vector<16xi32>
        %add3A_572 = arith.addi %iota3A, %add3A_571 : vector<16xi32>
        %and3A_573 = arith.constant 31 : i32
        %and3A_574 = vector.broadcast %and3A_573 : i32 to vector<16xi32>
        %and3A_575 = arith.andi %add3A_572, %and3A_574 : vector<16xi32>
        %mul3A_576 = arith.constant 16 : i32
        %mul3A_577 = arith.muli %add3A_469, %mul3A_576 : i32
        %add3A_578 = arith.constant 896 : i32
        %add3A_579 = arith.addi %add3A_578, %mul3A_577 : i32
        %get3A_580 = arith.index_cast %add3A_579 : i32 to index
        %get3A_581 = tpu.vector_load %arg11[%get3A_580] {strides = array<i32>} : memref<4096xf32, #tpu.memory_space<vmem>>, vector<16xf32>,
        %gather3A_582 = tpu.vector_load_idx %arg10[%broadcast_in_dim3A_249, %add3A_473, %and3A_575] : memref<21x128x32xf32, #tpu.memory_space<vmem>>[vector<16xi32>, vector<16xi32>, vector<16xi32>], vector<16xf32>,
        %mul3A_583 = arith.mulf %get3A_581, %gather3A_582 : vector<16xf32>
        %add3A_584 = arith.addf %add3A_569, %mul3A_583 : vector<16xf32>
        %add3A_585 = arith.constant 8 : i32
        %add3A_586 = vector.broadcast %add3A_585 : i32 to vector<16xi32>
        %add3A_587 = arith.addi %iota3A, %add3A_586 : vector<16xi32>
        %and3A_588 = arith.constant 31 : i32
        %and3A_589 = vector.broadcast %and3A_588 : i32 to vector<16xi32>
        %and3A_590 = arith.andi %add3A_587, %and3A_589 : vector<16xi32>
        %mul3A_591 = arith.constant 16 : i32
        %mul3A_592 = arith.muli %add3A_469, %mul3A_591 : i32
        %add3A_593 = arith.constant 1024 : i32
        %add3A_594 = arith.addi %add3A_593, %mul3A_592 : i32
        %get3A_595 = arith.index_cast %add3A_594 : i32 to index
        %get3A_596 = tpu.vector_load %arg11[%get3A_595] {strides = array<i32>} : memref<4096xf32, #tpu.memory_space<vmem>>, vector<16xf32>,
        %gather3A_597 = tpu.vector_load_idx %arg10[%broadcast_in_dim3A_249, %add3A_473, %and3A_590] : memref<21x128x32xf32, #tpu.memory_space<vmem>>[vector<16xi32>, vector<16xi32>, vector<16xi32>], vector<16xf32>,
        %mul3A_598 = arith.mulf %get3A_596, %gather3A_597 : vector<16xf32>
        %add3A_599 = arith.addf %add3A_584, %mul3A_598 : vector<16xf32>
        %add3A_600 = arith.constant 9 : i32
        %add3A_601 = vector.broadcast %add3A_600 : i32 to vector<16xi32>
        %add3A_602 = arith.addi %iota3A, %add3A_601 : vector<16xi32>
        %and3A_603 = arith.constant 31 : i32
        %and3A_604 = vector.broadcast %and3A_603 : i32 to vector<16xi32>
        %and3A_605 = arith.andi %add3A_602, %and3A_604 : vector<16xi32>
        %mul3A_606 = arith.constant 16 : i32
        %mul3A_607 = arith.muli %add3A_469, %mul3A_606 : i32
        %add3A_608 = arith.constant 1152 : i32
        %add3A_609 = arith.addi %add3A_608, %mul3A_607 : i32
        %get3A_610 = arith.index_cast %add3A_609 : i32 to index
        %get3A_611 = tpu.vector_load %arg11[%get3A_610] {strides = array<i32>} : memref<4096xf32, #tpu.memory_space<vmem>>, vector<16xf32>,
        %gather3A_612 = tpu.vector_load_idx %arg10[%broadcast_in_dim3A_249, %add3A_473, %and3A_605] : memref<21x128x32xf32, #tpu.memory_space<vmem>>[vector<16xi32>, vector<16xi32>, vector<16xi32>], vector<16xf32>,
        %mul3A_613 = arith.mulf %get3A_611, %gather3A_612 : vector<16xf32>
        %add3A_614 = arith.addf %add3A_599, %mul3A_613 : vector<16xf32>
        %add3A_615 = arith.constant 10 : i32
        %add3A_616 = vector.broadcast %add3A_615 : i32 to vector<16xi32>
        %add3A_617 = arith.addi %iota3A, %add3A_616 : vector<16xi32>
        %and3A_618 = arith.constant 31 : i32
        %and3A_619 = vector.broadcast %and3A_618 : i32 to vector<16xi32>
        %and3A_620 = arith.andi %add3A_617, %and3A_619 : vector<16xi32>
        %mul3A_621 = arith.constant 16 : i32
        %mul3A_622 = arith.muli %add3A_469, %mul3A_621 : i32
        %add3A_623 = arith.constant 1280 : i32
        %add3A_624 = arith.addi %add3A_623, %mul3A_622 : i32
        %get3A_625 = arith.index_cast %add3A_624 : i32 to index
        %get3A_626 = tpu.vector_load %arg11[%get3A_625] {strides = array<i32>} : memref<4096xf32, #tpu.memory_space<vmem>>, vector<16xf32>,
        %gather3A_627 = tpu.vector_load_idx %arg10[%broadcast_in_dim3A_249, %add3A_473, %and3A_620] : memref<21x128x32xf32, #tpu.memory_space<vmem>>[vector<16xi32>, vector<16xi32>, vector<16xi32>], vector<16xf32>,
        %mul3A_628 = arith.mulf %get3A_626, %gather3A_627 : vector<16xf32>
        %add3A_629 = arith.addf %add3A_614, %mul3A_628 : vector<16xf32>
        %add3A_630 = arith.constant 11 : i32
        %add3A_631 = vector.broadcast %add3A_630 : i32 to vector<16xi32>
        %add3A_632 = arith.addi %iota3A, %add3A_631 : vector<16xi32>
        %and3A_633 = arith.constant 31 : i32
        %and3A_634 = vector.broadcast %and3A_633 : i32 to vector<16xi32>
        %and3A_635 = arith.andi %add3A_632, %and3A_634 : vector<16xi32>
        %mul3A_636 = arith.constant 16 : i32
        %mul3A_637 = arith.muli %add3A_469, %mul3A_636 : i32
        %add3A_638 = arith.constant 1408 : i32
        %add3A_639 = arith.addi %add3A_638, %mul3A_637 : i32
        %get3A_640 = arith.index_cast %add3A_639 : i32 to index
        %get3A_641 = tpu.vector_load %arg11[%get3A_640] {strides = array<i32>} : memref<4096xf32, #tpu.memory_space<vmem>>, vector<16xf32>,
        %gather3A_642 = tpu.vector_load_idx %arg10[%broadcast_in_dim3A_249, %add3A_473, %and3A_635] : memref<21x128x32xf32, #tpu.memory_space<vmem>>[vector<16xi32>, vector<16xi32>, vector<16xi32>], vector<16xf32>,
        %mul3A_643 = arith.mulf %get3A_641, %gather3A_642 : vector<16xf32>
        %add3A_644 = arith.addf %add3A_629, %mul3A_643 : vector<16xf32>
        %add3A_645 = arith.constant 12 : i32
        %add3A_646 = vector.broadcast %add3A_645 : i32 to vector<16xi32>
        %add3A_647 = arith.addi %iota3A, %add3A_646 : vector<16xi32>
        %and3A_648 = arith.constant 31 : i32
        %and3A_649 = vector.broadcast %and3A_648 : i32 to vector<16xi32>
        %and3A_650 = arith.andi %add3A_647, %and3A_649 : vector<16xi32>
        %mul3A_651 = arith.constant 16 : i32
        %mul3A_652 = arith.muli %add3A_469, %mul3A_651 : i32
        %add3A_653 = arith.constant 1536 : i32
        %add3A_654 = arith.addi %add3A_653, %mul3A_652 : i32
        %get3A_655 = arith.index_cast %add3A_654 : i32 to index
        %get3A_656 = tpu.vector_load %arg11[%get3A_655] {strides = array<i32>} : memref<4096xf32, #tpu.memory_space<vmem>>, vector<16xf32>,
        %gather3A_657 = tpu.vector_load_idx %arg10[%broadcast_in_dim3A_249, %add3A_473, %and3A_650] : memref<21x128x32xf32, #tpu.memory_space<vmem>>[vector<16xi32>, vector<16xi32>, vector<16xi32>], vector<16xf32>,
        %mul3A_658 = arith.mulf %get3A_656, %gather3A_657 : vector<16xf32>
        %add3A_659 = arith.addf %add3A_644, %mul3A_658 : vector<16xf32>
        %add3A_660 = arith.constant 13 : i32
        %add3A_661 = vector.broadcast %add3A_660 : i32 to vector<16xi32>
        %add3A_662 = arith.addi %iota3A, %add3A_661 : vector<16xi32>
        %and3A_663 = arith.constant 31 : i32
        %and3A_664 = vector.broadcast %and3A_663 : i32 to vector<16xi32>
        %and3A_665 = arith.andi %add3A_662, %and3A_664 : vector<16xi32>
        %mul3A_666 = arith.constant 16 : i32
        %mul3A_667 = arith.muli %add3A_469, %mul3A_666 : i32
        %add3A_668 = arith.constant 1664 : i32
        %add3A_669 = arith.addi %add3A_668, %mul3A_667 : i32
        %get3A_670 = arith.index_cast %add3A_669 : i32 to index
        %get3A_671 = tpu.vector_load %arg11[%get3A_670] {strides = array<i32>} : memref<4096xf32, #tpu.memory_space<vmem>>, vector<16xf32>,
        %gather3A_672 = tpu.vector_load_idx %arg10[%broadcast_in_dim3A_249, %add3A_473, %and3A_665] : memref<21x128x32xf32, #tpu.memory_space<vmem>>[vector<16xi32>, vector<16xi32>, vector<16xi32>], vector<16xf32>,
        %mul3A_673 = arith.mulf %get3A_671, %gather3A_672 : vector<16xf32>
        %add3A_674 = arith.addf %add3A_659, %mul3A_673 : vector<16xf32>
        %add3A_675 = arith.constant 14 : i32
        %add3A_676 = vector.broadcast %add3A_675 : i32 to vector<16xi32>
        %add3A_677 = arith.addi %iota3A, %add3A_676 : vector<16xi32>
        %and3A_678 = arith.constant 31 : i32
        %and3A_679 = vector.broadcast %and3A_678 : i32 to vector<16xi32>
        %and3A_680 = arith.andi %add3A_677, %and3A_679 : vector<16xi32>
        %mul3A_681 = arith.constant 16 : i32
        %mul3A_682 = arith.muli %add3A_469, %mul3A_681 : i32
        %add3A_683 = arith.constant 1792 : i32
        %add3A_684 = arith.addi %add3A_683, %mul3A_682 : i32
        %get3A_685 = arith.index_cast %add3A_684 : i32 to index
        %get3A_686 = tpu.vector_load %arg11[%get3A_685] {strides = array<i32>} : memref<4096xf32, #tpu.memory_space<vmem>>, vector<16xf32>,
        %gather3A_687 = tpu.vector_load_idx %arg10[%broadcast_in_dim3A_249, %add3A_473, %and3A_680] : memref<21x128x32xf32, #tpu.memory_space<vmem>>[vector<16xi32>, vector<16xi32>, vector<16xi32>], vector<16xf32>,
        %mul3A_688 = arith.mulf %get3A_686, %gather3A_687 : vector<16xf32>
        %add3A_689 = arith.addf %add3A_674, %mul3A_688 : vector<16xf32>
        %add3A_690 = arith.constant 15 : i32
        %add3A_691 = vector.broadcast %add3A_690 : i32 to vector<16xi32>
        %add3A_692 = arith.addi %iota3A, %add3A_691 : vector<16xi32>
        %and3A_693 = arith.constant 31 : i32
        %and3A_694 = vector.broadcast %and3A_693 : i32 to vector<16xi32>
        %and3A_695 = arith.andi %add3A_692, %and3A_694 : vector<16xi32>
        %mul3A_696 = arith.constant 16 : i32
        %mul3A_697 = arith.muli %add3A_469, %mul3A_696 : i32
        %add3A_698 = arith.constant 1920 : i32
        %add3A_699 = arith.addi %add3A_698, %mul3A_697 : i32
        %get3A_700 = arith.index_cast %add3A_699 : i32 to index
        %get3A_701 = tpu.vector_load %arg11[%get3A_700] {strides = array<i32>} : memref<4096xf32, #tpu.memory_space<vmem>>, vector<16xf32>,
        %gather3A_702 = tpu.vector_load_idx %arg10[%broadcast_in_dim3A_249, %add3A_473, %and3A_695] : memref<21x128x32xf32, #tpu.memory_space<vmem>>[vector<16xi32>, vector<16xi32>, vector<16xi32>], vector<16xf32>,
        %mul3A_703 = arith.mulf %get3A_701, %gather3A_702 : vector<16xf32>
        %add3A_704 = arith.addf %add3A_689, %mul3A_703 : vector<16xf32>
        %add3A_705 = arith.constant 16 : i32
        %add3A_706 = vector.broadcast %add3A_705 : i32 to vector<16xi32>
        %add3A_707 = arith.addi %iota3A, %add3A_706 : vector<16xi32>
        %and3A_708 = arith.constant 31 : i32
        %and3A_709 = vector.broadcast %and3A_708 : i32 to vector<16xi32>
        %and3A_710 = arith.andi %add3A_707, %and3A_709 : vector<16xi32>
        %mul3A_711 = arith.constant 16 : i32
        %mul3A_712 = arith.muli %add3A_469, %mul3A_711 : i32
        %add3A_713 = arith.constant 2048 : i32
        %add3A_714 = arith.addi %add3A_713, %mul3A_712 : i32
        %get3A_715 = arith.index_cast %add3A_714 : i32 to index
        %get3A_716 = tpu.vector_load %arg11[%get3A_715] {strides = array<i32>} : memref<4096xf32, #tpu.memory_space<vmem>>, vector<16xf32>,
        %gather3A_717 = tpu.vector_load_idx %arg10[%broadcast_in_dim3A_249, %add3A_473, %and3A_710] : memref<21x128x32xf32, #tpu.memory_space<vmem>>[vector<16xi32>, vector<16xi32>, vector<16xi32>], vector<16xf32>,
        %mul3A_718 = arith.mulf %get3A_716, %gather3A_717 : vector<16xf32>
        %add3A_719 = arith.addf %add3A_704, %mul3A_718 : vector<16xf32>
        %add3A_720 = arith.constant 17 : i32
        %add3A_721 = vector.broadcast %add3A_720 : i32 to vector<16xi32>
        %add3A_722 = arith.addi %iota3A, %add3A_721 : vector<16xi32>
        %and3A_723 = arith.constant 31 : i32
        %and3A_724 = vector.broadcast %and3A_723 : i32 to vector<16xi32>
        %and3A_725 = arith.andi %add3A_722, %and3A_724 : vector<16xi32>
        %mul3A_726 = arith.constant 16 : i32
        %mul3A_727 = arith.muli %add3A_469, %mul3A_726 : i32
        %add3A_728 = arith.constant 2176 : i32
        %add3A_729 = arith.addi %add3A_728, %mul3A_727 : i32
        %get3A_730 = arith.index_cast %add3A_729 : i32 to index
        %get3A_731 = tpu.vector_load %arg11[%get3A_730] {strides = array<i32>} : memref<4096xf32, #tpu.memory_space<vmem>>, vector<16xf32>,
        %gather3A_732 = tpu.vector_load_idx %arg10[%broadcast_in_dim3A_249, %add3A_473, %and3A_725] : memref<21x128x32xf32, #tpu.memory_space<vmem>>[vector<16xi32>, vector<16xi32>, vector<16xi32>], vector<16xf32>,
        %mul3A_733 = arith.mulf %get3A_731, %gather3A_732 : vector<16xf32>
        %add3A_734 = arith.addf %add3A_719, %mul3A_733 : vector<16xf32>
        %add3A_735 = arith.constant 18 : i32
        %add3A_736 = vector.broadcast %add3A_735 : i32 to vector<16xi32>
        %add3A_737 = arith.addi %iota3A, %add3A_736 : vector<16xi32>
        %and3A_738 = arith.constant 31 : i32
        %and3A_739 = vector.broadcast %and3A_738 : i32 to vector<16xi32>
        %and3A_740 = arith.andi %add3A_737, %and3A_739 : vector<16xi32>
        %mul3A_741 = arith.constant 16 : i32
        %mul3A_742 = arith.muli %add3A_469, %mul3A_741 : i32
        %add3A_743 = arith.constant 2304 : i32
        %add3A_744 = arith.addi %add3A_743, %mul3A_742 : i32
        %get3A_745 = arith.index_cast %add3A_744 : i32 to index
        %get3A_746 = tpu.vector_load %arg11[%get3A_745] {strides = array<i32>} : memref<4096xf32, #tpu.memory_space<vmem>>, vector<16xf32>,
        %gather3A_747 = tpu.vector_load_idx %arg10[%broadcast_in_dim3A_249, %add3A_473, %and3A_740] : memref<21x128x32xf32, #tpu.memory_space<vmem>>[vector<16xi32>, vector<16xi32>, vector<16xi32>], vector<16xf32>,
        %mul3A_748 = arith.mulf %get3A_746, %gather3A_747 : vector<16xf32>
        %add3A_749 = arith.addf %add3A_734, %mul3A_748 : vector<16xf32>
        %add3A_750 = arith.constant 19 : i32
        %add3A_751 = vector.broadcast %add3A_750 : i32 to vector<16xi32>
        %add3A_752 = arith.addi %iota3A, %add3A_751 : vector<16xi32>
        %and3A_753 = arith.constant 31 : i32
        %and3A_754 = vector.broadcast %and3A_753 : i32 to vector<16xi32>
        %and3A_755 = arith.andi %add3A_752, %and3A_754 : vector<16xi32>
        %mul3A_756 = arith.constant 16 : i32
        %mul3A_757 = arith.muli %add3A_469, %mul3A_756 : i32
        %add3A_758 = arith.constant 2432 : i32
        %add3A_759 = arith.addi %add3A_758, %mul3A_757 : i32
        %get3A_760 = arith.index_cast %add3A_759 : i32 to index
        %get3A_761 = tpu.vector_load %arg11[%get3A_760] {strides = array<i32>} : memref<4096xf32, #tpu.memory_space<vmem>>, vector<16xf32>,
        %gather3A_762 = tpu.vector_load_idx %arg10[%broadcast_in_dim3A_249, %add3A_473, %and3A_755] : memref<21x128x32xf32, #tpu.memory_space<vmem>>[vector<16xi32>, vector<16xi32>, vector<16xi32>], vector<16xf32>,
        %mul3A_763 = arith.mulf %get3A_761, %gather3A_762 : vector<16xf32>
        %add3A_764 = arith.addf %add3A_749, %mul3A_763 : vector<16xf32>
        %add3A_765 = arith.constant 20 : i32
        %add3A_766 = vector.broadcast %add3A_765 : i32 to vector<16xi32>
        %add3A_767 = arith.addi %iota3A, %add3A_766 : vector<16xi32>
        %and3A_768 = arith.constant 31 : i32
        %and3A_769 = vector.broadcast %and3A_768 : i32 to vector<16xi32>
        %and3A_770 = arith.andi %add3A_767, %and3A_769 : vector<16xi32>
        %mul3A_771 = arith.constant 16 : i32
        %mul3A_772 = arith.muli %add3A_469, %mul3A_771 : i32
        %add3A_773 = arith.constant 2560 : i32
        %add3A_774 = arith.addi %add3A_773, %mul3A_772 : i32
        %get3A_775 = arith.index_cast %add3A_774 : i32 to index
        %get3A_776 = tpu.vector_load %arg11[%get3A_775] {strides = array<i32>} : memref<4096xf32, #tpu.memory_space<vmem>>, vector<16xf32>,
        %gather3A_777 = tpu.vector_load_idx %arg10[%broadcast_in_dim3A_249, %add3A_473, %and3A_770] : memref<21x128x32xf32, #tpu.memory_space<vmem>>[vector<16xi32>, vector<16xi32>, vector<16xi32>], vector<16xf32>,
        %mul3A_778 = arith.mulf %get3A_776, %gather3A_777 : vector<16xf32>
        %add3A_779 = arith.addf %add3A_764, %mul3A_778 : vector<16xf32>
        %add3A_780 = arith.constant 21 : i32
        %add3A_781 = vector.broadcast %add3A_780 : i32 to vector<16xi32>
        %add3A_782 = arith.addi %iota3A, %add3A_781 : vector<16xi32>
        %and3A_783 = arith.constant 31 : i32
        %and3A_784 = vector.broadcast %and3A_783 : i32 to vector<16xi32>
        %and3A_785 = arith.andi %add3A_782, %and3A_784 : vector<16xi32>
        %mul3A_786 = arith.constant 16 : i32
        %mul3A_787 = arith.muli %add3A_469, %mul3A_786 : i32
        %add3A_788 = arith.constant 2688 : i32
        %add3A_789 = arith.addi %add3A_788, %mul3A_787 : i32
        %get3A_790 = arith.index_cast %add3A_789 : i32 to index
        %get3A_791 = tpu.vector_load %arg11[%get3A_790] {strides = array<i32>} : memref<4096xf32, #tpu.memory_space<vmem>>, vector<16xf32>,
        %gather3A_792 = tpu.vector_load_idx %arg10[%broadcast_in_dim3A_249, %add3A_473, %and3A_785] : memref<21x128x32xf32, #tpu.memory_space<vmem>>[vector<16xi32>, vector<16xi32>, vector<16xi32>], vector<16xf32>,
        %mul3A_793 = arith.mulf %get3A_791, %gather3A_792 : vector<16xf32>
        %add3A_794 = arith.addf %add3A_779, %mul3A_793 : vector<16xf32>
        %add3A_795 = arith.constant 22 : i32
        %add3A_796 = vector.broadcast %add3A_795 : i32 to vector<16xi32>
        %add3A_797 = arith.addi %iota3A, %add3A_796 : vector<16xi32>
        %and3A_798 = arith.constant 31 : i32
        %and3A_799 = vector.broadcast %and3A_798 : i32 to vector<16xi32>
        %and3A_800 = arith.andi %add3A_797, %and3A_799 : vector<16xi32>
        %mul3A_801 = arith.constant 16 : i32
        %mul3A_802 = arith.muli %add3A_469, %mul3A_801 : i32
        %add3A_803 = arith.constant 2816 : i32
        %add3A_804 = arith.addi %add3A_803, %mul3A_802 : i32
        %get3A_805 = arith.index_cast %add3A_804 : i32 to index
        %get3A_806 = tpu.vector_load %arg11[%get3A_805] {strides = array<i32>} : memref<4096xf32, #tpu.memory_space<vmem>>, vector<16xf32>,
        %gather3A_807 = tpu.vector_load_idx %arg10[%broadcast_in_dim3A_249, %add3A_473, %and3A_800] : memref<21x128x32xf32, #tpu.memory_space<vmem>>[vector<16xi32>, vector<16xi32>, vector<16xi32>], vector<16xf32>,
        %mul3A_808 = arith.mulf %get3A_806, %gather3A_807 : vector<16xf32>
        %add3A_809 = arith.addf %add3A_794, %mul3A_808 : vector<16xf32>
        %add3A_810 = arith.constant 23 : i32
        %add3A_811 = vector.broadcast %add3A_810 : i32 to vector<16xi32>
        %add3A_812 = arith.addi %iota3A, %add3A_811 : vector<16xi32>
        %and3A_813 = arith.constant 31 : i32
        %and3A_814 = vector.broadcast %and3A_813 : i32 to vector<16xi32>
        %and3A_815 = arith.andi %add3A_812, %and3A_814 : vector<16xi32>
        %mul3A_816 = arith.constant 16 : i32
        %mul3A_817 = arith.muli %add3A_469, %mul3A_816 : i32
        %add3A_818 = arith.constant 2944 : i32
        %add3A_819 = arith.addi %add3A_818, %mul3A_817 : i32
        %get3A_820 = arith.index_cast %add3A_819 : i32 to index
        %get3A_821 = tpu.vector_load %arg11[%get3A_820] {strides = array<i32>} : memref<4096xf32, #tpu.memory_space<vmem>>, vector<16xf32>,
        %gather3A_822 = tpu.vector_load_idx %arg10[%broadcast_in_dim3A_249, %add3A_473, %and3A_815] : memref<21x128x32xf32, #tpu.memory_space<vmem>>[vector<16xi32>, vector<16xi32>, vector<16xi32>], vector<16xf32>,
        %mul3A_823 = arith.mulf %get3A_821, %gather3A_822 : vector<16xf32>
        %add3A_824 = arith.addf %add3A_809, %mul3A_823 : vector<16xf32>
        %add3A_825 = arith.constant 24 : i32
        %add3A_826 = vector.broadcast %add3A_825 : i32 to vector<16xi32>
        %add3A_827 = arith.addi %iota3A, %add3A_826 : vector<16xi32>
        %and3A_828 = arith.constant 31 : i32
        %and3A_829 = vector.broadcast %and3A_828 : i32 to vector<16xi32>
        %and3A_830 = arith.andi %add3A_827, %and3A_829 : vector<16xi32>
        %mul3A_831 = arith.constant 16 : i32
        %mul3A_832 = arith.muli %add3A_469, %mul3A_831 : i32
        %add3A_833 = arith.constant 3072 : i32
        %add3A_834 = arith.addi %add3A_833, %mul3A_832 : i32
        %get3A_835 = arith.index_cast %add3A_834 : i32 to index
        %get3A_836 = tpu.vector_load %arg11[%get3A_835] {strides = array<i32>} : memref<4096xf32, #tpu.memory_space<vmem>>, vector<16xf32>,
        %gather3A_837 = tpu.vector_load_idx %arg10[%broadcast_in_dim3A_249, %add3A_473, %and3A_830] : memref<21x128x32xf32, #tpu.memory_space<vmem>>[vector<16xi32>, vector<16xi32>, vector<16xi32>], vector<16xf32>,
        %mul3A_838 = arith.mulf %get3A_836, %gather3A_837 : vector<16xf32>
        %add3A_839 = arith.addf %add3A_824, %mul3A_838 : vector<16xf32>
        %add3A_840 = arith.constant 25 : i32
        %add3A_841 = vector.broadcast %add3A_840 : i32 to vector<16xi32>
        %add3A_842 = arith.addi %iota3A, %add3A_841 : vector<16xi32>
        %and3A_843 = arith.constant 31 : i32
        %and3A_844 = vector.broadcast %and3A_843 : i32 to vector<16xi32>
        %and3A_845 = arith.andi %add3A_842, %and3A_844 : vector<16xi32>
        %mul3A_846 = arith.constant 16 : i32
        %mul3A_847 = arith.muli %add3A_469, %mul3A_846 : i32
        %add3A_848 = arith.constant 3200 : i32
        %add3A_849 = arith.addi %add3A_848, %mul3A_847 : i32
        %get3A_850 = arith.index_cast %add3A_849 : i32 to index
        %get3A_851 = tpu.vector_load %arg11[%get3A_850] {strides = array<i32>} : memref<4096xf32, #tpu.memory_space<vmem>>, vector<16xf32>,
        %gather3A_852 = tpu.vector_load_idx %arg10[%broadcast_in_dim3A_249, %add3A_473, %and3A_845] : memref<21x128x32xf32, #tpu.memory_space<vmem>>[vector<16xi32>, vector<16xi32>, vector<16xi32>], vector<16xf32>,
        %mul3A_853 = arith.mulf %get3A_851, %gather3A_852 : vector<16xf32>
        %add3A_854 = arith.addf %add3A_839, %mul3A_853 : vector<16xf32>
        %add3A_855 = arith.constant 26 : i32
        %add3A_856 = vector.broadcast %add3A_855 : i32 to vector<16xi32>
        %add3A_857 = arith.addi %iota3A, %add3A_856 : vector<16xi32>
        %and3A_858 = arith.constant 31 : i32
        %and3A_859 = vector.broadcast %and3A_858 : i32 to vector<16xi32>
        %and3A_860 = arith.andi %add3A_857, %and3A_859 : vector<16xi32>
        %mul3A_861 = arith.constant 16 : i32
        %mul3A_862 = arith.muli %add3A_469, %mul3A_861 : i32
        %add3A_863 = arith.constant 3328 : i32
        %add3A_864 = arith.addi %add3A_863, %mul3A_862 : i32
        %get3A_865 = arith.index_cast %add3A_864 : i32 to index
        %get3A_866 = tpu.vector_load %arg11[%get3A_865] {strides = array<i32>} : memref<4096xf32, #tpu.memory_space<vmem>>, vector<16xf32>,
        %gather3A_867 = tpu.vector_load_idx %arg10[%broadcast_in_dim3A_249, %add3A_473, %and3A_860] : memref<21x128x32xf32, #tpu.memory_space<vmem>>[vector<16xi32>, vector<16xi32>, vector<16xi32>], vector<16xf32>,
        %mul3A_868 = arith.mulf %get3A_866, %gather3A_867 : vector<16xf32>
        %add3A_869 = arith.addf %add3A_854, %mul3A_868 : vector<16xf32>
        %add3A_870 = arith.constant 27 : i32
        %add3A_871 = vector.broadcast %add3A_870 : i32 to vector<16xi32>
        %add3A_872 = arith.addi %iota3A, %add3A_871 : vector<16xi32>
        %and3A_873 = arith.constant 31 : i32
        %and3A_874 = vector.broadcast %and3A_873 : i32 to vector<16xi32>
        %and3A_875 = arith.andi %add3A_872, %and3A_874 : vector<16xi32>
        %mul3A_876 = arith.constant 16 : i32
        %mul3A_877 = arith.muli %add3A_469, %mul3A_876 : i32
        %add3A_878 = arith.constant 3456 : i32
        %add3A_879 = arith.addi %add3A_878, %mul3A_877 : i32
        %get3A_880 = arith.index_cast %add3A_879 : i32 to index
        %get3A_881 = tpu.vector_load %arg11[%get3A_880] {strides = array<i32>} : memref<4096xf32, #tpu.memory_space<vmem>>, vector<16xf32>,
        %gather3A_882 = tpu.vector_load_idx %arg10[%broadcast_in_dim3A_249, %add3A_473, %and3A_875] : memref<21x128x32xf32, #tpu.memory_space<vmem>>[vector<16xi32>, vector<16xi32>, vector<16xi32>], vector<16xf32>,
        %mul3A_883 = arith.mulf %get3A_881, %gather3A_882 : vector<16xf32>
        %add3A_884 = arith.addf %add3A_869, %mul3A_883 : vector<16xf32>
        %add3A_885 = arith.constant 28 : i32
        %add3A_886 = vector.broadcast %add3A_885 : i32 to vector<16xi32>
        %add3A_887 = arith.addi %iota3A, %add3A_886 : vector<16xi32>
        %and3A_888 = arith.constant 31 : i32
        %and3A_889 = vector.broadcast %and3A_888 : i32 to vector<16xi32>
        %and3A_890 = arith.andi %add3A_887, %and3A_889 : vector<16xi32>
        %mul3A_891 = arith.constant 16 : i32
        %mul3A_892 = arith.muli %add3A_469, %mul3A_891 : i32
        %add3A_893 = arith.constant 3584 : i32
        %add3A_894 = arith.addi %add3A_893, %mul3A_892 : i32
        %get3A_895 = arith.index_cast %add3A_894 : i32 to index
        %get3A_896 = tpu.vector_load %arg11[%get3A_895] {strides = array<i32>} : memref<4096xf32, #tpu.memory_space<vmem>>, vector<16xf32>,
        %gather3A_897 = tpu.vector_load_idx %arg10[%broadcast_in_dim3A_249, %add3A_473, %and3A_890] : memref<21x128x32xf32, #tpu.memory_space<vmem>>[vector<16xi32>, vector<16xi32>, vector<16xi32>], vector<16xf32>,
        %mul3A_898 = arith.mulf %get3A_896, %gather3A_897 : vector<16xf32>
        %add3A_899 = arith.addf %add3A_884, %mul3A_898 : vector<16xf32>
        %add3A_900 = arith.constant 29 : i32
        %add3A_901 = vector.broadcast %add3A_900 : i32 to vector<16xi32>
        %add3A_902 = arith.addi %iota3A, %add3A_901 : vector<16xi32>
        %and3A_903 = arith.constant 31 : i32
        %and3A_904 = vector.broadcast %and3A_903 : i32 to vector<16xi32>
        %and3A_905 = arith.andi %add3A_902, %and3A_904 : vector<16xi32>
        %mul3A_906 = arith.constant 16 : i32
        %mul3A_907 = arith.muli %add3A_469, %mul3A_906 : i32
        %add3A_908 = arith.constant 3712 : i32
        %add3A_909 = arith.addi %add3A_908, %mul3A_907 : i32
        %get3A_910 = arith.index_cast %add3A_909 : i32 to index
        %get3A_911 = tpu.vector_load %arg11[%get3A_910] {strides = array<i32>} : memref<4096xf32, #tpu.memory_space<vmem>>, vector<16xf32>,
        %gather3A_912 = tpu.vector_load_idx %arg10[%broadcast_in_dim3A_249, %add3A_473, %and3A_905] : memref<21x128x32xf32, #tpu.memory_space<vmem>>[vector<16xi32>, vector<16xi32>, vector<16xi32>], vector<16xf32>,
        %mul3A_913 = arith.mulf %get3A_911, %gather3A_912 : vector<16xf32>
        %add3A_914 = arith.addf %add3A_899, %mul3A_913 : vector<16xf32>
        %add3A_915 = arith.constant 30 : i32
        %add3A_916 = vector.broadcast %add3A_915 : i32 to vector<16xi32>
        %add3A_917 = arith.addi %iota3A, %add3A_916 : vector<16xi32>
        %and3A_918 = arith.constant 31 : i32
        %and3A_919 = vector.broadcast %and3A_918 : i32 to vector<16xi32>
        %and3A_920 = arith.andi %add3A_917, %and3A_919 : vector<16xi32>
        %mul3A_921 = arith.constant 16 : i32
        %mul3A_922 = arith.muli %add3A_469, %mul3A_921 : i32
        %add3A_923 = arith.constant 3840 : i32
        %add3A_924 = arith.addi %add3A_923, %mul3A_922 : i32
        %get3A_925 = arith.index_cast %add3A_924 : i32 to index
        %get3A_926 = tpu.vector_load %arg11[%get3A_925] {strides = array<i32>} : memref<4096xf32, #tpu.memory_space<vmem>>, vector<16xf32>,
        %gather3A_927 = tpu.vector_load_idx %arg10[%broadcast_in_dim3A_249, %add3A_473, %and3A_920] : memref<21x128x32xf32, #tpu.memory_space<vmem>>[vector<16xi32>, vector<16xi32>, vector<16xi32>], vector<16xf32>,
        %mul3A_928 = arith.mulf %get3A_926, %gather3A_927 : vector<16xf32>
        %add3A_929 = arith.addf %add3A_914, %mul3A_928 : vector<16xf32>
        %add3A_930 = arith.constant 31 : i32
        %add3A_931 = vector.broadcast %add3A_930 : i32 to vector<16xi32>
        %add3A_932 = arith.addi %iota3A, %add3A_931 : vector<16xi32>
        %and3A_933 = arith.constant 31 : i32
        %and3A_934 = vector.broadcast %and3A_933 : i32 to vector<16xi32>
        %and3A_935 = arith.andi %add3A_932, %and3A_934 : vector<16xi32>
        %mul3A_936 = arith.constant 16 : i32
        %mul3A_937 = arith.muli %add3A_469, %mul3A_936 : i32
        %add3A_938 = arith.constant 3968 : i32
        %add3A_939 = arith.addi %add3A_938, %mul3A_937 : i32
        %get3A_940 = arith.index_cast %add3A_939 : i32 to index
        %get3A_941 = tpu.vector_load %arg11[%get3A_940] {strides = array<i32>} : memref<4096xf32, #tpu.memory_space<vmem>>, vector<16xf32>,
        %gather3A_942 = tpu.vector_load_idx %arg10[%broadcast_in_dim3A_249, %add3A_473, %and3A_935] : memref<21x128x32xf32, #tpu.memory_space<vmem>>[vector<16xi32>, vector<16xi32>, vector<16xi32>], vector<16xf32>,
        %mul3A_943 = arith.mulf %get3A_941, %gather3A_942 : vector<16xf32>
        %add3A_944 = arith.addf %add3A_929, %mul3A_943 : vector<16xf32>
        %jit3A = arith.constant -4.000000e+00 : f32
        %jit3A_945 = arith.constant 4.000000e+00 : f32
        %max3A = vector.broadcast %jit3A : f32 to vector<16xf32>
        %max3A_946 = arith.maximumf %max3A, %add3A_944 : vector<16xf32>
        %min3A = vector.broadcast %jit3A_945 : f32 to vector<16xf32>
        %min3A_947 = arith.minimumf %min3A, %max3A_946 : vector<16xf32>
        %neg3A = arith.constant 0.000000e+00 : f32
        %neg3A_948 = vector.broadcast %neg3A : f32 to vector<16xf32>
        %neg3A_949 = arith.subf %neg3A_948, %min3A_947 : vector<16xf32>
        %mul3A_950 = arith.constant 16 : i32
        %mul3A_951 = arith.muli %add3A_469, %mul3A_950 : i32
        %get3A_952 = arith.index_cast %mul3A_951 : i32 to index
        %get3A_953 = tpu.vector_load %arg12[%get3A_952] {strides = array<i32>} : memref<128xf32, #tpu.memory_space<vmem>>, vector<16xf32>,
        %exp3A = math.exp %neg3A_949 : vector<16xf32>
        %add3A_954 = arith.constant 1.000000e+00 : f32
        %add3A_955 = vector.broadcast %add3A_954 : f32 to vector<16xf32>
        %add3A_956 = arith.addf %add3A_955, %exp3A : vector<16xf32>
        %bitcast_convert_type3A = tpu.bitcast %add3A_956 : vector<16xf32> -> vector<16xi32>
        %shift_right_arithmetic3A = arith.constant 23 : i32
        %shift_right_arithmetic3A_957 = vector.broadcast %shift_right_arithmetic3A : i32 to vector<16xi32>
        %shift_right_arithmetic3A_958 = arith.shrsi %bitcast_convert_type3A, %shift_right_arithmetic3A_957 : vector<16xi32>
        %sub3A = arith.constant 127 : i32
        %sub3A_959 = vector.broadcast %sub3A : i32 to vector<16xi32>
        %sub3A_960 = arith.subi %shift_right_arithmetic3A_958, %sub3A_959 : vector<16xi32>
        %convert_element_type3A = arith.sitofp %sub3A_960 : vector<16xi32> to vector<16xf32>
        %and3A_961 = arith.constant 8388607 : i32
        %and3A_962 = vector.broadcast %and3A_961 : i32 to vector<16xi32>
        %and3A_963 = arith.andi %bitcast_convert_type3A, %and3A_962 : vector<16xi32>
        %or3A = arith.constant 1065353216 : i32
        %or3A_964 = vector.broadcast %or3A : i32 to vector<16xi32>
        %or3A_965 = arith.ori %and3A_963, %or3A_964 : vector<16xi32>
        %bitcast_convert_type3A_966 = tpu.bitcast %or3A_965 : vector<16xi32> -> vector<16xf32>
        %mul3A_967 = arith.constant 0.693147182 : f32
        %mul3A_968 = vector.broadcast %mul3A_967 : f32 to vector<16xf32>
        %mul3A_969 = arith.mulf %convert_element_type3A, %mul3A_968 : vector<16xf32>
        %mul3A_970 = arith.constant -0.0170296114 : f32
        %mul3A_971 = vector.broadcast %mul3A_970 : f32 to vector<16xf32>
        %mul3A_972 = arith.mulf %mul3A_971, %bitcast_convert_type3A_966 : vector<16xf32>
        %add3A_973 = arith.constant 0.183700845 : f32
        %add3A_974 = vector.broadcast %add3A_973 : f32 to vector<16xf32>
        %add3A_975 = arith.addf %mul3A_972, %add3A_974 : vector<16xf32>
        %mul3A_976 = arith.mulf %add3A_975, %bitcast_convert_type3A_966 : vector<16xf32>
        %add3A_977 = arith.constant -0.85207957 : f32
        %add3A_978 = vector.broadcast %add3A_977 : f32 to vector<16xf32>
        %add3A_979 = arith.addf %mul3A_976, %add3A_978 : vector<16xf32>
        %mul3A_980 = arith.mulf %add3A_979, %bitcast_convert_type3A_966 : vector<16xf32>
        %add3A_981 = arith.constant 2.22694349 : f32
        %add3A_982 = vector.broadcast %add3A_981 : f32 to vector<16xf32>
        %add3A_983 = arith.addf %mul3A_980, %add3A_982 : vector<16xf32>
        %mul3A_984 = arith.mulf %add3A_983, %bitcast_convert_type3A_966 : vector<16xf32>
        %add3A_985 = arith.constant -3.64712048 : f32
        %add3A_986 = vector.broadcast %add3A_985 : f32 to vector<16xf32>
        %add3A_987 = arith.addf %mul3A_984, %add3A_986 : vector<16xf32>
        %mul3A_988 = arith.mulf %add3A_987, %bitcast_convert_type3A_966 : vector<16xf32>
        %add3A_989 = arith.constant 4.205235 : f32
        %add3A_990 = vector.broadcast %add3A_989 : f32 to vector<16xf32>
        %add3A_991 = arith.addf %mul3A_988, %add3A_990 : vector<16xf32>
        %mul3A_992 = arith.mulf %add3A_991, %bitcast_convert_type3A_966 : vector<16xf32>
        %add3A_993 = arith.constant -2.09964776 : f32
        %add3A_994 = vector.broadcast %add3A_993 : f32 to vector<16xf32>
        %add3A_995 = arith.addf %mul3A_992, %add3A_994 : vector<16xf32>
        %add3A_996 = arith.addf %mul3A_969, %add3A_995 : vector<16xf32>
        %add3A_997 = arith.addf %get3A_953, %add3A_996 : vector<16xf32>
        %mul3A_998 = arith.constant 16 : i32
        %mul3A_999 = arith.muli %add3A_469, %mul3A_998 : i32
        %swap3A = arith.index_cast %mul3A_999 : i32 to index
        %swap3A_1000 = tpu.vector_load %arg12[%swap3A] {strides = array<i32>} : memref<128xf32, #tpu.memory_space<vmem>>, vector<16xf32>,
        tpu.vector_store %arg12[%swap3A], %add3A_997 {strides = array<i32>} : memref<128xf32, #tpu.memory_space<vmem>>, vector<16xf32>,
      }
      %scan3A_254 = arith.constant 8 : i32
      %dma_wait3A_255 = arith.constant 1 : i32
      %dma_wait3A_256 = arith.constant 0 : i32
      %dma_wait3A_257 = arith.constant 0 : i32
      %dma_wait3A_258 = tpu.memref_slice %arg10[%dma_wait3A_255, %dma_wait3A_256, %dma_wait3A_257] : memref<21x128x32xf32, #tpu.memory_space<vmem>> -> memref<1x128x32xf32, #tpu.memory_space<vmem>>
      %dma_wait3A_259 = tpu.memref_squeeze %dma_wait3A_258 : memref<1x128x32xf32, #tpu.memory_space<vmem>> -> memref<128x32xf32, #tpu.memory_space<vmem>>
      %dma_wait3A_260 = arith.constant 128 : i32
      %dma_wait3A_261 = tpu.memref_slice %arg8[%dma_wait3A_260] : memref<2688xi32, #tpu.memory_space<vmem>> -> memref<128xi32, #tpu.memory_space<vmem>>
      %dma_wait3A_262 = arith.constant 0 : i32
      %dma_wait3A_263 = arith.constant 0 : i32
      %dma_wait3A_264 = tpu.memref_slice %arg3[%dma_wait3A_262, %dma_wait3A_263] : memref<1081344x32xf32, #tpu.memory_space<hbm>> -> memref<1081344x32xf32, #tpu.memory_space<hbm>>
      tpu.wait_indirect_dma semaphore(%arg15 : memref<!tpu.dma_semaphore, #tpu.memory_space<semaphore_mem>>) src(%dma_wait3A_264 : memref<1081344x32xf32, #tpu.memory_space<hbm>>) dst(%dma_wait3A_259 : memref<128x32xf32, #tpu.memory_space<vmem>>)
      %dma_wait3A_265 = arith.constant 2 : i32
      %dma_wait3A_266 = arith.constant 0 : i32
      %dma_wait3A_267 = arith.constant 0 : i32
      %dma_wait3A_268 = tpu.memref_slice %arg10[%dma_wait3A_265, %dma_wait3A_266, %dma_wait3A_267] : memref<21x128x32xf32, #tpu.memory_space<vmem>> -> memref<1x128x32xf32, #tpu.memory_space<vmem>>
      %dma_wait3A_269 = tpu.memref_squeeze %dma_wait3A_268 : memref<1x128x32xf32, #tpu.memory_space<vmem>> -> memref<128x32xf32, #tpu.memory_space<vmem>>
      %dma_wait3A_270 = arith.constant 256 : i32
      %dma_wait3A_271 = tpu.memref_slice %arg8[%dma_wait3A_270] : memref<2688xi32, #tpu.memory_space<vmem>> -> memref<128xi32, #tpu.memory_space<vmem>>
      %dma_wait3A_272 = arith.constant 0 : i32
      %dma_wait3A_273 = arith.constant 0 : i32
      %dma_wait3A_274 = tpu.memref_slice %arg3[%dma_wait3A_272, %dma_wait3A_273] : memref<1081344x32xf32, #tpu.memory_space<hbm>> -> memref<1081344x32xf32, #tpu.memory_space<hbm>>
      tpu.wait_indirect_dma semaphore(%arg16 : memref<!tpu.dma_semaphore, #tpu.memory_space<semaphore_mem>>) src(%dma_wait3A_274 : memref<1081344x32xf32, #tpu.memory_space<hbm>>) dst(%dma_wait3A_269 : memref<128x32xf32, #tpu.memory_space<vmem>>)
      %dma_wait3A_275 = arith.constant 3 : i32
      %dma_wait3A_276 = arith.constant 0 : i32
      %dma_wait3A_277 = arith.constant 0 : i32
      %dma_wait3A_278 = tpu.memref_slice %arg10[%dma_wait3A_275, %dma_wait3A_276, %dma_wait3A_277] : memref<21x128x32xf32, #tpu.memory_space<vmem>> -> memref<1x128x32xf32, #tpu.memory_space<vmem>>
      %dma_wait3A_279 = tpu.memref_squeeze %dma_wait3A_278 : memref<1x128x32xf32, #tpu.memory_space<vmem>> -> memref<128x32xf32, #tpu.memory_space<vmem>>
      %dma_wait3A_280 = arith.constant 384 : i32
      %dma_wait3A_281 = tpu.memref_slice %arg8[%dma_wait3A_280] : memref<2688xi32, #tpu.memory_space<vmem>> -> memref<128xi32, #tpu.memory_space<vmem>>
      %dma_wait3A_282 = arith.constant 0 : i32
      %dma_wait3A_283 = arith.constant 0 : i32
      %dma_wait3A_284 = tpu.memref_slice %arg3[%dma_wait3A_282, %dma_wait3A_283] : memref<1081344x32xf32, #tpu.memory_space<hbm>> -> memref<1081344x32xf32, #tpu.memory_space<hbm>>
      tpu.wait_indirect_dma semaphore(%arg17 : memref<!tpu.dma_semaphore, #tpu.memory_space<semaphore_mem>>) src(%dma_wait3A_284 : memref<1081344x32xf32, #tpu.memory_space<hbm>>) dst(%dma_wait3A_279 : memref<128x32xf32, #tpu.memory_space<vmem>>)
      %dma_wait3A_285 = arith.constant 4 : i32
      %dma_wait3A_286 = arith.constant 0 : i32
      %dma_wait3A_287 = arith.constant 0 : i32
      %dma_wait3A_288 = tpu.memref_slice %arg10[%dma_wait3A_285, %dma_wait3A_286, %dma_wait3A_287] : memref<21x128x32xf32, #tpu.memory_space<vmem>> -> memref<1x128x32xf32, #tpu.memory_space<vmem>>
      %dma_wait3A_289 = tpu.memref_squeeze %dma_wait3A_288 : memref<1x128x32xf32, #tpu.memory_space<vmem>> -> memref<128x32xf32, #tpu.memory_space<vmem>>
      %dma_wait3A_290 = arith.constant 512 : i32
      %dma_wait3A_291 = tpu.memref_slice %arg8[%dma_wait3A_290] : memref<2688xi32, #tpu.memory_space<vmem>> -> memref<128xi32, #tpu.memory_space<vmem>>
      %dma_wait3A_292 = arith.constant 0 : i32
      %dma_wait3A_293 = arith.constant 0 : i32
      %dma_wait3A_294 = tpu.memref_slice %arg3[%dma_wait3A_292, %dma_wait3A_293] : memref<1081344x32xf32, #tpu.memory_space<hbm>> -> memref<1081344x32xf32, #tpu.memory_space<hbm>>
      tpu.wait_indirect_dma semaphore(%arg18 : memref<!tpu.dma_semaphore, #tpu.memory_space<semaphore_mem>>) src(%dma_wait3A_294 : memref<1081344x32xf32, #tpu.memory_space<hbm>>) dst(%dma_wait3A_289 : memref<128x32xf32, #tpu.memory_space<vmem>>)
      %dma_wait3A_295 = arith.constant 5 : i32
      %dma_wait3A_296 = arith.constant 0 : i32
      %dma_wait3A_297 = arith.constant 0 : i32
      %dma_wait3A_298 = tpu.memref_slice %arg10[%dma_wait3A_295, %dma_wait3A_296, %dma_wait3A_297] : memref<21x128x32xf32, #tpu.memory_space<vmem>> -> memref<1x128x32xf32, #tpu.memory_space<vmem>>
      %dma_wait3A_299 = tpu.memref_squeeze %dma_wait3A_298 : memref<1x128x32xf32, #tpu.memory_space<vmem>> -> memref<128x32xf32, #tpu.memory_space<vmem>>
      %dma_wait3A_300 = arith.constant 640 : i32
      %dma_wait3A_301 = tpu.memref_slice %arg8[%dma_wait3A_300] : memref<2688xi32, #tpu.memory_space<vmem>> -> memref<128xi32, #tpu.memory_space<vmem>>
      %dma_wait3A_302 = arith.constant 0 : i32
      %dma_wait3A_303 = arith.constant 0 : i32
      %dma_wait3A_304 = tpu.memref_slice %arg3[%dma_wait3A_302, %dma_wait3A_303] : memref<1081344x32xf32, #tpu.memory_space<hbm>> -> memref<1081344x32xf32, #tpu.memory_space<hbm>>
      tpu.wait_indirect_dma semaphore(%arg19 : memref<!tpu.dma_semaphore, #tpu.memory_space<semaphore_mem>>) src(%dma_wait3A_304 : memref<1081344x32xf32, #tpu.memory_space<hbm>>) dst(%dma_wait3A_299 : memref<128x32xf32, #tpu.memory_space<vmem>>)
      %dma_wait3A_305 = arith.constant 6 : i32
      %dma_wait3A_306 = arith.constant 0 : i32
      %dma_wait3A_307 = arith.constant 0 : i32
      %dma_wait3A_308 = tpu.memref_slice %arg10[%dma_wait3A_305, %dma_wait3A_306, %dma_wait3A_307] : memref<21x128x32xf32, #tpu.memory_space<vmem>> -> memref<1x128x32xf32, #tpu.memory_space<vmem>>
      %dma_wait3A_309 = tpu.memref_squeeze %dma_wait3A_308 : memref<1x128x32xf32, #tpu.memory_space<vmem>> -> memref<128x32xf32, #tpu.memory_space<vmem>>
      %dma_wait3A_310 = arith.constant 768 : i32
      %dma_wait3A_311 = tpu.memref_slice %arg8[%dma_wait3A_310] : memref<2688xi32, #tpu.memory_space<vmem>> -> memref<128xi32, #tpu.memory_space<vmem>>
      %dma_wait3A_312 = arith.constant 0 : i32
      %dma_wait3A_313 = arith.constant 0 : i32
      %dma_wait3A_314 = tpu.memref_slice %arg3[%dma_wait3A_312, %dma_wait3A_313] : memref<1081344x32xf32, #tpu.memory_space<hbm>> -> memref<1081344x32xf32, #tpu.memory_space<hbm>>
      tpu.wait_indirect_dma semaphore(%arg20 : memref<!tpu.dma_semaphore, #tpu.memory_space<semaphore_mem>>) src(%dma_wait3A_314 : memref<1081344x32xf32, #tpu.memory_space<hbm>>) dst(%dma_wait3A_309 : memref<128x32xf32, #tpu.memory_space<vmem>>)
      %dma_wait3A_315 = arith.constant 7 : i32
      %dma_wait3A_316 = arith.constant 0 : i32
      %dma_wait3A_317 = arith.constant 0 : i32
      %dma_wait3A_318 = tpu.memref_slice %arg10[%dma_wait3A_315, %dma_wait3A_316, %dma_wait3A_317] : memref<21x128x32xf32, #tpu.memory_space<vmem>> -> memref<1x128x32xf32, #tpu.memory_space<vmem>>
      %dma_wait3A_319 = tpu.memref_squeeze %dma_wait3A_318 : memref<1x128x32xf32, #tpu.memory_space<vmem>> -> memref<128x32xf32, #tpu.memory_space<vmem>>
      %dma_wait3A_320 = arith.constant 896 : i32
      %dma_wait3A_321 = tpu.memref_slice %arg8[%dma_wait3A_320] : memref<2688xi32, #tpu.memory_space<vmem>> -> memref<128xi32, #tpu.memory_space<vmem>>
      %dma_wait3A_322 = arith.constant 0 : i32
      %dma_wait3A_323 = arith.constant 0 : i32
      %dma_wait3A_324 = tpu.memref_slice %arg3[%dma_wait3A_322, %dma_wait3A_323] : memref<1081344x32xf32, #tpu.memory_space<hbm>> -> memref<1081344x32xf32, #tpu.memory_space<hbm>>
      tpu.wait_indirect_dma semaphore(%arg21 : memref<!tpu.dma_semaphore, #tpu.memory_space<semaphore_mem>>) src(%dma_wait3A_324 : memref<1081344x32xf32, #tpu.memory_space<hbm>>) dst(%dma_wait3A_319 : memref<128x32xf32, #tpu.memory_space<vmem>>)
      %dma_wait3A_325 = arith.constant 8 : i32
      %dma_wait3A_326 = arith.constant 0 : i32
      %dma_wait3A_327 = arith.constant 0 : i32
      %dma_wait3A_328 = tpu.memref_slice %arg10[%dma_wait3A_325, %dma_wait3A_326, %dma_wait3A_327] : memref<21x128x32xf32, #tpu.memory_space<vmem>> -> memref<1x128x32xf32, #tpu.memory_space<vmem>>
      %dma_wait3A_329 = tpu.memref_squeeze %dma_wait3A_328 : memref<1x128x32xf32, #tpu.memory_space<vmem>> -> memref<128x32xf32, #tpu.memory_space<vmem>>
      %dma_wait3A_330 = arith.constant 1024 : i32
      %dma_wait3A_331 = tpu.memref_slice %arg8[%dma_wait3A_330] : memref<2688xi32, #tpu.memory_space<vmem>> -> memref<128xi32, #tpu.memory_space<vmem>>
      %dma_wait3A_332 = arith.constant 0 : i32
      %dma_wait3A_333 = arith.constant 0 : i32
      %dma_wait3A_334 = tpu.memref_slice %arg3[%dma_wait3A_332, %dma_wait3A_333] : memref<1081344x32xf32, #tpu.memory_space<hbm>> -> memref<1081344x32xf32, #tpu.memory_space<hbm>>
      tpu.wait_indirect_dma semaphore(%arg22 : memref<!tpu.dma_semaphore, #tpu.memory_space<semaphore_mem>>) src(%dma_wait3A_334 : memref<1081344x32xf32, #tpu.memory_space<hbm>>) dst(%dma_wait3A_329 : memref<128x32xf32, #tpu.memory_space<vmem>>)
      %dma_wait3A_335 = arith.constant 9 : i32
      %dma_wait3A_336 = arith.constant 0 : i32
      %dma_wait3A_337 = arith.constant 0 : i32
      %dma_wait3A_338 = tpu.memref_slice %arg10[%dma_wait3A_335, %dma_wait3A_336, %dma_wait3A_337] : memref<21x128x32xf32, #tpu.memory_space<vmem>> -> memref<1x128x32xf32, #tpu.memory_space<vmem>>
      %dma_wait3A_339 = tpu.memref_squeeze %dma_wait3A_338 : memref<1x128x32xf32, #tpu.memory_space<vmem>> -> memref<128x32xf32, #tpu.memory_space<vmem>>
      %dma_wait3A_340 = arith.constant 1152 : i32
      %dma_wait3A_341 = tpu.memref_slice %arg8[%dma_wait3A_340] : memref<2688xi32, #tpu.memory_space<vmem>> -> memref<128xi32, #tpu.memory_space<vmem>>
      %dma_wait3A_342 = arith.constant 0 : i32
      %dma_wait3A_343 = arith.constant 0 : i32
      %dma_wait3A_344 = tpu.memref_slice %arg3[%dma_wait3A_342, %dma_wait3A_343] : memref<1081344x32xf32, #tpu.memory_space<hbm>> -> memref<1081344x32xf32, #tpu.memory_space<hbm>>
      tpu.wait_indirect_dma semaphore(%arg23 : memref<!tpu.dma_semaphore, #tpu.memory_space<semaphore_mem>>) src(%dma_wait3A_344 : memref<1081344x32xf32, #tpu.memory_space<hbm>>) dst(%dma_wait3A_339 : memref<128x32xf32, #tpu.memory_space<vmem>>)
      %dma_wait3A_345 = arith.constant 10 : i32
      %dma_wait3A_346 = arith.constant 0 : i32
      %dma_wait3A_347 = arith.constant 0 : i32
      %dma_wait3A_348 = tpu.memref_slice %arg10[%dma_wait3A_345, %dma_wait3A_346, %dma_wait3A_347] : memref<21x128x32xf32, #tpu.memory_space<vmem>> -> memref<1x128x32xf32, #tpu.memory_space<vmem>>
      %dma_wait3A_349 = tpu.memref_squeeze %dma_wait3A_348 : memref<1x128x32xf32, #tpu.memory_space<vmem>> -> memref<128x32xf32, #tpu.memory_space<vmem>>
      %dma_wait3A_350 = arith.constant 1280 : i32
      %dma_wait3A_351 = tpu.memref_slice %arg8[%dma_wait3A_350] : memref<2688xi32, #tpu.memory_space<vmem>> -> memref<128xi32, #tpu.memory_space<vmem>>
      %dma_wait3A_352 = arith.constant 0 : i32
      %dma_wait3A_353 = arith.constant 0 : i32
      %dma_wait3A_354 = tpu.memref_slice %arg3[%dma_wait3A_352, %dma_wait3A_353] : memref<1081344x32xf32, #tpu.memory_space<hbm>> -> memref<1081344x32xf32, #tpu.memory_space<hbm>>
      tpu.wait_indirect_dma semaphore(%arg24 : memref<!tpu.dma_semaphore, #tpu.memory_space<semaphore_mem>>) src(%dma_wait3A_354 : memref<1081344x32xf32, #tpu.memory_space<hbm>>) dst(%dma_wait3A_349 : memref<128x32xf32, #tpu.memory_space<vmem>>)
      %scan3A_355 = arith.constant 0 : i32
      %scan3A_356 = arith.constant 10 : i32
      %scan3A_357 = arith.addi %scan3A_355, %scan3A_356 : i32
      %scan3A_358 = arith.constant 1 : i32
      scf.for %scan3A_465 = %scan3A_355 to %scan3A_357 step %scan3A_358  : i32 {
        %mul3A_466 = arith.constant 1 : i32
        %mul3A_467 = arith.muli %scan3A_465, %mul3A_466 : i32
        %add3A_468 = arith.constant 1 : i32
        %add3A_469 = arith.addi %add3A_468, %mul3A_467 : i32
        %broadcast_in_dim3A_470 = vector.broadcast %add3A_469 : i32 to vector<16xi32>
        %scan3A_471 = arith.constant 0 : i32
        %scan3A_472 = arith.constant 8 : i32
        %scan3A_473 = arith.addi %scan3A_471, %scan3A_472 : i32
        %scan3A_474 = arith.constant 1 : i32
        scf.for %scan3A_476 = %scan3A_471 to %scan3A_473 step %scan3A_474  : i32 {
          %mul3A_477 = arith.constant 1 : i32
          %mul3A_478 = arith.muli %scan3A_476, %mul3A_477 : i32
          %add3A_479 = arith.constant 0 : i32
          %add3A_480 = arith.addi %add3A_479, %mul3A_478 : i32
          %iota3A = tpu.iota {dimensions = array<i32: 0>} : vector<16xi32>
          %mul3A_481 = arith.constant 16 : i32
          %mul3A_482 = arith.muli %add3A_480, %mul3A_481 : i32
          %add3A_483 = vector.broadcast %mul3A_482 : i32 to vector<16xi32>
          %add3A_484 = arith.addi %iota3A, %add3A_483 : vector<16xi32>
          %and3A = arith.constant 31 : i32
          %and3A_485 = vector.broadcast %and3A : i32 to vector<16xi32>
          %and3A_486 = arith.andi %iota3A, %and3A_485 : vector<16xi32>
          %mul3A_487 = arith.constant 16 : i32
          %mul3A_488 = arith.muli %add3A_480, %mul3A_487 : i32
          %get3A = arith.index_cast %mul3A_488 : i32 to index
          %get3A_489 = tpu.vector_load %arg11[%get3A] {strides = array<i32>} : memref<4096xf32, #tpu.memory_space<vmem>>, vector<16xf32>,
          %gather3A = tpu.vector_load_idx %arg10[%broadcast_in_dim3A_470, %add3A_484, %and3A_486] : memref<21x128x32xf32, #tpu.memory_space<vmem>>[vector<16xi32>, vector<16xi32>, vector<16xi32>], vector<16xf32>,
          %mul3A_490 = arith.mulf %get3A_489, %gather3A : vector<16xf32>
          %add3A_491 = arith.constant 1 : i32
          %add3A_492 = vector.broadcast %add3A_491 : i32 to vector<16xi32>
          %add3A_493 = arith.addi %iota3A, %add3A_492 : vector<16xi32>
          %and3A_494 = arith.constant 31 : i32
          %and3A_495 = vector.broadcast %and3A_494 : i32 to vector<16xi32>
          %and3A_496 = arith.andi %add3A_493, %and3A_495 : vector<16xi32>
          %mul3A_497 = arith.constant 16 : i32
          %mul3A_498 = arith.muli %add3A_480, %mul3A_497 : i32
          %add3A_499 = arith.constant 128 : i32
          %add3A_500 = arith.addi %add3A_499, %mul3A_498 : i32
          %get3A_501 = arith.index_cast %add3A_500 : i32 to index
          %get3A_502 = tpu.vector_load %arg11[%get3A_501] {strides = array<i32>} : memref<4096xf32, #tpu.memory_space<vmem>>, vector<16xf32>,
          %gather3A_503 = tpu.vector_load_idx %arg10[%broadcast_in_dim3A_470, %add3A_484, %and3A_496] : memref<21x128x32xf32, #tpu.memory_space<vmem>>[vector<16xi32>, vector<16xi32>, vector<16xi32>], vector<16xf32>,
          %mul3A_504 = arith.mulf %get3A_502, %gather3A_503 : vector<16xf32>
          %add3A_505 = arith.addf %mul3A_490, %mul3A_504 : vector<16xf32>
          %add3A_506 = arith.constant 2 : i32
          %add3A_507 = vector.broadcast %add3A_506 : i32 to vector<16xi32>
          %add3A_508 = arith.addi %iota3A, %add3A_507 : vector<16xi32>
          %and3A_509 = arith.constant 31 : i32
          %and3A_510 = vector.broadcast %and3A_509 : i32 to vector<16xi32>
          %and3A_511 = arith.andi %add3A_508, %and3A_510 : vector<16xi32>
          %mul3A_512 = arith.constant 16 : i32
          %mul3A_513 = arith.muli %add3A_480, %mul3A_512 : i32
          %add3A_514 = arith.constant 256 : i32
          %add3A_515 = arith.addi %add3A_514, %mul3A_513 : i32
          %get3A_516 = arith.index_cast %add3A_515 : i32 to index
          %get3A_517 = tpu.vector_load %arg11[%get3A_516] {strides = array<i32>} : memref<4096xf32, #tpu.memory_space<vmem>>, vector<16xf32>,
          %gather3A_518 = tpu.vector_load_idx %arg10[%broadcast_in_dim3A_470, %add3A_484, %and3A_511] : memref<21x128x32xf32, #tpu.memory_space<vmem>>[vector<16xi32>, vector<16xi32>, vector<16xi32>], vector<16xf32>,
          %mul3A_519 = arith.mulf %get3A_517, %gather3A_518 : vector<16xf32>
          %add3A_520 = arith.addf %add3A_505, %mul3A_519 : vector<16xf32>
          %add3A_521 = arith.constant 3 : i32
          %add3A_522 = vector.broadcast %add3A_521 : i32 to vector<16xi32>
          %add3A_523 = arith.addi %iota3A, %add3A_522 : vector<16xi32>
          %and3A_524 = arith.constant 31 : i32
          %and3A_525 = vector.broadcast %and3A_524 : i32 to vector<16xi32>
          %and3A_526 = arith.andi %add3A_523, %and3A_525 : vector<16xi32>
          %mul3A_527 = arith.constant 16 : i32
          %mul3A_528 = arith.muli %add3A_480, %mul3A_527 : i32
          %add3A_529 = arith.constant 384 : i32
          %add3A_530 = arith.addi %add3A_529, %mul3A_528 : i32
          %get3A_531 = arith.index_cast %add3A_530 : i32 to index
          %get3A_532 = tpu.vector_load %arg11[%get3A_531] {strides = array<i32>} : memref<4096xf32, #tpu.memory_space<vmem>>, vector<16xf32>,
          %gather3A_533 = tpu.vector_load_idx %arg10[%broadcast_in_dim3A_470, %add3A_484, %and3A_526] : memref<21x128x32xf32, #tpu.memory_space<vmem>>[vector<16xi32>, vector<16xi32>, vector<16xi32>], vector<16xf32>,
          %mul3A_534 = arith.mulf %get3A_532, %gather3A_533 : vector<16xf32>
          %add3A_535 = arith.addf %add3A_520, %mul3A_534 : vector<16xf32>
          %add3A_536 = arith.constant 4 : i32
          %add3A_537 = vector.broadcast %add3A_536 : i32 to vector<16xi32>
          %add3A_538 = arith.addi %iota3A, %add3A_537 : vector<16xi32>
          %and3A_539 = arith.constant 31 : i32
          %and3A_540 = vector.broadcast %and3A_539 : i32 to vector<16xi32>
          %and3A_541 = arith.andi %add3A_538, %and3A_540 : vector<16xi32>
          %mul3A_542 = arith.constant 16 : i32
          %mul3A_543 = arith.muli %add3A_480, %mul3A_542 : i32
          %add3A_544 = arith.constant 512 : i32
          %add3A_545 = arith.addi %add3A_544, %mul3A_543 : i32
          %get3A_546 = arith.index_cast %add3A_545 : i32 to index
          %get3A_547 = tpu.vector_load %arg11[%get3A_546] {strides = array<i32>} : memref<4096xf32, #tpu.memory_space<vmem>>, vector<16xf32>,
          %gather3A_548 = tpu.vector_load_idx %arg10[%broadcast_in_dim3A_470, %add3A_484, %and3A_541] : memref<21x128x32xf32, #tpu.memory_space<vmem>>[vector<16xi32>, vector<16xi32>, vector<16xi32>], vector<16xf32>,
          %mul3A_549 = arith.mulf %get3A_547, %gather3A_548 : vector<16xf32>
          %add3A_550 = arith.addf %add3A_535, %mul3A_549 : vector<16xf32>
          %add3A_551 = arith.constant 5 : i32
          %add3A_552 = vector.broadcast %add3A_551 : i32 to vector<16xi32>
          %add3A_553 = arith.addi %iota3A, %add3A_552 : vector<16xi32>
          %and3A_554 = arith.constant 31 : i32
          %and3A_555 = vector.broadcast %and3A_554 : i32 to vector<16xi32>
          %and3A_556 = arith.andi %add3A_553, %and3A_555 : vector<16xi32>
          %mul3A_557 = arith.constant 16 : i32
          %mul3A_558 = arith.muli %add3A_480, %mul3A_557 : i32
          %add3A_559 = arith.constant 640 : i32
          %add3A_560 = arith.addi %add3A_559, %mul3A_558 : i32
          %get3A_561 = arith.index_cast %add3A_560 : i32 to index
          %get3A_562 = tpu.vector_load %arg11[%get3A_561] {strides = array<i32>} : memref<4096xf32, #tpu.memory_space<vmem>>, vector<16xf32>,
          %gather3A_563 = tpu.vector_load_idx %arg10[%broadcast_in_dim3A_470, %add3A_484, %and3A_556] : memref<21x128x32xf32, #tpu.memory_space<vmem>>[vector<16xi32>, vector<16xi32>, vector<16xi32>], vector<16xf32>,
          %mul3A_564 = arith.mulf %get3A_562, %gather3A_563 : vector<16xf32>
          %add3A_565 = arith.addf %add3A_550, %mul3A_564 : vector<16xf32>
          %add3A_566 = arith.constant 6 : i32
          %add3A_567 = vector.broadcast %add3A_566 : i32 to vector<16xi32>
          %add3A_568 = arith.addi %iota3A, %add3A_567 : vector<16xi32>
          %and3A_569 = arith.constant 31 : i32
          %and3A_570 = vector.broadcast %and3A_569 : i32 to vector<16xi32>
          %and3A_571 = arith.andi %add3A_568, %and3A_570 : vector<16xi32>
          %mul3A_572 = arith.constant 16 : i32
          %mul3A_573 = arith.muli %add3A_480, %mul3A_572 : i32
          %add3A_574 = arith.constant 768 : i32
          %add3A_575 = arith.addi %add3A_574, %mul3A_573 : i32
          %get3A_576 = arith.index_cast %add3A_575 : i32 to index
          %get3A_577 = tpu.vector_load %arg11[%get3A_576] {strides = array<i32>} : memref<4096xf32, #tpu.memory_space<vmem>>, vector<16xf32>,
          %gather3A_578 = tpu.vector_load_idx %arg10[%broadcast_in_dim3A_470, %add3A_484, %and3A_571] : memref<21x128x32xf32, #tpu.memory_space<vmem>>[vector<16xi32>, vector<16xi32>, vector<16xi32>], vector<16xf32>,
          %mul3A_579 = arith.mulf %get3A_577, %gather3A_578 : vector<16xf32>
          %add3A_580 = arith.addf %add3A_565, %mul3A_579 : vector<16xf32>
          %add3A_581 = arith.constant 7 : i32
          %add3A_582 = vector.broadcast %add3A_581 : i32 to vector<16xi32>
          %add3A_583 = arith.addi %iota3A, %add3A_582 : vector<16xi32>
          %and3A_584 = arith.constant 31 : i32
          %and3A_585 = vector.broadcast %and3A_584 : i32 to vector<16xi32>
          %and3A_586 = arith.andi %add3A_583, %and3A_585 : vector<16xi32>
          %mul3A_587 = arith.constant 16 : i32
          %mul3A_588 = arith.muli %add3A_480, %mul3A_587 : i32
          %add3A_589 = arith.constant 896 : i32
          %add3A_590 = arith.addi %add3A_589, %mul3A_588 : i32
          %get3A_591 = arith.index_cast %add3A_590 : i32 to index
          %get3A_592 = tpu.vector_load %arg11[%get3A_591] {strides = array<i32>} : memref<4096xf32, #tpu.memory_space<vmem>>, vector<16xf32>,
          %gather3A_593 = tpu.vector_load_idx %arg10[%broadcast_in_dim3A_470, %add3A_484, %and3A_586] : memref<21x128x32xf32, #tpu.memory_space<vmem>>[vector<16xi32>, vector<16xi32>, vector<16xi32>], vector<16xf32>,
          %mul3A_594 = arith.mulf %get3A_592, %gather3A_593 : vector<16xf32>
          %add3A_595 = arith.addf %add3A_580, %mul3A_594 : vector<16xf32>
          %add3A_596 = arith.constant 8 : i32
          %add3A_597 = vector.broadcast %add3A_596 : i32 to vector<16xi32>
          %add3A_598 = arith.addi %iota3A, %add3A_597 : vector<16xi32>
          %and3A_599 = arith.constant 31 : i32
          %and3A_600 = vector.broadcast %and3A_599 : i32 to vector<16xi32>
          %and3A_601 = arith.andi %add3A_598, %and3A_600 : vector<16xi32>
          %mul3A_602 = arith.constant 16 : i32
          %mul3A_603 = arith.muli %add3A_480, %mul3A_602 : i32
          %add3A_604 = arith.constant 1024 : i32
          %add3A_605 = arith.addi %add3A_604, %mul3A_603 : i32
          %get3A_606 = arith.index_cast %add3A_605 : i32 to index
          %get3A_607 = tpu.vector_load %arg11[%get3A_606] {strides = array<i32>} : memref<4096xf32, #tpu.memory_space<vmem>>, vector<16xf32>,
          %gather3A_608 = tpu.vector_load_idx %arg10[%broadcast_in_dim3A_470, %add3A_484, %and3A_601] : memref<21x128x32xf32, #tpu.memory_space<vmem>>[vector<16xi32>, vector<16xi32>, vector<16xi32>], vector<16xf32>,
          %mul3A_609 = arith.mulf %get3A_607, %gather3A_608 : vector<16xf32>
          %add3A_610 = arith.addf %add3A_595, %mul3A_609 : vector<16xf32>
          %add3A_611 = arith.constant 9 : i32
          %add3A_612 = vector.broadcast %add3A_611 : i32 to vector<16xi32>
          %add3A_613 = arith.addi %iota3A, %add3A_612 : vector<16xi32>
          %and3A_614 = arith.constant 31 : i32
          %and3A_615 = vector.broadcast %and3A_614 : i32 to vector<16xi32>
          %and3A_616 = arith.andi %add3A_613, %and3A_615 : vector<16xi32>
          %mul3A_617 = arith.constant 16 : i32
          %mul3A_618 = arith.muli %add3A_480, %mul3A_617 : i32
          %add3A_619 = arith.constant 1152 : i32
          %add3A_620 = arith.addi %add3A_619, %mul3A_618 : i32
          %get3A_621 = arith.index_cast %add3A_620 : i32 to index
          %get3A_622 = tpu.vector_load %arg11[%get3A_621] {strides = array<i32>} : memref<4096xf32, #tpu.memory_space<vmem>>, vector<16xf32>,
          %gather3A_623 = tpu.vector_load_idx %arg10[%broadcast_in_dim3A_470, %add3A_484, %and3A_616] : memref<21x128x32xf32, #tpu.memory_space<vmem>>[vector<16xi32>, vector<16xi32>, vector<16xi32>], vector<16xf32>,
          %mul3A_624 = arith.mulf %get3A_622, %gather3A_623 : vector<16xf32>
          %add3A_625 = arith.addf %add3A_610, %mul3A_624 : vector<16xf32>
          %add3A_626 = arith.constant 10 : i32
          %add3A_627 = vector.broadcast %add3A_626 : i32 to vector<16xi32>
          %add3A_628 = arith.addi %iota3A, %add3A_627 : vector<16xi32>
          %and3A_629 = arith.constant 31 : i32
          %and3A_630 = vector.broadcast %and3A_629 : i32 to vector<16xi32>
          %and3A_631 = arith.andi %add3A_628, %and3A_630 : vector<16xi32>
          %mul3A_632 = arith.constant 16 : i32
          %mul3A_633 = arith.muli %add3A_480, %mul3A_632 : i32
          %add3A_634 = arith.constant 1280 : i32
          %add3A_635 = arith.addi %add3A_634, %mul3A_633 : i32
          %get3A_636 = arith.index_cast %add3A_635 : i32 to index
          %get3A_637 = tpu.vector_load %arg11[%get3A_636] {strides = array<i32>} : memref<4096xf32, #tpu.memory_space<vmem>>, vector<16xf32>,
          %gather3A_638 = tpu.vector_load_idx %arg10[%broadcast_in_dim3A_470, %add3A_484, %and3A_631] : memref<21x128x32xf32, #tpu.memory_space<vmem>>[vector<16xi32>, vector<16xi32>, vector<16xi32>], vector<16xf32>,
          %mul3A_639 = arith.mulf %get3A_637, %gather3A_638 : vector<16xf32>
          %add3A_640 = arith.addf %add3A_625, %mul3A_639 : vector<16xf32>
          %add3A_641 = arith.constant 11 : i32
          %add3A_642 = vector.broadcast %add3A_641 : i32 to vector<16xi32>
          %add3A_643 = arith.addi %iota3A, %add3A_642 : vector<16xi32>
          %and3A_644 = arith.constant 31 : i32
          %and3A_645 = vector.broadcast %and3A_644 : i32 to vector<16xi32>
          %and3A_646 = arith.andi %add3A_643, %and3A_645 : vector<16xi32>
          %mul3A_647 = arith.constant 16 : i32
          %mul3A_648 = arith.muli %add3A_480, %mul3A_647 : i32
          %add3A_649 = arith.constant 1408 : i32
          %add3A_650 = arith.addi %add3A_649, %mul3A_648 : i32
          %get3A_651 = arith.index_cast %add3A_650 : i32 to index
          %get3A_652 = tpu.vector_load %arg11[%get3A_651] {strides = array<i32>} : memref<4096xf32, #tpu.memory_space<vmem>>, vector<16xf32>,
          %gather3A_653 = tpu.vector_load_idx %arg10[%broadcast_in_dim3A_470, %add3A_484, %and3A_646] : memref<21x128x32xf32, #tpu.memory_space<vmem>>[vector<16xi32>, vector<16xi32>, vector<16xi32>], vector<16xf32>,
          %mul3A_654 = arith.mulf %get3A_652, %gather3A_653 : vector<16xf32>
          %add3A_655 = arith.addf %add3A_640, %mul3A_654 : vector<16xf32>
          %add3A_656 = arith.constant 12 : i32
          %add3A_657 = vector.broadcast %add3A_656 : i32 to vector<16xi32>
          %add3A_658 = arith.addi %iota3A, %add3A_657 : vector<16xi32>
          %and3A_659 = arith.constant 31 : i32
          %and3A_660 = vector.broadcast %and3A_659 : i32 to vector<16xi32>
          %and3A_661 = arith.andi %add3A_658, %and3A_660 : vector<16xi32>
          %mul3A_662 = arith.constant 16 : i32
          %mul3A_663 = arith.muli %add3A_480, %mul3A_662 : i32
          %add3A_664 = arith.constant 1536 : i32
          %add3A_665 = arith.addi %add3A_664, %mul3A_663 : i32
          %get3A_666 = arith.index_cast %add3A_665 : i32 to index
          %get3A_667 = tpu.vector_load %arg11[%get3A_666] {strides = array<i32>} : memref<4096xf32, #tpu.memory_space<vmem>>, vector<16xf32>,
          %gather3A_668 = tpu.vector_load_idx %arg10[%broadcast_in_dim3A_470, %add3A_484, %and3A_661] : memref<21x128x32xf32, #tpu.memory_space<vmem>>[vector<16xi32>, vector<16xi32>, vector<16xi32>], vector<16xf32>,
          %mul3A_669 = arith.mulf %get3A_667, %gather3A_668 : vector<16xf32>
          %add3A_670 = arith.addf %add3A_655, %mul3A_669 : vector<16xf32>
          %add3A_671 = arith.constant 13 : i32
          %add3A_672 = vector.broadcast %add3A_671 : i32 to vector<16xi32>
          %add3A_673 = arith.addi %iota3A, %add3A_672 : vector<16xi32>
          %and3A_674 = arith.constant 31 : i32
          %and3A_675 = vector.broadcast %and3A_674 : i32 to vector<16xi32>
          %and3A_676 = arith.andi %add3A_673, %and3A_675 : vector<16xi32>
          %mul3A_677 = arith.constant 16 : i32
          %mul3A_678 = arith.muli %add3A_480, %mul3A_677 : i32
          %add3A_679 = arith.constant 1664 : i32
          %add3A_680 = arith.addi %add3A_679, %mul3A_678 : i32
          %get3A_681 = arith.index_cast %add3A_680 : i32 to index
          %get3A_682 = tpu.vector_load %arg11[%get3A_681] {strides = array<i32>} : memref<4096xf32, #tpu.memory_space<vmem>>, vector<16xf32>,
          %gather3A_683 = tpu.vector_load_idx %arg10[%broadcast_in_dim3A_470, %add3A_484, %and3A_676] : memref<21x128x32xf32, #tpu.memory_space<vmem>>[vector<16xi32>, vector<16xi32>, vector<16xi32>], vector<16xf32>,
          %mul3A_684 = arith.mulf %get3A_682, %gather3A_683 : vector<16xf32>
          %add3A_685 = arith.addf %add3A_670, %mul3A_684 : vector<16xf32>
          %add3A_686 = arith.constant 14 : i32
          %add3A_687 = vector.broadcast %add3A_686 : i32 to vector<16xi32>
          %add3A_688 = arith.addi %iota3A, %add3A_687 : vector<16xi32>
          %and3A_689 = arith.constant 31 : i32
          %and3A_690 = vector.broadcast %and3A_689 : i32 to vector<16xi32>
          %and3A_691 = arith.andi %add3A_688, %and3A_690 : vector<16xi32>
          %mul3A_692 = arith.constant 16 : i32
          %mul3A_693 = arith.muli %add3A_480, %mul3A_692 : i32
          %add3A_694 = arith.constant 1792 : i32
          %add3A_695 = arith.addi %add3A_694, %mul3A_693 : i32
          %get3A_696 = arith.index_cast %add3A_695 : i32 to index
          %get3A_697 = tpu.vector_load %arg11[%get3A_696] {strides = array<i32>} : memref<4096xf32, #tpu.memory_space<vmem>>, vector<16xf32>,
          %gather3A_698 = tpu.vector_load_idx %arg10[%broadcast_in_dim3A_470, %add3A_484, %and3A_691] : memref<21x128x32xf32, #tpu.memory_space<vmem>>[vector<16xi32>, vector<16xi32>, vector<16xi32>], vector<16xf32>,
          %mul3A_699 = arith.mulf %get3A_697, %gather3A_698 : vector<16xf32>
          %add3A_700 = arith.addf %add3A_685, %mul3A_699 : vector<16xf32>
          %add3A_701 = arith.constant 15 : i32
          %add3A_702 = vector.broadcast %add3A_701 : i32 to vector<16xi32>
          %add3A_703 = arith.addi %iota3A, %add3A_702 : vector<16xi32>
          %and3A_704 = arith.constant 31 : i32
          %and3A_705 = vector.broadcast %and3A_704 : i32 to vector<16xi32>
          %and3A_706 = arith.andi %add3A_703, %and3A_705 : vector<16xi32>
          %mul3A_707 = arith.constant 16 : i32
          %mul3A_708 = arith.muli %add3A_480, %mul3A_707 : i32
          %add3A_709 = arith.constant 1920 : i32
          %add3A_710 = arith.addi %add3A_709, %mul3A_708 : i32
          %get3A_711 = arith.index_cast %add3A_710 : i32 to index
          %get3A_712 = tpu.vector_load %arg11[%get3A_711] {strides = array<i32>} : memref<4096xf32, #tpu.memory_space<vmem>>, vector<16xf32>,
          %gather3A_713 = tpu.vector_load_idx %arg10[%broadcast_in_dim3A_470, %add3A_484, %and3A_706] : memref<21x128x32xf32, #tpu.memory_space<vmem>>[vector<16xi32>, vector<16xi32>, vector<16xi32>], vector<16xf32>,
          %mul3A_714 = arith.mulf %get3A_712, %gather3A_713 : vector<16xf32>
          %add3A_715 = arith.addf %add3A_700, %mul3A_714 : vector<16xf32>
          %add3A_716 = arith.constant 16 : i32
          %add3A_717 = vector.broadcast %add3A_716 : i32 to vector<16xi32>
          %add3A_718 = arith.addi %iota3A, %add3A_717 : vector<16xi32>
          %and3A_719 = arith.constant 31 : i32
          %and3A_720 = vector.broadcast %and3A_719 : i32 to vector<16xi32>
          %and3A_721 = arith.andi %add3A_718, %and3A_720 : vector<16xi32>
          %mul3A_722 = arith.constant 16 : i32
          %mul3A_723 = arith.muli %add3A_480, %mul3A_722 : i32
          %add3A_724 = arith.constant 2048 : i32
          %add3A_725 = arith.addi %add3A_724, %mul3A_723 : i32
          %get3A_726 = arith.index_cast %add3A_725 : i32 to index
          %get3A_727 = tpu.vector_load %arg11[%get3A_726] {strides = array<i32>} : memref<4096xf32, #tpu.memory_space<vmem>>, vector<16xf32>,
          %gather3A_728 = tpu.vector_load_idx %arg10[%broadcast_in_dim3A_470, %add3A_484, %and3A_721] : memref<21x128x32xf32, #tpu.memory_space<vmem>>[vector<16xi32>, vector<16xi32>, vector<16xi32>], vector<16xf32>,
          %mul3A_729 = arith.mulf %get3A_727, %gather3A_728 : vector<16xf32>
          %add3A_730 = arith.addf %add3A_715, %mul3A_729 : vector<16xf32>
          %add3A_731 = arith.constant 17 : i32
          %add3A_732 = vector.broadcast %add3A_731 : i32 to vector<16xi32>
          %add3A_733 = arith.addi %iota3A, %add3A_732 : vector<16xi32>
          %and3A_734 = arith.constant 31 : i32
          %and3A_735 = vector.broadcast %and3A_734 : i32 to vector<16xi32>
          %and3A_736 = arith.andi %add3A_733, %and3A_735 : vector<16xi32>
          %mul3A_737 = arith.constant 16 : i32
          %mul3A_738 = arith.muli %add3A_480, %mul3A_737 : i32
          %add3A_739 = arith.constant 2176 : i32
          %add3A_740 = arith.addi %add3A_739, %mul3A_738 : i32
          %get3A_741 = arith.index_cast %add3A_740 : i32 to index
          %get3A_742 = tpu.vector_load %arg11[%get3A_741] {strides = array<i32>} : memref<4096xf32, #tpu.memory_space<vmem>>, vector<16xf32>,
          %gather3A_743 = tpu.vector_load_idx %arg10[%broadcast_in_dim3A_470, %add3A_484, %and3A_736] : memref<21x128x32xf32, #tpu.memory_space<vmem>>[vector<16xi32>, vector<16xi32>, vector<16xi32>], vector<16xf32>,
          %mul3A_744 = arith.mulf %get3A_742, %gather3A_743 : vector<16xf32>
          %add3A_745 = arith.addf %add3A_730, %mul3A_744 : vector<16xf32>
          %add3A_746 = arith.constant 18 : i32
          %add3A_747 = vector.broadcast %add3A_746 : i32 to vector<16xi32>
          %add3A_748 = arith.addi %iota3A, %add3A_747 : vector<16xi32>
          %and3A_749 = arith.constant 31 : i32
          %and3A_750 = vector.broadcast %and3A_749 : i32 to vector<16xi32>
          %and3A_751 = arith.andi %add3A_748, %and3A_750 : vector<16xi32>
          %mul3A_752 = arith.constant 16 : i32
          %mul3A_753 = arith.muli %add3A_480, %mul3A_752 : i32
          %add3A_754 = arith.constant 2304 : i32
          %add3A_755 = arith.addi %add3A_754, %mul3A_753 : i32
          %get3A_756 = arith.index_cast %add3A_755 : i32 to index
          %get3A_757 = tpu.vector_load %arg11[%get3A_756] {strides = array<i32>} : memref<4096xf32, #tpu.memory_space<vmem>>, vector<16xf32>,
          %gather3A_758 = tpu.vector_load_idx %arg10[%broadcast_in_dim3A_470, %add3A_484, %and3A_751] : memref<21x128x32xf32, #tpu.memory_space<vmem>>[vector<16xi32>, vector<16xi32>, vector<16xi32>], vector<16xf32>,
          %mul3A_759 = arith.mulf %get3A_757, %gather3A_758 : vector<16xf32>
          %add3A_760 = arith.addf %add3A_745, %mul3A_759 : vector<16xf32>
          %add3A_761 = arith.constant 19 : i32
          %add3A_762 = vector.broadcast %add3A_761 : i32 to vector<16xi32>
          %add3A_763 = arith.addi %iota3A, %add3A_762 : vector<16xi32>
          %and3A_764 = arith.constant 31 : i32
          %and3A_765 = vector.broadcast %and3A_764 : i32 to vector<16xi32>
          %and3A_766 = arith.andi %add3A_763, %and3A_765 : vector<16xi32>
          %mul3A_767 = arith.constant 16 : i32
          %mul3A_768 = arith.muli %add3A_480, %mul3A_767 : i32
          %add3A_769 = arith.constant 2432 : i32
          %add3A_770 = arith.addi %add3A_769, %mul3A_768 : i32
          %get3A_771 = arith.index_cast %add3A_770 : i32 to index
          %get3A_772 = tpu.vector_load %arg11[%get3A_771] {strides = array<i32>} : memref<4096xf32, #tpu.memory_space<vmem>>, vector<16xf32>,
          %gather3A_773 = tpu.vector_load_idx %arg10[%broadcast_in_dim3A_470, %add3A_484, %and3A_766] : memref<21x128x32xf32, #tpu.memory_space<vmem>>[vector<16xi32>, vector<16xi32>, vector<16xi32>], vector<16xf32>,
          %mul3A_774 = arith.mulf %get3A_772, %gather3A_773 : vector<16xf32>
          %add3A_775 = arith.addf %add3A_760, %mul3A_774 : vector<16xf32>
          %add3A_776 = arith.constant 20 : i32
          %add3A_777 = vector.broadcast %add3A_776 : i32 to vector<16xi32>
          %add3A_778 = arith.addi %iota3A, %add3A_777 : vector<16xi32>
          %and3A_779 = arith.constant 31 : i32
          %and3A_780 = vector.broadcast %and3A_779 : i32 to vector<16xi32>
          %and3A_781 = arith.andi %add3A_778, %and3A_780 : vector<16xi32>
          %mul3A_782 = arith.constant 16 : i32
          %mul3A_783 = arith.muli %add3A_480, %mul3A_782 : i32
          %add3A_784 = arith.constant 2560 : i32
          %add3A_785 = arith.addi %add3A_784, %mul3A_783 : i32
          %get3A_786 = arith.index_cast %add3A_785 : i32 to index
          %get3A_787 = tpu.vector_load %arg11[%get3A_786] {strides = array<i32>} : memref<4096xf32, #tpu.memory_space<vmem>>, vector<16xf32>,
          %gather3A_788 = tpu.vector_load_idx %arg10[%broadcast_in_dim3A_470, %add3A_484, %and3A_781] : memref<21x128x32xf32, #tpu.memory_space<vmem>>[vector<16xi32>, vector<16xi32>, vector<16xi32>], vector<16xf32>,
          %mul3A_789 = arith.mulf %get3A_787, %gather3A_788 : vector<16xf32>
          %add3A_790 = arith.addf %add3A_775, %mul3A_789 : vector<16xf32>
          %add3A_791 = arith.constant 21 : i32
          %add3A_792 = vector.broadcast %add3A_791 : i32 to vector<16xi32>
          %add3A_793 = arith.addi %iota3A, %add3A_792 : vector<16xi32>
          %and3A_794 = arith.constant 31 : i32
          %and3A_795 = vector.broadcast %and3A_794 : i32 to vector<16xi32>
          %and3A_796 = arith.andi %add3A_793, %and3A_795 : vector<16xi32>
          %mul3A_797 = arith.constant 16 : i32
          %mul3A_798 = arith.muli %add3A_480, %mul3A_797 : i32
          %add3A_799 = arith.constant 2688 : i32
          %add3A_800 = arith.addi %add3A_799, %mul3A_798 : i32
          %get3A_801 = arith.index_cast %add3A_800 : i32 to index
          %get3A_802 = tpu.vector_load %arg11[%get3A_801] {strides = array<i32>} : memref<4096xf32, #tpu.memory_space<vmem>>, vector<16xf32>,
          %gather3A_803 = tpu.vector_load_idx %arg10[%broadcast_in_dim3A_470, %add3A_484, %and3A_796] : memref<21x128x32xf32, #tpu.memory_space<vmem>>[vector<16xi32>, vector<16xi32>, vector<16xi32>], vector<16xf32>,
          %mul3A_804 = arith.mulf %get3A_802, %gather3A_803 : vector<16xf32>
          %add3A_805 = arith.addf %add3A_790, %mul3A_804 : vector<16xf32>
          %add3A_806 = arith.constant 22 : i32
          %add3A_807 = vector.broadcast %add3A_806 : i32 to vector<16xi32>
          %add3A_808 = arith.addi %iota3A, %add3A_807 : vector<16xi32>
          %and3A_809 = arith.constant 31 : i32
          %and3A_810 = vector.broadcast %and3A_809 : i32 to vector<16xi32>
          %and3A_811 = arith.andi %add3A_808, %and3A_810 : vector<16xi32>
          %mul3A_812 = arith.constant 16 : i32
          %mul3A_813 = arith.muli %add3A_480, %mul3A_812 : i32
          %add3A_814 = arith.constant 2816 : i32
          %add3A_815 = arith.addi %add3A_814, %mul3A_813 : i32
          %get3A_816 = arith.index_cast %add3A_815 : i32 to index
          %get3A_817 = tpu.vector_load %arg11[%get3A_816] {strides = array<i32>} : memref<4096xf32, #tpu.memory_space<vmem>>, vector<16xf32>,
          %gather3A_818 = tpu.vector_load_idx %arg10[%broadcast_in_dim3A_470, %add3A_484, %and3A_811] : memref<21x128x32xf32, #tpu.memory_space<vmem>>[vector<16xi32>, vector<16xi32>, vector<16xi32>], vector<16xf32>,
          %mul3A_819 = arith.mulf %get3A_817, %gather3A_818 : vector<16xf32>
          %add3A_820 = arith.addf %add3A_805, %mul3A_819 : vector<16xf32>
          %add3A_821 = arith.constant 23 : i32
          %add3A_822 = vector.broadcast %add3A_821 : i32 to vector<16xi32>
          %add3A_823 = arith.addi %iota3A, %add3A_822 : vector<16xi32>
          %and3A_824 = arith.constant 31 : i32
          %and3A_825 = vector.broadcast %and3A_824 : i32 to vector<16xi32>
          %and3A_826 = arith.andi %add3A_823, %and3A_825 : vector<16xi32>
          %mul3A_827 = arith.constant 16 : i32
          %mul3A_828 = arith.muli %add3A_480, %mul3A_827 : i32
          %add3A_829 = arith.constant 2944 : i32
          %add3A_830 = arith.addi %add3A_829, %mul3A_828 : i32
          %get3A_831 = arith.index_cast %add3A_830 : i32 to index
          %get3A_832 = tpu.vector_load %arg11[%get3A_831] {strides = array<i32>} : memref<4096xf32, #tpu.memory_space<vmem>>, vector<16xf32>,
          %gather3A_833 = tpu.vector_load_idx %arg10[%broadcast_in_dim3A_470, %add3A_484, %and3A_826] : memref<21x128x32xf32, #tpu.memory_space<vmem>>[vector<16xi32>, vector<16xi32>, vector<16xi32>], vector<16xf32>,
          %mul3A_834 = arith.mulf %get3A_832, %gather3A_833 : vector<16xf32>
          %add3A_835 = arith.addf %add3A_820, %mul3A_834 : vector<16xf32>
          %add3A_836 = arith.constant 24 : i32
          %add3A_837 = vector.broadcast %add3A_836 : i32 to vector<16xi32>
          %add3A_838 = arith.addi %iota3A, %add3A_837 : vector<16xi32>
          %and3A_839 = arith.constant 31 : i32
          %and3A_840 = vector.broadcast %and3A_839 : i32 to vector<16xi32>
          %and3A_841 = arith.andi %add3A_838, %and3A_840 : vector<16xi32>
          %mul3A_842 = arith.constant 16 : i32
          %mul3A_843 = arith.muli %add3A_480, %mul3A_842 : i32
          %add3A_844 = arith.constant 3072 : i32
          %add3A_845 = arith.addi %add3A_844, %mul3A_843 : i32
          %get3A_846 = arith.index_cast %add3A_845 : i32 to index
          %get3A_847 = tpu.vector_load %arg11[%get3A_846] {strides = array<i32>} : memref<4096xf32, #tpu.memory_space<vmem>>, vector<16xf32>,
          %gather3A_848 = tpu.vector_load_idx %arg10[%broadcast_in_dim3A_470, %add3A_484, %and3A_841] : memref<21x128x32xf32, #tpu.memory_space<vmem>>[vector<16xi32>, vector<16xi32>, vector<16xi32>], vector<16xf32>,
          %mul3A_849 = arith.mulf %get3A_847, %gather3A_848 : vector<16xf32>
          %add3A_850 = arith.addf %add3A_835, %mul3A_849 : vector<16xf32>
          %add3A_851 = arith.constant 25 : i32
          %add3A_852 = vector.broadcast %add3A_851 : i32 to vector<16xi32>
          %add3A_853 = arith.addi %iota3A, %add3A_852 : vector<16xi32>
          %and3A_854 = arith.constant 31 : i32
          %and3A_855 = vector.broadcast %and3A_854 : i32 to vector<16xi32>
          %and3A_856 = arith.andi %add3A_853, %and3A_855 : vector<16xi32>
          %mul3A_857 = arith.constant 16 : i32
          %mul3A_858 = arith.muli %add3A_480, %mul3A_857 : i32
          %add3A_859 = arith.constant 3200 : i32
          %add3A_860 = arith.addi %add3A_859, %mul3A_858 : i32
          %get3A_861 = arith.index_cast %add3A_860 : i32 to index
          %get3A_862 = tpu.vector_load %arg11[%get3A_861] {strides = array<i32>} : memref<4096xf32, #tpu.memory_space<vmem>>, vector<16xf32>,
          %gather3A_863 = tpu.vector_load_idx %arg10[%broadcast_in_dim3A_470, %add3A_484, %and3A_856] : memref<21x128x32xf32, #tpu.memory_space<vmem>>[vector<16xi32>, vector<16xi32>, vector<16xi32>], vector<16xf32>,
          %mul3A_864 = arith.mulf %get3A_862, %gather3A_863 : vector<16xf32>
          %add3A_865 = arith.addf %add3A_850, %mul3A_864 : vector<16xf32>
          %add3A_866 = arith.constant 26 : i32
          %add3A_867 = vector.broadcast %add3A_866 : i32 to vector<16xi32>
          %add3A_868 = arith.addi %iota3A, %add3A_867 : vector<16xi32>
          %and3A_869 = arith.constant 31 : i32
          %and3A_870 = vector.broadcast %and3A_869 : i32 to vector<16xi32>
          %and3A_871 = arith.andi %add3A_868, %and3A_870 : vector<16xi32>
          %mul3A_872 = arith.constant 16 : i32
          %mul3A_873 = arith.muli %add3A_480, %mul3A_872 : i32
          %add3A_874 = arith.constant 3328 : i32
          %add3A_875 = arith.addi %add3A_874, %mul3A_873 : i32
          %get3A_876 = arith.index_cast %add3A_875 : i32 to index
          %get3A_877 = tpu.vector_load %arg11[%get3A_876] {strides = array<i32>} : memref<4096xf32, #tpu.memory_space<vmem>>, vector<16xf32>,
          %gather3A_878 = tpu.vector_load_idx %arg10[%broadcast_in_dim3A_470, %add3A_484, %and3A_871] : memref<21x128x32xf32, #tpu.memory_space<vmem>>[vector<16xi32>, vector<16xi32>, vector<16xi32>], vector<16xf32>,
          %mul3A_879 = arith.mulf %get3A_877, %gather3A_878 : vector<16xf32>
          %add3A_880 = arith.addf %add3A_865, %mul3A_879 : vector<16xf32>
          %add3A_881 = arith.constant 27 : i32
          %add3A_882 = vector.broadcast %add3A_881 : i32 to vector<16xi32>
          %add3A_883 = arith.addi %iota3A, %add3A_882 : vector<16xi32>
          %and3A_884 = arith.constant 31 : i32
          %and3A_885 = vector.broadcast %and3A_884 : i32 to vector<16xi32>
          %and3A_886 = arith.andi %add3A_883, %and3A_885 : vector<16xi32>
          %mul3A_887 = arith.constant 16 : i32
          %mul3A_888 = arith.muli %add3A_480, %mul3A_887 : i32
          %add3A_889 = arith.constant 3456 : i32
          %add3A_890 = arith.addi %add3A_889, %mul3A_888 : i32
          %get3A_891 = arith.index_cast %add3A_890 : i32 to index
          %get3A_892 = tpu.vector_load %arg11[%get3A_891] {strides = array<i32>} : memref<4096xf32, #tpu.memory_space<vmem>>, vector<16xf32>,
          %gather3A_893 = tpu.vector_load_idx %arg10[%broadcast_in_dim3A_470, %add3A_484, %and3A_886] : memref<21x128x32xf32, #tpu.memory_space<vmem>>[vector<16xi32>, vector<16xi32>, vector<16xi32>], vector<16xf32>,
          %mul3A_894 = arith.mulf %get3A_892, %gather3A_893 : vector<16xf32>
          %add3A_895 = arith.addf %add3A_880, %mul3A_894 : vector<16xf32>
          %add3A_896 = arith.constant 28 : i32
          %add3A_897 = vector.broadcast %add3A_896 : i32 to vector<16xi32>
          %add3A_898 = arith.addi %iota3A, %add3A_897 : vector<16xi32>
          %and3A_899 = arith.constant 31 : i32
          %and3A_900 = vector.broadcast %and3A_899 : i32 to vector<16xi32>
          %and3A_901 = arith.andi %add3A_898, %and3A_900 : vector<16xi32>
          %mul3A_902 = arith.constant 16 : i32
          %mul3A_903 = arith.muli %add3A_480, %mul3A_902 : i32
          %add3A_904 = arith.constant 3584 : i32
          %add3A_905 = arith.addi %add3A_904, %mul3A_903 : i32
          %get3A_906 = arith.index_cast %add3A_905 : i32 to index
          %get3A_907 = tpu.vector_load %arg11[%get3A_906] {strides = array<i32>} : memref<4096xf32, #tpu.memory_space<vmem>>, vector<16xf32>,
          %gather3A_908 = tpu.vector_load_idx %arg10[%broadcast_in_dim3A_470, %add3A_484, %and3A_901] : memref<21x128x32xf32, #tpu.memory_space<vmem>>[vector<16xi32>, vector<16xi32>, vector<16xi32>], vector<16xf32>,
          %mul3A_909 = arith.mulf %get3A_907, %gather3A_908 : vector<16xf32>
          %add3A_910 = arith.addf %add3A_895, %mul3A_909 : vector<16xf32>
          %add3A_911 = arith.constant 29 : i32
          %add3A_912 = vector.broadcast %add3A_911 : i32 to vector<16xi32>
          %add3A_913 = arith.addi %iota3A, %add3A_912 : vector<16xi32>
          %and3A_914 = arith.constant 31 : i32
          %and3A_915 = vector.broadcast %and3A_914 : i32 to vector<16xi32>
          %and3A_916 = arith.andi %add3A_913, %and3A_915 : vector<16xi32>
          %mul3A_917 = arith.constant 16 : i32
          %mul3A_918 = arith.muli %add3A_480, %mul3A_917 : i32
          %add3A_919 = arith.constant 3712 : i32
          %add3A_920 = arith.addi %add3A_919, %mul3A_918 : i32
          %get3A_921 = arith.index_cast %add3A_920 : i32 to index
          %get3A_922 = tpu.vector_load %arg11[%get3A_921] {strides = array<i32>} : memref<4096xf32, #tpu.memory_space<vmem>>, vector<16xf32>,
          %gather3A_923 = tpu.vector_load_idx %arg10[%broadcast_in_dim3A_470, %add3A_484, %and3A_916] : memref<21x128x32xf32, #tpu.memory_space<vmem>>[vector<16xi32>, vector<16xi32>, vector<16xi32>], vector<16xf32>,
          %mul3A_924 = arith.mulf %get3A_922, %gather3A_923 : vector<16xf32>
          %add3A_925 = arith.addf %add3A_910, %mul3A_924 : vector<16xf32>
          %add3A_926 = arith.constant 30 : i32
          %add3A_927 = vector.broadcast %add3A_926 : i32 to vector<16xi32>
          %add3A_928 = arith.addi %iota3A, %add3A_927 : vector<16xi32>
          %and3A_929 = arith.constant 31 : i32
          %and3A_930 = vector.broadcast %and3A_929 : i32 to vector<16xi32>
          %and3A_931 = arith.andi %add3A_928, %and3A_930 : vector<16xi32>
          %mul3A_932 = arith.constant 16 : i32
          %mul3A_933 = arith.muli %add3A_480, %mul3A_932 : i32
          %add3A_934 = arith.constant 3840 : i32
          %add3A_935 = arith.addi %add3A_934, %mul3A_933 : i32
          %get3A_936 = arith.index_cast %add3A_935 : i32 to index
          %get3A_937 = tpu.vector_load %arg11[%get3A_936] {strides = array<i32>} : memref<4096xf32, #tpu.memory_space<vmem>>, vector<16xf32>,
          %gather3A_938 = tpu.vector_load_idx %arg10[%broadcast_in_dim3A_470, %add3A_484, %and3A_931] : memref<21x128x32xf32, #tpu.memory_space<vmem>>[vector<16xi32>, vector<16xi32>, vector<16xi32>], vector<16xf32>,
          %mul3A_939 = arith.mulf %get3A_937, %gather3A_938 : vector<16xf32>
          %add3A_940 = arith.addf %add3A_925, %mul3A_939 : vector<16xf32>
          %add3A_941 = arith.constant 31 : i32
          %add3A_942 = vector.broadcast %add3A_941 : i32 to vector<16xi32>
          %add3A_943 = arith.addi %iota3A, %add3A_942 : vector<16xi32>
          %and3A_944 = arith.constant 31 : i32
          %and3A_945 = vector.broadcast %and3A_944 : i32 to vector<16xi32>
          %and3A_946 = arith.andi %add3A_943, %and3A_945 : vector<16xi32>
          %mul3A_947 = arith.constant 16 : i32
          %mul3A_948 = arith.muli %add3A_480, %mul3A_947 : i32
          %add3A_949 = arith.constant 3968 : i32
          %add3A_950 = arith.addi %add3A_949, %mul3A_948 : i32
          %get3A_951 = arith.index_cast %add3A_950 : i32 to index
          %get3A_952 = tpu.vector_load %arg11[%get3A_951] {strides = array<i32>} : memref<4096xf32, #tpu.memory_space<vmem>>, vector<16xf32>,
          %gather3A_953 = tpu.vector_load_idx %arg10[%broadcast_in_dim3A_470, %add3A_484, %and3A_946] : memref<21x128x32xf32, #tpu.memory_space<vmem>>[vector<16xi32>, vector<16xi32>, vector<16xi32>], vector<16xf32>,
          %mul3A_954 = arith.mulf %get3A_952, %gather3A_953 : vector<16xf32>
          %add3A_955 = arith.addf %add3A_940, %mul3A_954 : vector<16xf32>
          %jit3A = arith.constant -4.000000e+00 : f32
          %jit3A_956 = arith.constant 4.000000e+00 : f32
          %max3A = vector.broadcast %jit3A : f32 to vector<16xf32>
          %max3A_957 = arith.maximumf %max3A, %add3A_955 : vector<16xf32>
          %min3A = vector.broadcast %jit3A_956 : f32 to vector<16xf32>
          %min3A_958 = arith.minimumf %min3A, %max3A_957 : vector<16xf32>
          %mul3A_959 = arith.constant 16 : i32
          %mul3A_960 = arith.muli %add3A_480, %mul3A_959 : i32
          %get3A_961 = arith.index_cast %mul3A_960 : i32 to index
          %get3A_962 = tpu.vector_load %arg12[%get3A_961] {strides = array<i32>} : memref<128xf32, #tpu.memory_space<vmem>>, vector<16xf32>,
          %exp3A = math.exp %min3A_958 : vector<16xf32>
          %add3A_963 = arith.constant 1.000000e+00 : f32
          %add3A_964 = vector.broadcast %add3A_963 : f32 to vector<16xf32>
          %add3A_965 = arith.addf %add3A_964, %exp3A : vector<16xf32>
          %bitcast_convert_type3A = tpu.bitcast %add3A_965 : vector<16xf32> -> vector<16xi32>
          %shift_right_arithmetic3A = arith.constant 23 : i32
          %shift_right_arithmetic3A_966 = vector.broadcast %shift_right_arithmetic3A : i32 to vector<16xi32>
          %shift_right_arithmetic3A_967 = arith.shrsi %bitcast_convert_type3A, %shift_right_arithmetic3A_966 : vector<16xi32>
          %sub3A = arith.constant 127 : i32
          %sub3A_968 = vector.broadcast %sub3A : i32 to vector<16xi32>
          %sub3A_969 = arith.subi %shift_right_arithmetic3A_967, %sub3A_968 : vector<16xi32>
          %convert_element_type3A = arith.sitofp %sub3A_969 : vector<16xi32> to vector<16xf32>
          %and3A_970 = arith.constant 8388607 : i32
          %and3A_971 = vector.broadcast %and3A_970 : i32 to vector<16xi32>
          %and3A_972 = arith.andi %bitcast_convert_type3A, %and3A_971 : vector<16xi32>
          %or3A = arith.constant 1065353216 : i32
          %or3A_973 = vector.broadcast %or3A : i32 to vector<16xi32>
          %or3A_974 = arith.ori %and3A_972, %or3A_973 : vector<16xi32>
          %bitcast_convert_type3A_975 = tpu.bitcast %or3A_974 : vector<16xi32> -> vector<16xf32>
          %mul3A_976 = arith.constant 0.693147182 : f32
          %mul3A_977 = vector.broadcast %mul3A_976 : f32 to vector<16xf32>
          %mul3A_978 = arith.mulf %convert_element_type3A, %mul3A_977 : vector<16xf32>
          %mul3A_979 = arith.constant -0.0170296114 : f32
          %mul3A_980 = vector.broadcast %mul3A_979 : f32 to vector<16xf32>
          %mul3A_981 = arith.mulf %mul3A_980, %bitcast_convert_type3A_975 : vector<16xf32>
          %add3A_982 = arith.constant 0.183700845 : f32
          %add3A_983 = vector.broadcast %add3A_982 : f32 to vector<16xf32>
          %add3A_984 = arith.addf %mul3A_981, %add3A_983 : vector<16xf32>
          %mul3A_985 = arith.mulf %add3A_984, %bitcast_convert_type3A_975 : vector<16xf32>
          %add3A_986 = arith.constant -0.85207957 : f32
          %add3A_987 = vector.broadcast %add3A_986 : f32 to vector<16xf32>
          %add3A_988 = arith.addf %mul3A_985, %add3A_987 : vector<16xf32>
          %mul3A_989 = arith.mulf %add3A_988, %bitcast_convert_type3A_975 : vector<16xf32>
          %add3A_990 = arith.constant 2.22694349 : f32
          %add3A_991 = vector.broadcast %add3A_990 : f32 to vector<16xf32>
          %add3A_992 = arith.addf %mul3A_989, %add3A_991 : vector<16xf32>
          %mul3A_993 = arith.mulf %add3A_992, %bitcast_convert_type3A_975 : vector<16xf32>
          %add3A_994 = arith.constant -3.64712048 : f32
          %add3A_995 = vector.broadcast %add3A_994 : f32 to vector<16xf32>
          %add3A_996 = arith.addf %mul3A_993, %add3A_995 : vector<16xf32>
          %mul3A_997 = arith.mulf %add3A_996, %bitcast_convert_type3A_975 : vector<16xf32>
          %add3A_998 = arith.constant 4.205235 : f32
          %add3A_999 = vector.broadcast %add3A_998 : f32 to vector<16xf32>
          %add3A_1000 = arith.addf %mul3A_997, %add3A_999 : vector<16xf32>
          %mul3A_1001 = arith.mulf %add3A_1000, %bitcast_convert_type3A_975 : vector<16xf32>
          %add3A_1002 = arith.constant -2.09964776 : f32
          %add3A_1003 = vector.broadcast %add3A_1002 : f32 to vector<16xf32>
          %add3A_1004 = arith.addf %mul3A_1001, %add3A_1003 : vector<16xf32>
          %add3A_1005 = arith.addf %mul3A_978, %add3A_1004 : vector<16xf32>
          %add3A_1006 = arith.addf %get3A_962, %add3A_1005 : vector<16xf32>
          %mul3A_1007 = arith.constant 16 : i32
          %mul3A_1008 = arith.muli %add3A_480, %mul3A_1007 : i32
          %swap3A = arith.index_cast %mul3A_1008 : i32 to index
          %swap3A_1009 = tpu.vector_load %arg12[%swap3A] {strides = array<i32>} : memref<128xf32, #tpu.memory_space<vmem>>, vector<16xf32>,
          tpu.vector_store %arg12[%swap3A], %add3A_1006 {strides = array<i32>} : memref<128xf32, #tpu.memory_space<vmem>>, vector<16xf32>,
        }
        %scan3A_475 = arith.constant 8 : i32
      }
      %scan3A_359 = arith.constant 10 : i32
      %dma_wait3A_360 = arith.constant 11 : i32
      %dma_wait3A_361 = arith.constant 0 : i32
      %dma_wait3A_362 = arith.constant 0 : i32
      %dma_wait3A_363 = tpu.memref_slice %arg10[%dma_wait3A_360, %dma_wait3A_361, %dma_wait3A_362] : memref<21x128x32xf32, #tpu.memory_space<vmem>> -> memref<1x128x32xf32, #tpu.memory_space<vmem>>
      %dma_wait3A_364 = tpu.memref_squeeze %dma_wait3A_363 : memref<1x128x32xf32, #tpu.memory_space<vmem>> -> memref<128x32xf32, #tpu.memory_space<vmem>>
      %dma_wait3A_365 = arith.constant 1408 : i32
      %dma_wait3A_366 = tpu.memref_slice %arg8[%dma_wait3A_365] : memref<2688xi32, #tpu.memory_space<vmem>> -> memref<128xi32, #tpu.memory_space<vmem>>
      %dma_wait3A_367 = arith.constant 0 : i32
      %dma_wait3A_368 = arith.constant 0 : i32
      %dma_wait3A_369 = tpu.memref_slice %arg3[%dma_wait3A_367, %dma_wait3A_368] : memref<1081344x32xf32, #tpu.memory_space<hbm>> -> memref<1081344x32xf32, #tpu.memory_space<hbm>>
      tpu.wait_indirect_dma semaphore(%arg25 : memref<!tpu.dma_semaphore, #tpu.memory_space<semaphore_mem>>) src(%dma_wait3A_369 : memref<1081344x32xf32, #tpu.memory_space<hbm>>) dst(%dma_wait3A_364 : memref<128x32xf32, #tpu.memory_space<vmem>>)
      %dma_wait3A_370 = arith.constant 12 : i32
      %dma_wait3A_371 = arith.constant 0 : i32
      %dma_wait3A_372 = arith.constant 0 : i32
      %dma_wait3A_373 = tpu.memref_slice %arg10[%dma_wait3A_370, %dma_wait3A_371, %dma_wait3A_372] : memref<21x128x32xf32, #tpu.memory_space<vmem>> -> memref<1x128x32xf32, #tpu.memory_space<vmem>>
      %dma_wait3A_374 = tpu.memref_squeeze %dma_wait3A_373 : memref<1x128x32xf32, #tpu.memory_space<vmem>> -> memref<128x32xf32, #tpu.memory_space<vmem>>
      %dma_wait3A_375 = arith.constant 1536 : i32
      %dma_wait3A_376 = tpu.memref_slice %arg8[%dma_wait3A_375] : memref<2688xi32, #tpu.memory_space<vmem>> -> memref<128xi32, #tpu.memory_space<vmem>>
      %dma_wait3A_377 = arith.constant 0 : i32
      %dma_wait3A_378 = arith.constant 0 : i32
      %dma_wait3A_379 = tpu.memref_slice %arg3[%dma_wait3A_377, %dma_wait3A_378] : memref<1081344x32xf32, #tpu.memory_space<hbm>> -> memref<1081344x32xf32, #tpu.memory_space<hbm>>
      tpu.wait_indirect_dma semaphore(%arg26 : memref<!tpu.dma_semaphore, #tpu.memory_space<semaphore_mem>>) src(%dma_wait3A_379 : memref<1081344x32xf32, #tpu.memory_space<hbm>>) dst(%dma_wait3A_374 : memref<128x32xf32, #tpu.memory_space<vmem>>)
      %dma_wait3A_380 = arith.constant 13 : i32
      %dma_wait3A_381 = arith.constant 0 : i32
      %dma_wait3A_382 = arith.constant 0 : i32
      %dma_wait3A_383 = tpu.memref_slice %arg10[%dma_wait3A_380, %dma_wait3A_381, %dma_wait3A_382] : memref<21x128x32xf32, #tpu.memory_space<vmem>> -> memref<1x128x32xf32, #tpu.memory_space<vmem>>
      %dma_wait3A_384 = tpu.memref_squeeze %dma_wait3A_383 : memref<1x128x32xf32, #tpu.memory_space<vmem>> -> memref<128x32xf32, #tpu.memory_space<vmem>>
      %dma_wait3A_385 = arith.constant 1664 : i32
      %dma_wait3A_386 = tpu.memref_slice %arg8[%dma_wait3A_385] : memref<2688xi32, #tpu.memory_space<vmem>> -> memref<128xi32, #tpu.memory_space<vmem>>
      %dma_wait3A_387 = arith.constant 0 : i32
      %dma_wait3A_388 = arith.constant 0 : i32
      %dma_wait3A_389 = tpu.memref_slice %arg3[%dma_wait3A_387, %dma_wait3A_388] : memref<1081344x32xf32, #tpu.memory_space<hbm>> -> memref<1081344x32xf32, #tpu.memory_space<hbm>>
      tpu.wait_indirect_dma semaphore(%arg27 : memref<!tpu.dma_semaphore, #tpu.memory_space<semaphore_mem>>) src(%dma_wait3A_389 : memref<1081344x32xf32, #tpu.memory_space<hbm>>) dst(%dma_wait3A_384 : memref<128x32xf32, #tpu.memory_space<vmem>>)
      %dma_wait3A_390 = arith.constant 14 : i32
      %dma_wait3A_391 = arith.constant 0 : i32
      %dma_wait3A_392 = arith.constant 0 : i32
      %dma_wait3A_393 = tpu.memref_slice %arg10[%dma_wait3A_390, %dma_wait3A_391, %dma_wait3A_392] : memref<21x128x32xf32, #tpu.memory_space<vmem>> -> memref<1x128x32xf32, #tpu.memory_space<vmem>>
      %dma_wait3A_394 = tpu.memref_squeeze %dma_wait3A_393 : memref<1x128x32xf32, #tpu.memory_space<vmem>> -> memref<128x32xf32, #tpu.memory_space<vmem>>
      %dma_wait3A_395 = arith.constant 1792 : i32
      %dma_wait3A_396 = tpu.memref_slice %arg8[%dma_wait3A_395] : memref<2688xi32, #tpu.memory_space<vmem>> -> memref<128xi32, #tpu.memory_space<vmem>>
      %dma_wait3A_397 = arith.constant 0 : i32
      %dma_wait3A_398 = arith.constant 0 : i32
      %dma_wait3A_399 = tpu.memref_slice %arg3[%dma_wait3A_397, %dma_wait3A_398] : memref<1081344x32xf32, #tpu.memory_space<hbm>> -> memref<1081344x32xf32, #tpu.memory_space<hbm>>
      tpu.wait_indirect_dma semaphore(%arg28 : memref<!tpu.dma_semaphore, #tpu.memory_space<semaphore_mem>>) src(%dma_wait3A_399 : memref<1081344x32xf32, #tpu.memory_space<hbm>>) dst(%dma_wait3A_394 : memref<128x32xf32, #tpu.memory_space<vmem>>)
      %dma_wait3A_400 = arith.constant 15 : i32
      %dma_wait3A_401 = arith.constant 0 : i32
      %dma_wait3A_402 = arith.constant 0 : i32
      %dma_wait3A_403 = tpu.memref_slice %arg10[%dma_wait3A_400, %dma_wait3A_401, %dma_wait3A_402] : memref<21x128x32xf32, #tpu.memory_space<vmem>> -> memref<1x128x32xf32, #tpu.memory_space<vmem>>
      %dma_wait3A_404 = tpu.memref_squeeze %dma_wait3A_403 : memref<1x128x32xf32, #tpu.memory_space<vmem>> -> memref<128x32xf32, #tpu.memory_space<vmem>>
      %dma_wait3A_405 = arith.constant 1920 : i32
      %dma_wait3A_406 = tpu.memref_slice %arg8[%dma_wait3A_405] : memref<2688xi32, #tpu.memory_space<vmem>> -> memref<128xi32, #tpu.memory_space<vmem>>
      %dma_wait3A_407 = arith.constant 0 : i32
      %dma_wait3A_408 = arith.constant 0 : i32
      %dma_wait3A_409 = tpu.memref_slice %arg3[%dma_wait3A_407, %dma_wait3A_408] : memref<1081344x32xf32, #tpu.memory_space<hbm>> -> memref<1081344x32xf32, #tpu.memory_space<hbm>>
      tpu.wait_indirect_dma semaphore(%arg29 : memref<!tpu.dma_semaphore, #tpu.memory_space<semaphore_mem>>) src(%dma_wait3A_409 : memref<1081344x32xf32, #tpu.memory_space<hbm>>) dst(%dma_wait3A_404 : memref<128x32xf32, #tpu.memory_space<vmem>>)
      %dma_wait3A_410 = arith.constant 16 : i32
      %dma_wait3A_411 = arith.constant 0 : i32
      %dma_wait3A_412 = arith.constant 0 : i32
      %dma_wait3A_413 = tpu.memref_slice %arg10[%dma_wait3A_410, %dma_wait3A_411, %dma_wait3A_412] : memref<21x128x32xf32, #tpu.memory_space<vmem>> -> memref<1x128x32xf32, #tpu.memory_space<vmem>>
      %dma_wait3A_414 = tpu.memref_squeeze %dma_wait3A_413 : memref<1x128x32xf32, #tpu.memory_space<vmem>> -> memref<128x32xf32, #tpu.memory_space<vmem>>
      %dma_wait3A_415 = arith.constant 2048 : i32
      %dma_wait3A_416 = tpu.memref_slice %arg8[%dma_wait3A_415] : memref<2688xi32, #tpu.memory_space<vmem>> -> memref<128xi32, #tpu.memory_space<vmem>>
      %dma_wait3A_417 = arith.constant 0 : i32
      %dma_wait3A_418 = arith.constant 0 : i32
      %dma_wait3A_419 = tpu.memref_slice %arg3[%dma_wait3A_417, %dma_wait3A_418] : memref<1081344x32xf32, #tpu.memory_space<hbm>> -> memref<1081344x32xf32, #tpu.memory_space<hbm>>
      tpu.wait_indirect_dma semaphore(%arg30 : memref<!tpu.dma_semaphore, #tpu.memory_space<semaphore_mem>>) src(%dma_wait3A_419 : memref<1081344x32xf32, #tpu.memory_space<hbm>>) dst(%dma_wait3A_414 : memref<128x32xf32, #tpu.memory_space<vmem>>)
      %dma_wait3A_420 = arith.constant 17 : i32
      %dma_wait3A_421 = arith.constant 0 : i32
      %dma_wait3A_422 = arith.constant 0 : i32
      %dma_wait3A_423 = tpu.memref_slice %arg10[%dma_wait3A_420, %dma_wait3A_421, %dma_wait3A_422] : memref<21x128x32xf32, #tpu.memory_space<vmem>> -> memref<1x128x32xf32, #tpu.memory_space<vmem>>
      %dma_wait3A_424 = tpu.memref_squeeze %dma_wait3A_423 : memref<1x128x32xf32, #tpu.memory_space<vmem>> -> memref<128x32xf32, #tpu.memory_space<vmem>>
      %dma_wait3A_425 = arith.constant 2176 : i32
      %dma_wait3A_426 = tpu.memref_slice %arg8[%dma_wait3A_425] : memref<2688xi32, #tpu.memory_space<vmem>> -> memref<128xi32, #tpu.memory_space<vmem>>
      %dma_wait3A_427 = arith.constant 0 : i32
      %dma_wait3A_428 = arith.constant 0 : i32
      %dma_wait3A_429 = tpu.memref_slice %arg3[%dma_wait3A_427, %dma_wait3A_428] : memref<1081344x32xf32, #tpu.memory_space<hbm>> -> memref<1081344x32xf32, #tpu.memory_space<hbm>>
      tpu.wait_indirect_dma semaphore(%arg31 : memref<!tpu.dma_semaphore, #tpu.memory_space<semaphore_mem>>) src(%dma_wait3A_429 : memref<1081344x32xf32, #tpu.memory_space<hbm>>) dst(%dma_wait3A_424 : memref<128x32xf32, #tpu.memory_space<vmem>>)
      %dma_wait3A_430 = arith.constant 18 : i32
      %dma_wait3A_431 = arith.constant 0 : i32
      %dma_wait3A_432 = arith.constant 0 : i32
      %dma_wait3A_433 = tpu.memref_slice %arg10[%dma_wait3A_430, %dma_wait3A_431, %dma_wait3A_432] : memref<21x128x32xf32, #tpu.memory_space<vmem>> -> memref<1x128x32xf32, #tpu.memory_space<vmem>>
      %dma_wait3A_434 = tpu.memref_squeeze %dma_wait3A_433 : memref<1x128x32xf32, #tpu.memory_space<vmem>> -> memref<128x32xf32, #tpu.memory_space<vmem>>
      %dma_wait3A_435 = arith.constant 2304 : i32
      %dma_wait3A_436 = tpu.memref_slice %arg8[%dma_wait3A_435] : memref<2688xi32, #tpu.memory_space<vmem>> -> memref<128xi32, #tpu.memory_space<vmem>>
      %dma_wait3A_437 = arith.constant 0 : i32
      %dma_wait3A_438 = arith.constant 0 : i32
      %dma_wait3A_439 = tpu.memref_slice %arg3[%dma_wait3A_437, %dma_wait3A_438] : memref<1081344x32xf32, #tpu.memory_space<hbm>> -> memref<1081344x32xf32, #tpu.memory_space<hbm>>
      tpu.wait_indirect_dma semaphore(%arg32 : memref<!tpu.dma_semaphore, #tpu.memory_space<semaphore_mem>>) src(%dma_wait3A_439 : memref<1081344x32xf32, #tpu.memory_space<hbm>>) dst(%dma_wait3A_434 : memref<128x32xf32, #tpu.memory_space<vmem>>)
      %dma_wait3A_440 = arith.constant 19 : i32
      %dma_wait3A_441 = arith.constant 0 : i32
      %dma_wait3A_442 = arith.constant 0 : i32
      %dma_wait3A_443 = tpu.memref_slice %arg10[%dma_wait3A_440, %dma_wait3A_441, %dma_wait3A_442] : memref<21x128x32xf32, #tpu.memory_space<vmem>> -> memref<1x128x32xf32, #tpu.memory_space<vmem>>
      %dma_wait3A_444 = tpu.memref_squeeze %dma_wait3A_443 : memref<1x128x32xf32, #tpu.memory_space<vmem>> -> memref<128x32xf32, #tpu.memory_space<vmem>>
      %dma_wait3A_445 = arith.constant 2432 : i32
      %dma_wait3A_446 = tpu.memref_slice %arg8[%dma_wait3A_445] : memref<2688xi32, #tpu.memory_space<vmem>> -> memref<128xi32, #tpu.memory_space<vmem>>
      %dma_wait3A_447 = arith.constant 0 : i32
      %dma_wait3A_448 = arith.constant 0 : i32
      %dma_wait3A_449 = tpu.memref_slice %arg3[%dma_wait3A_447, %dma_wait3A_448] : memref<1081344x32xf32, #tpu.memory_space<hbm>> -> memref<1081344x32xf32, #tpu.memory_space<hbm>>
      tpu.wait_indirect_dma semaphore(%arg33 : memref<!tpu.dma_semaphore, #tpu.memory_space<semaphore_mem>>) src(%dma_wait3A_449 : memref<1081344x32xf32, #tpu.memory_space<hbm>>) dst(%dma_wait3A_444 : memref<128x32xf32, #tpu.memory_space<vmem>>)
      %dma_wait3A_450 = arith.constant 20 : i32
      %dma_wait3A_451 = arith.constant 0 : i32
      %dma_wait3A_452 = arith.constant 0 : i32
      %dma_wait3A_453 = tpu.memref_slice %arg10[%dma_wait3A_450, %dma_wait3A_451, %dma_wait3A_452] : memref<21x128x32xf32, #tpu.memory_space<vmem>> -> memref<1x128x32xf32, #tpu.memory_space<vmem>>
      %dma_wait3A_454 = tpu.memref_squeeze %dma_wait3A_453 : memref<1x128x32xf32, #tpu.memory_space<vmem>> -> memref<128x32xf32, #tpu.memory_space<vmem>>
      %dma_wait3A_455 = arith.constant 2560 : i32
      %dma_wait3A_456 = tpu.memref_slice %arg8[%dma_wait3A_455] : memref<2688xi32, #tpu.memory_space<vmem>> -> memref<128xi32, #tpu.memory_space<vmem>>
      %dma_wait3A_457 = arith.constant 0 : i32
      %dma_wait3A_458 = arith.constant 0 : i32
      %dma_wait3A_459 = tpu.memref_slice %arg3[%dma_wait3A_457, %dma_wait3A_458] : memref<1081344x32xf32, #tpu.memory_space<hbm>> -> memref<1081344x32xf32, #tpu.memory_space<hbm>>
      tpu.wait_indirect_dma semaphore(%arg34 : memref<!tpu.dma_semaphore, #tpu.memory_space<semaphore_mem>>) src(%dma_wait3A_459 : memref<1081344x32xf32, #tpu.memory_space<hbm>>) dst(%dma_wait3A_454 : memref<128x32xf32, #tpu.memory_space<vmem>>)
      %scan3A_460 = arith.constant 0 : i32
      %scan3A_461 = arith.constant 10 : i32
      %scan3A_462 = arith.addi %scan3A_460, %scan3A_461 : i32
      %scan3A_463 = arith.constant 1 : i32
      scf.for %scan3A_465 = %scan3A_460 to %scan3A_462 step %scan3A_463  : i32 {
        %mul3A_466 = arith.constant 1 : i32
        %mul3A_467 = arith.muli %scan3A_465, %mul3A_466 : i32
        %add3A_468 = arith.constant 11 : i32
        %add3A_469 = arith.addi %add3A_468, %mul3A_467 : i32
        %broadcast_in_dim3A_470 = vector.broadcast %add3A_469 : i32 to vector<16xi32>
        %scan3A_471 = arith.constant 0 : i32
        %scan3A_472 = arith.constant 8 : i32
        %scan3A_473 = arith.addi %scan3A_471, %scan3A_472 : i32
        %scan3A_474 = arith.constant 1 : i32
        scf.for %scan3A_476 = %scan3A_471 to %scan3A_473 step %scan3A_474  : i32 {
          %mul3A_477 = arith.constant 1 : i32
          %mul3A_478 = arith.muli %scan3A_476, %mul3A_477 : i32
          %add3A_479 = arith.constant 0 : i32
          %add3A_480 = arith.addi %add3A_479, %mul3A_478 : i32
          %iota3A = tpu.iota {dimensions = array<i32: 0>} : vector<16xi32>
          %mul3A_481 = arith.constant 16 : i32
          %mul3A_482 = arith.muli %add3A_480, %mul3A_481 : i32
          %add3A_483 = vector.broadcast %mul3A_482 : i32 to vector<16xi32>
          %add3A_484 = arith.addi %iota3A, %add3A_483 : vector<16xi32>
          %and3A = arith.constant 31 : i32
          %and3A_485 = vector.broadcast %and3A : i32 to vector<16xi32>
          %and3A_486 = arith.andi %iota3A, %and3A_485 : vector<16xi32>
          %mul3A_487 = arith.constant 16 : i32
          %mul3A_488 = arith.muli %add3A_480, %mul3A_487 : i32
          %get3A = arith.index_cast %mul3A_488 : i32 to index
          %get3A_489 = tpu.vector_load %arg11[%get3A] {strides = array<i32>} : memref<4096xf32, #tpu.memory_space<vmem>>, vector<16xf32>,
          %gather3A = tpu.vector_load_idx %arg10[%broadcast_in_dim3A_470, %add3A_484, %and3A_486] : memref<21x128x32xf32, #tpu.memory_space<vmem>>[vector<16xi32>, vector<16xi32>, vector<16xi32>], vector<16xf32>,
          %mul3A_490 = arith.mulf %get3A_489, %gather3A : vector<16xf32>
          %add3A_491 = arith.constant 1 : i32
          %add3A_492 = vector.broadcast %add3A_491 : i32 to vector<16xi32>
          %add3A_493 = arith.addi %iota3A, %add3A_492 : vector<16xi32>
          %and3A_494 = arith.constant 31 : i32
          %and3A_495 = vector.broadcast %and3A_494 : i32 to vector<16xi32>
          %and3A_496 = arith.andi %add3A_493, %and3A_495 : vector<16xi32>
          %mul3A_497 = arith.constant 16 : i32
          %mul3A_498 = arith.muli %add3A_480, %mul3A_497 : i32
          %add3A_499 = arith.constant 128 : i32
          %add3A_500 = arith.addi %add3A_499, %mul3A_498 : i32
          %get3A_501 = arith.index_cast %add3A_500 : i32 to index
          %get3A_502 = tpu.vector_load %arg11[%get3A_501] {strides = array<i32>} : memref<4096xf32, #tpu.memory_space<vmem>>, vector<16xf32>,
          %gather3A_503 = tpu.vector_load_idx %arg10[%broadcast_in_dim3A_470, %add3A_484, %and3A_496] : memref<21x128x32xf32, #tpu.memory_space<vmem>>[vector<16xi32>, vector<16xi32>, vector<16xi32>], vector<16xf32>,
          %mul3A_504 = arith.mulf %get3A_502, %gather3A_503 : vector<16xf32>
          %add3A_505 = arith.addf %mul3A_490, %mul3A_504 : vector<16xf32>
          %add3A_506 = arith.constant 2 : i32
          %add3A_507 = vector.broadcast %add3A_506 : i32 to vector<16xi32>
          %add3A_508 = arith.addi %iota3A, %add3A_507 : vector<16xi32>
          %and3A_509 = arith.constant 31 : i32
          %and3A_510 = vector.broadcast %and3A_509 : i32 to vector<16xi32>
          %and3A_511 = arith.andi %add3A_508, %and3A_510 : vector<16xi32>
          %mul3A_512 = arith.constant 16 : i32
          %mul3A_513 = arith.muli %add3A_480, %mul3A_512 : i32
          %add3A_514 = arith.constant 256 : i32
          %add3A_515 = arith.addi %add3A_514, %mul3A_513 : i32
          %get3A_516 = arith.index_cast %add3A_515 : i32 to index
          %get3A_517 = tpu.vector_load %arg11[%get3A_516] {strides = array<i32>} : memref<4096xf32, #tpu.memory_space<vmem>>, vector<16xf32>,
          %gather3A_518 = tpu.vector_load_idx %arg10[%broadcast_in_dim3A_470, %add3A_484, %and3A_511] : memref<21x128x32xf32, #tpu.memory_space<vmem>>[vector<16xi32>, vector<16xi32>, vector<16xi32>], vector<16xf32>,
          %mul3A_519 = arith.mulf %get3A_517, %gather3A_518 : vector<16xf32>
          %add3A_520 = arith.addf %add3A_505, %mul3A_519 : vector<16xf32>
          %add3A_521 = arith.constant 3 : i32
          %add3A_522 = vector.broadcast %add3A_521 : i32 to vector<16xi32>
          %add3A_523 = arith.addi %iota3A, %add3A_522 : vector<16xi32>
          %and3A_524 = arith.constant 31 : i32
          %and3A_525 = vector.broadcast %and3A_524 : i32 to vector<16xi32>
          %and3A_526 = arith.andi %add3A_523, %and3A_525 : vector<16xi32>
          %mul3A_527 = arith.constant 16 : i32
          %mul3A_528 = arith.muli %add3A_480, %mul3A_527 : i32
          %add3A_529 = arith.constant 384 : i32
          %add3A_530 = arith.addi %add3A_529, %mul3A_528 : i32
          %get3A_531 = arith.index_cast %add3A_530 : i32 to index
          %get3A_532 = tpu.vector_load %arg11[%get3A_531] {strides = array<i32>} : memref<4096xf32, #tpu.memory_space<vmem>>, vector<16xf32>,
          %gather3A_533 = tpu.vector_load_idx %arg10[%broadcast_in_dim3A_470, %add3A_484, %and3A_526] : memref<21x128x32xf32, #tpu.memory_space<vmem>>[vector<16xi32>, vector<16xi32>, vector<16xi32>], vector<16xf32>,
          %mul3A_534 = arith.mulf %get3A_532, %gather3A_533 : vector<16xf32>
          %add3A_535 = arith.addf %add3A_520, %mul3A_534 : vector<16xf32>
          %add3A_536 = arith.constant 4 : i32
          %add3A_537 = vector.broadcast %add3A_536 : i32 to vector<16xi32>
          %add3A_538 = arith.addi %iota3A, %add3A_537 : vector<16xi32>
          %and3A_539 = arith.constant 31 : i32
          %and3A_540 = vector.broadcast %and3A_539 : i32 to vector<16xi32>
          %and3A_541 = arith.andi %add3A_538, %and3A_540 : vector<16xi32>
          %mul3A_542 = arith.constant 16 : i32
          %mul3A_543 = arith.muli %add3A_480, %mul3A_542 : i32
          %add3A_544 = arith.constant 512 : i32
          %add3A_545 = arith.addi %add3A_544, %mul3A_543 : i32
          %get3A_546 = arith.index_cast %add3A_545 : i32 to index
          %get3A_547 = tpu.vector_load %arg11[%get3A_546] {strides = array<i32>} : memref<4096xf32, #tpu.memory_space<vmem>>, vector<16xf32>,
          %gather3A_548 = tpu.vector_load_idx %arg10[%broadcast_in_dim3A_470, %add3A_484, %and3A_541] : memref<21x128x32xf32, #tpu.memory_space<vmem>>[vector<16xi32>, vector<16xi32>, vector<16xi32>], vector<16xf32>,
          %mul3A_549 = arith.mulf %get3A_547, %gather3A_548 : vector<16xf32>
          %add3A_550 = arith.addf %add3A_535, %mul3A_549 : vector<16xf32>
          %add3A_551 = arith.constant 5 : i32
          %add3A_552 = vector.broadcast %add3A_551 : i32 to vector<16xi32>
          %add3A_553 = arith.addi %iota3A, %add3A_552 : vector<16xi32>
          %and3A_554 = arith.constant 31 : i32
          %and3A_555 = vector.broadcast %and3A_554 : i32 to vector<16xi32>
          %and3A_556 = arith.andi %add3A_553, %and3A_555 : vector<16xi32>
          %mul3A_557 = arith.constant 16 : i32
          %mul3A_558 = arith.muli %add3A_480, %mul3A_557 : i32
          %add3A_559 = arith.constant 640 : i32
          %add3A_560 = arith.addi %add3A_559, %mul3A_558 : i32
          %get3A_561 = arith.index_cast %add3A_560 : i32 to index
          %get3A_562 = tpu.vector_load %arg11[%get3A_561] {strides = array<i32>} : memref<4096xf32, #tpu.memory_space<vmem>>, vector<16xf32>,
          %gather3A_563 = tpu.vector_load_idx %arg10[%broadcast_in_dim3A_470, %add3A_484, %and3A_556] : memref<21x128x32xf32, #tpu.memory_space<vmem>>[vector<16xi32>, vector<16xi32>, vector<16xi32>], vector<16xf32>,
          %mul3A_564 = arith.mulf %get3A_562, %gather3A_563 : vector<16xf32>
          %add3A_565 = arith.addf %add3A_550, %mul3A_564 : vector<16xf32>
          %add3A_566 = arith.constant 6 : i32
          %add3A_567 = vector.broadcast %add3A_566 : i32 to vector<16xi32>
          %add3A_568 = arith.addi %iota3A, %add3A_567 : vector<16xi32>
          %and3A_569 = arith.constant 31 : i32
          %and3A_570 = vector.broadcast %and3A_569 : i32 to vector<16xi32>
          %and3A_571 = arith.andi %add3A_568, %and3A_570 : vector<16xi32>
          %mul3A_572 = arith.constant 16 : i32
          %mul3A_573 = arith.muli %add3A_480, %mul3A_572 : i32
          %add3A_574 = arith.constant 768 : i32
          %add3A_575 = arith.addi %add3A_574, %mul3A_573 : i32
          %get3A_576 = arith.index_cast %add3A_575 : i32 to index
          %get3A_577 = tpu.vector_load %arg11[%get3A_576] {strides = array<i32>} : memref<4096xf32, #tpu.memory_space<vmem>>, vector<16xf32>,
          %gather3A_578 = tpu.vector_load_idx %arg10[%broadcast_in_dim3A_470, %add3A_484, %and3A_571] : memref<21x128x32xf32, #tpu.memory_space<vmem>>[vector<16xi32>, vector<16xi32>, vector<16xi32>], vector<16xf32>,
          %mul3A_579 = arith.mulf %get3A_577, %gather3A_578 : vector<16xf32>
          %add3A_580 = arith.addf %add3A_565, %mul3A_579 : vector<16xf32>
          %add3A_581 = arith.constant 7 : i32
          %add3A_582 = vector.broadcast %add3A_581 : i32 to vector<16xi32>
          %add3A_583 = arith.addi %iota3A, %add3A_582 : vector<16xi32>
          %and3A_584 = arith.constant 31 : i32
          %and3A_585 = vector.broadcast %and3A_584 : i32 to vector<16xi32>
          %and3A_586 = arith.andi %add3A_583, %and3A_585 : vector<16xi32>
          %mul3A_587 = arith.constant 16 : i32
          %mul3A_588 = arith.muli %add3A_480, %mul3A_587 : i32
          %add3A_589 = arith.constant 896 : i32
          %add3A_590 = arith.addi %add3A_589, %mul3A_588 : i32
          %get3A_591 = arith.index_cast %add3A_590 : i32 to index
          %get3A_592 = tpu.vector_load %arg11[%get3A_591] {strides = array<i32>} : memref<4096xf32, #tpu.memory_space<vmem>>, vector<16xf32>,
          %gather3A_593 = tpu.vector_load_idx %arg10[%broadcast_in_dim3A_470, %add3A_484, %and3A_586] : memref<21x128x32xf32, #tpu.memory_space<vmem>>[vector<16xi32>, vector<16xi32>, vector<16xi32>], vector<16xf32>,
          %mul3A_594 = arith.mulf %get3A_592, %gather3A_593 : vector<16xf32>
          %add3A_595 = arith.addf %add3A_580, %mul3A_594 : vector<16xf32>
          %add3A_596 = arith.constant 8 : i32
          %add3A_597 = vector.broadcast %add3A_596 : i32 to vector<16xi32>
          %add3A_598 = arith.addi %iota3A, %add3A_597 : vector<16xi32>
          %and3A_599 = arith.constant 31 : i32
          %and3A_600 = vector.broadcast %and3A_599 : i32 to vector<16xi32>
          %and3A_601 = arith.andi %add3A_598, %and3A_600 : vector<16xi32>
          %mul3A_602 = arith.constant 16 : i32
          %mul3A_603 = arith.muli %add3A_480, %mul3A_602 : i32
          %add3A_604 = arith.constant 1024 : i32
          %add3A_605 = arith.addi %add3A_604, %mul3A_603 : i32
          %get3A_606 = arith.index_cast %add3A_605 : i32 to index
          %get3A_607 = tpu.vector_load %arg11[%get3A_606] {strides = array<i32>} : memref<4096xf32, #tpu.memory_space<vmem>>, vector<16xf32>,
          %gather3A_608 = tpu.vector_load_idx %arg10[%broadcast_in_dim3A_470, %add3A_484, %and3A_601] : memref<21x128x32xf32, #tpu.memory_space<vmem>>[vector<16xi32>, vector<16xi32>, vector<16xi32>], vector<16xf32>,
          %mul3A_609 = arith.mulf %get3A_607, %gather3A_608 : vector<16xf32>
          %add3A_610 = arith.addf %add3A_595, %mul3A_609 : vector<16xf32>
          %add3A_611 = arith.constant 9 : i32
          %add3A_612 = vector.broadcast %add3A_611 : i32 to vector<16xi32>
          %add3A_613 = arith.addi %iota3A, %add3A_612 : vector<16xi32>
          %and3A_614 = arith.constant 31 : i32
          %and3A_615 = vector.broadcast %and3A_614 : i32 to vector<16xi32>
          %and3A_616 = arith.andi %add3A_613, %and3A_615 : vector<16xi32>
          %mul3A_617 = arith.constant 16 : i32
          %mul3A_618 = arith.muli %add3A_480, %mul3A_617 : i32
          %add3A_619 = arith.constant 1152 : i32
          %add3A_620 = arith.addi %add3A_619, %mul3A_618 : i32
          %get3A_621 = arith.index_cast %add3A_620 : i32 to index
          %get3A_622 = tpu.vector_load %arg11[%get3A_621] {strides = array<i32>} : memref<4096xf32, #tpu.memory_space<vmem>>, vector<16xf32>,
          %gather3A_623 = tpu.vector_load_idx %arg10[%broadcast_in_dim3A_470, %add3A_484, %and3A_616] : memref<21x128x32xf32, #tpu.memory_space<vmem>>[vector<16xi32>, vector<16xi32>, vector<16xi32>], vector<16xf32>,
          %mul3A_624 = arith.mulf %get3A_622, %gather3A_623 : vector<16xf32>
          %add3A_625 = arith.addf %add3A_610, %mul3A_624 : vector<16xf32>
          %add3A_626 = arith.constant 10 : i32
          %add3A_627 = vector.broadcast %add3A_626 : i32 to vector<16xi32>
          %add3A_628 = arith.addi %iota3A, %add3A_627 : vector<16xi32>
          %and3A_629 = arith.constant 31 : i32
          %and3A_630 = vector.broadcast %and3A_629 : i32 to vector<16xi32>
          %and3A_631 = arith.andi %add3A_628, %and3A_630 : vector<16xi32>
          %mul3A_632 = arith.constant 16 : i32
          %mul3A_633 = arith.muli %add3A_480, %mul3A_632 : i32
          %add3A_634 = arith.constant 1280 : i32
          %add3A_635 = arith.addi %add3A_634, %mul3A_633 : i32
          %get3A_636 = arith.index_cast %add3A_635 : i32 to index
          %get3A_637 = tpu.vector_load %arg11[%get3A_636] {strides = array<i32>} : memref<4096xf32, #tpu.memory_space<vmem>>, vector<16xf32>,
          %gather3A_638 = tpu.vector_load_idx %arg10[%broadcast_in_dim3A_470, %add3A_484, %and3A_631] : memref<21x128x32xf32, #tpu.memory_space<vmem>>[vector<16xi32>, vector<16xi32>, vector<16xi32>], vector<16xf32>,
          %mul3A_639 = arith.mulf %get3A_637, %gather3A_638 : vector<16xf32>
          %add3A_640 = arith.addf %add3A_625, %mul3A_639 : vector<16xf32>
          %add3A_641 = arith.constant 11 : i32
          %add3A_642 = vector.broadcast %add3A_641 : i32 to vector<16xi32>
          %add3A_643 = arith.addi %iota3A, %add3A_642 : vector<16xi32>
          %and3A_644 = arith.constant 31 : i32
          %and3A_645 = vector.broadcast %and3A_644 : i32 to vector<16xi32>
          %and3A_646 = arith.andi %add3A_643, %and3A_645 : vector<16xi32>
          %mul3A_647 = arith.constant 16 : i32
          %mul3A_648 = arith.muli %add3A_480, %mul3A_647 : i32
          %add3A_649 = arith.constant 1408 : i32
          %add3A_650 = arith.addi %add3A_649, %mul3A_648 : i32
          %get3A_651 = arith.index_cast %add3A_650 : i32 to index
          %get3A_652 = tpu.vector_load %arg11[%get3A_651] {strides = array<i32>} : memref<4096xf32, #tpu.memory_space<vmem>>, vector<16xf32>,
          %gather3A_653 = tpu.vector_load_idx %arg10[%broadcast_in_dim3A_470, %add3A_484, %and3A_646] : memref<21x128x32xf32, #tpu.memory_space<vmem>>[vector<16xi32>, vector<16xi32>, vector<16xi32>], vector<16xf32>,
          %mul3A_654 = arith.mulf %get3A_652, %gather3A_653 : vector<16xf32>
          %add3A_655 = arith.addf %add3A_640, %mul3A_654 : vector<16xf32>
          %add3A_656 = arith.constant 12 : i32
          %add3A_657 = vector.broadcast %add3A_656 : i32 to vector<16xi32>
          %add3A_658 = arith.addi %iota3A, %add3A_657 : vector<16xi32>
          %and3A_659 = arith.constant 31 : i32
          %and3A_660 = vector.broadcast %and3A_659 : i32 to vector<16xi32>
          %and3A_661 = arith.andi %add3A_658, %and3A_660 : vector<16xi32>
          %mul3A_662 = arith.constant 16 : i32
          %mul3A_663 = arith.muli %add3A_480, %mul3A_662 : i32
          %add3A_664 = arith.constant 1536 : i32
          %add3A_665 = arith.addi %add3A_664, %mul3A_663 : i32
          %get3A_666 = arith.index_cast %add3A_665 : i32 to index
          %get3A_667 = tpu.vector_load %arg11[%get3A_666] {strides = array<i32>} : memref<4096xf32, #tpu.memory_space<vmem>>, vector<16xf32>,
          %gather3A_668 = tpu.vector_load_idx %arg10[%broadcast_in_dim3A_470, %add3A_484, %and3A_661] : memref<21x128x32xf32, #tpu.memory_space<vmem>>[vector<16xi32>, vector<16xi32>, vector<16xi32>], vector<16xf32>,
          %mul3A_669 = arith.mulf %get3A_667, %gather3A_668 : vector<16xf32>
          %add3A_670 = arith.addf %add3A_655, %mul3A_669 : vector<16xf32>
          %add3A_671 = arith.constant 13 : i32
          %add3A_672 = vector.broadcast %add3A_671 : i32 to vector<16xi32>
          %add3A_673 = arith.addi %iota3A, %add3A_672 : vector<16xi32>
          %and3A_674 = arith.constant 31 : i32
          %and3A_675 = vector.broadcast %and3A_674 : i32 to vector<16xi32>
          %and3A_676 = arith.andi %add3A_673, %and3A_675 : vector<16xi32>
          %mul3A_677 = arith.constant 16 : i32
          %mul3A_678 = arith.muli %add3A_480, %mul3A_677 : i32
          %add3A_679 = arith.constant 1664 : i32
          %add3A_680 = arith.addi %add3A_679, %mul3A_678 : i32
          %get3A_681 = arith.index_cast %add3A_680 : i32 to index
          %get3A_682 = tpu.vector_load %arg11[%get3A_681] {strides = array<i32>} : memref<4096xf32, #tpu.memory_space<vmem>>, vector<16xf32>,
          %gather3A_683 = tpu.vector_load_idx %arg10[%broadcast_in_dim3A_470, %add3A_484, %and3A_676] : memref<21x128x32xf32, #tpu.memory_space<vmem>>[vector<16xi32>, vector<16xi32>, vector<16xi32>], vector<16xf32>,
          %mul3A_684 = arith.mulf %get3A_682, %gather3A_683 : vector<16xf32>
          %add3A_685 = arith.addf %add3A_670, %mul3A_684 : vector<16xf32>
          %add3A_686 = arith.constant 14 : i32
          %add3A_687 = vector.broadcast %add3A_686 : i32 to vector<16xi32>
          %add3A_688 = arith.addi %iota3A, %add3A_687 : vector<16xi32>
          %and3A_689 = arith.constant 31 : i32
          %and3A_690 = vector.broadcast %and3A_689 : i32 to vector<16xi32>
          %and3A_691 = arith.andi %add3A_688, %and3A_690 : vector<16xi32>
          %mul3A_692 = arith.constant 16 : i32
          %mul3A_693 = arith.muli %add3A_480, %mul3A_692 : i32
          %add3A_694 = arith.constant 1792 : i32
          %add3A_695 = arith.addi %add3A_694, %mul3A_693 : i32
          %get3A_696 = arith.index_cast %add3A_695 : i32 to index
          %get3A_697 = tpu.vector_load %arg11[%get3A_696] {strides = array<i32>} : memref<4096xf32, #tpu.memory_space<vmem>>, vector<16xf32>,
          %gather3A_698 = tpu.vector_load_idx %arg10[%broadcast_in_dim3A_470, %add3A_484, %and3A_691] : memref<21x128x32xf32, #tpu.memory_space<vmem>>[vector<16xi32>, vector<16xi32>, vector<16xi32>], vector<16xf32>,
          %mul3A_699 = arith.mulf %get3A_697, %gather3A_698 : vector<16xf32>
          %add3A_700 = arith.addf %add3A_685, %mul3A_699 : vector<16xf32>
          %add3A_701 = arith.constant 15 : i32
          %add3A_702 = vector.broadcast %add3A_701 : i32 to vector<16xi32>
          %add3A_703 = arith.addi %iota3A, %add3A_702 : vector<16xi32>
          %and3A_704 = arith.constant 31 : i32
          %and3A_705 = vector.broadcast %and3A_704 : i32 to vector<16xi32>
          %and3A_706 = arith.andi %add3A_703, %and3A_705 : vector<16xi32>
          %mul3A_707 = arith.constant 16 : i32
          %mul3A_708 = arith.muli %add3A_480, %mul3A_707 : i32
          %add3A_709 = arith.constant 1920 : i32
          %add3A_710 = arith.addi %add3A_709, %mul3A_708 : i32
          %get3A_711 = arith.index_cast %add3A_710 : i32 to index
          %get3A_712 = tpu.vector_load %arg11[%get3A_711] {strides = array<i32>} : memref<4096xf32, #tpu.memory_space<vmem>>, vector<16xf32>,
          %gather3A_713 = tpu.vector_load_idx %arg10[%broadcast_in_dim3A_470, %add3A_484, %and3A_706] : memref<21x128x32xf32, #tpu.memory_space<vmem>>[vector<16xi32>, vector<16xi32>, vector<16xi32>], vector<16xf32>,
          %mul3A_714 = arith.mulf %get3A_712, %gather3A_713 : vector<16xf32>
          %add3A_715 = arith.addf %add3A_700, %mul3A_714 : vector<16xf32>
          %add3A_716 = arith.constant 16 : i32
          %add3A_717 = vector.broadcast %add3A_716 : i32 to vector<16xi32>
          %add3A_718 = arith.addi %iota3A, %add3A_717 : vector<16xi32>
          %and3A_719 = arith.constant 31 : i32
          %and3A_720 = vector.broadcast %and3A_719 : i32 to vector<16xi32>
          %and3A_721 = arith.andi %add3A_718, %and3A_720 : vector<16xi32>
          %mul3A_722 = arith.constant 16 : i32
          %mul3A_723 = arith.muli %add3A_480, %mul3A_722 : i32
          %add3A_724 = arith.constant 2048 : i32
          %add3A_725 = arith.addi %add3A_724, %mul3A_723 : i32
          %get3A_726 = arith.index_cast %add3A_725 : i32 to index
          %get3A_727 = tpu.vector_load %arg11[%get3A_726] {strides = array<i32>} : memref<4096xf32, #tpu.memory_space<vmem>>, vector<16xf32>,
          %gather3A_728 = tpu.vector_load_idx %arg10[%broadcast_in_dim3A_470, %add3A_484, %and3A_721] : memref<21x128x32xf32, #tpu.memory_space<vmem>>[vector<16xi32>, vector<16xi32>, vector<16xi32>], vector<16xf32>,
          %mul3A_729 = arith.mulf %get3A_727, %gather3A_728 : vector<16xf32>
          %add3A_730 = arith.addf %add3A_715, %mul3A_729 : vector<16xf32>
          %add3A_731 = arith.constant 17 : i32
          %add3A_732 = vector.broadcast %add3A_731 : i32 to vector<16xi32>
          %add3A_733 = arith.addi %iota3A, %add3A_732 : vector<16xi32>
          %and3A_734 = arith.constant 31 : i32
          %and3A_735 = vector.broadcast %and3A_734 : i32 to vector<16xi32>
          %and3A_736 = arith.andi %add3A_733, %and3A_735 : vector<16xi32>
          %mul3A_737 = arith.constant 16 : i32
          %mul3A_738 = arith.muli %add3A_480, %mul3A_737 : i32
          %add3A_739 = arith.constant 2176 : i32
          %add3A_740 = arith.addi %add3A_739, %mul3A_738 : i32
          %get3A_741 = arith.index_cast %add3A_740 : i32 to index
          %get3A_742 = tpu.vector_load %arg11[%get3A_741] {strides = array<i32>} : memref<4096xf32, #tpu.memory_space<vmem>>, vector<16xf32>,
          %gather3A_743 = tpu.vector_load_idx %arg10[%broadcast_in_dim3A_470, %add3A_484, %and3A_736] : memref<21x128x32xf32, #tpu.memory_space<vmem>>[vector<16xi32>, vector<16xi32>, vector<16xi32>], vector<16xf32>,
          %mul3A_744 = arith.mulf %get3A_742, %gather3A_743 : vector<16xf32>
          %add3A_745 = arith.addf %add3A_730, %mul3A_744 : vector<16xf32>
          %add3A_746 = arith.constant 18 : i32
          %add3A_747 = vector.broadcast %add3A_746 : i32 to vector<16xi32>
          %add3A_748 = arith.addi %iota3A, %add3A_747 : vector<16xi32>
          %and3A_749 = arith.constant 31 : i32
          %and3A_750 = vector.broadcast %and3A_749 : i32 to vector<16xi32>
          %and3A_751 = arith.andi %add3A_748, %and3A_750 : vector<16xi32>
          %mul3A_752 = arith.constant 16 : i32
          %mul3A_753 = arith.muli %add3A_480, %mul3A_752 : i32
          %add3A_754 = arith.constant 2304 : i32
          %add3A_755 = arith.addi %add3A_754, %mul3A_753 : i32
          %get3A_756 = arith.index_cast %add3A_755 : i32 to index
          %get3A_757 = tpu.vector_load %arg11[%get3A_756] {strides = array<i32>} : memref<4096xf32, #tpu.memory_space<vmem>>, vector<16xf32>,
          %gather3A_758 = tpu.vector_load_idx %arg10[%broadcast_in_dim3A_470, %add3A_484, %and3A_751] : memref<21x128x32xf32, #tpu.memory_space<vmem>>[vector<16xi32>, vector<16xi32>, vector<16xi32>], vector<16xf32>,
          %mul3A_759 = arith.mulf %get3A_757, %gather3A_758 : vector<16xf32>
          %add3A_760 = arith.addf %add3A_745, %mul3A_759 : vector<16xf32>
          %add3A_761 = arith.constant 19 : i32
          %add3A_762 = vector.broadcast %add3A_761 : i32 to vector<16xi32>
          %add3A_763 = arith.addi %iota3A, %add3A_762 : vector<16xi32>
          %and3A_764 = arith.constant 31 : i32
          %and3A_765 = vector.broadcast %and3A_764 : i32 to vector<16xi32>
          %and3A_766 = arith.andi %add3A_763, %and3A_765 : vector<16xi32>
          %mul3A_767 = arith.constant 16 : i32
          %mul3A_768 = arith.muli %add3A_480, %mul3A_767 : i32
          %add3A_769 = arith.constant 2432 : i32
          %add3A_770 = arith.addi %add3A_769, %mul3A_768 : i32
          %get3A_771 = arith.index_cast %add3A_770 : i32 to index
          %get3A_772 = tpu.vector_load %arg11[%get3A_771] {strides = array<i32>} : memref<4096xf32, #tpu.memory_space<vmem>>, vector<16xf32>,
          %gather3A_773 = tpu.vector_load_idx %arg10[%broadcast_in_dim3A_470, %add3A_484, %and3A_766] : memref<21x128x32xf32, #tpu.memory_space<vmem>>[vector<16xi32>, vector<16xi32>, vector<16xi32>], vector<16xf32>,
          %mul3A_774 = arith.mulf %get3A_772, %gather3A_773 : vector<16xf32>
          %add3A_775 = arith.addf %add3A_760, %mul3A_774 : vector<16xf32>
          %add3A_776 = arith.constant 20 : i32
          %add3A_777 = vector.broadcast %add3A_776 : i32 to vector<16xi32>
          %add3A_778 = arith.addi %iota3A, %add3A_777 : vector<16xi32>
          %and3A_779 = arith.constant 31 : i32
          %and3A_780 = vector.broadcast %and3A_779 : i32 to vector<16xi32>
          %and3A_781 = arith.andi %add3A_778, %and3A_780 : vector<16xi32>
          %mul3A_782 = arith.constant 16 : i32
          %mul3A_783 = arith.muli %add3A_480, %mul3A_782 : i32
          %add3A_784 = arith.constant 2560 : i32
          %add3A_785 = arith.addi %add3A_784, %mul3A_783 : i32
          %get3A_786 = arith.index_cast %add3A_785 : i32 to index
          %get3A_787 = tpu.vector_load %arg11[%get3A_786] {strides = array<i32>} : memref<4096xf32, #tpu.memory_space<vmem>>, vector<16xf32>,
          %gather3A_788 = tpu.vector_load_idx %arg10[%broadcast_in_dim3A_470, %add3A_484, %and3A_781] : memref<21x128x32xf32, #tpu.memory_space<vmem>>[vector<16xi32>, vector<16xi32>, vector<16xi32>], vector<16xf32>,
          %mul3A_789 = arith.mulf %get3A_787, %gather3A_788 : vector<16xf32>
          %add3A_790 = arith.addf %add3A_775, %mul3A_789 : vector<16xf32>
          %add3A_791 = arith.constant 21 : i32
          %add3A_792 = vector.broadcast %add3A_791 : i32 to vector<16xi32>
          %add3A_793 = arith.addi %iota3A, %add3A_792 : vector<16xi32>
          %and3A_794 = arith.constant 31 : i32
          %and3A_795 = vector.broadcast %and3A_794 : i32 to vector<16xi32>
          %and3A_796 = arith.andi %add3A_793, %and3A_795 : vector<16xi32>
          %mul3A_797 = arith.constant 16 : i32
          %mul3A_798 = arith.muli %add3A_480, %mul3A_797 : i32
          %add3A_799 = arith.constant 2688 : i32
          %add3A_800 = arith.addi %add3A_799, %mul3A_798 : i32
          %get3A_801 = arith.index_cast %add3A_800 : i32 to index
          %get3A_802 = tpu.vector_load %arg11[%get3A_801] {strides = array<i32>} : memref<4096xf32, #tpu.memory_space<vmem>>, vector<16xf32>,
          %gather3A_803 = tpu.vector_load_idx %arg10[%broadcast_in_dim3A_470, %add3A_484, %and3A_796] : memref<21x128x32xf32, #tpu.memory_space<vmem>>[vector<16xi32>, vector<16xi32>, vector<16xi32>], vector<16xf32>,
          %mul3A_804 = arith.mulf %get3A_802, %gather3A_803 : vector<16xf32>
          %add3A_805 = arith.addf %add3A_790, %mul3A_804 : vector<16xf32>
          %add3A_806 = arith.constant 22 : i32
          %add3A_807 = vector.broadcast %add3A_806 : i32 to vector<16xi32>
          %add3A_808 = arith.addi %iota3A, %add3A_807 : vector<16xi32>
          %and3A_809 = arith.constant 31 : i32
          %and3A_810 = vector.broadcast %and3A_809 : i32 to vector<16xi32>
          %and3A_811 = arith.andi %add3A_808, %and3A_810 : vector<16xi32>
          %mul3A_812 = arith.constant 16 : i32
          %mul3A_813 = arith.muli %add3A_480, %mul3A_812 : i32
          %add3A_814 = arith.constant 2816 : i32
          %add3A_815 = arith.addi %add3A_814, %mul3A_813 : i32
          %get3A_816 = arith.index_cast %add3A_815 : i32 to index
          %get3A_817 = tpu.vector_load %arg11[%get3A_816] {strides = array<i32>} : memref<4096xf32, #tpu.memory_space<vmem>>, vector<16xf32>,
          %gather3A_818 = tpu.vector_load_idx %arg10[%broadcast_in_dim3A_470, %add3A_484, %and3A_811] : memref<21x128x32xf32, #tpu.memory_space<vmem>>[vector<16xi32>, vector<16xi32>, vector<16xi32>], vector<16xf32>,
          %mul3A_819 = arith.mulf %get3A_817, %gather3A_818 : vector<16xf32>
          %add3A_820 = arith.addf %add3A_805, %mul3A_819 : vector<16xf32>
          %add3A_821 = arith.constant 23 : i32
          %add3A_822 = vector.broadcast %add3A_821 : i32 to vector<16xi32>
          %add3A_823 = arith.addi %iota3A, %add3A_822 : vector<16xi32>
          %and3A_824 = arith.constant 31 : i32
          %and3A_825 = vector.broadcast %and3A_824 : i32 to vector<16xi32>
          %and3A_826 = arith.andi %add3A_823, %and3A_825 : vector<16xi32>
          %mul3A_827 = arith.constant 16 : i32
          %mul3A_828 = arith.muli %add3A_480, %mul3A_827 : i32
          %add3A_829 = arith.constant 2944 : i32
          %add3A_830 = arith.addi %add3A_829, %mul3A_828 : i32
          %get3A_831 = arith.index_cast %add3A_830 : i32 to index
          %get3A_832 = tpu.vector_load %arg11[%get3A_831] {strides = array<i32>} : memref<4096xf32, #tpu.memory_space<vmem>>, vector<16xf32>,
          %gather3A_833 = tpu.vector_load_idx %arg10[%broadcast_in_dim3A_470, %add3A_484, %and3A_826] : memref<21x128x32xf32, #tpu.memory_space<vmem>>[vector<16xi32>, vector<16xi32>, vector<16xi32>], vector<16xf32>,
          %mul3A_834 = arith.mulf %get3A_832, %gather3A_833 : vector<16xf32>
          %add3A_835 = arith.addf %add3A_820, %mul3A_834 : vector<16xf32>
          %add3A_836 = arith.constant 24 : i32
          %add3A_837 = vector.broadcast %add3A_836 : i32 to vector<16xi32>
          %add3A_838 = arith.addi %iota3A, %add3A_837 : vector<16xi32>
          %and3A_839 = arith.constant 31 : i32
          %and3A_840 = vector.broadcast %and3A_839 : i32 to vector<16xi32>
          %and3A_841 = arith.andi %add3A_838, %and3A_840 : vector<16xi32>
          %mul3A_842 = arith.constant 16 : i32
          %mul3A_843 = arith.muli %add3A_480, %mul3A_842 : i32
          %add3A_844 = arith.constant 3072 : i32
          %add3A_845 = arith.addi %add3A_844, %mul3A_843 : i32
          %get3A_846 = arith.index_cast %add3A_845 : i32 to index
          %get3A_847 = tpu.vector_load %arg11[%get3A_846] {strides = array<i32>} : memref<4096xf32, #tpu.memory_space<vmem>>, vector<16xf32>,
          %gather3A_848 = tpu.vector_load_idx %arg10[%broadcast_in_dim3A_470, %add3A_484, %and3A_841] : memref<21x128x32xf32, #tpu.memory_space<vmem>>[vector<16xi32>, vector<16xi32>, vector<16xi32>], vector<16xf32>,
          %mul3A_849 = arith.mulf %get3A_847, %gather3A_848 : vector<16xf32>
          %add3A_850 = arith.addf %add3A_835, %mul3A_849 : vector<16xf32>
          %add3A_851 = arith.constant 25 : i32
          %add3A_852 = vector.broadcast %add3A_851 : i32 to vector<16xi32>
          %add3A_853 = arith.addi %iota3A, %add3A_852 : vector<16xi32>
          %and3A_854 = arith.constant 31 : i32
          %and3A_855 = vector.broadcast %and3A_854 : i32 to vector<16xi32>
          %and3A_856 = arith.andi %add3A_853, %and3A_855 : vector<16xi32>
          %mul3A_857 = arith.constant 16 : i32
          %mul3A_858 = arith.muli %add3A_480, %mul3A_857 : i32
          %add3A_859 = arith.constant 3200 : i32
          %add3A_860 = arith.addi %add3A_859, %mul3A_858 : i32
          %get3A_861 = arith.index_cast %add3A_860 : i32 to index
          %get3A_862 = tpu.vector_load %arg11[%get3A_861] {strides = array<i32>} : memref<4096xf32, #tpu.memory_space<vmem>>, vector<16xf32>,
          %gather3A_863 = tpu.vector_load_idx %arg10[%broadcast_in_dim3A_470, %add3A_484, %and3A_856] : memref<21x128x32xf32, #tpu.memory_space<vmem>>[vector<16xi32>, vector<16xi32>, vector<16xi32>], vector<16xf32>,
          %mul3A_864 = arith.mulf %get3A_862, %gather3A_863 : vector<16xf32>
          %add3A_865 = arith.addf %add3A_850, %mul3A_864 : vector<16xf32>
          %add3A_866 = arith.constant 26 : i32
          %add3A_867 = vector.broadcast %add3A_866 : i32 to vector<16xi32>
          %add3A_868 = arith.addi %iota3A, %add3A_867 : vector<16xi32>
          %and3A_869 = arith.constant 31 : i32
          %and3A_870 = vector.broadcast %and3A_869 : i32 to vector<16xi32>
          %and3A_871 = arith.andi %add3A_868, %and3A_870 : vector<16xi32>
          %mul3A_872 = arith.constant 16 : i32
          %mul3A_873 = arith.muli %add3A_480, %mul3A_872 : i32
          %add3A_874 = arith.constant 3328 : i32
          %add3A_875 = arith.addi %add3A_874, %mul3A_873 : i32
          %get3A_876 = arith.index_cast %add3A_875 : i32 to index
          %get3A_877 = tpu.vector_load %arg11[%get3A_876] {strides = array<i32>} : memref<4096xf32, #tpu.memory_space<vmem>>, vector<16xf32>,
          %gather3A_878 = tpu.vector_load_idx %arg10[%broadcast_in_dim3A_470, %add3A_484, %and3A_871] : memref<21x128x32xf32, #tpu.memory_space<vmem>>[vector<16xi32>, vector<16xi32>, vector<16xi32>], vector<16xf32>,
          %mul3A_879 = arith.mulf %get3A_877, %gather3A_878 : vector<16xf32>
          %add3A_880 = arith.addf %add3A_865, %mul3A_879 : vector<16xf32>
          %add3A_881 = arith.constant 27 : i32
          %add3A_882 = vector.broadcast %add3A_881 : i32 to vector<16xi32>
          %add3A_883 = arith.addi %iota3A, %add3A_882 : vector<16xi32>
          %and3A_884 = arith.constant 31 : i32
          %and3A_885 = vector.broadcast %and3A_884 : i32 to vector<16xi32>
          %and3A_886 = arith.andi %add3A_883, %and3A_885 : vector<16xi32>
          %mul3A_887 = arith.constant 16 : i32
          %mul3A_888 = arith.muli %add3A_480, %mul3A_887 : i32
          %add3A_889 = arith.constant 3456 : i32
          %add3A_890 = arith.addi %add3A_889, %mul3A_888 : i32
          %get3A_891 = arith.index_cast %add3A_890 : i32 to index
          %get3A_892 = tpu.vector_load %arg11[%get3A_891] {strides = array<i32>} : memref<4096xf32, #tpu.memory_space<vmem>>, vector<16xf32>,
          %gather3A_893 = tpu.vector_load_idx %arg10[%broadcast_in_dim3A_470, %add3A_484, %and3A_886] : memref<21x128x32xf32, #tpu.memory_space<vmem>>[vector<16xi32>, vector<16xi32>, vector<16xi32>], vector<16xf32>,
          %mul3A_894 = arith.mulf %get3A_892, %gather3A_893 : vector<16xf32>
          %add3A_895 = arith.addf %add3A_880, %mul3A_894 : vector<16xf32>
          %add3A_896 = arith.constant 28 : i32
          %add3A_897 = vector.broadcast %add3A_896 : i32 to vector<16xi32>
          %add3A_898 = arith.addi %iota3A, %add3A_897 : vector<16xi32>
          %and3A_899 = arith.constant 31 : i32
          %and3A_900 = vector.broadcast %and3A_899 : i32 to vector<16xi32>
          %and3A_901 = arith.andi %add3A_898, %and3A_900 : vector<16xi32>
          %mul3A_902 = arith.constant 16 : i32
          %mul3A_903 = arith.muli %add3A_480, %mul3A_902 : i32
          %add3A_904 = arith.constant 3584 : i32
          %add3A_905 = arith.addi %add3A_904, %mul3A_903 : i32
          %get3A_906 = arith.index_cast %add3A_905 : i32 to index
          %get3A_907 = tpu.vector_load %arg11[%get3A_906] {strides = array<i32>} : memref<4096xf32, #tpu.memory_space<vmem>>, vector<16xf32>,
          %gather3A_908 = tpu.vector_load_idx %arg10[%broadcast_in_dim3A_470, %add3A_484, %and3A_901] : memref<21x128x32xf32, #tpu.memory_space<vmem>>[vector<16xi32>, vector<16xi32>, vector<16xi32>], vector<16xf32>,
          %mul3A_909 = arith.mulf %get3A_907, %gather3A_908 : vector<16xf32>
          %add3A_910 = arith.addf %add3A_895, %mul3A_909 : vector<16xf32>
          %add3A_911 = arith.constant 29 : i32
          %add3A_912 = vector.broadcast %add3A_911 : i32 to vector<16xi32>
          %add3A_913 = arith.addi %iota3A, %add3A_912 : vector<16xi32>
          %and3A_914 = arith.constant 31 : i32
          %and3A_915 = vector.broadcast %and3A_914 : i32 to vector<16xi32>
          %and3A_916 = arith.andi %add3A_913, %and3A_915 : vector<16xi32>
          %mul3A_917 = arith.constant 16 : i32
          %mul3A_918 = arith.muli %add3A_480, %mul3A_917 : i32
          %add3A_919 = arith.constant 3712 : i32
          %add3A_920 = arith.addi %add3A_919, %mul3A_918 : i32
          %get3A_921 = arith.index_cast %add3A_920 : i32 to index
          %get3A_922 = tpu.vector_load %arg11[%get3A_921] {strides = array<i32>} : memref<4096xf32, #tpu.memory_space<vmem>>, vector<16xf32>,
          %gather3A_923 = tpu.vector_load_idx %arg10[%broadcast_in_dim3A_470, %add3A_484, %and3A_916] : memref<21x128x32xf32, #tpu.memory_space<vmem>>[vector<16xi32>, vector<16xi32>, vector<16xi32>], vector<16xf32>,
          %mul3A_924 = arith.mulf %get3A_922, %gather3A_923 : vector<16xf32>
          %add3A_925 = arith.addf %add3A_910, %mul3A_924 : vector<16xf32>
          %add3A_926 = arith.constant 30 : i32
          %add3A_927 = vector.broadcast %add3A_926 : i32 to vector<16xi32>
          %add3A_928 = arith.addi %iota3A, %add3A_927 : vector<16xi32>
          %and3A_929 = arith.constant 31 : i32
          %and3A_930 = vector.broadcast %and3A_929 : i32 to vector<16xi32>
          %and3A_931 = arith.andi %add3A_928, %and3A_930 : vector<16xi32>
          %mul3A_932 = arith.constant 16 : i32
          %mul3A_933 = arith.muli %add3A_480, %mul3A_932 : i32
          %add3A_934 = arith.constant 3840 : i32
          %add3A_935 = arith.addi %add3A_934, %mul3A_933 : i32
          %get3A_936 = arith.index_cast %add3A_935 : i32 to index
          %get3A_937 = tpu.vector_load %arg11[%get3A_936] {strides = array<i32>} : memref<4096xf32, #tpu.memory_space<vmem>>, vector<16xf32>,
          %gather3A_938 = tpu.vector_load_idx %arg10[%broadcast_in_dim3A_470, %add3A_484, %and3A_931] : memref<21x128x32xf32, #tpu.memory_space<vmem>>[vector<16xi32>, vector<16xi32>, vector<16xi32>], vector<16xf32>,
          %mul3A_939 = arith.mulf %get3A_937, %gather3A_938 : vector<16xf32>
          %add3A_940 = arith.addf %add3A_925, %mul3A_939 : vector<16xf32>
          %add3A_941 = arith.constant 31 : i32
          %add3A_942 = vector.broadcast %add3A_941 : i32 to vector<16xi32>
          %add3A_943 = arith.addi %iota3A, %add3A_942 : vector<16xi32>
          %and3A_944 = arith.constant 31 : i32
          %and3A_945 = vector.broadcast %and3A_944 : i32 to vector<16xi32>
          %and3A_946 = arith.andi %add3A_943, %and3A_945 : vector<16xi32>
          %mul3A_947 = arith.constant 16 : i32
          %mul3A_948 = arith.muli %add3A_480, %mul3A_947 : i32
          %add3A_949 = arith.constant 3968 : i32
          %add3A_950 = arith.addi %add3A_949, %mul3A_948 : i32
          %get3A_951 = arith.index_cast %add3A_950 : i32 to index
          %get3A_952 = tpu.vector_load %arg11[%get3A_951] {strides = array<i32>} : memref<4096xf32, #tpu.memory_space<vmem>>, vector<16xf32>,
          %gather3A_953 = tpu.vector_load_idx %arg10[%broadcast_in_dim3A_470, %add3A_484, %and3A_946] : memref<21x128x32xf32, #tpu.memory_space<vmem>>[vector<16xi32>, vector<16xi32>, vector<16xi32>], vector<16xf32>,
          %mul3A_954 = arith.mulf %get3A_952, %gather3A_953 : vector<16xf32>
          %add3A_955 = arith.addf %add3A_940, %mul3A_954 : vector<16xf32>
          %jit3A = arith.constant -4.000000e+00 : f32
          %jit3A_956 = arith.constant 4.000000e+00 : f32
          %max3A = vector.broadcast %jit3A : f32 to vector<16xf32>
          %max3A_957 = arith.maximumf %max3A, %add3A_955 : vector<16xf32>
          %min3A = vector.broadcast %jit3A_956 : f32 to vector<16xf32>
          %min3A_958 = arith.minimumf %min3A, %max3A_957 : vector<16xf32>
          %mul3A_959 = arith.constant 16 : i32
          %mul3A_960 = arith.muli %add3A_480, %mul3A_959 : i32
          %get3A_961 = arith.index_cast %mul3A_960 : i32 to index
          %get3A_962 = tpu.vector_load %arg12[%get3A_961] {strides = array<i32>} : memref<128xf32, #tpu.memory_space<vmem>>, vector<16xf32>,
          %exp3A = math.exp %min3A_958 : vector<16xf32>
          %add3A_963 = arith.constant 1.000000e+00 : f32
          %add3A_964 = vector.broadcast %add3A_963 : f32 to vector<16xf32>
          %add3A_965 = arith.addf %add3A_964, %exp3A : vector<16xf32>
          %bitcast_convert_type3A = tpu.bitcast %add3A_965 : vector<16xf32> -> vector<16xi32>
          %shift_right_arithmetic3A = arith.constant 23 : i32
          %shift_right_arithmetic3A_966 = vector.broadcast %shift_right_arithmetic3A : i32 to vector<16xi32>
          %shift_right_arithmetic3A_967 = arith.shrsi %bitcast_convert_type3A, %shift_right_arithmetic3A_966 : vector<16xi32>
          %sub3A = arith.constant 127 : i32
          %sub3A_968 = vector.broadcast %sub3A : i32 to vector<16xi32>
          %sub3A_969 = arith.subi %shift_right_arithmetic3A_967, %sub3A_968 : vector<16xi32>
          %convert_element_type3A = arith.sitofp %sub3A_969 : vector<16xi32> to vector<16xf32>
          %and3A_970 = arith.constant 8388607 : i32
          %and3A_971 = vector.broadcast %and3A_970 : i32 to vector<16xi32>
          %and3A_972 = arith.andi %bitcast_convert_type3A, %and3A_971 : vector<16xi32>
          %or3A = arith.constant 1065353216 : i32
          %or3A_973 = vector.broadcast %or3A : i32 to vector<16xi32>
          %or3A_974 = arith.ori %and3A_972, %or3A_973 : vector<16xi32>
          %bitcast_convert_type3A_975 = tpu.bitcast %or3A_974 : vector<16xi32> -> vector<16xf32>
          %mul3A_976 = arith.constant 0.693147182 : f32
          %mul3A_977 = vector.broadcast %mul3A_976 : f32 to vector<16xf32>
          %mul3A_978 = arith.mulf %convert_element_type3A, %mul3A_977 : vector<16xf32>
          %mul3A_979 = arith.constant -0.0170296114 : f32
          %mul3A_980 = vector.broadcast %mul3A_979 : f32 to vector<16xf32>
          %mul3A_981 = arith.mulf %mul3A_980, %bitcast_convert_type3A_975 : vector<16xf32>
          %add3A_982 = arith.constant 0.183700845 : f32
          %add3A_983 = vector.broadcast %add3A_982 : f32 to vector<16xf32>
          %add3A_984 = arith.addf %mul3A_981, %add3A_983 : vector<16xf32>
          %mul3A_985 = arith.mulf %add3A_984, %bitcast_convert_type3A_975 : vector<16xf32>
          %add3A_986 = arith.constant -0.85207957 : f32
          %add3A_987 = vector.broadcast %add3A_986 : f32 to vector<16xf32>
          %add3A_988 = arith.addf %mul3A_985, %add3A_987 : vector<16xf32>
          %mul3A_989 = arith.mulf %add3A_988, %bitcast_convert_type3A_975 : vector<16xf32>
          %add3A_990 = arith.constant 2.22694349 : f32
          %add3A_991 = vector.broadcast %add3A_990 : f32 to vector<16xf32>
          %add3A_992 = arith.addf %mul3A_989, %add3A_991 : vector<16xf32>
          %mul3A_993 = arith.mulf %add3A_992, %bitcast_convert_type3A_975 : vector<16xf32>
          %add3A_994 = arith.constant -3.64712048 : f32
          %add3A_995 = vector.broadcast %add3A_994 : f32 to vector<16xf32>
          %add3A_996 = arith.addf %mul3A_993, %add3A_995 : vector<16xf32>
          %mul3A_997 = arith.mulf %add3A_996, %bitcast_convert_type3A_975 : vector<16xf32>
          %add3A_998 = arith.constant 4.205235 : f32
          %add3A_999 = vector.broadcast %add3A_998 : f32 to vector<16xf32>
          %add3A_1000 = arith.addf %mul3A_997, %add3A_999 : vector<16xf32>
          %mul3A_1001 = arith.mulf %add3A_1000, %bitcast_convert_type3A_975 : vector<16xf32>
          %add3A_1002 = arith.constant -2.09964776 : f32
          %add3A_1003 = vector.broadcast %add3A_1002 : f32 to vector<16xf32>
          %add3A_1004 = arith.addf %mul3A_1001, %add3A_1003 : vector<16xf32>
          %add3A_1005 = arith.addf %mul3A_978, %add3A_1004 : vector<16xf32>
          %add3A_1006 = arith.addf %get3A_962, %add3A_1005 : vector<16xf32>
          %mul3A_1007 = arith.constant 16 : i32
          %mul3A_1008 = arith.muli %add3A_480, %mul3A_1007 : i32
          %swap3A = arith.index_cast %mul3A_1008 : i32 to index
          %swap3A_1009 = tpu.vector_load %arg12[%swap3A] {strides = array<i32>} : memref<128xf32, #tpu.memory_space<vmem>>, vector<16xf32>,
          tpu.vector_store %arg12[%swap3A], %add3A_1006 {strides = array<i32>} : memref<128xf32, #tpu.memory_space<vmem>>, vector<16xf32>,
        }
        %scan3A_475 = arith.constant 8 : i32
      }
      %scan3A_464 = arith.constant 10 : i32
      "tpu.region"() ({
        %run_scoped3A = tpu.sem_alloc : memref<!tpu.dma_semaphore, #tpu.memory_space<semaphore_mem>>
        %dma_start3A_465 = tpu.memref_slice %arg6[%add3A_14] : memref<16384xf32, #tpu.memory_space<hbm>> -> memref<128xf32, #tpu.memory_space<hbm>>
        %dma_start3A_466 = tpu.memref_slice %arg6[%add3A_14] : memref<16384xf32, #tpu.memory_space<hbm>> -> memref<128xf32, #tpu.memory_space<hbm>>
        tpu.enqueue_dma source(%arg12 : memref<128xf32, #tpu.memory_space<vmem>>) target(%dma_start3A_466 : memref<128xf32, #tpu.memory_space<hbm>>) target_semaphore(%run_scoped3A : memref<!tpu.dma_semaphore, #tpu.memory_space<semaphore_mem>>)
        %dma_wait3A_467 = tpu.memref_slice %arg6[%add3A_14] : memref<16384xf32, #tpu.memory_space<hbm>> -> memref<128xf32, #tpu.memory_space<hbm>>
        %dma_wait3A_468 = tpu.memref_slice %arg6[%add3A_14] : memref<16384xf32, #tpu.memory_space<hbm>> -> memref<128xf32, #tpu.memory_space<hbm>>
        tpu.wait_dma2 semaphore(%run_scoped3A : memref<!tpu.dma_semaphore, #tpu.memory_space<semaphore_mem>>) src(%arg12 : memref<128xf32, #tpu.memory_space<vmem>>) dst(%dma_wait3A_468 : memref<128xf32, #tpu.memory_space<hbm>>)
        tpu.yield
      }) : () -> ()
    }
    %scan3A_6 = arith.constant 4 : i32
    return
  }
}

module attributes {stable_mosaic.version = 14 : i64} {
  func.func @_pack_body(%arg0: i32, %arg1: memref<32x8192xf32, #tpu.memory_space<vmem>>, %arg2: memref<32x8192xf32, #tpu.memory_space<vmem>>, %arg3: memref<32x8192xf32, #tpu.memory_space<vmem>>, %arg4: memref<32x8192xf32, #tpu.memory_space<vmem>>, %arg5: memref<8192x128xf32, #tpu.memory_space<vmem>>) attributes {dimension_semantics = [#tpu.dimension_semantics<parallel>], iteration_bounds = array<i64: 33>, scalar_prefetch = 0 : i64, scratch_operands = 0 : i64, tpu.core_type = #tpu.core_type<tc>, window_params = [{transform_indices = @transform_0, window_bounds = array<i64: 32, 8192>}, {transform_indices = @transform_1, window_bounds = array<i64: 32, 8192>}, {transform_indices = @transform_2, window_bounds = array<i64: 32, 8192>}, {transform_indices = @transform_3, window_bounds = array<i64: 32, 8192>}, {transform_indices = @transform_4, window_bounds = array<i64: 8192, 128>}]} {
    %get3A = arith.constant 0 : index
    %get3A_0 = arith.constant 0 : index
    %get3A_1 = vector.load %arg1[%get3A, %get3A_0] : memref<32x8192xf32, #tpu.memory_space<vmem>>, vector<32x8192xf32>
    %convert_element_type3A = arith.truncf %get3A_1 : vector<32x8192xf32> to vector<32x8192xbf16>
    %transpose3A = tpu.transpose %convert_element_type3A, [1, 0] : vector<32x8192xbf16> -> vector<8192x32xbf16>
    %convert_element_type3A_2 = arith.extf %transpose3A : vector<8192x32xbf16> to vector<8192x32xf32>
    %swap3A = arith.constant 0 : index
    %swap3A_3 = arith.constant 0 : index
    %swap3A_4 = vector.load %arg5[%swap3A, %swap3A_3] : memref<8192x128xf32, #tpu.memory_space<vmem>>, vector<8192x32xf32>
    tpu.vector_store %arg5[%swap3A, %swap3A_3], %convert_element_type3A_2 {strides = array<i32>} : memref<8192x128xf32, #tpu.memory_space<vmem>>, vector<8192x32xf32>,
    %get3A_5 = arith.constant 0 : index
    %get3A_6 = arith.constant 0 : index
    %get3A_7 = vector.load %arg2[%get3A_5, %get3A_6] : memref<32x8192xf32, #tpu.memory_space<vmem>>, vector<32x8192xf32>
    %convert_element_type3A_8 = arith.truncf %get3A_7 : vector<32x8192xf32> to vector<32x8192xbf16>
    %transpose3A_9 = tpu.transpose %convert_element_type3A_8, [1, 0] : vector<32x8192xbf16> -> vector<8192x32xbf16>
    %convert_element_type3A_10 = arith.extf %transpose3A_9 : vector<8192x32xbf16> to vector<8192x32xf32>
    %swap3A_11 = arith.constant 0 : index
    %swap3A_12 = arith.constant 32 : index
    %swap3A_13 = vector.load %arg5[%swap3A_11, %swap3A_12] : memref<8192x128xf32, #tpu.memory_space<vmem>>, vector<8192x32xf32>
    tpu.vector_store %arg5[%swap3A_11, %swap3A_12], %convert_element_type3A_10 {strides = array<i32>} : memref<8192x128xf32, #tpu.memory_space<vmem>>, vector<8192x32xf32>,
    %get3A_14 = arith.constant 0 : index
    %get3A_15 = arith.constant 0 : index
    %get3A_16 = vector.load %arg3[%get3A_14, %get3A_15] : memref<32x8192xf32, #tpu.memory_space<vmem>>, vector<32x8192xf32>
    %convert_element_type3A_17 = arith.truncf %get3A_16 : vector<32x8192xf32> to vector<32x8192xbf16>
    %transpose3A_18 = tpu.transpose %convert_element_type3A_17, [1, 0] : vector<32x8192xbf16> -> vector<8192x32xbf16>
    %convert_element_type3A_19 = arith.extf %transpose3A_18 : vector<8192x32xbf16> to vector<8192x32xf32>
    %swap3A_20 = arith.constant 0 : index
    %swap3A_21 = arith.constant 64 : index
    %swap3A_22 = vector.load %arg5[%swap3A_20, %swap3A_21] : memref<8192x128xf32, #tpu.memory_space<vmem>>, vector<8192x32xf32>
    tpu.vector_store %arg5[%swap3A_20, %swap3A_21], %convert_element_type3A_19 {strides = array<i32>} : memref<8192x128xf32, #tpu.memory_space<vmem>>, vector<8192x32xf32>,
    %get3A_23 = arith.constant 0 : index
    %get3A_24 = arith.constant 0 : index
    %get3A_25 = vector.load %arg4[%get3A_23, %get3A_24] : memref<32x8192xf32, #tpu.memory_space<vmem>>, vector<32x8192xf32>
    %convert_element_type3A_26 = arith.truncf %get3A_25 : vector<32x8192xf32> to vector<32x8192xbf16>
    %transpose3A_27 = tpu.transpose %convert_element_type3A_26, [1, 0] : vector<32x8192xbf16> -> vector<8192x32xbf16>
    %convert_element_type3A_28 = arith.extf %transpose3A_27 : vector<8192x32xbf16> to vector<8192x32xf32>
    %swap3A_29 = arith.constant 0 : index
    %swap3A_30 = arith.constant 96 : index
    %swap3A_31 = vector.load %arg5[%swap3A_29, %swap3A_30] : memref<8192x128xf32, #tpu.memory_space<vmem>>, vector<8192x32xf32>
    tpu.vector_store %arg5[%swap3A_29, %swap3A_30], %convert_element_type3A_28 {strides = array<i32>} : memref<8192x128xf32, #tpu.memory_space<vmem>>, vector<8192x32xf32>,
    return
  }
  func.func @transform_0(%arg0: i32) -> (i32, i32) {
    %add3A = arith.constant 0 : i32
    %add3A_0 = arith.addi %add3A, %arg0 : i32
    %c0_i32 = arith.constant 0 : i32
    %c0_i32_1 = arith.constant 0 : i32
    return %c0_i32, %add3A_0 : i32, i32
  }
  func.func @transform_1(%arg0: i32) -> (i32, i32) {
    %add3A = arith.constant 30 : i32
    %add3A_0 = arith.addi %add3A, %arg0 : i32
    %c0_i32 = arith.constant 0 : i32
    %c0_i32_1 = arith.constant 0 : i32
    return %c0_i32, %add3A_0 : i32, i32
  }
  func.func @transform_2(%arg0: i32) -> (i32, i32) {
    %add3A = arith.constant 60 : i32
    %add3A_0 = arith.addi %add3A, %arg0 : i32
    %c0_i32 = arith.constant 0 : i32
    %c0_i32_1 = arith.constant 0 : i32
    return %c0_i32, %add3A_0 : i32, i32
  }
  func.func @transform_3(%arg0: i32) -> (i32, i32) {
    %add3A = arith.constant 90 : i32
    %add3A_0 = arith.addi %add3A, %arg0 : i32
    %c0_i32 = arith.constant 0 : i32
    %c0_i32_1 = arith.constant 0 : i32
    return %c0_i32, %add3A_0 : i32, i32
  }
  func.func @transform_4(%arg0: i32) -> (i32, i32) {
    %c0_i32 = arith.constant 0 : i32
    %c0_i32_0 = arith.constant 0 : i32
    return %arg0, %c0_i32 : i32, i32
  }
}

</mosaic_0001>

<sc_bundles>
// kernel: kernel.5.cloned.1.call-start
scs
__scs_entry_jumppad:
0x0: {  	(pc) =	sbr.rel $0x88, $3  }
0x1: {  	(tag) =	ssettag $0x0;
	lr =	simm.s32 $0x1  }
0x2: {  	[smem:$0x3F9C] =	sst lr;
	_ =	strace $0xD0000000  }
0x3: {  	_ = 	snop  }
0x4: {  	_ = 	snop  }
0x5: {  	_ = 	snop  }
0x6: {  	_ = 	snop  }
0x7: {  	_ = 	snop  }
__scs_overlays_trampoline_lowered:
0x8: {  	[smem:$0x3FAB] =	sst s0  }
0x9: {  	[smem:$0x3FAC] =	sst s1  }
0xa: {  	[smem:$0x3FAD] =	sst s2  }
0xb: {  	[smem:$0x3FAE] =	sst s3  }
0xc: {  	[smem:$0x3FAF] =	sst s4  }
0xd: {  	[smem:$0x3FB0] =	sst s5  }
0xe: {  	[smem:$0x3FB1] =	sst s6  }
0xf: {  	[smem:$0x3FB2] =	sst s7  }
0x10: {  	[smem:$0x3FB3] =	sst s8  }
0x11: {  	[smem:$0x3FB4] =	sst s9;
	s0 =	simm.s32 @!p0 $0x0  }
0x12: {  	s1 =	sld [smem:$0x3F9A];
	s0 =	simm.s32 @p0 $0x1  }
0x13: {  	[smem:$0x3FB5] =	sst s0;
	s0 =	simm.s32 @!p1 $0x0  }
0x14: {  	s2 =	sld [smem:$0x3F99];
	s0 =	simm.s32 @p1 $0x1  }
0x15: {  	[smem:$0x3FB6] =	sst s0;
	s0 =	simm.s32 @!p2 $0x0  }
0x16: {  	s3 =	sld [smem:$0x3FDB];
	s0 =	simm.s32 @p2 $0x1  }
0x17: {  	s4 =	simm.s32 $0x1BF5;
	[smem:$0x3FB8] =	sst s0  }
0x18: {  	s0 =	sld [smem:$0x3F9B];
	_ =	swait.ge [sflag:s4], $0x0  }
0x19: {  	s7 =	sld [smem:$0x3F9C]  }
0x1a: {  	s8 =	sadd.s32 $0xFFFFE003, lr  }
0x1b: {  	s9 =	sadd.s32 $0xFFFFFEF7, lr;
	s5 =	simm.s32 $0xFFFFFFFF;
	p2 =	slt.u32 s8, $0xFFFFF086  }
0x1c: {  	p1 =	slt.u32 s9, $0xF7A;
	s5 =	simm.s32 @!p2 $0x0  }
0x1d: {  	s5 =	simm.s32 @p1 $0x1;
	p0 =	seq.s32 s7, s2  }
0x1e: {  	s7 =	smul.u32 @!p0 $0xF7A, s2;
	p2 =	seq.s32 @!p0 s5, $0x0  }
0x1f: {  	s9 =	smul.u32 $0xF7A, s1;
	s8 =	simm.s32 @!p0 $0x1BF5;
	p2 =	por !p2, p0  }
0x20: {  	[sflag:s8] =	ssyncset.s32 @!p0 $0xFFFFF086;
	s6 =	sadd.s32 @!p0 s3, s7;
	s7 =	simm.s32 @!p0 $0x108  }
0x21: {  	s3 =	sadd.s32 s3, s9;
	s6 =	sadd.s32 @!p0 $0x88, s6;
	s7 =	simm.s32 @p2 $0x1082  }
0x22: {  	[simem:s7], [sflag:s8] =	dma.local @!p0 [hbm:s6], $0xF7A  }
0x23: {  	s9 =	sor.u32 $0xD0000000, s2;
	s6 =	simm.s32 $0x108;
	_ =	swait.ge @!p0 [sflag:s8], $0x0  }
0x24: {  	s3 =	sadd.s32 $0x88, s3;
	s6 =	simm.s32 @!p1 $0x1082;
	[sflag:s4] =	ssyncset.s32 $0xFFFFF086  }
0x25: {  	[simem:s6], [sflag:s4] =	dma.local [hbm:s3], $0xF7A  }
0x26: {  	[smem:$0x3F9C] =	sst s1;
	(tag) =	ssettag s2;
	_ =	strace s9  }
0x27: {  	s1 =	sld [smem:$0x3FAC]  }
0x28: {  	s2 =	sld [smem:$0x3FAD]  }
0x29: {  	s4 =	sld [smem:$0x3FAF]  }
0x2a: {  	p0 =	seq.s32 s5, $0x0;
	s5 =	sld [smem:$0x3FB0]  }
0x2b: {  	s6 =	sld [smem:$0x3FB1]  }
0x2c: {  	s7 =	sld [smem:$0x3FB2]  }
0x2d: {  	s3 =	simm.s32 $0x108;
	s8 =	sld [smem:$0x3FB3]  }
0x2e: {  	s3 =	simm.s32 @!p0 $0x1082;
	s9 =	sld [smem:$0x3FB4]  }
0x2f: {  	lr =	sadd.s32 s0, s3;
	s0 =	sld [smem:$0x3FAB]  }
0x30: {  	s3 =	sld [smem:$0x3FAE]  }
0x31: {  	[smem:$0x3FB7] =	sst s10  }
0x32: {  	s10 =	sld [smem:$0x3FB5];
	_ =	sdelay $0x3  }
0x33: {  	p0 =	seq.s32 s10, $0x1;
	s10 =	sld [smem:$0x3FB7];
	_ =	sdelay $0x3  }
0x34: {  	[smem:$0x3FB7] =	sst s10  }
0x35: {  	s10 =	sld [smem:$0x3FB6];
	_ =	sdelay $0x3  }
0x36: {  	p1 =	seq.s32 s10, $0x1;
	s10 =	sld [smem:$0x3FB7];
	_ =	sdelay $0x3  }
0x37: {  	[smem:$0x3FB7] =	sst s10  }
0x38: {  	s10 =	sld [smem:$0x3FB8]  }
0x39: {  	_ = 	snop;
	(pc) =	sbr.ind lr, $3  }
0x3a: {  	_ = 	snop  }
0x3b: {  	_ = 	snop  }
0x3c: {  	p2 =	seq.s32 s10, $0x1;
	s10 =	sld [smem:$0x3FB7]  }
0x3d: {  	_ =	shalt  }
0x3e: {  	_ =	shalt  }
0x3f: {  	_ =	shalt  }
0x40: {  	_ =	shalt  }
0x41: {  	_ =	shalt  }
0x42: {  	_ =	shalt  }
0x43: {  	_ =	shalt  }
0x44: {  	_ =	shalt  }
0x45: {  	_ =	shalt  }
0x46: {  	_ =	shalt  }
0x47: {  	_ =	shalt  }
0x48: {  	_ =	shalt  }
0x49: {  	_ =	shalt  }
0x4a: {  	_ =	shalt  }
0x4b: {  	_ =	shalt  }
0x4c: {  	_ =	shalt  }
0x4d: {  	_ =	shalt  }
0x4e: {  	_ =	shalt  }
0x4f: {  	_ =	shalt  }
0x50: {  	_ =	shalt  }
0x51: {  	_ =	shalt  }
0x52: {  	_ =	shalt  }
0x53: {  	_ =	shalt  }
0x54: {  	_ =	shalt  }
0x55: {  	_ =	shalt  }
0x56: {  	_ =	shalt  }
0x57: {  	_ =	shalt  }
0x58: {  	_ =	shalt  }
0x59: {  	_ =	shalt  }
0x5a: {  	_ =	shalt  }
0x5b: {  	_ =	shalt  }
0x5c: {  	_ =	shalt  }
0x5d: {  	_ =	shalt  }
0x5e: {  	_ =	shalt  }
0x5f: {  	_ =	shalt  }
0x60: {  	_ =	shalt  }
0x61: {  	_ =	shalt  }
0x62: {  	_ =	shalt  }
0x63: {  	_ =	shalt  }
0x64: {  	_ =	shalt  }
0x65: {  	_ =	shalt  }
0x66: {  	_ =	shalt  }
0x67: {  	_ =	shalt  }
0x68: {  	_ =	shalt  }
0x69: {  	_ =	shalt  }
0x6a: {  	_ =	shalt  }
0x6b: {  	_ =	shalt  }
0x6c: {  	_ =	shalt  }
0x6d: {  	_ =	shalt  }
0x6e: {  	_ =	shalt  }
0x6f: {  	_ =	shalt  }
0x70: {  	_ =	shalt  }
0x71: {  	_ =	shalt  }
0x72: {  	_ =	shalt  }
0x73: {  	_ =	shalt  }
0x74: {  	_ =	shalt  }
0x75: {  	_ =	shalt  }
0x76: {  	_ =	shalt  }
0x77: {  	_ =	shalt  }
0x78: {  	_ =	shalt  }
0x79: {  	_ =	shalt  }
0x7a: {  	_ =	shalt  }
0x7b: {  	_ =	shalt  }
0x7c: {  	_ =	shalt  }
0x7d: {  	_ =	shalt  }
0x7e: {  	_ =	shalt  }
0x7f: {  	_ =	shalt  }
0x80: {  	_ =	shalt  }
0x81: {  	_ =	shalt  }
0x82: {  	_ =	shalt  }
0x83: {  	_ =	shalt  }
0x84: {  	_ =	shalt  }
0x85: {  	_ =	shalt  }
0x86: {  	_ =	shalt  }
0x87: {  	_ =	shalt  }
.Lfunc_end0:
.L_simem_size_0:
called_computation_lowered:
.L_overlay_start_0:
0x88: {  	s2 =	sld [smem:$0x3FD9]  }
0x89: {  	s3 =	sld [smem:$0x3FFE];
	_ =	sdelay $0x1  }
0x8a: {  	s1 =	srdreg.scid  }
0x8b: {  	s0 =	sand.u32 $0x1, s1  }
0x8c: {  	s17 =	sshll.u32 s0, $0xA;
	s2 =	sadd.s32 s3, s2  }
0x8d: {  	s2 =	sadd.s32 s2, s17  }
0x8e: {  	[smem:$0x3FC3] =	sst s2  }
0x8f: {  	_ = 	snop  }
0x90: {  	s2 =	sld [smem:$0x3FD0];
	(tm) =	ssettm $0x1  }
0x91: {  	s18 =	sld [smem:$0x3FFB];
	_ =	sdelay $0x3  }
0x92: {  	_ =	strace s18  }
0x93: {  	s3 =	sld [smem:$0x3FFC];
	_ =	sdelay $0x3  }
0x94: {  	_ =	strace s3  }
0x95: {  	s3 =	sld [smem:$0x3FFD];
	_ =	sdelay $0x3  }
0x96: {  	_ =	strace s3  }
0x97: {  	_ =	strace $0x8FFFFFFF  }
0x98: {  	s19 =	sld [smem:$0x3FDB];
	_ =	sdelay $0x1  }
0x99: {  	s4 =	simm.s32 $_scs_section_size  }
0x9a: {  	s5 =	simm.s32 $_size__tile_overlayer_lowered;
	s6 =	simm.s32 $_tile_overlayer_lowered  }
0x9b: {  	s22 =	simm.s32 $0x1BFF;
	s21 =	sshll.u32 s6, $0x1;
	s3 =	sadd.s32 s4, s19  }
0x9c: {  	s7 =	simm.s32 $0x0;
	s20 =	sshll.u32 s5, $0x1;
	s5 =	sadd.s32 s21, s3  }
0x9d: {  	[timem:s7], [sflag:s22] =	dma.local [hbm:s5], s20  }
0x9e: {  	_ =	swait.ge [sflag:s22], s20  }
0x9f: {  	s4 =	ssub.s32 $0x0, s20;
	[sflag:s22] =	ssyncset.done $0x0  }
0xa0: {  	[sflag:s22] =	ssyncadd.s32 s4;
	_ =	sdelay $0x1  }
0xa1: {  	s23 =	simm.s32 $0x1B8B  }
0xa2: {  	_ =	swait.ge [sflag:s23], $0x1  }
0xa3: {  	[sflag:s23] =	ssyncset.done $0x0  }
0xa4: {  	s25 =	simm.s32 $0x1B8E;
	s24 =	sld [smem:$0x3FFE];
	[sflag:s23] =	ssyncadd.s32 $0xFFFFFFFF  }
0xa5: {  	s26 =	simm.s32 $execute0_lowered;
	[smem:$0x3FD2] =	sst s25  }
0xa6: {  	s5 =	sshll.u32 s26, $0x1;
	_ =	strace $0x80000046;
	[dreg:$0x1] =	wrdreg $0xFFFFFFFF  }
0xa7: {  	s28 =	simm.s32 $_size_execute0_lowered;
	s3 =	sadd.s32 s3, s5;
	[dreg:$0x0] =	wrdreg $0x0  }
0xa8: {  	s5 =	sshll.u32 s28, $0x1;
	[dreg:$0x2] =	wrdreg s3  }
0xa9: {  	[dreg:$0x3] =	wrdreg s5  }
0xaa: {  	[dreg:$0x4] =	wrdreg $0xC0  }
0xab: {  	_ =	task [dreg:s7], $0x5FFFF  }
0xac: {  	[dreg:$0x1] =	wrdreg $0xFFFFFFFF  }
0xad: {  	[dreg:$0x0] =	wrdreg $0x60  }
0xae: {  	[dreg:$0x2] =	wrdreg s24  }
0xaf: {  	[dreg:$0x3] =	wrdreg s2  }
0xb0: {  	[dreg:$0x4] =	wrdreg $0x9  }
0xb1: {  	_ =	task.clear_ibuf [dreg:s7], $0x5FFFF;
	_ =	strace $0x90000046  }
0xb2: {  	s29 =	simm.s32 $0x9;
	_ =	strace $0x80000048  }
0xb3: {  	_ =	swait.ge [sflag:s29], $0x1  }
0xb4: {  	[sflag:s29] =	ssyncadd.s32 $0xFFFFFFFF  }
0xb5: {  	_ =	strace $0x90000048  }
0xb6: {  	_ =	sfence  }
0xb7: {  	s30 =	sld [smem:$0x0];
	_ =	sdelay $0x2  }
0xb8: {  	s31 =	sshll.u32 s1, $0xD;
	s1 =	sshrl.u32 s1, $0x2  }
0xb9: {  	s3 =	sand.u32 $0x4000, s31;
	s1 =	sadd.s32 s1, s30  }
0xba: {  	s0 =	sor.u32 s3, s0;
	s1 =	sshll.u32 s1, $0x11  }
0xbb: {  	s0 =	sor.u32 s1, s0  }
0xbc: {  	s0 =	sadd.s32 $0x8F2B, s0  }
0xbd: {  	[sflag:s0] =	ssyncadd.remote.s32 $0x1  }
0xbe: {  	_ =	sfence.sel $0xFFFF  }
0xbf: {  	[dreg:$0x0] =	wrdreg $0xFFFFFFFF;
	(pc) =	sbr.abs _section_cstart, $3  }
0xc0: {  	[dreg:$0x1] =	wrdreg $0xFFFFFFFF  }
0xc1: {  	_ =	task.clear_ibuf [dreg:s7], $0x2FFFF;
	_ =	strace $0x9FFFFFFF  }
0xc2: {  	(tm) =	ssettm $0x7FFFFFFF  }
0xc3: {  	_ =	shalt  }
tec
execute0_lowered:
.L_overlay_start_1:
0x0: {  	(tag) =	ssettag $0x1  }
0x1: {  	v0 =	vlaneseq.u32  }
0x2: {  	v16 =	vimm.s32 $0x14131211;
	v18 =	vimm.s32 $0x1F1E1D;
	vm0 =	vcmask $0x1F10  }
0x3: {  	v19 =	vimm.s32 $0x19181716;
	v23 =	vimm.s32 $0x1001F1E;
	v27 =	vimm.s32 $0x1E1D1C1B  }
0x4: {  	v28 =	vimm.s32 $0x201001F;
	v32 =	vimm.s32 $0x3020100;
	v50 =	vimm.s32 $0x1F1E1D1C  }
0x5: {  	v33 =	vimm.s32 $0x17161514;
	v34 =	vimm.s32 $0x1B1A1918;
	v51 =	vimm.s32 $0x4030201  }
0x6: {  	v52 =	vimm.s32 $0x5040302;
	v37 =	vimm.s32 $0x6050403;
	v54 =	vimm.s32 $0xA9876543  }
0x7: {  	v55 =	vimm.s32 $0x32107654;
	vm15 =	vcmask $0x2F10;
	v56 =	vimm.s32 $0x43218765  }
0x8: {  	v57 =	vimm.s32 $0xB0A0908;
	vm1 =	vcmask $0x3F30;
	v58 =	vimm.s32 $0x54329876  }
0x9: {  	v59 =	vimm.s32 $0x6543A987;
	v60 =	vimm.s32 $0xC0B0A09;
	v61 =	vimm.s32 $0xD0C0B0A  }
0xa: {  	v63 =	vimm.s32 $0xE0D0C0B;
	v1 =	vmul.u32 $0x20, v0;
	v2 =	vadd.s32 $0x1, v0  }
0xb: {  	v3 =	vadd.s32 $0x2, v0;
	v4 =	vadd.s32 $0x3, v0;
	v5 =	vadd.s32 $0x4, v0  }
0xc: {  	v6 =	vadd.s32 $0x5, v0;
	v7 =	vadd.s32 $0x6, v0;
	v8 =	vadd.s32 $0x7, v0  }
0xd: {  	v9 =	vadd.s32 $0x8, v0;
	v10 =	vadd.s32 $0x9, v0;
	v11 =	vadd.s32 $0xA, v0  }
0xe: {  	v12 =	vadd.s32 $0xB, v0;
	v13 =	vadd.s32 $0xC, v0;
	v14 =	vadd.s32 $0xD, v0  }
0xf: {  	v15 =	vadd.s32 $0xE, v0;
	v17 =	vunpack.c.0.s8.s32 v16;
	v16 =	vimm.s32 $0x18171615  }
0x10: {  	v29 =	vunpack.c.0.s8.s32 v18;
	v18 =	vimm.s32 $0x15141312;
	v22 =	vunpack.c.0.s8.s32 v19  }
0x11: {  	v19 =	vimm.s32 $0x1D1C1B1A;
	v30 =	vunpack.c.0.s8.s32 v23;
	v23 =	vimm.s32 $0x1A191817  }
0x12: {  	v27 =	vunpack.c.0.s8.s32 v27;
	v31 =	vunpack.c.0.s8.s32 v28;
	v28 =	vunpack.c.0.s8.s32 v32  }
0x13: {  	v32 =	vunpack.c.0.s8.s32 v50;
	v33 =	vunpack.c.0.s8.s32 v33;
	v34 =	vunpack.c.0.s8.s32 v34  }
0x14: {  	v53 =	vunpack.c.0.s8.s32 v37;
	v20 =	vunpack.c.0.s8.s32 v16;
	v16 =	vimm.s32 $0x1C1B1A19  }
0x15: {  	v18 =	vunpack.c.0.s8.s32 v18;
	v24 =	vunpack.c.0.s8.s32 v19;
	v19 =	vimm.s32 $0x16151413  }
0x16: {  	v23 =	vunpack.c.0.s8.s32 v23;
	v21 =	vunpack.c.0.s8.s32 v16;
	v19 =	vunpack.c.0.s8.s32 v19  }
0x17: {  	v36 =	vsel vm0, v31, v27;
	v17 =	vsel vm0, v20, v17;
	v18 =	vsel vm0, v22, v18  }
0x18: {  	v26 =	vsel vm0, v30, v24;
	v22 =	vsel vm0, v24, v22;
	v24 =	vsel vm0, v53, v31  }
0x19: {  	v25 =	vsel vm0, v29, v21;
	v18 =	vcombine.low v18, v26;
	v35 =	vsel vm0, v23, v19  }
0x1a: {  	v19 =	vsel vm0, v28, v32;
	v28 =	vsel vm0, v34, v33;
	v21 =	vsel vm0, v21, v20  }
0x1b: {  	v33 =	vunpack.c.0.s8.s32 v52;
	v23 =	vsel vm0, v27, v23;
	v27 =	vimm.s32 $0x87654321  }
0x1c: {  	v34 =	vsel vm0, v32, v34;
	v19 =	vcombine.low v28, v19;
	v28 =	vunpack.c.0.s8.s32 v51  }
0x1d: {  	s0 =	rddreg [dreg:$0x0];
	v17 =	vcombine.low v17, v25;
	v23 =	vcombine.low v23, v24;
	v24 =	vimm.s32 $0x76543210  }
0x1e: {  	s1 =	simm.s32 $0x0;
	s23 =	srdreg.scid;
	s3 =	stileid.u32;
	v20 =	vcombine.low v35, v36;
	v24 =	vunpack.c.l.s4.s8 v24;
	v28 =	vsel vm0, v28, v29  }
0x1f: {  	s11 =	simm.s32 $0x17;
	s12 =	simm.s32 $0xB00;
	s13 =	simm.s32 $0x1B00;
	v27 =	vunpack.c.l.s4.s8 v27;
	v21 =	vcombine.low v21, v28;
	v28 =	vsel vm0, v33, v30  }
0x20: {  	s15 =	simm.s32 $0x4;
	s16 =	simm.s32 $0x5;
	s17 =	simm.s32 $0x6;
	v24 =	vunpack.c.0.s8.s32 v24;
	v22 =	vcombine.low v22, v28;
	v28 =	vimm.s32 $0x98765432  }
0x21: {  	s18 =	simm.s32 $0x7;
	s19 =	simm.s32 $0x8;
	s20 =	simm.s32 $0x9;
	v35 =	vunpack.c.l.s4.s8 v55;
	v27 =	vunpack.c.0.s8.s32 v27;
	v28 =	vunpack.c.l.s4.s8 v28  }
0x22: {  	s21 =	simm.s32 $0xA;
	s28 =	simm.s32 $0xF;
	s29 =	simm.s32 $0x10;
	v33 =	vunpack.c.l.s4.s8 v54;
	v24 =	vcombine.low v34, v24;
	v34 =	vunpack.c.l.s4.s8 v58  }
0x23: {  	s30 =	simm.s32 $0x11;
	s31 =	simm.s32 $0x12;
	s4 =	simm.s32 $0x14;
	v35 =	vunpack.c.0.s8.s32 v35;
	v27 =	vand.u32 $0xF, v27;
	v28 =	vunpack.c.0.s8.s32 v28  }
0x24: {  	s10 =	simm.s32 $0x15;
	[smem:$0x7FF] =	sst s1;
	s22 =	sadd.s32 $0xB400, s0;
	v33 =	vunpack.c.0.s8.s32 v33;
	v25 =	vcombine.low v25, v27;
	v34 =	vunpack.c.0.s8.s32 v34  }
0x25: {  	s5 =	sadd.s32 $0x42B400, s0;
	s1 =	sand.u32 $0x1, s23;
	s2 =	sadd.s32 $0x400, s0;
	v27 =	vand.u32 $0xF, v28;
	v28 =	vand.u32 $0xF, v35;
	v35 =	vunpack.c.l.s4.s8 v59  }
0x26: {  	s3 =	sshll.u32 s3, $0x1;
	_ =	strace $0x80000047;
	[dreg:$0x3] =	wrdreg s22;
	v26 =	vcombine.low v26, v27;
	v27 =	vand.u32 $0xF, v33;
	v33 =	vunpack.c.l.s4.s8 v56  }
0x27: {  	s0 =	sadd.s32 $0xC00, s0;
	s23 =	simm.s32 $0xB;
	[dreg:$0x4] =	wrdreg s2;
	v16 =	vadd.s32 $0xF, v0;
	v28 =	vsel vm15, v28, v32;
	v32 =	vunpack.c.0.s8.s32 v57  }
0x28: {  	s24 =	ssub.s32 $0x2, s1;
	[dreg:$0x5] =	wrdreg s0;
	s1 =	sor.u32 s1, s3;
	v62 =	vand.u32 $0xF, v34;
	v35 =	vunpack.c.0.s8.s32 v35;
	v33 =	vunpack.c.0.s8.s32 v33  }
0x29: {  	s22 =	simm.s32 $0x80;
	s2 =	simm.s32 $0x13;
	s26 =	sshll.u32 s1, $0x6;
	v34 =	vunpack.c.0.s8.s32 v63;
	v27 =	vcombine.low v36, v27;
	v28 =	vsel vm1, v32, v28  }
0x2a: {  	s25 =	sshrl.u32 s24, $0x1;
	s1 =	sshll.u32 s1, $0x2;
	[dreg:$0x6] =	wrdreg s26;
	v32 =	vunpack.c.0.s8.s32 v60;
	v35 =	vand.u32 $0xF, v35;
	v33 =	vand.u32 $0xF, v33  }
0x2b: {  	s3 =	simm.s32 $0x16;
	s0 =	ssub.s32 s24, s25;
	[dreg:$0x7] =	wrdreg s1;
	v35 =	vsel vm15, v35, v31;
	v29 =	vsel vm15, v33, v29;
	v33 =	vunpack.c.0.s8.s32 v61  }
0x2c: {  	s24 =	simm.s32 $0xC;
	s25 =	simm.s32 $0xD;
	s0 =	smax.u32 s0, $0x1;
	v29 =	vsel vm1, v32, v29;
	v32 =	vsel vm15, v62, v30;
	v30 =	vor.u32 $0x10, v0  }
0x2d: {  	s26 =	simm.s32 $0xE;
	s1 =	simm.s32 $0x0;
	[dreg:$0x8] =	wrdreg s0;
	v31 =	vsel vm1, v33, v32;
	v32 =	vsel vm1, v34, v35;
	v33 =	vimm.f32 $0.0e+00  }
.LBB2_1:
0x2e: {  	[dreg:$0x9] =	wrdreg s1;
	s6 =	simm.s32 $0x0  }
.LBB2_2:
0x2f: {  	s0 =	sshll.u32 s6, $0x4;
	s1 =	rddreg [dreg:$0x6]  }
0x30: {  	s9 =	rddreg [dreg:$0x4];
	s7 =	sadd.s32 s1, s0  }
0x31: {  	s14 =	rddreg [dreg:$0x7];
	s1 =	simm.s32 $0x0;
	s0 =	sadd.s32 s9, s7  }
0x32: {  	[tilespmem:s1], [sflag:$0x17] =	stream.linear.gather [hbm4b:s0+s1], $0x80, $0x38;
	[tilespmem:$0x17B80] =	vst v63  }
0x33: {  	s0 =	sadd.s32 s14, s6  }
0x34: {  	_ =	swait.ge [sflag:s11], $0x80;
	s0 =	smul.u32 $0x150, s0  }
0x35: {  	[sflag:s11] =	ssyncset.done $0x0;
	s8 =	rddreg [dreg:$0x5]  }
0x36: {  	[sflag:s11] =	ssyncadd.s32 $0xFFFFFF80;
	s0 =	sadd.s32 s8, s0  }
0x37: {  	[tilespmem:s22], [sflag:$0x17] =	stream.linear.gather [hbm4b:s0+s1], $0xA80, $0x38;
	[tilespmem:$0x17B80] =	vst v63  }
0x38: {  	_ =	swait.ge [sflag:s11], $0xA80  }
0x39: {  	[sflag:s11] =	ssyncset.done $0x0  }
0x3a: {  	s8 =	rddreg [dreg:$0x3];
	[sflag:s11] =	ssyncadd.s32 $0xFFFFF580  }
0x3b: {  	[tilespmem:s12], [sflag:$0x1] =	stream.indirect.gather [hbm4b:s8+s22], $0x20, s1, s22, $0xb8;
	[tilespmem:$0x17B80] =	vst v63  }
0x3c: {  	_ = 	snop  }
0x3d: {  	[tilespmem:s13], [sflag:$0x2] =	stream.indirect.gather [hbm4b:s5+s22], $0x20, s22, s22, $0xb8;
	[tilespmem:$0x17B80] =	vst v63  }
0x3e: {  	s9 =	simm.s32 $0x2B00;
	s14 =	simm.s32 $0x100  }
0x3f: {  	[tilespmem:s9], [sflag:$0x3] =	stream.indirect.gather [hbm4b:s5+s22], $0x20, s14, s22, $0xb8;
	[tilespmem:$0x17B80] =	vst v63  }
0x40: {  	s9 =	simm.s32 $0x180;
	s14 =	simm.s32 $0x3B00  }
0x41: {  	[tilespmem:s14], [sflag:$0x4] =	stream.indirect.gather [hbm4b:s5+s22], $0x20, s9, s22, $0xb8;
	[tilespmem:$0x17B80] =	vst v63  }
0x42: {  	s9 =	simm.s32 $0x200;
	s14 =	simm.s32 $0x4B00  }
0x43: {  	[tilespmem:s14], [sflag:$0x5] =	stream.indirect.gather [hbm4b:s5+s22], $0x20, s9, s22, $0xb8;
	[tilespmem:$0x17B80] =	vst v63  }
0x44: {  	s9 =	simm.s32 $0x280;
	s14 =	simm.s32 $0x5B00  }
0x45: {  	[tilespmem:s14], [sflag:$0x6] =	stream.indirect.gather [hbm4b:s5+s22], $0x20, s9, s22, $0xb8;
	[tilespmem:$0x17B80] =	vst v63  }
0x46: {  	s9 =	simm.s32 $0x300;
	s14 =	simm.s32 $0x6B00  }
0x47: {  	[tilespmem:s14], [sflag:$0x7] =	stream.indirect.gather [hbm4b:s5+s22], $0x20, s9, s22, $0xb8;
	[tilespmem:$0x17B80] =	vst v63  }
0x48: {  	s9 =	simm.s32 $0x380;
	s14 =	simm.s32 $0x7B00  }
0x49: {  	[tilespmem:s14], [sflag:$0x8] =	stream.indirect.gather [hbm4b:s5+s22], $0x20, s9, s22, $0xb8;
	[tilespmem:$0x17B80] =	vst v63  }
0x4a: {  	s9 =	simm.s32 $0x400;
	s14 =	simm.s32 $0x8B00  }
0x4b: {  	[tilespmem:s14], [sflag:$0x9] =	stream.indirect.gather [hbm4b:s5+s22], $0x20, s9, s22, $0xb8;
	[tilespmem:$0x17B80] =	vst v63  }
0x4c: {  	s9 =	simm.s32 $0x480;
	s14 =	simm.s32 $0x9B00  }
0x4d: {  	[tilespmem:s14], [sflag:$0xA] =	stream.indirect.gather [hbm4b:s5+s22], $0x20, s9, s22, $0xb8;
	[tilespmem:$0x17B80] =	vst v63  }
0x4e: {  	s9 =	simm.s32 $0x500;
	s14 =	simm.s32 $0xAB00  }
0x4f: {  	[tilespmem:s14], [sflag:$0xB] =	stream.indirect.gather [hbm4b:s5+s22], $0x20, s9, s22, $0xb8;
	[tilespmem:$0x17B80] =	vst v63  }
0x50: {  	s9 =	simm.s32 $0x580;
	s14 =	simm.s32 $0xBB00  }
0x51: {  	[tilespmem:s14], [sflag:$0xC] =	stream.indirect.gather [hbm4b:s5+s22], $0x20, s9, s22, $0xb8;
	[tilespmem:$0x17B80] =	vst v63  }
0x52: {  	s9 =	simm.s32 $0x600;
	s14 =	simm.s32 $0xCB00  }
0x53: {  	[tilespmem:s14], [sflag:$0xD] =	stream.indirect.gather [hbm4b:s5+s22], $0x20, s9, s22, $0xb8;
	[tilespmem:$0x17B80] =	vst v63  }
0x54: {  	s9 =	simm.s32 $0x680;
	s14 =	simm.s32 $0xDB00  }
0x55: {  	[tilespmem:s14], [sflag:$0xE] =	stream.indirect.gather [hbm4b:s5+s22], $0x20, s9, s22, $0xb8;
	[tilespmem:$0x17B80] =	vst v63  }
0x56: {  	s9 =	simm.s32 $0x700;
	s14 =	simm.s32 $0xEB00  }
0x57: {  	[tilespmem:s14], [sflag:$0xF] =	stream.indirect.gather [hbm4b:s5+s22], $0x20, s9, s22, $0xb8;
	[tilespmem:$0x17B80] =	vst v63  }
0x58: {  	s9 =	simm.s32 $0x780;
	s14 =	simm.s32 $0xFB00  }
0x59: {  	[tilespmem:s14], [sflag:$0x10] =	stream.indirect.gather [hbm4b:s5+s22], $0x20, s9, s22, $0xb8;
	[tilespmem:$0x17B80] =	vst v63  }
0x5a: {  	s9 =	simm.s32 $0x800;
	s14 =	simm.s32 $0x10B00  }
0x5b: {  	[tilespmem:s14], [sflag:$0x11] =	stream.indirect.gather [hbm4b:s5+s22], $0x20, s9, s22, $0xb8;
	[tilespmem:$0x17B80] =	vst v63  }
0x5c: {  	s9 =	simm.s32 $0x880;
	s14 =	simm.s32 $0x11B00  }
0x5d: {  	[tilespmem:s14], [sflag:$0x12] =	stream.indirect.gather [hbm4b:s5+s22], $0x20, s9, s22, $0xb8;
	[tilespmem:$0x17B80] =	vst v63  }
0x5e: {  	s9 =	simm.s32 $0x900;
	s14 =	simm.s32 $0x12B00  }
0x5f: {  	[tilespmem:s14], [sflag:$0x13] =	stream.indirect.gather [hbm4b:s5+s22], $0x20, s9, s22, $0xb8;
	[tilespmem:$0x17B80] =	vst v63  }
0x60: {  	s9 =	simm.s32 $0x980;
	s14 =	simm.s32 $0x13B00  }
0x61: {  	v34 =	vmov s1;
	[tilespmem:s14], [sflag:$0x14] =	stream.indirect.gather [hbm4b:s5+s22], $0x20, s9, s22, $0xb8;
	[tilespmem:$0x17B80] =	vst v63  }
0x62: {  	v34 =	vshll.u32 v34, $0x5;
	s1 =	simm.s32 $0xA00;
	s8 =	simm.s32 $0x14B00  }
0x63: {  	v34 =	vor.u32 v1, v34;
	[tilespmem:s8], [sflag:$0x15] =	stream.indirect.gather [hbm4b:s5+s22], $0x20, s1, s22, $0xb8;
	[tilespmem:$0x17B80] =	vst v63  }
0x64: {  	v35 =	vor.u32 v0, v34;
	s9 =	simm.s32 $0xA80;
	s14 =	simm.s32 $0x15B00;
	s1 =	simm.s32 $0x1  }
0x65: {  	[tilespmem:s14], [sflag:$0x16] =	stream.indirect.gather [hbm4b:s5+s22], $0x20, s9, s22, $0xb8;
	[tilespmem:$0x17B80] =	vst v63  }
0x66: {  	_ =	swait.ge [sflag:s1], $0x1000  }
0x67: {  	[sflag:s1] =	ssyncset.done $0x0  }
0x68: {  	[sflag:s1] =	ssyncadd.s32 $0xFFFFF000  }
0x69: {  	v35 =	vld.idx.msk [tilespmem:v35+s12+$0x0], $0xffff  }
0x6a: {  	v36 =	vor.u32 v2, v34;
	_ =	sdelay $0x2  }
0x6b: {  	s8 =	simm.s32 $0x17300  }
0x6c: {  	[tilespmem:s8+$0xFFFFF800] =	vst v35  }
0x6d: {  	v35 =	vld.idx.msk [tilespmem:v36+s12+$0x0], $0xffff  }
0x6e: {  	v50 =	vor.u32 v3, v34;
	_ =	sdelay $0x3  }
0x6f: {  	[tilespmem:s8+$0xFFFFF880] =	vst v35  }
0x70: {  	v35 =	vld.idx.msk [tilespmem:v50+s12+$0x0], $0xffff  }
0x71: {  	v51 =	vor.u32 v4, v34;
	_ =	sdelay $0x3  }
0x72: {  	[tilespmem:s8+$0xFFFFF900] =	vst v35  }
0x73: {  	v35 =	vld.idx.msk [tilespmem:v51+s12+$0x0], $0xffff  }
0x74: {  	v52 =	vor.u32 v5, v34;
	_ =	sdelay $0x3  }
0x75: {  	[tilespmem:s8+$0xFFFFF980] =	vst v35  }
0x76: {  	v35 =	vld.idx.msk [tilespmem:v52+s12+$0x0], $0xffff  }
0x77: {  	v53 =	vor.u32 v6, v34;
	_ =	sdelay $0x3  }
0x78: {  	[tilespmem:s8+$0xFFFFFA00] =	vst v35  }
0x79: {  	v35 =	vld.idx.msk [tilespmem:v53+s12+$0x0], $0xffff  }
0x7a: {  	v54 =	vor.u32 v7, v34;
	_ =	sdelay $0x3  }
0x7b: {  	[tilespmem:s8+$0xFFFFFA80] =	vst v35  }
0x7c: {  	v35 =	vld.idx.msk [tilespmem:v54+s12+$0x0], $0xffff  }
0x7d: {  	v55 =	vor.u32 v8, v34;
	_ =	sdelay $0x3  }
0x7e: {  	[tilespmem:s8+$0xFFFFFB00] =	vst v35  }
0x7f: {  	v35 =	vld.idx.msk [tilespmem:v55+s12+$0x0], $0xffff  }
0x80: {  	v56 =	vor.u32 v9, v34;
	_ =	sdelay $0x3  }
0x81: {  	[tilespmem:s8+$0xFFFFFB80] =	vst v35  }
0x82: {  	v35 =	vld.idx.msk [tilespmem:v56+s12+$0x0], $0xffff  }
0x83: {  	v57 =	vor.u32 v10, v34;
	_ =	sdelay $0x3  }
0x84: {  	[tilespmem:s8+$0xFFFFFC00] =	vst v35  }
0x85: {  	v35 =	vld.idx.msk [tilespmem:v57+s12+$0x0], $0xffff  }
0x86: {  	v58 =	vor.u32 v11, v34;
	_ =	sdelay $0x3  }
0x87: {  	[tilespmem:s8+$0xFFFFFC80] =	vst v35  }
0x88: {  	v35 =	vld.idx.msk [tilespmem:v58+s12+$0x0], $0xffff  }
0x89: {  	v59 =	vor.u32 v12, v34;
	_ =	sdelay $0x3  }
0x8a: {  	[tilespmem:s8+$0xFFFFFD00] =	vst v35  }
0x8b: {  	v35 =	vld.idx.msk [tilespmem:v59+s12+$0x0], $0xffff  }
0x8c: {  	v60 =	vor.u32 v13, v34;
	_ =	sdelay $0x3  }
0x8d: {  	[tilespmem:s8+$0xFFFFFD80] =	vst v35  }
0x8e: {  	v35 =	vld.idx.msk [tilespmem:v60+s12+$0x0], $0xffff  }
0x8f: {  	v61 =	vor.u32 v14, v34;
	_ =	sdelay $0x3  }
0x90: {  	[tilespmem:s8+$0xFFFFFE00] =	vst v35  }
0x91: {  	v35 =	vld.idx.msk [tilespmem:v61+s12+$0x0], $0xffff  }
0x92: {  	v62 =	vor.u32 v15, v34;
	_ =	sdelay $0x3  }
0x93: {  	[tilespmem:s8+$0xFFFFFE80] =	vst v35  }
0x94: {  	v35 =	vld.idx.msk [tilespmem:v62+s12+$0x0], $0xffff  }
0x95: {  	v63 =	vor.u32 v16, v34;
	_ =	sdelay $0x3  }
0x96: {  	[tilespmem:s8+$0xFFFFFF00] =	vst v35  }
0x97: {  	v35 =	vld.idx.msk [tilespmem:v63+s12+$0x0], $0xffff  }
0x98: {  	v40 =	vor.u32 v30, v34;
	_ =	sdelay $0x3  }
0x99: {  	[tilespmem:s8+$0xFFFFFF80] =	vst v35  }
0x9a: {  	v35 =	vld.idx.msk [tilespmem:v40+s12+$0x0], $0xffff  }
0x9b: {  	v41 =	vor.u32 v17, v34;
	_ =	sdelay $0x3  }
0x9c: {  	[tilespmem:s8+$0x0] =	vst v35  }
0x9d: {  	v35 =	vld.idx.msk [tilespmem:v41+s12+$0x0], $0xffff  }
0x9e: {  	v42 =	vor.u32 v18, v34;
	_ =	sdelay $0x3  }
0x9f: {  	[tilespmem:s8+$0x80] =	vst v35  }
0xa0: {  	v35 =	vld.idx.msk [tilespmem:v42+s12+$0x0], $0xffff  }
0xa1: {  	v43 =	vor.u32 v20, v34;
	_ =	sdelay $0x3  }
0xa2: {  	[tilespmem:s8+$0x100] =	vst v35  }
0xa3: {  	v35 =	vld.idx.msk [tilespmem:v43+s12+$0x0], $0xffff  }
0xa4: {  	v44 =	vor.u32 v19, v34;
	_ =	sdelay $0x3  }
0xa5: {  	[tilespmem:s8+$0x180] =	vst v35  }
0xa6: {  	v35 =	vld.idx.msk [tilespmem:v44+s12+$0x0], $0xffff  }
0xa7: {  	v45 =	vor.u32 v21, v34;
	_ =	sdelay $0x3  }
0xa8: {  	[tilespmem:s8+$0x200] =	vst v35  }
0xa9: {  	v35 =	vld.idx.msk [tilespmem:v45+s12+$0x0], $0xffff  }
0xaa: {  	v46 =	vor.u32 v22, v34;
	_ =	sdelay $0x3  }
0xab: {  	[tilespmem:s8+$0x280] =	vst v35  }
0xac: {  	v35 =	vld.idx.msk [tilespmem:v46+s12+$0x0], $0xffff  }
0xad: {  	v47 =	vor.u32 v23, v34;
	_ =	sdelay $0x3  }
0xae: {  	[tilespmem:s8+$0x300] =	vst v35  }
0xaf: {  	v35 =	vld.idx.msk [tilespmem:v47+s12+$0x0], $0xffff  }
0xb0: {  	v48 =	vor.u32 v24, v34;
	_ =	sdelay $0x3  }
0xb1: {  	[tilespmem:s8+$0x380] =	vst v35  }
0xb2: {  	v35 =	vld.idx.msk [tilespmem:v48+s12+$0x0], $0xffff  }
0xb3: {  	v49 =	vor.u32 v25, v34;
	_ =	sdelay $0x3  }
0xb4: {  	[tilespmem:s8+$0x400] =	vst v35  }
0xb5: {  	v35 =	vld.idx.msk [tilespmem:v49+s12+$0x0], $0xffff  }
0xb6: {  	v50 =	vor.u32 v26, v34;
	_ =	sdelay $0x3  }
0xb7: {  	[tilespmem:s8+$0x480] =	vst v35  }
0xb8: {  	v35 =	vld.idx.msk [tilespmem:v50+s12+$0x0], $0xffff  }
0xb9: {  	v51 =	vor.u32 v27, v34;
	_ =	sdelay $0x3  }
0xba: {  	[tilespmem:s8+$0x500] =	vst v35  }
0xbb: {  	v35 =	vld.idx.msk [tilespmem:v51+s12+$0x0], $0xffff  }
0xbc: {  	v52 =	vor.u32 v28, v34;
	_ =	sdelay $0x3  }
0xbd: {  	[tilespmem:s8+$0x580] =	vst v35  }
0xbe: {  	v35 =	vld.idx.msk [tilespmem:v52+s12+$0x0], $0xffff  }
0xbf: {  	v53 =	vor.u32 v29, v34;
	_ =	sdelay $0x3  }
0xc0: {  	[tilespmem:s8+$0x600] =	vst v35  }
0xc1: {  	v35 =	vld.idx.msk [tilespmem:v53+s12+$0x0], $0xffff  }
0xc2: {  	v54 =	vor.u32 v31, v34;
	_ =	sdelay $0x3  }
0xc3: {  	[tilespmem:s8+$0x680] =	vst v35  }
0xc4: {  	v35 =	vld.idx.msk [tilespmem:v54+s12+$0x0], $0xffff  }
0xc5: {  	v34 =	vor.u32 v32, v34;
	_ =	sdelay $0x2  }
0xc6: {  	s9 =	simm.s32 $0x10  }
0xc7: {  	v55 =	vmov s9;
	[tilespmem:s8+$0x700] =	vst v35  }
0xc8: {  	v35 =	vshll.u32 v55, $0x5;
	v34 =	vld.idx.msk [tilespmem:v34+s12+$0x0], $0xffff  }
0xc9: {  	v35 =	vor.u32 v1, v35  }
0xca: {  	v56 =	vor.u32 v0, v35;
	_ =	sdelay $0x2  }
0xcb: {  	s0 =	simm.s32 $0x17B00;
	[tilespmem:s8+$0x780] =	vst v34  }
0xcc: {  	[tilespmem:s0+$0x0] =	vst v33  }
0xcd: {  	v34 =	vld.idx.msk [tilespmem:v56+s12+$0x0], $0xffff  }
0xce: {  	v57 =	vor.u32 v2, v35;
	_ =	sdelay $0x2  }
0xcf: {  	s1 =	simm.s32 $0x17310  }
0xd0: {  	[tilespmem:s1+$0xFFFFF800] =	vst v34  }
0xd1: {  	v34 =	vld.idx.msk [tilespmem:v57+s12+$0x0], $0xffff  }
0xd2: {  	v58 =	vor.u32 v3, v35;
	_ =	sdelay $0x3  }
0xd3: {  	[tilespmem:s1+$0xFFFFF880] =	vst v34  }
0xd4: {  	v34 =	vld.idx.msk [tilespmem:v58+s12+$0x0], $0xffff  }
0xd5: {  	v59 =	vor.u32 v4, v35;
	_ =	sdelay $0x3  }
0xd6: {  	[tilespmem:s1+$0xFFFFF900] =	vst v34  }
0xd7: {  	v34 =	vld.idx.msk [tilespmem:v59+s12+$0x0], $0xffff  }
0xd8: {  	v60 =	vor.u32 v5, v35;
	_ =	sdelay $0x3  }
0xd9: {  	[tilespmem:s1+$0xFFFFF980] =	vst v34  }
0xda: {  	v34 =	vld.idx.msk [tilespmem:v60+s12+$0x0], $0xffff  }
0xdb: {  	v61 =	vor.u32 v6, v35;
	_ =	sdelay $0x3  }
0xdc: {  	[tilespmem:s1+$0xFFFFFA00] =	vst v34  }
0xdd: {  	v34 =	vld.idx.msk [tilespmem:v61+s12+$0x0], $0xffff  }
0xde: {  	v62 =	vor.u32 v7, v35;
	_ =	sdelay $0x3  }
0xdf: {  	[tilespmem:s1+$0xFFFFFA80] =	vst v34  }
0xe0: {  	v34 =	vld.idx.msk [tilespmem:v62+s12+$0x0], $0xffff  }
0xe1: {  	v63 =	vor.u32 v8, v35;
	_ =	sdelay $0x3  }
0xe2: {  	[tilespmem:s1+$0xFFFFFB00] =	vst v34  }
0xe3: {  	v34 =	vld.idx.msk [tilespmem:v63+s12+$0x0], $0xffff  }
0xe4: {  	v40 =	vor.u32 v9, v35;
	_ =	sdelay $0x3  }
0xe5: {  	[tilespmem:s1+$0xFFFFFB80] =	vst v34  }
0xe6: {  	v34 =	vld.idx.msk [tilespmem:v40+s12+$0x0], $0xffff  }
0xe7: {  	v41 =	vor.u32 v10, v35;
	_ =	sdelay $0x3  }
0xe8: {  	[tilespmem:s1+$0xFFFFFC00] =	vst v34  }
0xe9: {  	v34 =	vld.idx.msk [tilespmem:v41+s12+$0x0], $0xffff  }
0xea: {  	v42 =	vor.u32 v11, v35;
	_ =	sdelay $0x3  }
0xeb: {  	[tilespmem:s1+$0xFFFFFC80] =	vst v34  }
0xec: {  	v34 =	vld.idx.msk [tilespmem:v42+s12+$0x0], $0xffff  }
0xed: {  	v43 =	vor.u32 v12, v35;
	_ =	sdelay $0x3  }
0xee: {  	[tilespmem:s1+$0xFFFFFD00] =	vst v34  }
0xef: {  	v34 =	vld.idx.msk [tilespmem:v43+s12+$0x0], $0xffff  }
0xf0: {  	v44 =	vor.u32 v13, v35;
	_ =	sdelay $0x3  }
0xf1: {  	[tilespmem:s1+$0xFFFFFD80] =	vst v34  }
0xf2: {  	v34 =	vld.idx.msk [tilespmem:v44+s12+$0x0], $0xffff  }
0xf3: {  	v45 =	vor.u32 v14, v35;
	_ =	sdelay $0x3  }
0xf4: {  	[tilespmem:s1+$0xFFFFFE00] =	vst v34  }
0xf5: {  	v34 =	vld.idx.msk [tilespmem:v45+s12+$0x0], $0xffff  }
0xf6: {  	v46 =	vor.u32 v15, v35;
	_ =	sdelay $0x3  }
0xf7: {  	[tilespmem:s1+$0xFFFFFE80] =	vst v34  }
0xf8: {  	v34 =	vld.idx.msk [tilespmem:v46+s12+$0x0], $0xffff  }
0xf9: {  	v47 =	vor.u32 v16, v35;
	_ =	sdelay $0x3  }
0xfa: {  	[tilespmem:s1+$0xFFFFFF00] =	vst v34  }
0xfb: {  	v34 =	vld.idx.msk [tilespmem:v47+s12+$0x0], $0xffff  }
0xfc: {  	v48 =	vor.u32 v30, v35;
	_ =	sdelay $0x3  }
0xfd: {  	[tilespmem:s1+$0xFFFFFF80] =	vst v34  }
0xfe: {  	v34 =	vld.idx.msk [tilespmem:v48+s12+$0x0], $0xffff  }
0xff: {  	v49 =	vor.u32 v17, v35;
	_ =	sdelay $0x3  }
0x100: {  	[tilespmem:s1+$0x0] =	vst v34  }
0x101: {  	v34 =	vld.idx.msk [tilespmem:v49+s12+$0x0], $0xffff  }
0x102: {  	v50 =	vor.u32 v18, v35;
	_ =	sdelay $0x3  }
0x103: {  	[tilespmem:s1+$0x80] =	vst v34  }
0x104: {  	v34 =	vld.idx.msk [tilespmem:v50+s12+$0x0], $0xffff  }
0x105: {  	v51 =	vor.u32 v20, v35;
	_ =	sdelay $0x3  }
0x106: {  	[tilespmem:s1+$0x100] =	vst v34  }
0x107: {  	v34 =	vld.idx.msk [tilespmem:v51+s12+$0x0], $0xffff  }
0x108: {  	v52 =	vor.u32 v19, v35;
	_ =	sdelay $0x3  }
0x109: {  	[tilespmem:s1+$0x180] =	vst v34  }
0x10a: {  	v34 =	vld.idx.msk [tilespmem:v52+s12+$0x0], $0xffff  }
0x10b: {  	v53 =	vor.u32 v21, v35;
	_ =	sdelay $0x3  }
0x10c: {  	[tilespmem:s1+$0x200] =	vst v34  }
0x10d: {  	v34 =	vld.idx.msk [tilespmem:v53+s12+$0x0], $0xffff  }
0x10e: {  	v54 =	vor.u32 v22, v35;
	_ =	sdelay $0x3  }
0x10f: {  	[tilespmem:s1+$0x280] =	vst v34  }
0x110: {  	v34 =	vld.idx.msk [tilespmem:v54+s12+$0x0], $0xffff  }
0x111: {  	v55 =	vor.u32 v23, v35;
	_ =	sdelay $0x3  }
0x112: {  	[tilespmem:s1+$0x300] =	vst v34  }
0x113: {  	v34 =	vld.idx.msk [tilespmem:v55+s12+$0x0], $0xffff  }
0x114: {  	v56 =	vor.u32 v24, v35;
	_ =	sdelay $0x3  }
0x115: {  	[tilespmem:s1+$0x380] =	vst v34  }
0x116: {  	v34 =	vld.idx.msk [tilespmem:v56+s12+$0x0], $0xffff  }
0x117: {  	v57 =	vor.u32 v25, v35;
	_ =	sdelay $0x3  }
0x118: {  	[tilespmem:s1+$0x400] =	vst v34  }
0x119: {  	v34 =	vld.idx.msk [tilespmem:v57+s12+$0x0], $0xffff  }
0x11a: {  	v58 =	vor.u32 v26, v35;
	_ =	sdelay $0x3  }
0x11b: {  	[tilespmem:s1+$0x480] =	vst v34  }
0x11c: {  	v34 =	vld.idx.msk [tilespmem:v58+s12+$0x0], $0xffff  }
0x11d: {  	v59 =	vor.u32 v27, v35;
	_ =	sdelay $0x3  }
0x11e: {  	[tilespmem:s1+$0x500] =	vst v34  }
0x11f: {  	v34 =	vld.idx.msk [tilespmem:v59+s12+$0x0], $0xffff  }
0x120: {  	v60 =	vor.u32 v28, v35;
	_ =	sdelay $0x3  }
0x121: {  	[tilespmem:s1+$0x580] =	vst v34  }
0x122: {  	v34 =	vld.idx.msk [tilespmem:v60+s12+$0x0], $0xffff  }
0x123: {  	v61 =	vor.u32 v29, v35;
	_ =	sdelay $0x3  }
0x124: {  	[tilespmem:s1+$0x600] =	vst v34  }
0x125: {  	v34 =	vld.idx.msk [tilespmem:v61+s12+$0x0], $0xffff  }
0x126: {  	v62 =	vor.u32 v31, v35;
	_ =	sdelay $0x3  }
0x127: {  	[tilespmem:s1+$0x680] =	vst v34  }
0x128: {  	v34 =	vld.idx.msk [tilespmem:v62+s12+$0x0], $0xffff  }
0x129: {  	v35 =	vor.u32 v32, v35;
	_ =	sdelay $0x2  }
0x12a: {  	s14 =	simm.s32 $0x20  }
0x12b: {  	v63 =	vmov s14;
	[tilespmem:s1+$0x700] =	vst v34  }
0x12c: {  	s8 =	simm.s32 $0x30;
	v34 =	vshll.u32 v63, $0x5;
	v35 =	vld.idx.msk [tilespmem:v35+s12+$0x0], $0xffff  }
.LBB2_3:
0x12d: {  	p0 =	sne.s32 s8, $0x70;
	v34 =	vor.u32 v1, v34  }
0x12e: {  	v36 =	vor.u32 v0, v34;
	_ =	sdelay $0x2  }
0x12f: {  	s0 =	sadd.s32 $0x10, s0;
	[tilespmem:s1+$0x780] =	vst v35  }
0x130: {  	[tilespmem:s0+$0x0] =	vst v33  }
0x131: {  	v35 =	vld.idx.msk [tilespmem:v36+s12+$0x0], $0xffff;
	_ =	sdelay $0x1  }
0x132: {  	v36 =	vor.u32 v2, v34;
	_ =	sdelay $0x2  }
0x133: {  	s1 =	sadd.s32 $0x10, s1  }
0x134: {  	[tilespmem:s1+$0xFFFFF800] =	vst v35  }
0x135: {  	v35 =	vld.idx.msk [tilespmem:v36+s12+$0x0], $0xffff;
	_ =	sdelay $0x1  }
0x136: {  	v36 =	vor.u32 v3, v34;
	_ =	sdelay $0x3  }
0x137: {  	[tilespmem:s1+$0xFFFFF880] =	vst v35  }
0x138: {  	v35 =	vld.idx.msk [tilespmem:v36+s12+$0x0], $0xffff;
	_ =	sdelay $0x1  }
0x139: {  	v36 =	vor.u32 v4, v34;
	_ =	sdelay $0x3  }
0x13a: {  	[tilespmem:s1+$0xFFFFF900] =	vst v35  }
0x13b: {  	v35 =	vld.idx.msk [tilespmem:v36+s12+$0x0], $0xffff;
	_ =	sdelay $0x1  }
0x13c: {  	v36 =	vor.u32 v5, v34;
	_ =	sdelay $0x3  }
0x13d: {  	[tilespmem:s1+$0xFFFFF980] =	vst v35  }
0x13e: {  	v35 =	vld.idx.msk [tilespmem:v36+s12+$0x0], $0xffff;
	_ =	sdelay $0x1  }
0x13f: {  	v36 =	vor.u32 v6, v34;
	_ =	sdelay $0x3  }
0x140: {  	[tilespmem:s1+$0xFFFFFA00] =	vst v35  }
0x141: {  	v35 =	vld.idx.msk [tilespmem:v36+s12+$0x0], $0xffff;
	_ =	sdelay $0x1  }
0x142: {  	v36 =	vor.u32 v7, v34;
	_ =	sdelay $0x3  }
0x143: {  	[tilespmem:s1+$0xFFFFFA80] =	vst v35  }
0x144: {  	v35 =	vld.idx.msk [tilespmem:v36+s12+$0x0], $0xffff;
	_ =	sdelay $0x1  }
0x145: {  	v36 =	vor.u32 v8, v34;
	_ =	sdelay $0x3  }
0x146: {  	[tilespmem:s1+$0xFFFFFB00] =	vst v35  }
0x147: {  	v35 =	vld.idx.msk [tilespmem:v36+s12+$0x0], $0xffff;
	_ =	sdelay $0x1  }
0x148: {  	v36 =	vor.u32 v9, v34;
	_ =	sdelay $0x3  }
0x149: {  	[tilespmem:s1+$0xFFFFFB80] =	vst v35  }
0x14a: {  	v35 =	vld.idx.msk [tilespmem:v36+s12+$0x0], $0xffff;
	_ =	sdelay $0x1  }
0x14b: {  	v36 =	vor.u32 v10, v34;
	_ =	sdelay $0x3  }
0x14c: {  	[tilespmem:s1+$0xFFFFFC00] =	vst v35  }
0x14d: {  	v35 =	vld.idx.msk [tilespmem:v36+s12+$0x0], $0xffff;
	_ =	sdelay $0x1  }
0x14e: {  	v36 =	vor.u32 v11, v34;
	_ =	sdelay $0x3  }
0x14f: {  	[tilespmem:s1+$0xFFFFFC80] =	vst v35  }
0x150: {  	v35 =	vld.idx.msk [tilespmem:v36+s12+$0x0], $0xffff;
	_ =	sdelay $0x1  }
0x151: {  	v36 =	vor.u32 v12, v34;
	_ =	sdelay $0x3  }
0x152: {  	[tilespmem:s1+$0xFFFFFD00] =	vst v35  }
0x153: {  	v35 =	vld.idx.msk [tilespmem:v36+s12+$0x0], $0xffff;
	_ =	sdelay $0x1  }
0x154: {  	v36 =	vor.u32 v13, v34;
	_ =	sdelay $0x3  }
0x155: {  	[tilespmem:s1+$0xFFFFFD80] =	vst v35  }
0x156: {  	v35 =	vld.idx.msk [tilespmem:v36+s12+$0x0], $0xffff;
	_ =	sdelay $0x1  }
0x157: {  	v36 =	vor.u32 v14, v34;
	_ =	sdelay $0x3  }
0x158: {  	[tilespmem:s1+$0xFFFFFE00] =	vst v35  }
0x159: {  	v35 =	vld.idx.msk [tilespmem:v36+s12+$0x0], $0xffff;
	_ =	sdelay $0x1  }
0x15a: {  	v36 =	vor.u32 v15, v34;
	_ =	sdelay $0x3  }
0x15b: {  	[tilespmem:s1+$0xFFFFFE80] =	vst v35  }
0x15c: {  	v35 =	vld.idx.msk [tilespmem:v36+s12+$0x0], $0xffff;
	_ =	sdelay $0x1  }
0x15d: {  	v36 =	vor.u32 v16, v34;
	_ =	sdelay $0x3  }
0x15e: {  	[tilespmem:s1+$0xFFFFFF00] =	vst v35  }
0x15f: {  	v35 =	vld.idx.msk [tilespmem:v36+s12+$0x0], $0xffff;
	_ =	sdelay $0x1  }
0x160: {  	v36 =	vor.u32 v30, v34;
	_ =	sdelay $0x3  }
0x161: {  	[tilespmem:s1+$0xFFFFFF80] =	vst v35  }
0x162: {  	v35 =	vld.idx.msk [tilespmem:v36+s12+$0x0], $0xffff;
	_ =	sdelay $0x1  }
0x163: {  	v36 =	vor.u32 v17, v34;
	_ =	sdelay $0x3  }
0x164: {  	[tilespmem:s1+$0x0] =	vst v35  }
0x165: {  	v35 =	vld.idx.msk [tilespmem:v36+s12+$0x0], $0xffff;
	_ =	sdelay $0x1  }
0x166: {  	v36 =	vor.u32 v18, v34;
	_ =	sdelay $0x3  }
0x167: {  	[tilespmem:s1+$0x80] =	vst v35  }
0x168: {  	v35 =	vld.idx.msk [tilespmem:v36+s12+$0x0], $0xffff;
	_ =	sdelay $0x1  }
0x169: {  	v36 =	vor.u32 v20, v34;
	_ =	sdelay $0x3  }
0x16a: {  	[tilespmem:s1+$0x100] =	vst v35  }
0x16b: {  	v35 =	vld.idx.msk [tilespmem:v36+s12+$0x0], $0xffff;
	_ =	sdelay $0x1  }
0x16c: {  	v36 =	vor.u32 v19, v34;
	_ =	sdelay $0x3  }
0x16d: {  	[tilespmem:s1+$0x180] =	vst v35  }
0x16e: {  	v35 =	vld.idx.msk [tilespmem:v36+s12+$0x0], $0xffff;
	_ =	sdelay $0x1  }
0x16f: {  	v36 =	vor.u32 v21, v34;
	_ =	sdelay $0x3  }
0x170: {  	[tilespmem:s1+$0x200] =	vst v35  }
0x171: {  	v35 =	vld.idx.msk [tilespmem:v36+s12+$0x0], $0xffff;
	_ =	sdelay $0x1  }
0x172: {  	v36 =	vor.u32 v22, v34;
	_ =	sdelay $0x3  }
0x173: {  	[tilespmem:s1+$0x280] =	vst v35  }
0x174: {  	v35 =	vld.idx.msk [tilespmem:v36+s12+$0x0], $0xffff;
	_ =	sdelay $0x1  }
0x175: {  	v36 =	vor.u32 v23, v34;
	_ =	sdelay $0x3  }
0x176: {  	[tilespmem:s1+$0x300] =	vst v35  }
0x177: {  	v35 =	vld.idx.msk [tilespmem:v36+s12+$0x0], $0xffff;
	_ =	sdelay $0x1  }
0x178: {  	v36 =	vor.u32 v24, v34;
	_ =	sdelay $0x3  }
0x179: {  	[tilespmem:s1+$0x380] =	vst v35  }
0x17a: {  	v35 =	vld.idx.msk [tilespmem:v36+s12+$0x0], $0xffff;
	_ =	sdelay $0x1  }
0x17b: {  	v36 =	vor.u32 v25, v34;
	_ =	sdelay $0x3  }
0x17c: {  	[tilespmem:s1+$0x400] =	vst v35  }
0x17d: {  	v35 =	vld.idx.msk [tilespmem:v36+s12+$0x0], $0xffff;
	_ =	sdelay $0x1  }
0x17e: {  	v36 =	vor.u32 v26, v34;
	_ =	sdelay $0x3  }
0x17f: {  	[tilespmem:s1+$0x480] =	vst v35  }
0x180: {  	v35 =	vld.idx.msk [tilespmem:v36+s12+$0x0], $0xffff;
	_ =	sdelay $0x1  }
0x181: {  	v36 =	vor.u32 v27, v34;
	_ =	sdelay $0x3  }
0x182: {  	[tilespmem:s1+$0x500] =	vst v35  }
0x183: {  	v35 =	vld.idx.msk [tilespmem:v36+s12+$0x0], $0xffff;
	_ =	sdelay $0x1  }
0x184: {  	v36 =	vor.u32 v28, v34;
	_ =	sdelay $0x3  }
0x185: {  	[tilespmem:s1+$0x580] =	vst v35  }
0x186: {  	v35 =	vld.idx.msk [tilespmem:v36+s12+$0x0], $0xffff;
	_ =	sdelay $0x1  }
0x187: {  	v36 =	vor.u32 v29, v34;
	_ =	sdelay $0x3  }
0x188: {  	[tilespmem:s1+$0x600] =	vst v35  }
0x189: {  	v35 =	vld.idx.msk [tilespmem:v36+s12+$0x0], $0xffff;
	_ =	sdelay $0x1  }
0x18a: {  	v36 =	vor.u32 v31, v34;
	_ =	sdelay $0x3  }
0x18b: {  	[tilespmem:s1+$0x680] =	vst v35  }
0x18c: {  	v35 =	vld.idx.msk [tilespmem:v36+s12+$0x0], $0xffff;
	_ =	sdelay $0x1  }
0x18d: {  	v34 =	vor.u32 v32, v34;
	_ =	sdelay $0x1  }
.Ltmp0:
0x18e: {  	(pc) =	sbr.rel @p0 .LBB2_3-.Ltmp0, $4  }
0x18f: {  	_ = 	snop  }
0x190: {  	[tilespmem:s1+$0x700] =	vst v35  }
0x191: {  	v36 =	vmov s8;
	v35 =	vld.idx.msk [tilespmem:v34+s12+$0x0], $0xffff  }
0x192: {  	s8 =	sadd.s32 $0x10, s8;
	v34 =	vshll.u32 v36, $0x5  }
0x193: {  	v34 =	vor.u32 v1, v34  }
0x194: {  	v36 =	vor.u32 v0, v34;
	_ =	sdelay $0x2  }
0x195: {  	s0 =	sadd.s32 $0x10, s0;
	[tilespmem:s1+$0x780] =	vst v35  }
0x196: {  	[tilespmem:s0+$0x0] =	vst v33  }
0x197: {  	v35 =	vld.idx.msk [tilespmem:v36+s12+$0x0], $0xffff  }
0x198: {  	v40 =	vor.u32 v2, v34;
	_ =	sdelay $0x2  }
0x199: {  	s14 =	sadd.s32 $0x10, s1  }
0x19a: {  	[tilespmem:s14+$0xFFFFF800] =	vst v35  }
0x19b: {  	v35 =	vld.idx.msk [tilespmem:v40+s12+$0x0], $0xffff  }
0x19c: {  	v41 =	vor.u32 v3, v34;
	_ =	sdelay $0x3  }
0x19d: {  	[tilespmem:s14+$0xFFFFF880] =	vst v35  }
0x19e: {  	v35 =	vld.idx.msk [tilespmem:v41+s12+$0x0], $0xffff  }
0x19f: {  	v42 =	vor.u32 v4, v34;
	_ =	sdelay $0x3  }
0x1a0: {  	[tilespmem:s14+$0xFFFFF900] =	vst v35  }
0x1a1: {  	v35 =	vld.idx.msk [tilespmem:v42+s12+$0x0], $0xffff  }
0x1a2: {  	v43 =	vor.u32 v5, v34;
	_ =	sdelay $0x3  }
0x1a3: {  	[tilespmem:s14+$0xFFFFF980] =	vst v35  }
0x1a4: {  	v35 =	vld.idx.msk [tilespmem:v43+s12+$0x0], $0xffff  }
0x1a5: {  	v44 =	vor.u32 v6, v34;
	_ =	sdelay $0x3  }
0x1a6: {  	[tilespmem:s14+$0xFFFFFA00] =	vst v35  }
0x1a7: {  	v35 =	vld.idx.msk [tilespmem:v44+s12+$0x0], $0xffff  }
0x1a8: {  	v45 =	vor.u32 v7, v34;
	_ =	sdelay $0x3  }
0x1a9: {  	[tilespmem:s14+$0xFFFFFA80] =	vst v35  }
0x1aa: {  	v35 =	vld.idx.msk [tilespmem:v45+s12+$0x0], $0xffff  }
0x1ab: {  	v46 =	vor.u32 v8, v34;
	_ =	sdelay $0x3  }
0x1ac: {  	[tilespmem:s14+$0xFFFFFB00] =	vst v35  }
0x1ad: {  	v35 =	vld.idx.msk [tilespmem:v46+s12+$0x0], $0xffff  }
0x1ae: {  	v47 =	vor.u32 v9, v34;
	_ =	sdelay $0x3  }
0x1af: {  	[tilespmem:s14+$0xFFFFFB80] =	vst v35  }
0x1b0: {  	v35 =	vld.idx.msk [tilespmem:v47+s12+$0x0], $0xffff  }
0x1b1: {  	v48 =	vor.u32 v10, v34;
	_ =	sdelay $0x3  }
0x1b2: {  	[tilespmem:s14+$0xFFFFFC00] =	vst v35  }
0x1b3: {  	v35 =	vld.idx.msk [tilespmem:v48+s12+$0x0], $0xffff  }
0x1b4: {  	v49 =	vor.u32 v11, v34;
	_ =	sdelay $0x3  }
0x1b5: {  	[tilespmem:s14+$0xFFFFFC80] =	vst v35  }
0x1b6: {  	v35 =	vld.idx.msk [tilespmem:v49+s12+$0x0], $0xffff  }
0x1b7: {  	v50 =	vor.u32 v12, v34;
	_ =	sdelay $0x3  }
0x1b8: {  	[tilespmem:s14+$0xFFFFFD00] =	vst v35  }
0x1b9: {  	v35 =	vld.idx.msk [tilespmem:v50+s12+$0x0], $0xffff  }
0x1ba: {  	v51 =	vor.u32 v13, v34;
	_ =	sdelay $0x3  }
0x1bb: {  	[tilespmem:s14+$0xFFFFFD80] =	vst v35  }
0x1bc: {  	v35 =	vld.idx.msk [tilespmem:v51+s12+$0x0], $0xffff  }
0x1bd: {  	v52 =	vor.u32 v14, v34;
	_ =	sdelay $0x3  }
0x1be: {  	[tilespmem:s14+$0xFFFFFE00] =	vst v35  }
0x1bf: {  	v35 =	vld.idx.msk [tilespmem:v52+s12+$0x0], $0xffff  }
0x1c0: {  	v53 =	vor.u32 v15, v34;
	_ =	sdelay $0x3  }
0x1c1: {  	[tilespmem:s14+$0xFFFFFE80] =	vst v35  }
0x1c2: {  	v35 =	vld.idx.msk [tilespmem:v53+s12+$0x0], $0xffff  }
0x1c3: {  	v54 =	vor.u32 v16, v34;
	_ =	sdelay $0x3  }
0x1c4: {  	[tilespmem:s14+$0xFFFFFF00] =	vst v35  }
0x1c5: {  	v35 =	vld.idx.msk [tilespmem:v54+s12+$0x0], $0xffff  }
0x1c6: {  	v55 =	vor.u32 v30, v34;
	_ =	sdelay $0x3  }
0x1c7: {  	[tilespmem:s14+$0xFFFFFF80] =	vst v35  }
0x1c8: {  	v35 =	vld.idx.msk [tilespmem:v55+s12+$0x0], $0xffff  }
0x1c9: {  	v56 =	vor.u32 v17, v34;
	_ =	sdelay $0x3  }
0x1ca: {  	[tilespmem:s14+$0x0] =	vst v35  }
0x1cb: {  	v35 =	vld.idx.msk [tilespmem:v56+s12+$0x0], $0xffff  }
0x1cc: {  	v57 =	vor.u32 v18, v34;
	_ =	sdelay $0x3  }
0x1cd: {  	[tilespmem:s14+$0x80] =	vst v35  }
0x1ce: {  	v35 =	vld.idx.msk [tilespmem:v57+s12+$0x0], $0xffff  }
0x1cf: {  	v58 =	vor.u32 v20, v34;
	_ =	sdelay $0x3  }
0x1d0: {  	[tilespmem:s14+$0x100] =	vst v35  }
0x1d1: {  	v35 =	vld.idx.msk [tilespmem:v58+s12+$0x0], $0xffff  }
0x1d2: {  	v59 =	vor.u32 v19, v34;
	_ =	sdelay $0x3  }
0x1d3: {  	[tilespmem:s14+$0x180] =	vst v35  }
0x1d4: {  	v35 =	vld.idx.msk [tilespmem:v59+s12+$0x0], $0xffff  }
0x1d5: {  	v60 =	vor.u32 v21, v34;
	_ =	sdelay $0x3  }
0x1d6: {  	[tilespmem:s14+$0x200] =	vst v35  }
0x1d7: {  	v35 =	vld.idx.msk [tilespmem:v60+s12+$0x0], $0xffff  }
0x1d8: {  	v61 =	vor.u32 v22, v34;
	_ =	sdelay $0x3  }
0x1d9: {  	[tilespmem:s14+$0x280] =	vst v35  }
0x1da: {  	v35 =	vld.idx.msk [tilespmem:v61+s12+$0x0], $0xffff  }
0x1db: {  	v62 =	vor.u32 v23, v34;
	_ =	sdelay $0x3  }
0x1dc: {  	[tilespmem:s14+$0x300] =	vst v35  }
0x1dd: {  	v35 =	vld.idx.msk [tilespmem:v62+s12+$0x0], $0xffff  }
0x1de: {  	v63 =	vor.u32 v24, v34;
	_ =	sdelay $0x3  }
0x1df: {  	[tilespmem:s14+$0x380] =	vst v35  }
0x1e0: {  	v35 =	vld.idx.msk [tilespmem:v63+s12+$0x0], $0xffff  }
0x1e1: {  	v40 =	vor.u32 v25, v34;
	_ =	sdelay $0x3  }
0x1e2: {  	[tilespmem:s14+$0x400] =	vst v35  }
0x1e3: {  	v35 =	vld.idx.msk [tilespmem:v40+s12+$0x0], $0xffff  }
0x1e4: {  	v41 =	vor.u32 v26, v34;
	_ =	sdelay $0x3  }
0x1e5: {  	[tilespmem:s14+$0x480] =	vst v35  }
0x1e6: {  	v35 =	vld.idx.msk [tilespmem:v41+s12+$0x0], $0xffff  }
0x1e7: {  	v42 =	vor.u32 v27, v34;
	_ =	sdelay $0x3  }
0x1e8: {  	[tilespmem:s14+$0x500] =	vst v35  }
0x1e9: {  	v35 =	vld.idx.msk [tilespmem:v42+s12+$0x0], $0xffff  }
0x1ea: {  	v43 =	vor.u32 v28, v34;
	_ =	sdelay $0x3  }
0x1eb: {  	[tilespmem:s14+$0x580] =	vst v35  }
0x1ec: {  	v35 =	vld.idx.msk [tilespmem:v43+s12+$0x0], $0xffff  }
0x1ed: {  	v44 =	vor.u32 v29, v34;
	_ =	sdelay $0x3  }
0x1ee: {  	[tilespmem:s14+$0x600] =	vst v35  }
0x1ef: {  	v35 =	vld.idx.msk [tilespmem:v44+s12+$0x0], $0xffff  }
0x1f0: {  	v45 =	vor.u32 v31, v34;
	_ =	sdelay $0x3  }
0x1f1: {  	[tilespmem:s14+$0x680] =	vst v35  }
0x1f2: {  	v35 =	vld.idx.msk [tilespmem:v45+s12+$0x0], $0xffff  }
0x1f3: {  	v34 =	vor.u32 v32, v34;
	_ =	sdelay $0x3  }
0x1f4: {  	[tilespmem:s14+$0x700] =	vst v35  }
0x1f5: {  	v35 =	vld.idx.msk [tilespmem:v34+s12+$0x0], $0xffff  }
0x1f6: {  	s8 =	simm.s32 $0x0  }
0x1f7: {  	v46 =	vmov s8  }
0x1f8: {  	v34 =	vshll.u32 v46, $0x5  }
0x1f9: {  	v34 =	vor.u32 v1, v34  }
0x1fa: {  	s0 =	sadd.s32 $0x10, s0;
	v47 =	vor.u32 v2, v34;
	[tilespmem:s14+$0x780] =	vst v35  }
0x1fb: {  	s9 =	simm.s32 $0x2;
	[tilespmem:s0+$0x0] =	vst v33  }
0x1fc: {  	v48 =	vor.u32 v0, v34;
	_ =	swait.ge [sflag:s9], $0x1000  }
0x1fd: {  	[sflag:s9] =	ssyncset.done $0x0  }
0x1fe: {  	v37 =	vor.u32 v3, v34;
	[sflag:s9] =	ssyncadd.s32 $0xFFFFF000  }
0x1ff: {  	s8 =	simm.s32 $0x17300;
	v35 =	vld.idx.msk [tilespmem:v47+s13+$0x0], $0xffff  }
0x200: {  	v39 =	vor.u32 v4, v34;
	v38 =	vld [tilespmem:s8+$0xFFFFF880]  }
0x201: {  	v36 =	vld.idx.msk [tilespmem:v48+s13+$0x0], $0xffff  }
0x202: {  	v41 =	vor.u32 v5, v34;
	v40 =	vld [tilespmem:s8+$0xFFFFF800]  }
0x203: {  	v37 =	vld.idx.msk [tilespmem:v37+s13+$0x0], $0xffff  }
0x204: {  	v43 =	vor.u32 v6, v34;
	v42 =	vld [tilespmem:s8+$0xFFFFF900]  }
0x205: {  	v39 =	vld.idx.msk [tilespmem:v39+s13+$0x0], $0xffff  }
0x206: {  	v45 =	vor.u32 v7, v34;
	v44 =	vld [tilespmem:s8+$0xFFFFF980]  }
0x207: {  	v49 =	vld.idx.msk [tilespmem:v41+s13+$0x0], $0xffff;
	v36 =	vmul.f32 v36, v40;
	v35 =	vmul.f32 v35, v38  }
0x208: {  	v51 =	vor.u32 v8, v34;
	v50 =	vld [tilespmem:s8+$0xFFFFFA00]  }
0x209: {  	v53 =	vld.idx.msk [tilespmem:v43+s13+$0x0], $0xffff;
	v52 =	vmul.f32 v37, v42;
	v35 =	vadd.f32 v35, v36  }
0x20a: {  	v55 =	vor.u32 v9, v34;
	v54 =	vld [tilespmem:s8+$0xFFFFFA80]  }
0x20b: {  	v57 =	vld.idx.msk [tilespmem:v45+s13+$0x0], $0xffff;
	v56 =	vmul.f32 v39, v44;
	v35 =	vadd.f32 v52, v35  }
0x20c: {  	v59 =	vor.u32 v10, v34;
	v58 =	vld [tilespmem:s8+$0xFFFFFB00]  }
0x20d: {  	v61 =	vld.idx.msk [tilespmem:v51+s13+$0x0], $0xffff;
	v60 =	vmul.f32 v49, v50;
	v35 =	vadd.f32 v56, v35  }
0x20e: {  	v63 =	vor.u32 v11, v34;
	v62 =	vld [tilespmem:s8+$0xFFFFFB80]  }
0x20f: {  	v48 =	vmul.f32 v53, v54;
	v49 =	vld.idx.msk [tilespmem:v55+s13+$0x0], $0xffff;
	v35 =	vadd.f32 v60, v35  }
0x210: {  	v51 =	vor.u32 v12, v34;
	v50 =	vld [tilespmem:s8+$0xFFFFFC00]  }
0x211: {  	v53 =	vld.idx.msk [tilespmem:v59+s13+$0x0], $0xffff;
	v52 =	vmul.f32 v57, v58;
	v35 =	vadd.f32 v48, v35  }
0x212: {  	v54 =	vld [tilespmem:s8+$0xFFFFFC80];
	v55 =	vor.u32 v13, v34  }
0x213: {  	v57 =	vld.idx.msk [tilespmem:v63+s13+$0x0], $0xffff;
	v56 =	vmul.f32 v61, v62;
	v35 =	vadd.f32 v52, v35  }
0x214: {  	v59 =	vor.u32 v14, v34;
	v58 =	vld [tilespmem:s8+$0xFFFFFD00]  }
0x215: {  	v61 =	vld.idx.msk [tilespmem:v51+s13+$0x0], $0xffff;
	v60 =	vmul.f32 v49, v50;
	v35 =	vadd.f32 v56, v35  }
0x216: {  	v63 =	vor.u32 v15, v34;
	v62 =	vld [tilespmem:s8+$0xFFFFFD80]  }
0x217: {  	v49 =	vld.idx.msk [tilespmem:v55+s13+$0x0], $0xffff;
	v48 =	vmul.f32 v53, v54;
	v35 =	vadd.f32 v60, v35  }
0x218: {  	v51 =	vor.u32 v16, v34;
	v50 =	vld [tilespmem:s8+$0xFFFFFE00]  }
0x219: {  	v53 =	vld.idx.msk [tilespmem:v59+s13+$0x0], $0xffff;
	v52 =	vmul.f32 v57, v58;
	v35 =	vadd.f32 v48, v35  }
0x21a: {  	v55 =	vor.u32 v30, v34;
	v54 =	vld [tilespmem:s8+$0xFFFFFE80]  }
0x21b: {  	v57 =	vld.idx.msk [tilespmem:v63+s13+$0x0], $0xffff;
	v56 =	vmul.f32 v61, v62;
	v35 =	vadd.f32 v52, v35  }
0x21c: {  	v59 =	vor.u32 v17, v34;
	v58 =	vld [tilespmem:s8+$0xFFFFFF00]  }
0x21d: {  	v61 =	vld.idx.msk [tilespmem:v51+s13+$0x0], $0xffff;
	v60 =	vmul.f32 v49, v50;
	v35 =	vadd.f32 v56, v35  }
0x21e: {  	v63 =	vor.u32 v18, v34;
	v62 =	vld [tilespmem:s8+$0xFFFFFF80]  }
0x21f: {  	v49 =	vld.idx.msk [tilespmem:v55+s13+$0x0], $0xffff;
	v48 =	vmul.f32 v53, v54;
	v35 =	vadd.f32 v60, v35  }
0x220: {  	v51 =	vor.u32 v20, v34;
	v50 =	vld [tilespmem:s8+$0x0]  }
0x221: {  	v53 =	vld.idx.msk [tilespmem:v59+s13+$0x0], $0xffff;
	v52 =	vmul.f32 v57, v58;
	v35 =	vadd.f32 v48, v35  }
0x222: {  	v55 =	vor.u32 v19, v34;
	v54 =	vld [tilespmem:s8+$0x80]  }
0x223: {  	v57 =	vld.idx.msk [tilespmem:v63+s13+$0x0], $0xffff;
	v56 =	vmul.f32 v61, v62;
	v35 =	vadd.f32 v52, v35  }
0x224: {  	v59 =	vor.u32 v21, v34;
	v58 =	vld [tilespmem:s8+$0x100]  }
0x225: {  	v61 =	vld.idx.msk [tilespmem:v51+s13+$0x0], $0xffff;
	v60 =	vmul.f32 v49, v50;
	v35 =	vadd.f32 v56, v35  }
0x226: {  	v63 =	vor.u32 v22, v34;
	v62 =	vld [tilespmem:s8+$0x180]  }
0x227: {  	v49 =	vld.idx.msk [tilespmem:v55+s13+$0x0], $0xffff;
	v48 =	vmul.f32 v53, v54;
	v35 =	vadd.f32 v60, v35  }
0x228: {  	v51 =	vor.u32 v23, v34;
	v50 =	vld [tilespmem:s8+$0x200]  }
0x229: {  	v53 =	vld.idx.msk [tilespmem:v59+s13+$0x0], $0xffff;
	v52 =	vmul.f32 v57, v58;
	v35 =	vadd.f32 v48, v35  }
0x22a: {  	v55 =	vor.u32 v24, v34;
	v54 =	vld [tilespmem:s8+$0x280]  }
0x22b: {  	v57 =	vld.idx.msk [tilespmem:v63+s13+$0x0], $0xffff;
	v56 =	vmul.f32 v61, v62;
	v35 =	vadd.f32 v52, v35  }
0x22c: {  	v59 =	vor.u32 v25, v34;
	v58 =	vld [tilespmem:s8+$0x300]  }
0x22d: {  	v61 =	vld.idx.msk [tilespmem:v51+s13+$0x0], $0xffff;
	v60 =	vmul.f32 v49, v50;
	v35 =	vadd.f32 v56, v35  }
0x22e: {  	v63 =	vor.u32 v26, v34;
	v62 =	vld [tilespmem:s8+$0x380]  }
0x22f: {  	v49 =	vld.idx.msk [tilespmem:v55+s13+$0x0], $0xffff;
	v48 =	vmul.f32 v53, v54;
	v35 =	vadd.f32 v60, v35  }
0x230: {  	v51 =	vor.u32 v27, v34;
	v50 =	vld [tilespmem:s8+$0x400]  }
0x231: {  	v53 =	vld.idx.msk [tilespmem:v59+s13+$0x0], $0xffff;
	v52 =	vmul.f32 v57, v58;
	v35 =	vadd.f32 v48, v35  }
0x232: {  	v55 =	vor.u32 v28, v34;
	v54 =	vld [tilespmem:s8+$0x480]  }
0x233: {  	v57 =	vld.idx.msk [tilespmem:v63+s13+$0x0], $0xffff;
	v56 =	vmul.f32 v61, v62;
	v35 =	vadd.f32 v52, v35  }
0x234: {  	v58 =	vld [tilespmem:s8+$0x500]  }
0x235: {  	v59 =	vor.u32 v29, v34;
	v61 =	vld.idx.msk [tilespmem:v51+s13+$0x0], $0xffff;
	v60 =	vmul.f32 v49, v50;
	v35 =	vadd.f32 v56, v35  }
0x236: {  	v62 =	vld [tilespmem:s8+$0x580]  }
0x237: {  	v63 =	vor.u32 v31, v34;
	v47 =	vld.idx.msk [tilespmem:v55+s13+$0x0], $0xffff;
	v46 =	vmul.f32 v53, v54;
	v35 =	vadd.f32 v60, v35  }
0x238: {  	v34 =	vor.u32 v32, v34;
	v48 =	vld [tilespmem:s8+$0x600]  }
0x239: {  	v51 =	vld [tilespmem:s8+$0x680];
	v49 =	vmul.f32 v57, v58;
	v35 =	vadd.f32 v46, v35  }
0x23a: {  	v50 =	vld.idx.msk [tilespmem:v59+s13+$0x0], $0xffff  }
0x23b: {  	v54 =	vld [tilespmem:s8+$0x700];
	v52 =	vmul.f32 v61, v62;
	v35 =	vadd.f32 v49, v35  }
0x23c: {  	v53 =	vld.idx.msk [tilespmem:v63+s13+$0x0], $0xffff  }
0x23d: {  	v34 =	vld.idx.msk [tilespmem:v34+s13+$0x0], $0xffff;
	v55 =	vmul.f32 v47, v48;
	v35 =	vadd.f32 v52, v35  }
0x23e: {  	v56 =	vld [tilespmem:s8+$0x780]  }
0x23f: {  	v57 =	vmul.f32 v50, v51;
	v35 =	vadd.f32 v55, v35;
	_ =	sdelay $0x1  }
0x240: {  	v58 =	vmul.f32 v53, v54;
	v35 =	vadd.f32 v57, v35;
	_ =	sdelay $0x1  }
0x241: {  	v34 =	vmul.f32 v34, v56;
	v35 =	vadd.f32 v58, v35;
	_ =	sdelay $0x1  }
0x242: {  	v34 =	vadd.f32 v34, v35;
	_ =	sdelay $0x1  }
0x243: {  	v34 =	vmax.f32 v34, $-4.000000000e+00  }
0x244: {  	v34 =	vmin.f32 v34, $4.000000000e+00  }
0x245: {  	v34 =	vsub.f32 $0.0e+00, v34;
	_ =	sdelay $0x1  }
0x246: {  	v34 =	vmul.f32 $1.442695020e+00, v34;
	_ =	sdelay $0x1  }
0x247: {  	(erf) = vpow2.f32 v34;
	_ =	sdelay $0x8  }
0x248: {  	v34 =	vpop (erf)  }
0x249: {  	v34 =	vadd.f32 $1.000000000e+00, v34;
	_ =	sdelay $0x1  }
0x24a: {  	v59 =	vand.u32 $0x7FFFFF, v34  }
0x24b: {  	v35 =	vor.u32 $0x3F800000, v59  }
0x24c: {  	v60 =	vmul.f32 $-1.702961140e-02, v35;
	_ =	sdelay $0x1  }
0x24d: {  	v36 =	vadd.f32 $1.837008450e-01, v60;
	_ =	sdelay $0x1  }
0x24e: {  	v36 =	vmul.f32 v35, v36;
	_ =	sdelay $0x1  }
0x24f: {  	v36 =	vadd.f32 $-8.520795700e-01, v36;
	_ =	sdelay $0x1  }
0x250: {  	v36 =	vmul.f32 v35, v36;
	_ =	sdelay $0x1  }
0x251: {  	v36 =	vadd.f32 $2.226943490e+00, v36;
	_ =	sdelay $0x1  }
0x252: {  	v36 =	vmul.f32 v35, v36;
	_ =	sdelay $0x1  }
0x253: {  	v36 =	vadd.f32 $-3.647120480e+00, v36;
	_ =	sdelay $0x1  }
0x254: {  	v36 =	vmul.f32 v35, v36;
	_ =	sdelay $0x1  }
0x255: {  	v34 =	vshra.s32 v34, $0x17;
	v36 =	vadd.f32 $4.205235000e+00, v36  }
0x256: {  	v34 =	vadd.s32 $0xFFFFFF81, v34  }
0x257: {  	s14 =	simm.s32 $0x10;
	s0 =	simm.s32 $0x17B00;
	v34 =	vcvt.s32.f32 v34;
	v61 =	vmul.f32 v35, v36  }
0x258: {  	v62 =	vmov s14;
	v35 =	vld [tilespmem:s0+$0x0]  }
0x259: {  	v63 =	vshll.u32 v62, $0x5;
	v36 =	vmul.f32 $6.931471820e-01, v34;
	v37 =	vadd.f32 $-2.099647760e+00, v61  }
0x25a: {  	s1 =	simm.s32 $0x20;
	v34 =	vor.u32 v1, v63  }
.LBB2_5:
0x25b: {  	p0 =	sne.s32 s1, $0x70;
	v38 =	vor.u32 v2, v34;
	v36 =	vadd.f32 v37, v36;
	_ =	sdelay $0x1  }
0x25c: {  	v37 =	vor.u32 v0, v34;
	v35 =	vadd.f32 v36, v35;
	_ =	sdelay $0x1  }
0x25d: {  	v36 =	vor.u32 v3, v34;
	[tilespmem:s0+$0x0] =	vst v35  }
0x25e: {  	s8 =	sadd.s32 $0x10, s8;
	v35 =	vld.idx.msk [tilespmem:v38+s13+$0x0], $0xffff  }
0x25f: {  	v39 =	vor.u32 v4, v34;
	v38 =	vld [tilespmem:s8+$0xFFFFF880]  }
0x260: {  	v37 =	vld.idx.msk [tilespmem:v37+s13+$0x0], $0xffff  }
0x261: {  	v41 =	vor.u32 v5, v34;
	v40 =	vld [tilespmem:s8+$0xFFFFF800]  }
0x262: {  	v36 =	vld.idx.msk [tilespmem:v36+s13+$0x0], $0xffff  }
0x263: {  	v43 =	vor.u32 v6, v34;
	v42 =	vld [tilespmem:s8+$0xFFFFF900]  }
0x264: {  	v39 =	vld.idx.msk [tilespmem:v39+s13+$0x0], $0xffff  }
0x265: {  	v45 =	vor.u32 v7, v34;
	v44 =	vld [tilespmem:s8+$0xFFFFF980]  }
0x266: {  	v35 =	vmul.f32 v35, v38;
	v37 =	vmul.f32 v37, v40;
	v38 =	vld.idx.msk [tilespmem:v41+s13+$0x0], $0xffff  }
0x267: {  	v41 =	vor.u32 v8, v34;
	v40 =	vld [tilespmem:s8+$0xFFFFFA00]  }
0x268: {  	v35 =	vadd.f32 v35, v37;
	v36 =	vmul.f32 v36, v42;
	v37 =	vld.idx.msk [tilespmem:v43+s13+$0x0], $0xffff  }
0x269: {  	v43 =	vor.u32 v9, v34;
	v42 =	vld [tilespmem:s8+$0xFFFFFA80]  }
0x26a: {  	v35 =	vadd.f32 v36, v35;
	v36 =	vmul.f32 v39, v44;
	v39 =	vld.idx.msk [tilespmem:v45+s13+$0x0], $0xffff  }
0x26b: {  	v45 =	vor.u32 v10, v34;
	v44 =	vld [tilespmem:s8+$0xFFFFFB00]  }
0x26c: {  	v35 =	vadd.f32 v36, v35;
	v36 =	vmul.f32 v38, v40;
	v38 =	vld.idx.msk [tilespmem:v41+s13+$0x0], $0xffff  }
0x26d: {  	v41 =	vor.u32 v11, v34;
	v40 =	vld [tilespmem:s8+$0xFFFFFB80]  }
0x26e: {  	v35 =	vadd.f32 v36, v35;
	v36 =	vmul.f32 v37, v42;
	v37 =	vld.idx.msk [tilespmem:v43+s13+$0x0], $0xffff  }
0x26f: {  	v43 =	vor.u32 v12, v34;
	v42 =	vld [tilespmem:s8+$0xFFFFFC00]  }
0x270: {  	v35 =	vadd.f32 v36, v35;
	v36 =	vmul.f32 v39, v44;
	v39 =	vld.idx.msk [tilespmem:v45+s13+$0x0], $0xffff  }
0x271: {  	v45 =	vor.u32 v13, v34;
	v44 =	vld [tilespmem:s8+$0xFFFFFC80]  }
0x272: {  	v35 =	vadd.f32 v36, v35;
	v36 =	vmul.f32 v38, v40;
	v38 =	vld.idx.msk [tilespmem:v41+s13+$0x0], $0xffff  }
0x273: {  	v41 =	vor.u32 v14, v34;
	v40 =	vld [tilespmem:s8+$0xFFFFFD00]  }
0x274: {  	v35 =	vadd.f32 v36, v35;
	v36 =	vmul.f32 v37, v42;
	v37 =	vld.idx.msk [tilespmem:v43+s13+$0x0], $0xffff  }
0x275: {  	v43 =	vor.u32 v15, v34;
	v42 =	vld [tilespmem:s8+$0xFFFFFD80]  }
0x276: {  	v35 =	vadd.f32 v36, v35;
	v36 =	vmul.f32 v39, v44;
	v39 =	vld.idx.msk [tilespmem:v45+s13+$0x0], $0xffff  }
0x277: {  	v45 =	vor.u32 v16, v34;
	v44 =	vld [tilespmem:s8+$0xFFFFFE00]  }
0x278: {  	v35 =	vadd.f32 v36, v35;
	v36 =	vmul.f32 v38, v40;
	v38 =	vld.idx.msk [tilespmem:v41+s13+$0x0], $0xffff  }
0x279: {  	v41 =	vor.u32 v30, v34;
	v40 =	vld [tilespmem:s8+$0xFFFFFE80]  }
0x27a: {  	v35 =	vadd.f32 v36, v35;
	v36 =	vmul.f32 v37, v42;
	v37 =	vld.idx.msk [tilespmem:v43+s13+$0x0], $0xffff  }
0x27b: {  	v43 =	vor.u32 v17, v34;
	v42 =	vld [tilespmem:s8+$0xFFFFFF00]  }
0x27c: {  	v35 =	vadd.f32 v36, v35;
	v36 =	vmul.f32 v39, v44;
	v39 =	vld.idx.msk [tilespmem:v45+s13+$0x0], $0xffff  }
0x27d: {  	v45 =	vor.u32 v18, v34;
	v44 =	vld [tilespmem:s8+$0xFFFFFF80]  }
0x27e: {  	v35 =	vadd.f32 v36, v35;
	v36 =	vmul.f32 v38, v40;
	v38 =	vld.idx.msk [tilespmem:v41+s13+$0x0], $0xffff  }
0x27f: {  	v41 =	vor.u32 v20, v34;
	v40 =	vld [tilespmem:s8+$0x0]  }
0x280: {  	v35 =	vadd.f32 v36, v35;
	v36 =	vmul.f32 v37, v42;
	v37 =	vld.idx.msk [tilespmem:v43+s13+$0x0], $0xffff  }
0x281: {  	v43 =	vor.u32 v19, v34;
	v42 =	vld [tilespmem:s8+$0x80]  }
0x282: {  	v35 =	vadd.f32 v36, v35;
	v36 =	vmul.f32 v39, v44;
	v39 =	vld.idx.msk [tilespmem:v45+s13+$0x0], $0xffff  }
0x283: {  	v45 =	vor.u32 v21, v34;
	v44 =	vld [tilespmem:s8+$0x100]  }
0x284: {  	v35 =	vadd.f32 v36, v35;
	v36 =	vmul.f32 v38, v40;
	v38 =	vld.idx.msk [tilespmem:v41+s13+$0x0], $0xffff  }
0x285: {  	v41 =	vor.u32 v22, v34;
	v40 =	vld [tilespmem:s8+$0x180]  }
0x286: {  	v35 =	vadd.f32 v36, v35;
	v36 =	vmul.f32 v37, v42;
	v37 =	vld.idx.msk [tilespmem:v43+s13+$0x0], $0xffff  }
0x287: {  	v43 =	vor.u32 v23, v34;
	v42 =	vld [tilespmem:s8+$0x200]  }
0x288: {  	v35 =	vadd.f32 v36, v35;
	v36 =	vmul.f32 v39, v44;
	v39 =	vld.idx.msk [tilespmem:v45+s13+$0x0], $0xffff  }
0x289: {  	v45 =	vor.u32 v24, v34;
	v44 =	vld [tilespmem:s8+$0x280]  }
0x28a: {  	v35 =	vadd.f32 v36, v35;
	v36 =	vmul.f32 v38, v40;
	v38 =	vld.idx.msk [tilespmem:v41+s13+$0x0], $0xffff  }
0x28b: {  	v41 =	vor.u32 v25, v34;
	v40 =	vld [tilespmem:s8+$0x300]  }
0x28c: {  	v35 =	vadd.f32 v36, v35;
	v36 =	vmul.f32 v37, v42;
	v37 =	vld.idx.msk [tilespmem:v43+s13+$0x0], $0xffff  }
0x28d: {  	v43 =	vor.u32 v26, v34;
	v42 =	vld [tilespmem:s8+$0x380]  }
0x28e: {  	v35 =	vadd.f32 v36, v35;
	v36 =	vmul.f32 v39, v44;
	v39 =	vld.idx.msk [tilespmem:v45+s13+$0x0], $0xffff  }
0x28f: {  	v45 =	vor.u32 v27, v34;
	v44 =	vld [tilespmem:s8+$0x400]  }
0x290: {  	v35 =	vadd.f32 v36, v35;
	v36 =	vmul.f32 v38, v40;
	v38 =	vld.idx.msk [tilespmem:v41+s13+$0x0], $0xffff  }
0x291: {  	v41 =	vor.u32 v28, v34;
	v40 =	vld [tilespmem:s8+$0x480]  }
0x292: {  	v35 =	vadd.f32 v36, v35;
	v36 =	vmul.f32 v37, v42;
	v37 =	vld.idx.msk [tilespmem:v43+s13+$0x0], $0xffff  }
0x293: {  	v43 =	vor.u32 v29, v34;
	v42 =	vld [tilespmem:s8+$0x500]  }
0x294: {  	v35 =	vadd.f32 v36, v35;
	v36 =	vmul.f32 v39, v44;
	v39 =	vld.idx.msk [tilespmem:v45+s13+$0x0], $0xffff  }
0x295: {  	v45 =	vor.u32 v31, v34;
	v44 =	vld [tilespmem:s8+$0x580]  }
0x296: {  	v35 =	vadd.f32 v36, v35;
	v36 =	vmul.f32 v38, v40;
	v38 =	vld.idx.msk [tilespmem:v41+s13+$0x0], $0xffff  }
0x297: {  	v34 =	vor.u32 v32, v34;
	v40 =	vld [tilespmem:s8+$0x600]  }
0x298: {  	v35 =	vadd.f32 v36, v35;
	v36 =	vmul.f32 v37, v42;
	v37 =	vld.idx.msk [tilespmem:v43+s13+$0x0], $0xffff  }
0x299: {  	v41 =	vld [tilespmem:s8+$0x680]  }
0x29a: {  	v35 =	vadd.f32 v36, v35;
	v36 =	vmul.f32 v39, v44;
	v39 =	vld.idx.msk [tilespmem:v45+s13+$0x0], $0xffff  }
0x29b: {  	v42 =	vld [tilespmem:s8+$0x700]  }
0x29c: {  	v35 =	vadd.f32 v36, v35;
	v36 =	vmul.f32 v38, v40;
	v34 =	vld.idx.msk [tilespmem:v34+s13+$0x0], $0xffff  }
0x29d: {  	v38 =	vld [tilespmem:s8+$0x780]  }
0x29e: {  	v35 =	vadd.f32 v36, v35;
	v36 =	vmul.f32 v37, v41;
	_ =	sdelay $0x1  }
0x29f: {  	v35 =	vadd.f32 v36, v35;
	v36 =	vmul.f32 v39, v42;
	_ =	sdelay $0x1  }
0x2a0: {  	v35 =	vadd.f32 v36, v35;
	v34 =	vmul.f32 v34, v38;
	_ =	sdelay $0x1  }
0x2a1: {  	v34 =	vadd.f32 v34, v35;
	_ =	sdelay $0x1  }
0x2a2: {  	v34 =	vmax.f32 v34, $-4.000000000e+00  }
0x2a3: {  	v34 =	vmin.f32 v34, $4.000000000e+00  }
0x2a4: {  	v34 =	vsub.f32 $0.0e+00, v34;
	_ =	sdelay $0x1  }
0x2a5: {  	v34 =	vmul.f32 $1.442695020e+00, v34;
	_ =	sdelay $0x1  }
0x2a6: {  	(erf) = vpow2.f32 v34;
	_ =	sdelay $0x8  }
0x2a7: {  	v34 =	vpop (erf)  }
0x2a8: {  	v34 =	vadd.f32 $1.000000000e+00, v34;
	_ =	sdelay $0x1  }
0x2a9: {  	v35 =	vand.u32 $0x7FFFFF, v34  }
0x2aa: {  	v35 =	vor.u32 $0x3F800000, v35  }
0x2ab: {  	v36 =	vmul.f32 $-1.702961140e-02, v35;
	_ =	sdelay $0x1  }
0x2ac: {  	v36 =	vadd.f32 $1.837008450e-01, v36;
	_ =	sdelay $0x1  }
0x2ad: {  	v36 =	vmul.f32 v35, v36;
	_ =	sdelay $0x1  }
0x2ae: {  	v36 =	vadd.f32 $-8.520795700e-01, v36;
	_ =	sdelay $0x1  }
0x2af: {  	v36 =	vmul.f32 v35, v36;
	_ =	sdelay $0x1  }
0x2b0: {  	v36 =	vadd.f32 $2.226943490e+00, v36;
	_ =	sdelay $0x1  }
0x2b1: {  	v36 =	vmul.f32 v35, v36;
	_ =	sdelay $0x1  }
0x2b2: {  	v36 =	vadd.f32 $-3.647120480e+00, v36;
	_ =	sdelay $0x1  }
0x2b3: {  	v36 =	vmul.f32 v35, v36;
	_ =	sdelay $0x1  }
0x2b4: {  	v34 =	vshra.s32 v34, $0x17;
	v36 =	vadd.f32 $4.205235000e+00, v36  }
.Ltmp1:
0x2b5: {  	v34 =	vadd.s32 $0xFFFFFF81, v34;
	(pc) =	sbr.rel @p0 .LBB2_5-.Ltmp1, $4  }
0x2b6: {  	s0 =	sadd.s32 $0x10, s0;
	v34 =	vcvt.s32.f32 v34;
	v37 =	vmul.f32 v35, v36  }
0x2b7: {  	v36 =	vmov s1;
	v35 =	vld [tilespmem:s0+$0x0]  }
0x2b8: {  	v38 =	vshll.u32 v36, $0x5;
	v36 =	vmul.f32 $6.931471820e-01, v34;
	v37 =	vadd.f32 $-2.099647760e+00, v37  }
0x2b9: {  	s1 =	sadd.s32 $0x10, s1;
	v34 =	vor.u32 v1, v38  }
0x2ba: {  	v38 =	vor.u32 v2, v34;
	v36 =	vadd.f32 v37, v36;
	_ =	sdelay $0x1  }
0x2bb: {  	v47 =	vor.u32 v0, v34;
	v35 =	vadd.f32 v36, v35;
	_ =	sdelay $0x1  }
0x2bc: {  	v48 =	vor.u32 v3, v34;
	[tilespmem:s0+$0x0] =	vst v35  }
0x2bd: {  	s1 =	sadd.s32 $0x10, s8;
	v35 =	vld.idx.msk [tilespmem:v38+s13+$0x0], $0xffff  }
0x2be: {  	v39 =	vor.u32 v4, v34;
	v49 =	vld [tilespmem:s1+$0xFFFFF880]  }
0x2bf: {  	v37 =	vld.idx.msk [tilespmem:v47+s13+$0x0], $0xffff  }
0x2c0: {  	v41 =	vor.u32 v5, v34;
	v40 =	vld [tilespmem:s1+$0xFFFFF800]  }
0x2c1: {  	v36 =	vld.idx.msk [tilespmem:v48+s13+$0x0], $0xffff  }
0x2c2: {  	v43 =	vor.u32 v6, v34;
	v42 =	vld [tilespmem:s1+$0xFFFFF900]  }
0x2c3: {  	v39 =	vld.idx.msk [tilespmem:v39+s13+$0x0], $0xffff  }
0x2c4: {  	v45 =	vor.u32 v7, v34;
	v44 =	vld [tilespmem:s1+$0xFFFFF980]  }
0x2c5: {  	v50 =	vld.idx.msk [tilespmem:v41+s13+$0x0], $0xffff;
	v37 =	vmul.f32 v37, v40;
	v35 =	vmul.f32 v35, v49  }
0x2c6: {  	v52 =	vor.u32 v8, v34;
	v51 =	vld [tilespmem:s1+$0xFFFFFA00]  }
0x2c7: {  	v53 =	vld.idx.msk [tilespmem:v43+s13+$0x0], $0xffff;
	v36 =	vmul.f32 v36, v42;
	v35 =	vadd.f32 v35, v37  }
0x2c8: {  	v55 =	vor.u32 v9, v34;
	v54 =	vld [tilespmem:s1+$0xFFFFFA80]  }
0x2c9: {  	v57 =	vld.idx.msk [tilespmem:v45+s13+$0x0], $0xffff;
	v56 =	vmul.f32 v39, v44;
	v35 =	vadd.f32 v36, v35  }
0x2ca: {  	v59 =	vor.u32 v10, v34;
	v58 =	vld [tilespmem:s1+$0xFFFFFB00]  }
0x2cb: {  	v61 =	vld.idx.msk [tilespmem:v52+s13+$0x0], $0xffff;
	v60 =	vmul.f32 v50, v51;
	v35 =	vadd.f32 v56, v35  }
0x2cc: {  	v63 =	vor.u32 v11, v34;
	v62 =	vld [tilespmem:s1+$0xFFFFFB80]  }
0x2cd: {  	v48 =	vmul.f32 v53, v54;
	v49 =	vld.idx.msk [tilespmem:v55+s13+$0x0], $0xffff;
	v35 =	vadd.f32 v60, v35  }
0x2ce: {  	v50 =	vld [tilespmem:s1+$0xFFFFFC00];
	v51 =	vor.u32 v12, v34  }
0x2cf: {  	v52 =	vmul.f32 v57, v58;
	v53 =	vld.idx.msk [tilespmem:v59+s13+$0x0], $0xffff;
	v35 =	vadd.f32 v48, v35  }
0x2d0: {  	v54 =	vld [tilespmem:s1+$0xFFFFFC80];
	v55 =	vor.u32 v13, v34  }
0x2d1: {  	v57 =	vld.idx.msk [tilespmem:v63+s13+$0x0], $0xffff;
	v56 =	vmul.f32 v61, v62;
	v35 =	vadd.f32 v52, v35  }
0x2d2: {  	v58 =	vld [tilespmem:s1+$0xFFFFFD00];
	v59 =	vor.u32 v14, v34  }
0x2d3: {  	v61 =	vld.idx.msk [tilespmem:v51+s13+$0x0], $0xffff;
	v60 =	vmul.f32 v49, v50;
	v35 =	vadd.f32 v56, v35  }
0x2d4: {  	v63 =	vor.u32 v15, v34;
	v62 =	vld [tilespmem:s1+$0xFFFFFD80]  }
0x2d5: {  	v49 =	vld.idx.msk [tilespmem:v55+s13+$0x0], $0xffff;
	v48 =	vmul.f32 v53, v54;
	v35 =	vadd.f32 v60, v35  }
0x2d6: {  	v51 =	vor.u32 v16, v34;
	v50 =	vld [tilespmem:s1+$0xFFFFFE00]  }
0x2d7: {  	v53 =	vld.idx.msk [tilespmem:v59+s13+$0x0], $0xffff;
	v52 =	vmul.f32 v57, v58;
	v35 =	vadd.f32 v48, v35  }
0x2d8: {  	v55 =	vor.u32 v30, v34;
	v54 =	vld [tilespmem:s1+$0xFFFFFE80]  }
0x2d9: {  	v57 =	vld.idx.msk [tilespmem:v63+s13+$0x0], $0xffff;
	v56 =	vmul.f32 v61, v62;
	v35 =	vadd.f32 v52, v35  }
0x2da: {  	v59 =	vor.u32 v17, v34;
	v58 =	vld [tilespmem:s1+$0xFFFFFF00]  }
0x2db: {  	v61 =	vld.idx.msk [tilespmem:v51+s13+$0x0], $0xffff;
	v60 =	vmul.f32 v49, v50;
	v35 =	vadd.f32 v56, v35  }
0x2dc: {  	v63 =	vor.u32 v18, v34;
	v62 =	vld [tilespmem:s1+$0xFFFFFF80]  }
0x2dd: {  	v49 =	vld.idx.msk [tilespmem:v55+s13+$0x0], $0xffff;
	v48 =	vmul.f32 v53, v54;
	v35 =	vadd.f32 v60, v35  }
0x2de: {  	v51 =	vor.u32 v20, v34;
	v50 =	vld [tilespmem:s1+$0x0]  }
0x2df: {  	v53 =	vld.idx.msk [tilespmem:v59+s13+$0x0], $0xffff;
	v52 =	vmul.f32 v57, v58;
	v35 =	vadd.f32 v48, v35  }
0x2e0: {  	v55 =	vor.u32 v19, v34;
	v54 =	vld [tilespmem:s1+$0x80]  }
0x2e1: {  	v57 =	vld.idx.msk [tilespmem:v63+s13+$0x0], $0xffff;
	v56 =	vmul.f32 v61, v62;
	v35 =	vadd.f32 v52, v35  }
0x2e2: {  	v59 =	vor.u32 v21, v34;
	v58 =	vld [tilespmem:s1+$0x100]  }
0x2e3: {  	v61 =	vld.idx.msk [tilespmem:v51+s13+$0x0], $0xffff;
	v60 =	vmul.f32 v49, v50;
	v35 =	vadd.f32 v56, v35  }
0x2e4: {  	v63 =	vor.u32 v22, v34;
	v62 =	vld [tilespmem:s1+$0x180]  }
0x2e5: {  	v49 =	vld.idx.msk [tilespmem:v55+s13+$0x0], $0xffff;
	v48 =	vmul.f32 v53, v54;
	v35 =	vadd.f32 v60, v35  }
0x2e6: {  	v51 =	vor.u32 v23, v34;
	v50 =	vld [tilespmem:s1+$0x200]  }
0x2e7: {  	v53 =	vld.idx.msk [tilespmem:v59+s13+$0x0], $0xffff;
	v52 =	vmul.f32 v57, v58;
	v35 =	vadd.f32 v48, v35  }
0x2e8: {  	v55 =	vor.u32 v24, v34;
	v54 =	vld [tilespmem:s1+$0x280]  }
0x2e9: {  	v57 =	vld.idx.msk [tilespmem:v63+s13+$0x0], $0xffff;
	v56 =	vmul.f32 v61, v62;
	v35 =	vadd.f32 v52, v35  }
0x2ea: {  	v59 =	vor.u32 v25, v34;
	v58 =	vld [tilespmem:s1+$0x300]  }
0x2eb: {  	v61 =	vld.idx.msk [tilespmem:v51+s13+$0x0], $0xffff;
	v60 =	vmul.f32 v49, v50;
	v35 =	vadd.f32 v56, v35  }
0x2ec: {  	v63 =	vor.u32 v26, v34;
	v62 =	vld [tilespmem:s1+$0x380]  }
0x2ed: {  	v49 =	vld.idx.msk [tilespmem:v55+s13+$0x0], $0xffff;
	v48 =	vmul.f32 v53, v54;
	v35 =	vadd.f32 v60, v35  }
0x2ee: {  	v51 =	vor.u32 v27, v34;
	v50 =	vld [tilespmem:s1+$0x400]  }
0x2ef: {  	v53 =	vld.idx.msk [tilespmem:v59+s13+$0x0], $0xffff;
	v52 =	vmul.f32 v57, v58;
	v35 =	vadd.f32 v48, v35  }
0x2f0: {  	v54 =	vld [tilespmem:s1+$0x480]  }
0x2f1: {  	v55 =	vor.u32 v28, v34;
	v57 =	vld.idx.msk [tilespmem:v63+s13+$0x0], $0xffff;
	v56 =	vmul.f32 v61, v62;
	v35 =	vadd.f32 v52, v35  }
0x2f2: {  	v58 =	vld [tilespmem:s1+$0x500]  }
0x2f3: {  	v59 =	vor.u32 v29, v34;
	v61 =	vld.idx.msk [tilespmem:v51+s13+$0x0], $0xffff;
	v60 =	vmul.f32 v49, v50;
	v35 =	vadd.f32 v56, v35  }
0x2f4: {  	v63 =	vor.u32 v31, v34;
	v62 =	vld [tilespmem:s1+$0x580]  }
0x2f5: {  	v47 =	vmul.f32 v53, v54;
	v49 =	vld [tilespmem:s1+$0x600];
	v35 =	vadd.f32 v60, v35  }
0x2f6: {  	v48 =	vld.idx.msk [tilespmem:v55+s13+$0x0], $0xffff  }
0x2f7: {  	v53 =	vld [tilespmem:s1+$0x680];
	v50 =	vor.u32 v32, v34;
	v51 =	vmul.f32 v57, v58;
	v35 =	vadd.f32 v47, v35  }
0x2f8: {  	v52 =	vld.idx.msk [tilespmem:v59+s13+$0x0], $0xffff  }
0x2f9: {  	v55 =	vld.idx.msk [tilespmem:v63+s13+$0x0], $0xffff;
	v54 =	vmul.f32 v61, v62;
	v35 =	vadd.f32 v51, v35  }
0x2fa: {  	v56 =	vld [tilespmem:s1+$0x700]  }
0x2fb: {  	v58 =	vld [tilespmem:s1+$0x780];
	v57 =	vmul.f32 v48, v49;
	v35 =	vadd.f32 v54, v35  }
0x2fc: {  	v34 =	vld.idx.msk [tilespmem:v50+s13+$0x0], $0xffff  }
0x2fd: {  	v59 =	vmul.f32 v52, v53;
	v35 =	vadd.f32 v57, v35;
	_ =	sdelay $0x1  }
0x2fe: {  	v60 =	vmul.f32 v55, v56;
	v35 =	vadd.f32 v59, v35;
	_ =	sdelay $0x1  }
0x2ff: {  	v34 =	vmul.f32 v34, v58;
	v35 =	vadd.f32 v60, v35;
	_ =	sdelay $0x1  }
0x300: {  	v34 =	vadd.f32 v34, v35;
	_ =	sdelay $0x1  }
0x301: {  	v34 =	vmax.f32 v34, $-4.000000000e+00  }
0x302: {  	v34 =	vmin.f32 v34, $4.000000000e+00  }
0x303: {  	v34 =	vsub.f32 $0.0e+00, v34;
	_ =	sdelay $0x1  }
0x304: {  	v34 =	vmul.f32 $1.442695020e+00, v34;
	_ =	sdelay $0x1  }
0x305: {  	(erf) = vpow2.f32 v34;
	_ =	sdelay $0x8  }
0x306: {  	v34 =	vpop (erf)  }
0x307: {  	v34 =	vadd.f32 $1.000000000e+00, v34;
	_ =	sdelay $0x1  }
0x308: {  	v61 =	vand.u32 $0x7FFFFF, v34  }
0x309: {  	v35 =	vor.u32 $0x3F800000, v61  }
0x30a: {  	v62 =	vmul.f32 $-1.702961140e-02, v35;
	_ =	sdelay $0x1  }
0x30b: {  	v36 =	vadd.f32 $1.837008450e-01, v62;
	_ =	sdelay $0x1  }
0x30c: {  	v36 =	vmul.f32 v35, v36;
	_ =	sdelay $0x1  }
0x30d: {  	v36 =	vadd.f32 $-8.520795700e-01, v36;
	_ =	sdelay $0x1  }
0x30e: {  	v36 =	vmul.f32 v35, v36;
	_ =	sdelay $0x1  }
0x30f: {  	v36 =	vadd.f32 $2.226943490e+00, v36;
	_ =	sdelay $0x1  }
0x310: {  	v36 =	vmul.f32 v35, v36;
	_ =	sdelay $0x1  }
0x311: {  	v36 =	vadd.f32 $-3.647120480e+00, v36;
	_ =	sdelay $0x1  }
0x312: {  	v36 =	vmul.f32 v35, v36;
	_ =	sdelay $0x1  }
0x313: {  	v34 =	vshra.s32 v34, $0x17;
	v36 =	vadd.f32 $4.205235000e+00, v36  }
0x314: {  	v34 =	vadd.s32 $0xFFFFFF81, v34  }
0x315: {  	s9 =	sadd.s32 $0x10, s0;
	v34 =	vcvt.s32.f32 v34;
	v35 =	vmul.f32 v35, v36  }
0x316: {  	v63 =	vld [tilespmem:s9+$0x0]  }
0x317: {  	v34 =	vmul.f32 $6.931471820e-01, v34;
	v35 =	vadd.f32 $-2.099647760e+00, v35;
	_ =	sdelay $0x1  }
0x318: {  	v34 =	vadd.f32 v35, v34;
	_ =	sdelay $0x1  }
0x319: {  	v34 =	vadd.f32 v34, v63;
	_ =	sdelay $0x1  }
0x31a: {  	s14 =	simm.s32 $0x3;
	[tilespmem:s9+$0x0] =	vst v34  }
0x31b: {  	_ =	swait.ge [sflag:s14], $0x1000  }
0x31c: {  	[sflag:s14] =	ssyncset.done $0x0  }
0x31d: {  	[sflag:s14] =	ssyncadd.s32 $0xFFFFF000  }
0x31e: {  	_ =	swait.ge [sflag:s15], $0x1000  }
0x31f: {  	[sflag:s15] =	ssyncset.done $0x0  }
0x320: {  	[sflag:s15] =	ssyncadd.s32 $0xFFFFF000  }
0x321: {  	_ =	swait.ge [sflag:s16], $0x1000  }
0x322: {  	[sflag:s16] =	ssyncset.done $0x0  }
0x323: {  	[sflag:s16] =	ssyncadd.s32 $0xFFFFF000  }
0x324: {  	_ =	swait.ge [sflag:s17], $0x1000  }
0x325: {  	[sflag:s17] =	ssyncset.done $0x0  }
0x326: {  	[sflag:s17] =	ssyncadd.s32 $0xFFFFF000  }
0x327: {  	_ =	swait.ge [sflag:s18], $0x1000  }
0x328: {  	[sflag:s18] =	ssyncset.done $0x0  }
0x329: {  	[sflag:s18] =	ssyncadd.s32 $0xFFFFF000  }
0x32a: {  	_ =	swait.ge [sflag:s19], $0x1000  }
0x32b: {  	[sflag:s19] =	ssyncset.done $0x0  }
0x32c: {  	[sflag:s19] =	ssyncadd.s32 $0xFFFFF000  }
0x32d: {  	_ =	swait.ge [sflag:s20], $0x1000  }
0x32e: {  	[sflag:s20] =	ssyncset.done $0x0  }
0x32f: {  	[sflag:s20] =	ssyncadd.s32 $0xFFFFF000  }
0x330: {  	_ =	swait.ge [sflag:s21], $0x1000  }
0x331: {  	[sflag:s21] =	ssyncset.done $0x0  }
0x332: {  	[sflag:s21] =	ssyncadd.s32 $0xFFFFF000  }
0x333: {  	_ =	swait.ge [sflag:s23], $0x1000  }
0x334: {  	[sflag:s23] =	ssyncset.done $0x0  }
0x335: {  	[sflag:s23] =	ssyncadd.s32 $0xFFFFF000  }
0x336: {  	_ =	swait.ge [sflag:s24], $0x1000  }
0x337: {  	[sflag:s24] =	ssyncset.done $0x0  }
0x338: {  	s8 =	simm.s32 $0x0;
	s9 =	simm.s32 $0x0;
	[sflag:s24] =	ssyncadd.s32 $0xFFFFF000  }
.LBB2_8:
0x339: {  	s9 =	sadd.s32 $0x1, s9;
	v34 =	vmov s8  }
0x33a: {  	s0 =	sshll.u32 s9, $0xC;
	v35 =	vshll.u32 v34, $0x5  }
0x33b: {  	v34 =	vmov s0;
	v35 =	vor.u32 v1, v35  }
0x33c: {  	v35 =	vadd.s32 v34, v35  }
0x33d: {  	v36 =	vor.u32 v2, v35  }
0x33e: {  	v37 =	vor.u32 v0, v35  }
0x33f: {  	s0 =	simm.s32 $0x17300  }
0x340: {  	v39 =	vld [tilespmem:s0+$0xFFFFF880];
	v38 =	vor.u32 v3, v35  }
0x341: {  	v41 =	vld [tilespmem:s0+$0xFFFFF800]  }
0x342: {  	v40 =	vor.u32 v4, v35;
	v36 =	vld.idx.msk [tilespmem:v36+s13+$0x0], $0xffff  }
0x343: {  	v37 =	vld.idx.msk [tilespmem:v37+s13+$0x0], $0xffff  }
0x344: {  	v43 =	vld [tilespmem:s0+$0xFFFFF900];
	v42 =	vor.u32 v5, v35  }
0x345: {  	v38 =	vld.idx.msk [tilespmem:v38+s13+$0x0], $0xffff  }
0x346: {  	v45 =	vld [tilespmem:s0+$0xFFFFF980];
	v44 =	vor.u32 v6, v35  }
0x347: {  	v40 =	vld.idx.msk [tilespmem:v40+s13+$0x0], $0xffff  }
0x348: {  	v48 =	vld [tilespmem:s0+$0xFFFFFA00];
	v46 =	vor.u32 v7, v35;
	v37 =	vmul.f32 v37, v41;
	v36 =	vmul.f32 v36, v39  }
0x349: {  	v63 =	vld.idx.msk [tilespmem:v42+s13+$0x0], $0xffff  }
0x34a: {  	v52 =	vld [tilespmem:s0+$0xFFFFFA80];
	v49 =	vor.u32 v8, v35;
	v50 =	vmul.f32 v38, v43;
	v36 =	vadd.f32 v36, v37  }
0x34b: {  	v53 =	vor.u32 v9, v35;
	v51 =	vld.idx.msk [tilespmem:v44+s13+$0x0], $0xffff  }
0x34c: {  	v56 =	vld [tilespmem:s0+$0xFFFFFB00];
	v54 =	vmul.f32 v40, v45;
	v36 =	vadd.f32 v50, v36  }
0x34d: {  	v57 =	vor.u32 v10, v35;
	v55 =	vld.idx.msk [tilespmem:v46+s13+$0x0], $0xffff  }
0x34e: {  	v60 =	vld [tilespmem:s0+$0xFFFFFB80];
	v58 =	vmul.f32 v63, v48;
	v36 =	vadd.f32 v54, v36  }
0x34f: {  	v61 =	vor.u32 v11, v35;
	v59 =	vld.idx.msk [tilespmem:v49+s13+$0x0], $0xffff  }
0x350: {  	v62 =	vmul.f32 v51, v52;
	v63 =	vld.idx.msk [tilespmem:v53+s13+$0x0], $0xffff;
	v36 =	vadd.f32 v58, v36  }
0x351: {  	v49 =	vor.u32 v12, v35;
	v48 =	vld [tilespmem:s0+$0xFFFFFC00]  }
0x352: {  	v51 =	vld.idx.msk [tilespmem:v57+s13+$0x0], $0xffff;
	v50 =	vmul.f32 v55, v56;
	v36 =	vadd.f32 v62, v36  }
0x353: {  	v52 =	vld [tilespmem:s0+$0xFFFFFC80];
	v53 =	vor.u32 v13, v35  }
0x354: {  	v55 =	vld.idx.msk [tilespmem:v61+s13+$0x0], $0xffff;
	v54 =	vmul.f32 v59, v60;
	v36 =	vadd.f32 v50, v36  }
0x355: {  	v57 =	vor.u32 v14, v35;
	v56 =	vld [tilespmem:s0+$0xFFFFFD00]  }
0x356: {  	v59 =	vld.idx.msk [tilespmem:v49+s13+$0x0], $0xffff;
	v58 =	vmul.f32 v63, v48;
	v36 =	vadd.f32 v54, v36  }
0x357: {  	v61 =	vor.u32 v15, v35;
	v60 =	vld [tilespmem:s0+$0xFFFFFD80]  }
0x358: {  	v63 =	vld.idx.msk [tilespmem:v53+s13+$0x0], $0xffff;
	v62 =	vmul.f32 v51, v52;
	v36 =	vadd.f32 v58, v36  }
0x359: {  	v49 =	vor.u32 v16, v35;
	v48 =	vld [tilespmem:s0+$0xFFFFFE00]  }
0x35a: {  	v51 =	vld.idx.msk [tilespmem:v57+s13+$0x0], $0xffff;
	v50 =	vmul.f32 v55, v56;
	v36 =	vadd.f32 v62, v36  }
0x35b: {  	v53 =	vor.u32 v30, v35;
	v52 =	vld [tilespmem:s0+$0xFFFFFE80]  }
0x35c: {  	v55 =	vld.idx.msk [tilespmem:v61+s13+$0x0], $0xffff;
	v54 =	vmul.f32 v59, v60;
	v36 =	vadd.f32 v50, v36  }
0x35d: {  	v57 =	vor.u32 v17, v35;
	v56 =	vld [tilespmem:s0+$0xFFFFFF00]  }
0x35e: {  	v59 =	vld.idx.msk [tilespmem:v49+s13+$0x0], $0xffff;
	v58 =	vmul.f32 v63, v48;
	v36 =	vadd.f32 v54, v36  }
0x35f: {  	v61 =	vor.u32 v18, v35;
	v60 =	vld [tilespmem:s0+$0xFFFFFF80]  }
0x360: {  	v63 =	vld.idx.msk [tilespmem:v53+s13+$0x0], $0xffff;
	v62 =	vmul.f32 v51, v52;
	v36 =	vadd.f32 v58, v36  }
0x361: {  	v49 =	vor.u32 v20, v35;
	v48 =	vld [tilespmem:s0+$0x0]  }
0x362: {  	v51 =	vld.idx.msk [tilespmem:v57+s13+$0x0], $0xffff;
	v50 =	vmul.f32 v55, v56;
	v36 =	vadd.f32 v62, v36  }
0x363: {  	v53 =	vor.u32 v19, v35;
	v52 =	vld [tilespmem:s0+$0x80]  }
0x364: {  	v55 =	vld.idx.msk [tilespmem:v61+s13+$0x0], $0xffff;
	v54 =	vmul.f32 v59, v60;
	v36 =	vadd.f32 v50, v36  }
0x365: {  	v57 =	vor.u32 v21, v35;
	v56 =	vld [tilespmem:s0+$0x100]  }
0x366: {  	v59 =	vld.idx.msk [tilespmem:v49+s13+$0x0], $0xffff;
	v58 =	vmul.f32 v63, v48;
	v36 =	vadd.f32 v54, v36  }
0x367: {  	v61 =	vor.u32 v22, v35;
	v60 =	vld [tilespmem:s0+$0x180]  }
0x368: {  	v63 =	vld.idx.msk [tilespmem:v53+s13+$0x0], $0xffff;
	v62 =	vmul.f32 v51, v52;
	v36 =	vadd.f32 v58, v36  }
0x369: {  	v49 =	vor.u32 v23, v35;
	v48 =	vld [tilespmem:s0+$0x200]  }
0x36a: {  	v51 =	vld.idx.msk [tilespmem:v57+s13+$0x0], $0xffff;
	v50 =	vmul.f32 v55, v56;
	v36 =	vadd.f32 v62, v36  }
0x36b: {  	v53 =	vor.u32 v24, v35;
	v52 =	vld [tilespmem:s0+$0x280]  }
0x36c: {  	v55 =	vld.idx.msk [tilespmem:v61+s13+$0x0], $0xffff;
	v54 =	vmul.f32 v59, v60;
	v36 =	vadd.f32 v50, v36  }
0x36d: {  	v57 =	vor.u32 v25, v35;
	v56 =	vld [tilespmem:s0+$0x300]  }
0x36e: {  	v59 =	vld.idx.msk [tilespmem:v49+s13+$0x0], $0xffff;
	v58 =	vmul.f32 v63, v48;
	v36 =	vadd.f32 v54, v36  }
0x36f: {  	v61 =	vor.u32 v26, v35;
	v60 =	vld [tilespmem:s0+$0x380]  }
0x370: {  	v63 =	vld.idx.msk [tilespmem:v53+s13+$0x0], $0xffff;
	v62 =	vmul.f32 v51, v52;
	v36 =	vadd.f32 v58, v36  }
0x371: {  	v49 =	vor.u32 v27, v35;
	v48 =	vld [tilespmem:s0+$0x400]  }
0x372: {  	v51 =	vld.idx.msk [tilespmem:v57+s13+$0x0], $0xffff;
	v50 =	vmul.f32 v55, v56;
	v36 =	vadd.f32 v62, v36  }
0x373: {  	v52 =	vld [tilespmem:s0+$0x480]  }
0x374: {  	v53 =	vor.u32 v28, v35;
	v55 =	vld.idx.msk [tilespmem:v61+s13+$0x0], $0xffff;
	v54 =	vmul.f32 v59, v60;
	v36 =	vadd.f32 v50, v36  }
0x375: {  	v57 =	vor.u32 v29, v35;
	v56 =	vld [tilespmem:s0+$0x500]  }
0x376: {  	v59 =	vld.idx.msk [tilespmem:v49+s13+$0x0], $0xffff;
	v58 =	vmul.f32 v63, v48;
	v36 =	vadd.f32 v54, v36  }
0x377: {  	v60 =	vld [tilespmem:s0+$0x580]  }
0x378: {  	v47 =	vld [tilespmem:s0+$0x600];
	v61 =	vor.u32 v31, v35;
	v62 =	vmul.f32 v51, v52;
	v36 =	vadd.f32 v58, v36  }
0x379: {  	v35 =	vor.u32 v32, v35;
	v63 =	vld.idx.msk [tilespmem:v53+s13+$0x0], $0xffff  }
0x37a: {  	v49 =	vld.idx.msk [tilespmem:v57+s13+$0x0], $0xffff;
	v48 =	vmul.f32 v55, v56;
	v36 =	vadd.f32 v62, v36  }
0x37b: {  	v50 =	vld [tilespmem:s0+$0x680]  }
0x37c: {  	v53 =	vld [tilespmem:s0+$0x700];
	v51 =	vmul.f32 v59, v60;
	v36 =	vadd.f32 v48, v36  }
0x37d: {  	v52 =	vld.idx.msk [tilespmem:v61+s13+$0x0], $0xffff  }
0x37e: {  	v35 =	vld.idx.msk [tilespmem:v35+s13+$0x0], $0xffff;
	v54 =	vmul.f32 v63, v47;
	v36 =	vadd.f32 v51, v36  }
0x37f: {  	v55 =	vld [tilespmem:s0+$0x780]  }
0x380: {  	v56 =	vmul.f32 v49, v50;
	v36 =	vadd.f32 v54, v36;
	_ =	sdelay $0x1  }
0x381: {  	v57 =	vmul.f32 v52, v53;
	v36 =	vadd.f32 v56, v36;
	_ =	sdelay $0x1  }
0x382: {  	v35 =	vmul.f32 v35, v55;
	v36 =	vadd.f32 v57, v36;
	_ =	sdelay $0x1  }
0x383: {  	v35 =	vadd.f32 v35, v36;
	_ =	sdelay $0x1  }
0x384: {  	v35 =	vmax.f32 v35, $-4.000000000e+00  }
0x385: {  	v35 =	vmin.f32 v35, $4.000000000e+00  }
0x386: {  	v35 =	vmul.f32 $1.442695020e+00, v35;
	_ =	sdelay $0x1  }
0x387: {  	(erf) = vpow2.f32 v35;
	_ =	sdelay $0x8  }
0x388: {  	v35 =	vpop (erf)  }
0x389: {  	v35 =	vadd.f32 $1.000000000e+00, v35;
	_ =	sdelay $0x1  }
0x38a: {  	v58 =	vand.u32 $0x7FFFFF, v35  }
0x38b: {  	v36 =	vor.u32 $0x3F800000, v58  }
0x38c: {  	v59 =	vmul.f32 $-1.702961140e-02, v36;
	_ =	sdelay $0x1  }
0x38d: {  	v37 =	vadd.f32 $1.837008450e-01, v59;
	_ =	sdelay $0x1  }
0x38e: {  	v37 =	vmul.f32 v36, v37;
	_ =	sdelay $0x1  }
0x38f: {  	v37 =	vadd.f32 $-8.520795700e-01, v37;
	_ =	sdelay $0x1  }
0x390: {  	v37 =	vmul.f32 v36, v37;
	_ =	sdelay $0x1  }
0x391: {  	v37 =	vadd.f32 $2.226943490e+00, v37;
	_ =	sdelay $0x1  }
0x392: {  	v37 =	vmul.f32 v36, v37;
	_ =	sdelay $0x1  }
0x393: {  	v37 =	vadd.f32 $-3.647120480e+00, v37;
	_ =	sdelay $0x1  }
0x394: {  	v37 =	vmul.f32 v36, v37;
	_ =	sdelay $0x1  }
0x395: {  	v35 =	vshra.s32 v35, $0x17;
	v37 =	vadd.f32 $4.205235000e+00, v37  }
0x396: {  	s1 =	simm.s32 $0x10;
	v35 =	vadd.s32 $0xFFFFFF81, v35  }
0x397: {  	v60 =	vmov s1;
	s1 =	simm.s32 $0x17B00;
	v61 =	vcvt.s32.f32 v35;
	v62 =	vmul.f32 v36, v37  }
0x398: {  	v63 =	vshll.u32 v60, $0x5;
	v36 =	vld [tilespmem:s1+$0x0]  }
0x399: {  	s14 =	simm.s32 $0x20;
	v35 =	vor.u32 v1, v63;
	v37 =	vmul.f32 $6.931471820e-01, v61;
	v38 =	vadd.f32 $-2.099647760e+00, v62  }
.LBB2_9:
0x39a: {  	p0 =	seq.s32 s14, $0x70;
	v35 =	vadd.s32 v34, v35  }
0x39b: {  	v39 =	vor.u32 v2, v35;
	v37 =	vadd.f32 v38, v37;
	_ =	sdelay $0x1  }
0x39c: {  	v38 =	vor.u32 v0, v35;
	v36 =	vadd.f32 v37, v36;
	_ =	sdelay $0x1  }
0x39d: {  	v37 =	vor.u32 v3, v35;
	[tilespmem:s1+$0x0] =	vst v36  }
0x39e: {  	s0 =	sadd.s32 $0x10, s0;
	v36 =	vld.idx.msk [tilespmem:v39+s13+$0x0], $0xffff  }
0x39f: {  	v40 =	vor.u32 v4, v35;
	v39 =	vld [tilespmem:s0+$0xFFFFF880]  }
0x3a0: {  	v38 =	vld.idx.msk [tilespmem:v38+s13+$0x0], $0xffff  }
0x3a1: {  	v42 =	vor.u32 v5, v35;
	v41 =	vld [tilespmem:s0+$0xFFFFF800]  }
0x3a2: {  	v37 =	vld.idx.msk [tilespmem:v37+s13+$0x0], $0xffff  }
0x3a3: {  	v44 =	vor.u32 v6, v35;
	v43 =	vld [tilespmem:s0+$0xFFFFF900]  }
0x3a4: {  	v40 =	vld.idx.msk [tilespmem:v40+s13+$0x0], $0xffff  }
0x3a5: {  	v46 =	vor.u32 v7, v35;
	v45 =	vld [tilespmem:s0+$0xFFFFF980]  }
0x3a6: {  	v36 =	vmul.f32 v36, v39;
	v38 =	vmul.f32 v38, v41;
	v39 =	vld.idx.msk [tilespmem:v42+s13+$0x0], $0xffff  }
0x3a7: {  	v42 =	vor.u32 v8, v35;
	v41 =	vld [tilespmem:s0+$0xFFFFFA00]  }
0x3a8: {  	v36 =	vadd.f32 v36, v38;
	v37 =	vmul.f32 v37, v43;
	v38 =	vld.idx.msk [tilespmem:v44+s13+$0x0], $0xffff  }
0x3a9: {  	v44 =	vor.u32 v9, v35;
	v43 =	vld [tilespmem:s0+$0xFFFFFA80]  }
0x3aa: {  	v36 =	vadd.f32 v37, v36;
	v37 =	vmul.f32 v40, v45;
	v40 =	vld.idx.msk [tilespmem:v46+s13+$0x0], $0xffff  }
0x3ab: {  	v46 =	vor.u32 v10, v35;
	v45 =	vld [tilespmem:s0+$0xFFFFFB00]  }
0x3ac: {  	v36 =	vadd.f32 v37, v36;
	v37 =	vmul.f32 v39, v41;
	v39 =	vld.idx.msk [tilespmem:v42+s13+$0x0], $0xffff  }
0x3ad: {  	v42 =	vor.u32 v11, v35;
	v41 =	vld [tilespmem:s0+$0xFFFFFB80]  }
0x3ae: {  	v36 =	vadd.f32 v37, v36;
	v37 =	vmul.f32 v38, v43;
	v38 =	vld.idx.msk [tilespmem:v44+s13+$0x0], $0xffff  }
0x3af: {  	v44 =	vor.u32 v12, v35;
	v43 =	vld [tilespmem:s0+$0xFFFFFC00]  }
0x3b0: {  	v36 =	vadd.f32 v37, v36;
	v37 =	vmul.f32 v40, v45;
	v40 =	vld.idx.msk [tilespmem:v46+s13+$0x0], $0xffff  }
0x3b1: {  	v46 =	vor.u32 v13, v35;
	v45 =	vld [tilespmem:s0+$0xFFFFFC80]  }
0x3b2: {  	v36 =	vadd.f32 v37, v36;
	v37 =	vmul.f32 v39, v41;
	v39 =	vld.idx.msk [tilespmem:v42+s13+$0x0], $0xffff  }
0x3b3: {  	v42 =	vor.u32 v14, v35;
	v41 =	vld [tilespmem:s0+$0xFFFFFD00]  }
0x3b4: {  	v36 =	vadd.f32 v37, v36;
	v37 =	vmul.f32 v38, v43;
	v38 =	vld.idx.msk [tilespmem:v44+s13+$0x0], $0xffff  }
0x3b5: {  	v44 =	vor.u32 v15, v35;
	v43 =	vld [tilespmem:s0+$0xFFFFFD80]  }
0x3b6: {  	v36 =	vadd.f32 v37, v36;
	v37 =	vmul.f32 v40, v45;
	v40 =	vld.idx.msk [tilespmem:v46+s13+$0x0], $0xffff  }
0x3b7: {  	v46 =	vor.u32 v16, v35;
	v45 =	vld [tilespmem:s0+$0xFFFFFE00]  }
0x3b8: {  	v36 =	vadd.f32 v37, v36;
	v37 =	vmul.f32 v39, v41;
	v39 =	vld.idx.msk [tilespmem:v42+s13+$0x0], $0xffff  }
0x3b9: {  	v42 =	vor.u32 v30, v35;
	v41 =	vld [tilespmem:s0+$0xFFFFFE80]  }
0x3ba: {  	v36 =	vadd.f32 v37, v36;
	v37 =	vmul.f32 v38, v43;
	v38 =	vld.idx.msk [tilespmem:v44+s13+$0x0], $0xffff  }
0x3bb: {  	v44 =	vor.u32 v17, v35;
	v43 =	vld [tilespmem:s0+$0xFFFFFF00]  }
0x3bc: {  	v36 =	vadd.f32 v37, v36;
	v37 =	vmul.f32 v40, v45;
	v40 =	vld.idx.msk [tilespmem:v46+s13+$0x0], $0xffff  }
0x3bd: {  	v46 =	vor.u32 v18, v35;
	v45 =	vld [tilespmem:s0+$0xFFFFFF80]  }
0x3be: {  	v36 =	vadd.f32 v37, v36;
	v37 =	vmul.f32 v39, v41;
	v39 =	vld.idx.msk [tilespmem:v42+s13+$0x0], $0xffff  }
0x3bf: {  	v42 =	vor.u32 v20, v35;
	v41 =	vld [tilespmem:s0+$0x0]  }
0x3c0: {  	v36 =	vadd.f32 v37, v36;
	v37 =	vmul.f32 v38, v43;
	v38 =	vld.idx.msk [tilespmem:v44+s13+$0x0], $0xffff  }
0x3c1: {  	v44 =	vor.u32 v19, v35;
	v43 =	vld [tilespmem:s0+$0x80]  }
0x3c2: {  	v36 =	vadd.f32 v37, v36;
	v37 =	vmul.f32 v40, v45;
	v40 =	vld.idx.msk [tilespmem:v46+s13+$0x0], $0xffff  }
0x3c3: {  	v46 =	vor.u32 v21, v35;
	v45 =	vld [tilespmem:s0+$0x100]  }
0x3c4: {  	v36 =	vadd.f32 v37, v36;
	v37 =	vmul.f32 v39, v41;
	v39 =	vld.idx.msk [tilespmem:v42+s13+$0x0], $0xffff  }
0x3c5: {  	v42 =	vor.u32 v22, v35;
	v41 =	vld [tilespmem:s0+$0x180]  }
0x3c6: {  	v36 =	vadd.f32 v37, v36;
	v37 =	vmul.f32 v38, v43;
	v38 =	vld.idx.msk [tilespmem:v44+s13+$0x0], $0xffff  }
0x3c7: {  	v44 =	vor.u32 v23, v35;
	v43 =	vld [tilespmem:s0+$0x200]  }
0x3c8: {  	v36 =	vadd.f32 v37, v36;
	v37 =	vmul.f32 v40, v45;
	v40 =	vld.idx.msk [tilespmem:v46+s13+$0x0], $0xffff  }
0x3c9: {  	v46 =	vor.u32 v24, v35;
	v45 =	vld [tilespmem:s0+$0x280]  }
0x3ca: {  	v36 =	vadd.f32 v37, v36;
	v37 =	vmul.f32 v39, v41;
	v39 =	vld.idx.msk [tilespmem:v42+s13+$0x0], $0xffff  }
0x3cb: {  	v42 =	vor.u32 v25, v35;
	v41 =	vld [tilespmem:s0+$0x300]  }
0x3cc: {  	v36 =	vadd.f32 v37, v36;
	v37 =	vmul.f32 v38, v43;
	v38 =	vld.idx.msk [tilespmem:v44+s13+$0x0], $0xffff  }
0x3cd: {  	v44 =	vor.u32 v26, v35;
	v43 =	vld [tilespmem:s0+$0x380]  }
0x3ce: {  	v36 =	vadd.f32 v37, v36;
	v37 =	vmul.f32 v40, v45;
	v40 =	vld.idx.msk [tilespmem:v46+s13+$0x0], $0xffff  }
0x3cf: {  	v46 =	vor.u32 v27, v35;
	v45 =	vld [tilespmem:s0+$0x400]  }
0x3d0: {  	v36 =	vadd.f32 v37, v36;
	v37 =	vmul.f32 v39, v41;
	v39 =	vld.idx.msk [tilespmem:v42+s13+$0x0], $0xffff  }
0x3d1: {  	v42 =	vor.u32 v28, v35;
	v41 =	vld [tilespmem:s0+$0x480]  }
0x3d2: {  	v36 =	vadd.f32 v37, v36;
	v37 =	vmul.f32 v38, v43;
	v38 =	vld.idx.msk [tilespmem:v44+s13+$0x0], $0xffff  }
0x3d3: {  	v44 =	vor.u32 v29, v35;
	v43 =	vld [tilespmem:s0+$0x500]  }
0x3d4: {  	v36 =	vadd.f32 v37, v36;
	v37 =	vmul.f32 v40, v45;
	v40 =	vld.idx.msk [tilespmem:v46+s13+$0x0], $0xffff  }
0x3d5: {  	v46 =	vor.u32 v31, v35;
	v45 =	vld [tilespmem:s0+$0x580]  }
0x3d6: {  	v36 =	vadd.f32 v37, v36;
	v37 =	vmul.f32 v39, v41;
	v39 =	vld.idx.msk [tilespmem:v42+s13+$0x0], $0xffff  }
0x3d7: {  	v35 =	vor.u32 v32, v35;
	v41 =	vld [tilespmem:s0+$0x600]  }
0x3d8: {  	v36 =	vadd.f32 v37, v36;
	v37 =	vmul.f32 v38, v43;
	v38 =	vld.idx.msk [tilespmem:v44+s13+$0x0], $0xffff  }
0x3d9: {  	v42 =	vld [tilespmem:s0+$0x680]  }
0x3da: {  	v36 =	vadd.f32 v37, v36;
	v37 =	vmul.f32 v40, v45;
	v40 =	vld.idx.msk [tilespmem:v46+s13+$0x0], $0xffff  }
0x3db: {  	v43 =	vld [tilespmem:s0+$0x700]  }
0x3dc: {  	v36 =	vadd.f32 v37, v36;
	v37 =	vmul.f32 v39, v41;
	v35 =	vld.idx.msk [tilespmem:v35+s13+$0x0], $0xffff  }
0x3dd: {  	v39 =	vld [tilespmem:s0+$0x780]  }
0x3de: {  	v36 =	vadd.f32 v37, v36;
	v37 =	vmul.f32 v38, v42;
	_ =	sdelay $0x1  }
0x3df: {  	v36 =	vadd.f32 v37, v36;
	v37 =	vmul.f32 v40, v43;
	_ =	sdelay $0x1  }
0x3e0: {  	v36 =	vadd.f32 v37, v36;
	v35 =	vmul.f32 v35, v39;
	_ =	sdelay $0x1  }
0x3e1: {  	v35 =	vadd.f32 v35, v36;
	_ =	sdelay $0x1  }
0x3e2: {  	v35 =	vmax.f32 v35, $-4.000000000e+00  }
0x3e3: {  	v35 =	vmin.f32 v35, $4.000000000e+00  }
0x3e4: {  	v35 =	vmul.f32 $1.442695020e+00, v35;
	_ =	sdelay $0x1  }
0x3e5: {  	(erf) = vpow2.f32 v35;
	_ =	sdelay $0x8  }
0x3e6: {  	v35 =	vpop (erf)  }
0x3e7: {  	v35 =	vadd.f32 $1.000000000e+00, v35;
	_ =	sdelay $0x1  }
0x3e8: {  	v36 =	vand.u32 $0x7FFFFF, v35  }
0x3e9: {  	v36 =	vor.u32 $0x3F800000, v36  }
0x3ea: {  	v37 =	vmul.f32 $-1.702961140e-02, v36;
	_ =	sdelay $0x1  }
0x3eb: {  	v37 =	vadd.f32 $1.837008450e-01, v37;
	_ =	sdelay $0x1  }
0x3ec: {  	v37 =	vmul.f32 v36, v37;
	_ =	sdelay $0x1  }
0x3ed: {  	v37 =	vadd.f32 $-8.520795700e-01, v37;
	_ =	sdelay $0x1  }
0x3ee: {  	v37 =	vmul.f32 v36, v37;
	_ =	sdelay $0x1  }
0x3ef: {  	v37 =	vadd.f32 $2.226943490e+00, v37;
	_ =	sdelay $0x1  }
0x3f0: {  	v37 =	vmul.f32 v36, v37;
	_ =	sdelay $0x1  }
0x3f1: {  	v37 =	vadd.f32 $-3.647120480e+00, v37;
	_ =	sdelay $0x1  }
0x3f2: {  	v37 =	vmul.f32 v36, v37;
	_ =	sdelay $0x1  }
.Ltmp2:
0x3f3: {  	v35 =	vshra.s32 v35, $0x17;
	v37 =	vadd.f32 $4.205235000e+00, v37;
	(pc) =	sbr.rel @!p0 .LBB2_9-.Ltmp2, $4  }
0x3f4: {  	v35 =	vadd.s32 $0xFFFFFF81, v35  }
0x3f5: {  	s1 =	sadd.s32 $0x10, s1;
	v38 =	vmov s14;
	v39 =	vcvt.s32.f32 v35;
	v40 =	vmul.f32 v36, v37  }
0x3f6: {  	v35 =	vshll.u32 v38, $0x5;
	v36 =	vld [tilespmem:s1+$0x0]  }
0x3f7: {  	s14 =	sadd.s32 $0x10, s14;
	v35 =	vor.u32 v1, v35;
	v37 =	vmul.f32 $6.931471820e-01, v39;
	v38 =	vadd.f32 $-2.099647760e+00, v40  }
0x3f8: {  	v34 =	vadd.s32 v34, v35  }
0x3f9: {  	v35 =	vor.u32 v2, v34;
	v37 =	vadd.f32 v38, v37;
	_ =	sdelay $0x1  }
0x3fa: {  	v49 =	vor.u32 v0, v34;
	v36 =	vadd.f32 v37, v36;
	_ =	sdelay $0x1  }
0x3fb: {  	v50 =	vor.u32 v3, v34;
	[tilespmem:s1+$0x0] =	vst v36  }
0x3fc: {  	s0 =	sadd.s32 $0x10, s0;
	v35 =	vld.idx.msk [tilespmem:v35+s13+$0x0], $0xffff  }
0x3fd: {  	v39 =	vor.u32 v4, v34;
	v36 =	vld [tilespmem:s0+$0xFFFFF880]  }
0x3fe: {  	v38 =	vld.idx.msk [tilespmem:v49+s13+$0x0], $0xffff  }
0x3ff: {  	v41 =	vor.u32 v5, v34;
	v40 =	vld [tilespmem:s0+$0xFFFFF800]  }
0x400: {  	v37 =	vld.idx.msk [tilespmem:v50+s13+$0x0], $0xffff  }
0x401: {  	v43 =	vor.u32 v6, v34;
	v42 =	vld [tilespmem:s0+$0xFFFFF900]  }
0x402: {  	v39 =	vld.idx.msk [tilespmem:v39+s13+$0x0], $0xffff  }
0x403: {  	v45 =	vor.u32 v7, v34;
	v44 =	vld [tilespmem:s0+$0xFFFFF980]  }
0x404: {  	v51 =	vld.idx.msk [tilespmem:v41+s13+$0x0], $0xffff;
	v38 =	vmul.f32 v38, v40;
	v35 =	vmul.f32 v35, v36  }
0x405: {  	v53 =	vor.u32 v8, v34;
	v52 =	vld [tilespmem:s0+$0xFFFFFA00]  }
0x406: {  	v54 =	vld.idx.msk [tilespmem:v43+s13+$0x0], $0xffff;
	v37 =	vmul.f32 v37, v42;
	v35 =	vadd.f32 v35, v38  }
0x407: {  	v56 =	vor.u32 v9, v34;
	v55 =	vld [tilespmem:s0+$0xFFFFFA80]  }
0x408: {  	v58 =	vld.idx.msk [tilespmem:v45+s13+$0x0], $0xffff;
	v57 =	vmul.f32 v39, v44;
	v35 =	vadd.f32 v37, v35  }
0x409: {  	v60 =	vor.u32 v10, v34;
	v59 =	vld [tilespmem:s0+$0xFFFFFB00]  }
0x40a: {  	v61 =	vld.idx.msk [tilespmem:v53+s13+$0x0], $0xffff;
	v36 =	vmul.f32 v51, v52;
	v35 =	vadd.f32 v57, v35  }
0x40b: {  	v62 =	vld [tilespmem:s0+$0xFFFFFB80]  }
0x40c: {  	v63 =	vor.u32 v11, v34;
	v49 =	vld.idx.msk [tilespmem:v56+s13+$0x0], $0xffff;
	v48 =	vmul.f32 v54, v55;
	v35 =	vadd.f32 v36, v35  }
0x40d: {  	v50 =	vld [tilespmem:s0+$0xFFFFFC00]  }
0x40e: {  	v53 =	vld.idx.msk [tilespmem:v60+s13+$0x0], $0xffff;
	v51 =	vor.u32 v12, v34;
	v52 =	vmul.f32 v58, v59;
	v35 =	vadd.f32 v48, v35  }
0x40f: {  	v54 =	vld [tilespmem:s0+$0xFFFFFC80]  }
0x410: {  	v55 =	vor.u32 v13, v34;
	v56 =	vmul.f32 v61, v62;
	v58 =	vld [tilespmem:s0+$0xFFFFFD00];
	v35 =	vadd.f32 v52, v35  }
0x411: {  	v59 =	vor.u32 v14, v34;
	v57 =	vld.idx.msk [tilespmem:v63+s13+$0x0], $0xffff  }
0x412: {  	v60 =	vmul.f32 v49, v50;
	v62 =	vld [tilespmem:s0+$0xFFFFFD80];
	v35 =	vadd.f32 v56, v35  }
0x413: {  	v61 =	vld.idx.msk [tilespmem:v51+s13+$0x0], $0xffff;
	v63 =	vor.u32 v15, v34  }
0x414: {  	v50 =	vld [tilespmem:s0+$0xFFFFFE00];
	v48 =	vmul.f32 v53, v54;
	v35 =	vadd.f32 v60, v35  }
0x415: {  	v49 =	vld.idx.msk [tilespmem:v55+s13+$0x0], $0xffff;
	v51 =	vor.u32 v16, v34  }
0x416: {  	v53 =	vld.idx.msk [tilespmem:v59+s13+$0x0], $0xffff;
	v52 =	vmul.f32 v57, v58;
	v35 =	vadd.f32 v48, v35  }
0x417: {  	v55 =	vor.u32 v30, v34;
	v54 =	vld [tilespmem:s0+$0xFFFFFE80]  }
0x418: {  	v57 =	vld.idx.msk [tilespmem:v63+s13+$0x0], $0xffff;
	v56 =	vmul.f32 v61, v62;
	v35 =	vadd.f32 v52, v35  }
0x419: {  	v59 =	vor.u32 v17, v34;
	v58 =	vld [tilespmem:s0+$0xFFFFFF00]  }
0x41a: {  	v61 =	vld.idx.msk [tilespmem:v51+s13+$0x0], $0xffff;
	v60 =	vmul.f32 v49, v50;
	v35 =	vadd.f32 v56, v35  }
0x41b: {  	v63 =	vor.u32 v18, v34;
	v62 =	vld [tilespmem:s0+$0xFFFFFF80]  }
0x41c: {  	v49 =	vld.idx.msk [tilespmem:v55+s13+$0x0], $0xffff;
	v48 =	vmul.f32 v53, v54;
	v35 =	vadd.f32 v60, v35  }
0x41d: {  	v51 =	vor.u32 v20, v34;
	v50 =	vld [tilespmem:s0+$0x0]  }
0x41e: {  	v53 =	vld.idx.msk [tilespmem:v59+s13+$0x0], $0xffff;
	v52 =	vmul.f32 v57, v58;
	v35 =	vadd.f32 v48, v35  }
0x41f: {  	v55 =	vor.u32 v19, v34;
	v54 =	vld [tilespmem:s0+$0x80]  }
0x420: {  	v57 =	vld.idx.msk [tilespmem:v63+s13+$0x0], $0xffff;
	v56 =	vmul.f32 v61, v62;
	v35 =	vadd.f32 v52, v35  }
0x421: {  	v59 =	vor.u32 v21, v34;
	v58 =	vld [tilespmem:s0+$0x100]  }
0x422: {  	v61 =	vld.idx.msk [tilespmem:v51+s13+$0x0], $0xffff;
	v60 =	vmul.f32 v49, v50;
	v35 =	vadd.f32 v56, v35  }
0x423: {  	v63 =	vor.u32 v22, v34;
	v62 =	vld [tilespmem:s0+$0x180]  }
0x424: {  	v49 =	vld.idx.msk [tilespmem:v55+s13+$0x0], $0xffff;
	v48 =	vmul.f32 v53, v54;
	v35 =	vadd.f32 v60, v35  }
0x425: {  	v51 =	vor.u32 v23, v34;
	v50 =	vld [tilespmem:s0+$0x200]  }
0x426: {  	v53 =	vld.idx.msk [tilespmem:v59+s13+$0x0], $0xffff;
	v52 =	vmul.f32 v57, v58;
	v35 =	vadd.f32 v48, v35  }
0x427: {  	v55 =	vor.u32 v24, v34;
	v54 =	vld [tilespmem:s0+$0x280]  }
0x428: {  	v57 =	vld.idx.msk [tilespmem:v63+s13+$0x0], $0xffff;
	v56 =	vmul.f32 v61, v62;
	v35 =	vadd.f32 v52, v35  }
0x429: {  	v59 =	vor.u32 v25, v34;
	v58 =	vld [tilespmem:s0+$0x300]  }
0x42a: {  	v61 =	vld.idx.msk [tilespmem:v51+s13+$0x0], $0xffff;
	v60 =	vmul.f32 v49, v50;
	v35 =	vadd.f32 v56, v35  }
0x42b: {  	v63 =	vor.u32 v26, v34;
	v62 =	vld [tilespmem:s0+$0x380]  }
0x42c: {  	v49 =	vld.idx.msk [tilespmem:v55+s13+$0x0], $0xffff;
	v48 =	vmul.f32 v53, v54;
	v35 =	vadd.f32 v60, v35  }
0x42d: {  	v51 =	vor.u32 v27, v34;
	v50 =	vld [tilespmem:s0+$0x400]  }
0x42e: {  	v53 =	vld.idx.msk [tilespmem:v59+s13+$0x0], $0xffff;
	v52 =	vmul.f32 v57, v58;
	v35 =	vadd.f32 v48, v35  }
0x42f: {  	v55 =	vor.u32 v28, v34;
	v54 =	vld [tilespmem:s0+$0x480]  }
0x430: {  	v57 =	vld.idx.msk [tilespmem:v63+s13+$0x0], $0xffff;
	v56 =	vmul.f32 v61, v62;
	v35 =	vadd.f32 v52, v35  }
0x431: {  	v58 =	vld [tilespmem:s0+$0x500]  }
0x432: {  	v59 =	vor.u32 v29, v34;
	v61 =	vld.idx.msk [tilespmem:v51+s13+$0x0], $0xffff;
	v60 =	vmul.f32 v49, v50;
	v35 =	vadd.f32 v56, v35  }
0x433: {  	v63 =	vor.u32 v31, v34;
	v62 =	vld [tilespmem:s0+$0x580]  }
0x434: {  	v49 =	vld.idx.msk [tilespmem:v55+s13+$0x0], $0xffff;
	v48 =	vmul.f32 v53, v54;
	v35 =	vadd.f32 v60, v35  }
0x435: {  	v34 =	vor.u32 v32, v34;
	v50 =	vld [tilespmem:s0+$0x600]  }
0x436: {  	v51 =	vmul.f32 v57, v58;
	v53 =	vld [tilespmem:s0+$0x680];
	v35 =	vadd.f32 v48, v35  }
0x437: {  	v52 =	vld.idx.msk [tilespmem:v59+s13+$0x0], $0xffff  }
0x438: {  	v55 =	vld.idx.msk [tilespmem:v63+s13+$0x0], $0xffff;
	v54 =	vmul.f32 v61, v62;
	v35 =	vadd.f32 v51, v35  }
0x439: {  	v56 =	vld [tilespmem:s0+$0x700]  }
0x43a: {  	v34 =	vld.idx.msk [tilespmem:v34+s13+$0x0], $0xffff;
	v57 =	vmul.f32 v49, v50;
	v35 =	vadd.f32 v54, v35  }
0x43b: {  	v58 =	vld [tilespmem:s0+$0x780]  }
0x43c: {  	v59 =	vmul.f32 v52, v53;
	v35 =	vadd.f32 v57, v35;
	_ =	sdelay $0x1  }
0x43d: {  	v60 =	vmul.f32 v55, v56;
	v35 =	vadd.f32 v59, v35;
	_ =	sdelay $0x1  }
0x43e: {  	v34 =	vmul.f32 v34, v58;
	v35 =	vadd.f32 v60, v35;
	_ =	sdelay $0x1  }
0x43f: {  	v34 =	vadd.f32 v34, v35;
	_ =	sdelay $0x1  }
0x440: {  	v34 =	vmax.f32 v34, $-4.000000000e+00  }
0x441: {  	v34 =	vmin.f32 v34, $4.000000000e+00  }
0x442: {  	v34 =	vmul.f32 $1.442695020e+00, v34;
	_ =	sdelay $0x1  }
0x443: {  	(erf) = vpow2.f32 v34;
	_ =	sdelay $0x8  }
0x444: {  	v34 =	vpop (erf)  }
0x445: {  	v34 =	vadd.f32 $1.000000000e+00, v34;
	_ =	sdelay $0x1  }
0x446: {  	v61 =	vand.u32 $0x7FFFFF, v34  }
0x447: {  	v35 =	vor.u32 $0x3F800000, v61  }
0x448: {  	v62 =	vmul.f32 $-1.702961140e-02, v35;
	_ =	sdelay $0x1  }
0x449: {  	v36 =	vadd.f32 $1.837008450e-01, v62;
	_ =	sdelay $0x1  }
0x44a: {  	v36 =	vmul.f32 v35, v36;
	_ =	sdelay $0x1  }
0x44b: {  	v36 =	vadd.f32 $-8.520795700e-01, v36;
	_ =	sdelay $0x1  }
0x44c: {  	v36 =	vmul.f32 v35, v36;
	_ =	sdelay $0x1  }
0x44d: {  	v36 =	vadd.f32 $2.226943490e+00, v36;
	_ =	sdelay $0x1  }
0x44e: {  	v36 =	vmul.f32 v35, v36;
	_ =	sdelay $0x1  }
0x44f: {  	v36 =	vadd.f32 $-3.647120480e+00, v36;
	_ =	sdelay $0x1  }
0x450: {  	v36 =	vmul.f32 v35, v36;
	_ =	sdelay $0x1  }
0x451: {  	v34 =	vshra.s32 v34, $0x17;
	v36 =	vadd.f32 $4.205235000e+00, v36  }
0x452: {  	v34 =	vadd.s32 $0xFFFFFF81, v34  }
0x453: {  	s14 =	sadd.s32 $0x10, s1;
	v34 =	vcvt.s32.f32 v34;
	v35 =	vmul.f32 v35, v36  }
0x454: {  	v63 =	vld [tilespmem:s14+$0x0]  }
0x455: {  	v34 =	vmul.f32 $6.931471820e-01, v34;
	v35 =	vadd.f32 $-2.099647760e+00, v35;
	_ =	sdelay $0x1  }
0x456: {  	v34 =	vadd.f32 v35, v34;
	_ =	sdelay $0x1  }
0x457: {  	v34 =	vadd.f32 v34, v63;
	_ =	sdelay $0x1  }
0x458: {  	[tilespmem:s14+$0x0] =	vst v34  }
0x459: {  	p0 =	seq.s32 s9, $0xA  }
.Ltmp3:
0x45a: {  	_ = 	snop;
	(pc) =	sbr.rel @!p0 .LBB2_8-.Ltmp3, $1  }
0x45b: {  	_ =	sdelay $0x3  }
0x45c: {  	_ =	swait.ge [sflag:s25], $0x1000  }
0x45d: {  	[sflag:s25] =	ssyncset.done $0x0  }
0x45e: {  	[sflag:s25] =	ssyncadd.s32 $0xFFFFF000  }
0x45f: {  	_ =	swait.ge [sflag:s26], $0x1000  }
0x460: {  	[sflag:s26] =	ssyncset.done $0x0  }
0x461: {  	[sflag:s26] =	ssyncadd.s32 $0xFFFFF000  }
0x462: {  	_ =	swait.ge [sflag:s28], $0x1000  }
0x463: {  	[sflag:s28] =	ssyncset.done $0x0  }
0x464: {  	[sflag:s28] =	ssyncadd.s32 $0xFFFFF000  }
0x465: {  	_ =	swait.ge [sflag:s29], $0x1000  }
0x466: {  	[sflag:s29] =	ssyncset.done $0x0  }
0x467: {  	[sflag:s29] =	ssyncadd.s32 $0xFFFFF000  }
0x468: {  	_ =	swait.ge [sflag:s30], $0x1000  }
0x469: {  	[sflag:s30] =	ssyncset.done $0x0  }
0x46a: {  	[sflag:s30] =	ssyncadd.s32 $0xFFFFF000  }
0x46b: {  	_ =	swait.ge [sflag:s31], $0x1000  }
0x46c: {  	[sflag:s31] =	ssyncset.done $0x0  }
0x46d: {  	[sflag:s31] =	ssyncadd.s32 $0xFFFFF000  }
0x46e: {  	_ =	swait.ge [sflag:s2], $0x1000  }
0x46f: {  	[sflag:s2] =	ssyncset.done $0x0  }
0x470: {  	[sflag:s2] =	ssyncadd.s32 $0xFFFFF000  }
0x471: {  	_ =	swait.ge [sflag:s4], $0x1000  }
0x472: {  	[sflag:s4] =	ssyncset.done $0x0  }
0x473: {  	[sflag:s4] =	ssyncadd.s32 $0xFFFFF000  }
0x474: {  	_ =	swait.ge [sflag:s10], $0x1000  }
0x475: {  	[sflag:s10] =	ssyncset.done $0x0  }
0x476: {  	[sflag:s10] =	ssyncadd.s32 $0xFFFFF000  }
0x477: {  	_ =	swait.ge [sflag:s3], $0x1000  }
0x478: {  	[sflag:s3] =	ssyncset.done $0x0  }
0x479: {  	s8 =	simm.s32 $0x0;
	s9 =	simm.s32 $0x0;
	[sflag:s3] =	ssyncadd.s32 $0xFFFFF000  }
.LBB2_12:
0x47a: {  	s0 =	sshll.u32 s9, $0xC;
	v34 =	vmov s8  }
0x47b: {  	s0 =	sadd.s32 $0xB000, s0;
	v35 =	vshll.u32 v34, $0x5  }
0x47c: {  	v34 =	vmov s0;
	v35 =	vor.u32 v1, v35  }
0x47d: {  	v35 =	vadd.s32 v34, v35  }
0x47e: {  	v36 =	vor.u32 v2, v35  }
0x47f: {  	v37 =	vor.u32 v0, v35  }
0x480: {  	s0 =	simm.s32 $0x17300  }
0x481: {  	v39 =	vld [tilespmem:s0+$0xFFFFF880];
	v38 =	vor.u32 v3, v35  }
0x482: {  	v41 =	vld [tilespmem:s0+$0xFFFFF800]  }
0x483: {  	v40 =	vor.u32 v4, v35;
	v36 =	vld.idx.msk [tilespmem:v36+s13+$0x0], $0xffff  }
0x484: {  	v37 =	vld.idx.msk [tilespmem:v37+s13+$0x0], $0xffff  }
0x485: {  	v43 =	vld [tilespmem:s0+$0xFFFFF900];
	v42 =	vor.u32 v5, v35  }
0x486: {  	v38 =	vld.idx.msk [tilespmem:v38+s13+$0x0], $0xffff  }
0x487: {  	v45 =	vld [tilespmem:s0+$0xFFFFF980];
	v44 =	vor.u32 v6, v35  }
0x488: {  	v40 =	vld.idx.msk [tilespmem:v40+s13+$0x0], $0xffff  }
0x489: {  	v48 =	vld [tilespmem:s0+$0xFFFFFA00];
	v46 =	vor.u32 v7, v35;
	v37 =	vmul.f32 v37, v41;
	v36 =	vmul.f32 v36, v39  }
0x48a: {  	v63 =	vld.idx.msk [tilespmem:v42+s13+$0x0], $0xffff  }
0x48b: {  	v52 =	vld [tilespmem:s0+$0xFFFFFA80];
	v49 =	vor.u32 v8, v35;
	v50 =	vmul.f32 v38, v43;
	v36 =	vadd.f32 v36, v37  }
0x48c: {  	v53 =	vor.u32 v9, v35;
	v51 =	vld.idx.msk [tilespmem:v44+s13+$0x0], $0xffff  }
0x48d: {  	v56 =	vld [tilespmem:s0+$0xFFFFFB00];
	v54 =	vmul.f32 v40, v45;
	v36 =	vadd.f32 v50, v36  }
0x48e: {  	v57 =	vor.u32 v10, v35;
	v55 =	vld.idx.msk [tilespmem:v46+s13+$0x0], $0xffff  }
0x48f: {  	v60 =	vld [tilespmem:s0+$0xFFFFFB80];
	v58 =	vmul.f32 v63, v48;
	v36 =	vadd.f32 v54, v36  }
0x490: {  	v61 =	vor.u32 v11, v35;
	v59 =	vld.idx.msk [tilespmem:v49+s13+$0x0], $0xffff  }
0x491: {  	v62 =	vmul.f32 v51, v52;
	v63 =	vld.idx.msk [tilespmem:v53+s13+$0x0], $0xffff;
	v36 =	vadd.f32 v58, v36  }
0x492: {  	v49 =	vor.u32 v12, v35;
	v48 =	vld [tilespmem:s0+$0xFFFFFC00]  }
0x493: {  	v51 =	vld.idx.msk [tilespmem:v57+s13+$0x0], $0xffff;
	v50 =	vmul.f32 v55, v56;
	v36 =	vadd.f32 v62, v36  }
0x494: {  	v52 =	vld [tilespmem:s0+$0xFFFFFC80];
	v53 =	vor.u32 v13, v35  }
0x495: {  	v55 =	vld.idx.msk [tilespmem:v61+s13+$0x0], $0xffff;
	v54 =	vmul.f32 v59, v60;
	v36 =	vadd.f32 v50, v36  }
0x496: {  	v57 =	vor.u32 v14, v35;
	v56 =	vld [tilespmem:s0+$0xFFFFFD00]  }
0x497: {  	v59 =	vld.idx.msk [tilespmem:v49+s13+$0x0], $0xffff;
	v58 =	vmul.f32 v63, v48;
	v36 =	vadd.f32 v54, v36  }
0x498: {  	v61 =	vor.u32 v15, v35;
	v60 =	vld [tilespmem:s0+$0xFFFFFD80]  }
0x499: {  	v63 =	vld.idx.msk [tilespmem:v53+s13+$0x0], $0xffff;
	v62 =	vmul.f32 v51, v52;
	v36 =	vadd.f32 v58, v36  }
0x49a: {  	v49 =	vor.u32 v16, v35;
	v48 =	vld [tilespmem:s0+$0xFFFFFE00]  }
0x49b: {  	v51 =	vld.idx.msk [tilespmem:v57+s13+$0x0], $0xffff;
	v50 =	vmul.f32 v55, v56;
	v36 =	vadd.f32 v62, v36  }
0x49c: {  	v53 =	vor.u32 v30, v35;
	v52 =	vld [tilespmem:s0+$0xFFFFFE80]  }
0x49d: {  	v55 =	vld.idx.msk [tilespmem:v61+s13+$0x0], $0xffff;
	v54 =	vmul.f32 v59, v60;
	v36 =	vadd.f32 v50, v36  }
0x49e: {  	v57 =	vor.u32 v17, v35;
	v56 =	vld [tilespmem:s0+$0xFFFFFF00]  }
0x49f: {  	v59 =	vld.idx.msk [tilespmem:v49+s13+$0x0], $0xffff;
	v58 =	vmul.f32 v63, v48;
	v36 =	vadd.f32 v54, v36  }
0x4a0: {  	v61 =	vor.u32 v18, v35;
	v60 =	vld [tilespmem:s0+$0xFFFFFF80]  }
0x4a1: {  	v63 =	vld.idx.msk [tilespmem:v53+s13+$0x0], $0xffff;
	v62 =	vmul.f32 v51, v52;
	v36 =	vadd.f32 v58, v36  }
0x4a2: {  	v49 =	vor.u32 v20, v35;
	v48 =	vld [tilespmem:s0+$0x0]  }
0x4a3: {  	v51 =	vld.idx.msk [tilespmem:v57+s13+$0x0], $0xffff;
	v50 =	vmul.f32 v55, v56;
	v36 =	vadd.f32 v62, v36  }
0x4a4: {  	v53 =	vor.u32 v19, v35;
	v52 =	vld [tilespmem:s0+$0x80]  }
0x4a5: {  	v55 =	vld.idx.msk [tilespmem:v61+s13+$0x0], $0xffff;
	v54 =	vmul.f32 v59, v60;
	v36 =	vadd.f32 v50, v36  }
0x4a6: {  	v57 =	vor.u32 v21, v35;
	v56 =	vld [tilespmem:s0+$0x100]  }
0x4a7: {  	v59 =	vld.idx.msk [tilespmem:v49+s13+$0x0], $0xffff;
	v58 =	vmul.f32 v63, v48;
	v36 =	vadd.f32 v54, v36  }
0x4a8: {  	v61 =	vor.u32 v22, v35;
	v60 =	vld [tilespmem:s0+$0x180]  }
0x4a9: {  	v63 =	vld.idx.msk [tilespmem:v53+s13+$0x0], $0xffff;
	v62 =	vmul.f32 v51, v52;
	v36 =	vadd.f32 v58, v36  }
0x4aa: {  	v49 =	vor.u32 v23, v35;
	v48 =	vld [tilespmem:s0+$0x200]  }
0x4ab: {  	v51 =	vld.idx.msk [tilespmem:v57+s13+$0x0], $0xffff;
	v50 =	vmul.f32 v55, v56;
	v36 =	vadd.f32 v62, v36  }
0x4ac: {  	v53 =	vor.u32 v24, v35;
	v52 =	vld [tilespmem:s0+$0x280]  }
0x4ad: {  	v55 =	vld.idx.msk [tilespmem:v61+s13+$0x0], $0xffff;
	v54 =	vmul.f32 v59, v60;
	v36 =	vadd.f32 v50, v36  }
0x4ae: {  	v57 =	vor.u32 v25, v35;
	v56 =	vld [tilespmem:s0+$0x300]  }
0x4af: {  	v59 =	vld.idx.msk [tilespmem:v49+s13+$0x0], $0xffff;
	v58 =	vmul.f32 v63, v48;
	v36 =	vadd.f32 v54, v36  }
0x4b0: {  	v61 =	vor.u32 v26, v35;
	v60 =	vld [tilespmem:s0+$0x380]  }
0x4b1: {  	v63 =	vld.idx.msk [tilespmem:v53+s13+$0x0], $0xffff;
	v62 =	vmul.f32 v51, v52;
	v36 =	vadd.f32 v58, v36  }
0x4b2: {  	v49 =	vor.u32 v27, v35;
	v48 =	vld [tilespmem:s0+$0x400]  }
0x4b3: {  	v51 =	vld.idx.msk [tilespmem:v57+s13+$0x0], $0xffff;
	v50 =	vmul.f32 v55, v56;
	v36 =	vadd.f32 v62, v36  }
0x4b4: {  	v52 =	vld [tilespmem:s0+$0x480]  }
0x4b5: {  	v53 =	vor.u32 v28, v35;
	v55 =	vld.idx.msk [tilespmem:v61+s13+$0x0], $0xffff;
	v54 =	vmul.f32 v59, v60;
	v36 =	vadd.f32 v50, v36  }
0x4b6: {  	v57 =	vor.u32 v29, v35;
	v56 =	vld [tilespmem:s0+$0x500]  }
0x4b7: {  	v59 =	vld.idx.msk [tilespmem:v49+s13+$0x0], $0xffff;
	v58 =	vmul.f32 v63, v48;
	v36 =	vadd.f32 v54, v36  }
0x4b8: {  	v60 =	vld [tilespmem:s0+$0x580]  }
0x4b9: {  	v47 =	vld [tilespmem:s0+$0x600];
	v61 =	vor.u32 v31, v35;
	v62 =	vmul.f32 v51, v52;
	v36 =	vadd.f32 v58, v36  }
0x4ba: {  	v35 =	vor.u32 v32, v35;
	v63 =	vld.idx.msk [tilespmem:v53+s13+$0x0], $0xffff  }
0x4bb: {  	v49 =	vld.idx.msk [tilespmem:v57+s13+$0x0], $0xffff;
	v48 =	vmul.f32 v55, v56;
	v36 =	vadd.f32 v62, v36  }
0x4bc: {  	v50 =	vld [tilespmem:s0+$0x680]  }
0x4bd: {  	v53 =	vld [tilespmem:s0+$0x700];
	v51 =	vmul.f32 v59, v60;
	v36 =	vadd.f32 v48, v36  }
0x4be: {  	v52 =	vld.idx.msk [tilespmem:v61+s13+$0x0], $0xffff  }
0x4bf: {  	v35 =	vld.idx.msk [tilespmem:v35+s13+$0x0], $0xffff;
	v54 =	vmul.f32 v63, v47;
	v36 =	vadd.f32 v51, v36  }
0x4c0: {  	v55 =	vld [tilespmem:s0+$0x780]  }
0x4c1: {  	v56 =	vmul.f32 v49, v50;
	v36 =	vadd.f32 v54, v36;
	_ =	sdelay $0x1  }
0x4c2: {  	v57 =	vmul.f32 v52, v53;
	v36 =	vadd.f32 v56, v36;
	_ =	sdelay $0x1  }
0x4c3: {  	v35 =	vmul.f32 v35, v55;
	v36 =	vadd.f32 v57, v36;
	_ =	sdelay $0x1  }
0x4c4: {  	v35 =	vadd.f32 v35, v36;
	_ =	sdelay $0x1  }
0x4c5: {  	v35 =	vmax.f32 v35, $-4.000000000e+00  }
0x4c6: {  	v35 =	vmin.f32 v35, $4.000000000e+00  }
0x4c7: {  	v35 =	vmul.f32 $1.442695020e+00, v35;
	_ =	sdelay $0x1  }
0x4c8: {  	(erf) = vpow2.f32 v35;
	_ =	sdelay $0x8  }
0x4c9: {  	v35 =	vpop (erf)  }
0x4ca: {  	v35 =	vadd.f32 $1.000000000e+00, v35;
	_ =	sdelay $0x1  }
0x4cb: {  	v58 =	vand.u32 $0x7FFFFF, v35  }
0x4cc: {  	v36 =	vor.u32 $0x3F800000, v58  }
0x4cd: {  	v59 =	vmul.f32 $-1.702961140e-02, v36;
	_ =	sdelay $0x1  }
0x4ce: {  	v37 =	vadd.f32 $1.837008450e-01, v59;
	_ =	sdelay $0x1  }
0x4cf: {  	v37 =	vmul.f32 v36, v37;
	_ =	sdelay $0x1  }
0x4d0: {  	v37 =	vadd.f32 $-8.520795700e-01, v37;
	_ =	sdelay $0x1  }
0x4d1: {  	v37 =	vmul.f32 v36, v37;
	_ =	sdelay $0x1  }
0x4d2: {  	v37 =	vadd.f32 $2.226943490e+00, v37;
	_ =	sdelay $0x1  }
0x4d3: {  	v37 =	vmul.f32 v36, v37;
	_ =	sdelay $0x1  }
0x4d4: {  	v37 =	vadd.f32 $-3.647120480e+00, v37;
	_ =	sdelay $0x1  }
0x4d5: {  	v37 =	vmul.f32 v36, v37;
	_ =	sdelay $0x1  }
0x4d6: {  	v35 =	vshra.s32 v35, $0x17;
	v37 =	vadd.f32 $4.205235000e+00, v37  }
0x4d7: {  	s1 =	simm.s32 $0x10;
	v35 =	vadd.s32 $0xFFFFFF81, v35  }
0x4d8: {  	v60 =	vmov s1;
	s1 =	simm.s32 $0x17B00;
	v61 =	vcvt.s32.f32 v35;
	v62 =	vmul.f32 v36, v37  }
0x4d9: {  	v63 =	vshll.u32 v60, $0x5;
	v36 =	vld [tilespmem:s1+$0x0]  }
0x4da: {  	s14 =	simm.s32 $0x20;
	v35 =	vor.u32 v1, v63;
	v37 =	vmul.f32 $6.931471820e-01, v61;
	v38 =	vadd.f32 $-2.099647760e+00, v62  }
.LBB2_13:
0x4db: {  	p0 =	sne.s32 s14, $0x70;
	v35 =	vadd.s32 v34, v35  }
0x4dc: {  	v39 =	vor.u32 v2, v35;
	v37 =	vadd.f32 v38, v37;
	_ =	sdelay $0x1  }
0x4dd: {  	v38 =	vor.u32 v0, v35;
	v36 =	vadd.f32 v37, v36;
	_ =	sdelay $0x1  }
0x4de: {  	v37 =	vor.u32 v3, v35;
	[tilespmem:s1+$0x0] =	vst v36  }
0x4df: {  	s0 =	sadd.s32 $0x10, s0;
	v36 =	vld.idx.msk [tilespmem:v39+s13+$0x0], $0xffff  }
0x4e0: {  	v40 =	vor.u32 v4, v35;
	v39 =	vld [tilespmem:s0+$0xFFFFF880]  }
0x4e1: {  	v38 =	vld.idx.msk [tilespmem:v38+s13+$0x0], $0xffff  }
0x4e2: {  	v42 =	vor.u32 v5, v35;
	v41 =	vld [tilespmem:s0+$0xFFFFF800]  }
0x4e3: {  	v37 =	vld.idx.msk [tilespmem:v37+s13+$0x0], $0xffff  }
0x4e4: {  	v44 =	vor.u32 v6, v35;
	v43 =	vld [tilespmem:s0+$0xFFFFF900]  }
0x4e5: {  	v40 =	vld.idx.msk [tilespmem:v40+s13+$0x0], $0xffff  }
0x4e6: {  	v46 =	vor.u32 v7, v35;
	v45 =	vld [tilespmem:s0+$0xFFFFF980]  }
0x4e7: {  	v36 =	vmul.f32 v36, v39;
	v38 =	vmul.f32 v38, v41;
	v39 =	vld.idx.msk [tilespmem:v42+s13+$0x0], $0xffff  }
0x4e8: {  	v42 =	vor.u32 v8, v35;
	v41 =	vld [tilespmem:s0+$0xFFFFFA00]  }
0x4e9: {  	v36 =	vadd.f32 v36, v38;
	v37 =	vmul.f32 v37, v43;
	v38 =	vld.idx.msk [tilespmem:v44+s13+$0x0], $0xffff  }
0x4ea: {  	v44 =	vor.u32 v9, v35;
	v43 =	vld [tilespmem:s0+$0xFFFFFA80]  }
0x4eb: {  	v36 =	vadd.f32 v37, v36;
	v37 =	vmul.f32 v40, v45;
	v40 =	vld.idx.msk [tilespmem:v46+s13+$0x0], $0xffff  }
0x4ec: {  	v46 =	vor.u32 v10, v35;
	v45 =	vld [tilespmem:s0+$0xFFFFFB00]  }
0x4ed: {  	v36 =	vadd.f32 v37, v36;
	v37 =	vmul.f32 v39, v41;
	v39 =	vld.idx.msk [tilespmem:v42+s13+$0x0], $0xffff  }
0x4ee: {  	v42 =	vor.u32 v11, v35;
	v41 =	vld [tilespmem:s0+$0xFFFFFB80]  }
0x4ef: {  	v36 =	vadd.f32 v37, v36;
	v37 =	vmul.f32 v38, v43;
	v38 =	vld.idx.msk [tilespmem:v44+s13+$0x0], $0xffff  }
0x4f0: {  	v44 =	vor.u32 v12, v35;
	v43 =	vld [tilespmem:s0+$0xFFFFFC00]  }
0x4f1: {  	v36 =	vadd.f32 v37, v36;
	v37 =	vmul.f32 v40, v45;
	v40 =	vld.idx.msk [tilespmem:v46+s13+$0x0], $0xffff  }
0x4f2: {  	v46 =	vor.u32 v13, v35;
	v45 =	vld [tilespmem:s0+$0xFFFFFC80]  }
0x4f3: {  	v36 =	vadd.f32 v37, v36;
	v37 =	vmul.f32 v39, v41;
	v39 =	vld.idx.msk [tilespmem:v42+s13+$0x0], $0xffff  }
0x4f4: {  	v42 =	vor.u32 v14, v35;
	v41 =	vld [tilespmem:s0+$0xFFFFFD00]  }
0x4f5: {  	v36 =	vadd.f32 v37, v36;
	v37 =	vmul.f32 v38, v43;
	v38 =	vld.idx.msk [tilespmem:v44+s13+$0x0], $0xffff  }
0x4f6: {  	v44 =	vor.u32 v15, v35;
	v43 =	vld [tilespmem:s0+$0xFFFFFD80]  }
0x4f7: {  	v36 =	vadd.f32 v37, v36;
	v37 =	vmul.f32 v40, v45;
	v40 =	vld.idx.msk [tilespmem:v46+s13+$0x0], $0xffff  }
0x4f8: {  	v46 =	vor.u32 v16, v35;
	v45 =	vld [tilespmem:s0+$0xFFFFFE00]  }
0x4f9: {  	v36 =	vadd.f32 v37, v36;
	v37 =	vmul.f32 v39, v41;
	v39 =	vld.idx.msk [tilespmem:v42+s13+$0x0], $0xffff  }
0x4fa: {  	v42 =	vor.u32 v30, v35;
	v41 =	vld [tilespmem:s0+$0xFFFFFE80]  }
0x4fb: {  	v36 =	vadd.f32 v37, v36;
	v37 =	vmul.f32 v38, v43;
	v38 =	vld.idx.msk [tilespmem:v44+s13+$0x0], $0xffff  }
0x4fc: {  	v44 =	vor.u32 v17, v35;
	v43 =	vld [tilespmem:s0+$0xFFFFFF00]  }
0x4fd: {  	v36 =	vadd.f32 v37, v36;
	v37 =	vmul.f32 v40, v45;
	v40 =	vld.idx.msk [tilespmem:v46+s13+$0x0], $0xffff  }
0x4fe: {  	v46 =	vor.u32 v18, v35;
	v45 =	vld [tilespmem:s0+$0xFFFFFF80]  }
0x4ff: {  	v36 =	vadd.f32 v37, v36;
	v37 =	vmul.f32 v39, v41;
	v39 =	vld.idx.msk [tilespmem:v42+s13+$0x0], $0xffff  }
0x500: {  	v42 =	vor.u32 v20, v35;
	v41 =	vld [tilespmem:s0+$0x0]  }
0x501: {  	v36 =	vadd.f32 v37, v36;
	v37 =	vmul.f32 v38, v43;
	v38 =	vld.idx.msk [tilespmem:v44+s13+$0x0], $0xffff  }
0x502: {  	v44 =	vor.u32 v19, v35;
	v43 =	vld [tilespmem:s0+$0x80]  }
0x503: {  	v36 =	vadd.f32 v37, v36;
	v37 =	vmul.f32 v40, v45;
	v40 =	vld.idx.msk [tilespmem:v46+s13+$0x0], $0xffff  }
0x504: {  	v46 =	vor.u32 v21, v35;
	v45 =	vld [tilespmem:s0+$0x100]  }
0x505: {  	v36 =	vadd.f32 v37, v36;
	v37 =	vmul.f32 v39, v41;
	v39 =	vld.idx.msk [tilespmem:v42+s13+$0x0], $0xffff  }
0x506: {  	v42 =	vor.u32 v22, v35;
	v41 =	vld [tilespmem:s0+$0x180]  }
0x507: {  	v36 =	vadd.f32 v37, v36;
	v37 =	vmul.f32 v38, v43;
	v38 =	vld.idx.msk [tilespmem:v44+s13+$0x0], $0xffff  }
0x508: {  	v44 =	vor.u32 v23, v35;
	v43 =	vld [tilespmem:s0+$0x200]  }
0x509: {  	v36 =	vadd.f32 v37, v36;
	v37 =	vmul.f32 v40, v45;
	v40 =	vld.idx.msk [tilespmem:v46+s13+$0x0], $0xffff  }
0x50a: {  	v46 =	vor.u32 v24, v35;
	v45 =	vld [tilespmem:s0+$0x280]  }
0x50b: {  	v36 =	vadd.f32 v37, v36;
	v37 =	vmul.f32 v39, v41;
	v39 =	vld.idx.msk [tilespmem:v42+s13+$0x0], $0xffff  }
0x50c: {  	v42 =	vor.u32 v25, v35;
	v41 =	vld [tilespmem:s0+$0x300]  }
0x50d: {  	v36 =	vadd.f32 v37, v36;
	v37 =	vmul.f32 v38, v43;
	v38 =	vld.idx.msk [tilespmem:v44+s13+$0x0], $0xffff  }
0x50e: {  	v44 =	vor.u32 v26, v35;
	v43 =	vld [tilespmem:s0+$0x380]  }
0x50f: {  	v36 =	vadd.f32 v37, v36;
	v37 =	vmul.f32 v40, v45;
	v40 =	vld.idx.msk [tilespmem:v46+s13+$0x0], $0xffff  }
0x510: {  	v46 =	vor.u32 v27, v35;
	v45 =	vld [tilespmem:s0+$0x400]  }
0x511: {  	v36 =	vadd.f32 v37, v36;
	v37 =	vmul.f32 v39, v41;
	v39 =	vld.idx.msk [tilespmem:v42+s13+$0x0], $0xffff  }
0x512: {  	v42 =	vor.u32 v28, v35;
	v41 =	vld [tilespmem:s0+$0x480]  }
0x513: {  	v36 =	vadd.f32 v37, v36;
	v37 =	vmul.f32 v38, v43;
	v38 =	vld.idx.msk [tilespmem:v44+s13+$0x0], $0xffff  }
0x514: {  	v44 =	vor.u32 v29, v35;
	v43 =	vld [tilespmem:s0+$0x500]  }
0x515: {  	v36 =	vadd.f32 v37, v36;
	v37 =	vmul.f32 v40, v45;
	v40 =	vld.idx.msk [tilespmem:v46+s13+$0x0], $0xffff  }
0x516: {  	v46 =	vor.u32 v31, v35;
	v45 =	vld [tilespmem:s0+$0x580]  }
0x517: {  	v36 =	vadd.f32 v37, v36;
	v37 =	vmul.f32 v39, v41;
	v39 =	vld.idx.msk [tilespmem:v42+s13+$0x0], $0xffff  }
0x518: {  	v35 =	vor.u32 v32, v35;
	v41 =	vld [tilespmem:s0+$0x600]  }
0x519: {  	v36 =	vadd.f32 v37, v36;
	v37 =	vmul.f32 v38, v43;
	v38 =	vld.idx.msk [tilespmem:v44+s13+$0x0], $0xffff  }
0x51a: {  	v42 =	vld [tilespmem:s0+$0x680]  }
0x51b: {  	v36 =	vadd.f32 v37, v36;
	v37 =	vmul.f32 v40, v45;
	v40 =	vld.idx.msk [tilespmem:v46+s13+$0x0], $0xffff  }
0x51c: {  	v43 =	vld [tilespmem:s0+$0x700]  }
0x51d: {  	v36 =	vadd.f32 v37, v36;
	v37 =	vmul.f32 v39, v41;
	v35 =	vld.idx.msk [tilespmem:v35+s13+$0x0], $0xffff  }
0x51e: {  	v39 =	vld [tilespmem:s0+$0x780]  }
0x51f: {  	v36 =	vadd.f32 v37, v36;
	v37 =	vmul.f32 v38, v42;
	_ =	sdelay $0x1  }
0x520: {  	v36 =	vadd.f32 v37, v36;
	v37 =	vmul.f32 v40, v43;
	_ =	sdelay $0x1  }
0x521: {  	v36 =	vadd.f32 v37, v36;
	v35 =	vmul.f32 v35, v39;
	_ =	sdelay $0x1  }
0x522: {  	v35 =	vadd.f32 v35, v36;
	_ =	sdelay $0x1  }
0x523: {  	v35 =	vmax.f32 v35, $-4.000000000e+00  }
0x524: {  	v35 =	vmin.f32 v35, $4.000000000e+00  }
0x525: {  	v35 =	vmul.f32 $1.442695020e+00, v35;
	_ =	sdelay $0x1  }
0x526: {  	(erf) = vpow2.f32 v35;
	_ =	sdelay $0x8  }
0x527: {  	v35 =	vpop (erf)  }
0x528: {  	v35 =	vadd.f32 $1.000000000e+00, v35;
	_ =	sdelay $0x1  }
0x529: {  	v36 =	vand.u32 $0x7FFFFF, v35  }
0x52a: {  	v36 =	vor.u32 $0x3F800000, v36  }
0x52b: {  	v37 =	vmul.f32 $-1.702961140e-02, v36;
	_ =	sdelay $0x1  }
0x52c: {  	v37 =	vadd.f32 $1.837008450e-01, v37;
	_ =	sdelay $0x1  }
0x52d: {  	v37 =	vmul.f32 v36, v37;
	_ =	sdelay $0x1  }
0x52e: {  	v37 =	vadd.f32 $-8.520795700e-01, v37;
	_ =	sdelay $0x1  }
0x52f: {  	v37 =	vmul.f32 v36, v37;
	_ =	sdelay $0x1  }
0x530: {  	v37 =	vadd.f32 $2.226943490e+00, v37;
	_ =	sdelay $0x1  }
0x531: {  	v37 =	vmul.f32 v36, v37;
	_ =	sdelay $0x1  }
0x532: {  	v37 =	vadd.f32 $-3.647120480e+00, v37;
	_ =	sdelay $0x1  }
0x533: {  	v37 =	vmul.f32 v36, v37;
	_ =	sdelay $0x1  }
.Ltmp4:
0x534: {  	v35 =	vshra.s32 v35, $0x17;
	v37 =	vadd.f32 $4.205235000e+00, v37;
	(pc) =	sbr.rel @p0 .LBB2_13-.Ltmp4, $4  }
0x535: {  	v35 =	vadd.s32 $0xFFFFFF81, v35  }
0x536: {  	s1 =	sadd.s32 $0x10, s1;
	v38 =	vmov s14;
	v39 =	vcvt.s32.f32 v35;
	v40 =	vmul.f32 v36, v37  }
0x537: {  	v35 =	vshll.u32 v38, $0x5;
	v36 =	vld [tilespmem:s1+$0x0]  }
0x538: {  	s14 =	sadd.s32 $0x10, s14;
	v35 =	vor.u32 v1, v35;
	v37 =	vmul.f32 $6.931471820e-01, v39;
	v38 =	vadd.f32 $-2.099647760e+00, v40  }
0x539: {  	v34 =	vadd.s32 v34, v35  }
0x53a: {  	v35 =	vor.u32 v2, v34;
	v37 =	vadd.f32 v38, v37;
	_ =	sdelay $0x1  }
0x53b: {  	v49 =	vor.u32 v0, v34;
	v36 =	vadd.f32 v37, v36;
	_ =	sdelay $0x1  }
0x53c: {  	v50 =	vor.u32 v3, v34;
	[tilespmem:s1+$0x0] =	vst v36  }
0x53d: {  	s0 =	sadd.s32 $0x10, s0;
	v35 =	vld.idx.msk [tilespmem:v35+s13+$0x0], $0xffff  }
0x53e: {  	v39 =	vor.u32 v4, v34;
	v36 =	vld [tilespmem:s0+$0xFFFFF880]  }
0x53f: {  	v38 =	vld.idx.msk [tilespmem:v49+s13+$0x0], $0xffff  }
0x540: {  	v41 =	vor.u32 v5, v34;
	v40 =	vld [tilespmem:s0+$0xFFFFF800]  }
0x541: {  	v37 =	vld.idx.msk [tilespmem:v50+s13+$0x0], $0xffff  }
0x542: {  	v43 =	vor.u32 v6, v34;
	v42 =	vld [tilespmem:s0+$0xFFFFF900]  }
0x543: {  	v39 =	vld.idx.msk [tilespmem:v39+s13+$0x0], $0xffff  }
0x544: {  	v45 =	vor.u32 v7, v34;
	v44 =	vld [tilespmem:s0+$0xFFFFF980]  }
0x545: {  	v51 =	vld.idx.msk [tilespmem:v41+s13+$0x0], $0xffff;
	v38 =	vmul.f32 v38, v40;
	v35 =	vmul.f32 v35, v36  }
0x546: {  	v53 =	vor.u32 v8, v34;
	v52 =	vld [tilespmem:s0+$0xFFFFFA00]  }
0x547: {  	v54 =	vld.idx.msk [tilespmem:v43+s13+$0x0], $0xffff;
	v37 =	vmul.f32 v37, v42;
	v35 =	vadd.f32 v35, v38  }
0x548: {  	v56 =	vor.u32 v9, v34;
	v55 =	vld [tilespmem:s0+$0xFFFFFA80]  }
0x549: {  	v58 =	vld.idx.msk [tilespmem:v45+s13+$0x0], $0xffff;
	v57 =	vmul.f32 v39, v44;
	v35 =	vadd.f32 v37, v35  }
0x54a: {  	v60 =	vor.u32 v10, v34;
	v59 =	vld [tilespmem:s0+$0xFFFFFB00]  }
0x54b: {  	v61 =	vld.idx.msk [tilespmem:v53+s13+$0x0], $0xffff;
	v36 =	vmul.f32 v51, v52;
	v35 =	vadd.f32 v57, v35  }
0x54c: {  	v62 =	vld [tilespmem:s0+$0xFFFFFB80]  }
0x54d: {  	v63 =	vor.u32 v11, v34;
	v49 =	vld.idx.msk [tilespmem:v56+s13+$0x0], $0xffff;
	v48 =	vmul.f32 v54, v55;
	v35 =	vadd.f32 v36, v35  }
0x54e: {  	v50 =	vld [tilespmem:s0+$0xFFFFFC00]  }
0x54f: {  	v53 =	vld.idx.msk [tilespmem:v60+s13+$0x0], $0xffff;
	v51 =	vor.u32 v12, v34;
	v52 =	vmul.f32 v58, v59;
	v35 =	vadd.f32 v48, v35  }
0x550: {  	v54 =	vld [tilespmem:s0+$0xFFFFFC80]  }
0x551: {  	v55 =	vor.u32 v13, v34;
	v56 =	vmul.f32 v61, v62;
	v58 =	vld [tilespmem:s0+$0xFFFFFD00];
	v35 =	vadd.f32 v52, v35  }
0x552: {  	v59 =	vor.u32 v14, v34;
	v57 =	vld.idx.msk [tilespmem:v63+s13+$0x0], $0xffff  }
0x553: {  	v60 =	vmul.f32 v49, v50;
	v62 =	vld [tilespmem:s0+$0xFFFFFD80];
	v35 =	vadd.f32 v56, v35  }
0x554: {  	v61 =	vld.idx.msk [tilespmem:v51+s13+$0x0], $0xffff;
	v63 =	vor.u32 v15, v34  }
0x555: {  	v50 =	vld [tilespmem:s0+$0xFFFFFE00];
	v48 =	vmul.f32 v53, v54;
	v35 =	vadd.f32 v60, v35  }
0x556: {  	v49 =	vld.idx.msk [tilespmem:v55+s13+$0x0], $0xffff;
	v51 =	vor.u32 v16, v34  }
0x557: {  	v53 =	vld.idx.msk [tilespmem:v59+s13+$0x0], $0xffff;
	v52 =	vmul.f32 v57, v58;
	v35 =	vadd.f32 v48, v35  }
0x558: {  	v55 =	vor.u32 v30, v34;
	v54 =	vld [tilespmem:s0+$0xFFFFFE80]  }
0x559: {  	v57 =	vld.idx.msk [tilespmem:v63+s13+$0x0], $0xffff;
	v56 =	vmul.f32 v61, v62;
	v35 =	vadd.f32 v52, v35  }
0x55a: {  	v59 =	vor.u32 v17, v34;
	v58 =	vld [tilespmem:s0+$0xFFFFFF00]  }
0x55b: {  	v61 =	vld.idx.msk [tilespmem:v51+s13+$0x0], $0xffff;
	v60 =	vmul.f32 v49, v50;
	v35 =	vadd.f32 v56, v35  }
0x55c: {  	v63 =	vor.u32 v18, v34;
	v62 =	vld [tilespmem:s0+$0xFFFFFF80]  }
0x55d: {  	v49 =	vld.idx.msk [tilespmem:v55+s13+$0x0], $0xffff;
	v48 =	vmul.f32 v53, v54;
	v35 =	vadd.f32 v60, v35  }
0x55e: {  	v51 =	vor.u32 v20, v34;
	v50 =	vld [tilespmem:s0+$0x0]  }
0x55f: {  	v53 =	vld.idx.msk [tilespmem:v59+s13+$0x0], $0xffff;
	v52 =	vmul.f32 v57, v58;
	v35 =	vadd.f32 v48, v35  }
0x560: {  	v55 =	vor.u32 v19, v34;
	v54 =	vld [tilespmem:s0+$0x80]  }
0x561: {  	v57 =	vld.idx.msk [tilespmem:v63+s13+$0x0], $0xffff;
	v56 =	vmul.f32 v61, v62;
	v35 =	vadd.f32 v52, v35  }
0x562: {  	v59 =	vor.u32 v21, v34;
	v58 =	vld [tilespmem:s0+$0x100]  }
0x563: {  	v61 =	vld.idx.msk [tilespmem:v51+s13+$0x0], $0xffff;
	v60 =	vmul.f32 v49, v50;
	v35 =	vadd.f32 v56, v35  }
0x564: {  	v63 =	vor.u32 v22, v34;
	v62 =	vld [tilespmem:s0+$0x180]  }
0x565: {  	v49 =	vld.idx.msk [tilespmem:v55+s13+$0x0], $0xffff;
	v48 =	vmul.f32 v53, v54;
	v35 =	vadd.f32 v60, v35  }
0x566: {  	v51 =	vor.u32 v23, v34;
	v50 =	vld [tilespmem:s0+$0x200]  }
0x567: {  	v53 =	vld.idx.msk [tilespmem:v59+s13+$0x0], $0xffff;
	v52 =	vmul.f32 v57, v58;
	v35 =	vadd.f32 v48, v35  }
0x568: {  	v55 =	vor.u32 v24, v34;
	v54 =	vld [tilespmem:s0+$0x280]  }
0x569: {  	v57 =	vld.idx.msk [tilespmem:v63+s13+$0x0], $0xffff;
	v56 =	vmul.f32 v61, v62;
	v35 =	vadd.f32 v52, v35  }
0x56a: {  	v59 =	vor.u32 v25, v34;
	v58 =	vld [tilespmem:s0+$0x300]  }
0x56b: {  	v61 =	vld.idx.msk [tilespmem:v51+s13+$0x0], $0xffff;
	v60 =	vmul.f32 v49, v50;
	v35 =	vadd.f32 v56, v35  }
0x56c: {  	v63 =	vor.u32 v26, v34;
	v62 =	vld [tilespmem:s0+$0x380]  }
0x56d: {  	v49 =	vld.idx.msk [tilespmem:v55+s13+$0x0], $0xffff;
	v48 =	vmul.f32 v53, v54;
	v35 =	vadd.f32 v60, v35  }
0x56e: {  	v51 =	vor.u32 v27, v34;
	v50 =	vld [tilespmem:s0+$0x400]  }
0x56f: {  	v53 =	vld.idx.msk [tilespmem:v59+s13+$0x0], $0xffff;
	v52 =	vmul.f32 v57, v58;
	v35 =	vadd.f32 v48, v35  }
0x570: {  	v55 =	vor.u32 v28, v34;
	v54 =	vld [tilespmem:s0+$0x480]  }
0x571: {  	v57 =	vld.idx.msk [tilespmem:v63+s13+$0x0], $0xffff;
	v56 =	vmul.f32 v61, v62;
	v35 =	vadd.f32 v52, v35  }
0x572: {  	v58 =	vld [tilespmem:s0+$0x500]  }
0x573: {  	v59 =	vor.u32 v29, v34;
	v61 =	vld.idx.msk [tilespmem:v51+s13+$0x0], $0xffff;
	v60 =	vmul.f32 v49, v50;
	v35 =	vadd.f32 v56, v35  }
0x574: {  	v63 =	vor.u32 v31, v34;
	v62 =	vld [tilespmem:s0+$0x580]  }
0x575: {  	v49 =	vld.idx.msk [tilespmem:v55+s13+$0x0], $0xffff;
	v48 =	vmul.f32 v53, v54;
	v35 =	vadd.f32 v60, v35  }
0x576: {  	v34 =	vor.u32 v32, v34;
	v50 =	vld [tilespmem:s0+$0x600]  }
0x577: {  	v51 =	vmul.f32 v57, v58;
	v53 =	vld [tilespmem:s0+$0x680];
	v35 =	vadd.f32 v48, v35  }
0x578: {  	v52 =	vld.idx.msk [tilespmem:v59+s13+$0x0], $0xffff  }
0x579: {  	v55 =	vld.idx.msk [tilespmem:v63+s13+$0x0], $0xffff;
	v54 =	vmul.f32 v61, v62;
	v35 =	vadd.f32 v51, v35  }
0x57a: {  	v56 =	vld [tilespmem:s0+$0x700]  }
0x57b: {  	v34 =	vld.idx.msk [tilespmem:v34+s13+$0x0], $0xffff;
	v57 =	vmul.f32 v49, v50;
	v35 =	vadd.f32 v54, v35  }
0x57c: {  	v58 =	vld [tilespmem:s0+$0x780]  }
0x57d: {  	v59 =	vmul.f32 v52, v53;
	v35 =	vadd.f32 v57, v35;
	_ =	sdelay $0x1  }
0x57e: {  	v60 =	vmul.f32 v55, v56;
	v35 =	vadd.f32 v59, v35;
	_ =	sdelay $0x1  }
0x57f: {  	v34 =	vmul.f32 v34, v58;
	v35 =	vadd.f32 v60, v35;
	_ =	sdelay $0x1  }
0x580: {  	v34 =	vadd.f32 v34, v35;
	_ =	sdelay $0x1  }
0x581: {  	v34 =	vmax.f32 v34, $-4.000000000e+00  }
0x582: {  	v34 =	vmin.f32 v34, $4.000000000e+00  }
0x583: {  	v34 =	vmul.f32 $1.442695020e+00, v34;
	_ =	sdelay $0x1  }
0x584: {  	(erf) = vpow2.f32 v34;
	_ =	sdelay $0x8  }
0x585: {  	v34 =	vpop (erf)  }
0x586: {  	v34 =	vadd.f32 $1.000000000e+00, v34;
	_ =	sdelay $0x1  }
0x587: {  	v61 =	vand.u32 $0x7FFFFF, v34  }
0x588: {  	v35 =	vor.u32 $0x3F800000, v61  }
0x589: {  	v62 =	vmul.f32 $-1.702961140e-02, v35;
	_ =	sdelay $0x1  }
0x58a: {  	v36 =	vadd.f32 $1.837008450e-01, v62;
	_ =	sdelay $0x1  }
0x58b: {  	v36 =	vmul.f32 v35, v36;
	_ =	sdelay $0x1  }
0x58c: {  	v36 =	vadd.f32 $-8.520795700e-01, v36;
	_ =	sdelay $0x1  }
0x58d: {  	v36 =	vmul.f32 v35, v36;
	_ =	sdelay $0x1  }
0x58e: {  	v36 =	vadd.f32 $2.226943490e+00, v36;
	_ =	sdelay $0x1  }
0x58f: {  	v36 =	vmul.f32 v35, v36;
	_ =	sdelay $0x1  }
0x590: {  	v36 =	vadd.f32 $-3.647120480e+00, v36;
	_ =	sdelay $0x1  }
0x591: {  	v36 =	vmul.f32 v35, v36;
	_ =	sdelay $0x1  }
0x592: {  	v34 =	vshra.s32 v34, $0x17;
	v36 =	vadd.f32 $4.205235000e+00, v36  }
0x593: {  	v34 =	vadd.s32 $0xFFFFFF81, v34  }
0x594: {  	s14 =	sadd.s32 $0x10, s1;
	v34 =	vcvt.s32.f32 v34;
	v35 =	vmul.f32 v35, v36  }
0x595: {  	v63 =	vld [tilespmem:s14+$0x0]  }
0x596: {  	s9 =	sadd.s32 $0x1, s9;
	v34 =	vmul.f32 $6.931471820e-01, v34;
	v35 =	vadd.f32 $-2.099647760e+00, v35  }
0x597: {  	p0 =	sne.s32 s9, $0xA  }
.Ltmp5:
0x598: {  	v34 =	vadd.f32 v35, v34;
	(pc) =	sbr.rel @p0 .LBB2_12-.Ltmp5, $3  }
0x599: {  	_ = 	snop  }
0x59a: {  	v34 =	vadd.f32 v34, v63;
	_ =	sdelay $0x1  }
0x59b: {  	[tilespmem:s14+$0x0] =	vst v34  }
0x59c: {  	s6 =	sadd.s32 $0x1, s6  }
0x59d: {  	s0 =	rddreg [dreg:$0x1];
	s1 =	simm.s32 $0x0;
	p0 =	sne.s32 s6, $0x4  }
.Ltmp6:
0x59e: {  	s14 =	simm.s32 $0x17B00;
	s0 =	sadd.s32 s0, s7;
	(pc) =	sbr.rel @p0 .LBB2_2-.Ltmp6, $4  }
0x59f: {  	[hbm4b:s0+s1] =	stream.linear.scatter [tilespmem:s14], [sflag:$0x17], $0x80, $0x38;
	[tilespmem:$0x17B80] =	vst v63  }
0x5a0: {  	_ =	swait.ge [sflag:s11], $0x80  }
0x5a1: {  	[sflag:s11] =	ssyncset.done $0x0  }
0x5a2: {  	[sflag:s11] =	ssyncadd.s32 $0xFFFFFF80  }
0x5a3: {  	s1 =	rddreg [dreg:$0x9]  }
0x5a4: {  	s0 =	rddreg [dreg:$0x8];
	s1 =	sadd.s32 $0x1, s1  }
0x5a5: {  	p0 =	sne.s32 s1, s0  }
.Ltmp7:
0x5a6: {  	_ = 	snop;
	(pc) =	sbr.rel @p0 .LBB2_1-.Ltmp7, $1  }
0x5a7: {  	_ =	sdelay $0x3  }
0x5a8: {  	_ =	sfence.sel $0x180000  }
0x5a9: {  	[bflag:$0x0] =	sbarrier.arrive $0xFFFF  }
0x5aa: {  	_ =	strace $0x90000047  }
0x5ab: {  	s0 =	stileid.u32;
	[bflag:$0x2] =	sbarrier.arrive $0xFFFF  }
0x5ac: {  	p0 =	sne.s32 s0, $0x0;
	s0 =	rddreg [dreg:$0x2]  }
0x5ad: {  	s0 =	sadd.s32 @!p0 $0x100000, s0  }
0x5ae: {  	[sflag:s0] =	ssyncadd.tile.s32 @!p0 $0x1;
	_ =	shalt  }
.Lfunc_end2:
_tile_overlayer_lowered:
.L_overlay_start_2:
0x5af: {  	(tag) =	ssettag $0x2  }
0x5b0: {  	s0 =	rddreg [dreg:$0x0];
	s2 =	stileid.u32  }
0x5b1: {  	s1 =	rddreg [dreg:$0x1];
	p0 =	sne.s32 s2, $0x0  }
0x5b2: {  	s3 =	rddreg [dreg:$0x2];
	[bflag:$0x3] =	sbarrier.arrive $0xFFFF;
	s2 =	simm.s32 @!p0 $0x1C17  }
0x5b3: {  	[timem:s3], [sflag:s2] =	dma.local @!p0 [hbm:s0], s1  }
0x5b4: {  	s0 =	simm.s32 @!p0 $0x17  }
0x5b5: {  	_ =	swait.ge @!p0 [sflag:s0], s1  }
0x5b6: {  	s1 =	ssub.s32 @!p0 $0x0, s1;
	[sflag:s0] =	ssyncset.done @!p0 $0x0  }
0x5b7: {  	[sflag:s0] =	ssyncadd.s32 @!p0 s1  }
0x5b8: {  	[bflag:$0x3] =	sbarrier.arrive $0xFFFF  }
0x5b9: {  	_ =	shalt  }

</sc_bundles>
